<compile_context>
chip_gen: v7x
topology: tpu7x:2x2x1
jax: 0.10.2.dev20260603
libtpu: 0.0.44.dev20260713+nightly
codegen_flags: <defaults>
</compile_context>

<pallas_src>
import functools

import jax
import jax.numpy as jnp
from jax import lax
from jax.experimental import pallas as pl
from jax.experimental.pallas import tpu as pltpu
from jax.experimental.pallas import tpu_sc as plsc

NC = 2
NS = 16
NW = NC * NS
LANES = 128

_HI = jax.lax.Precision.HIGHEST
_DE = jax.lax.Precision.DEFAULT


def _sc_embed(emb_table, x_idx2d):
    rpt = 8
    n_tiles = x_idx2d.shape[0] // rpt
    assert n_tiles * rpt == x_idx2d.shape[0] and n_tiles <= NW
    h = emb_table.shape[1]
    mesh = plsc.VectorSubcoreMesh(core_axis_name="c", subcore_axis_name="s")

    @functools.partial(
        pl.kernel,
        out_type=jax.ShapeDtypeStruct((x_idx2d.shape[0] * LANES, h),
                                      jnp.float32),
        mesh=mesh,
        scratch_types=[
            pltpu.VMEM((rpt, LANES), jnp.int32),
            pltpu.VMEM((LANES, h), jnp.float32),
            pltpu.SemaphoreType.DMA,
        ],
    )
    def k(emb_hbm, idx_hbm, out_hbm, idx_v, rows_v, sem):
        c = lax.axis_index("c")
        s = lax.axis_index("s")
        t = c * NS + s

        @pl.when(t < n_tiles)
        def _():
            base = t * rpt
            pltpu.sync_copy(idx_hbm.at[pl.ds(base, rpt)], idx_v)
            for j in range(rpt):
                pltpu.async_copy(emb_hbm.at[idx_v.at[j]], rows_v, sem).wait()
                pltpu.sync_copy(rows_v,
                                out_hbm.at[pl.ds((base + j) * LANES, LANES)])

    return k(emb_table, x_idx2d)


def _sc_aggregate(m, src_i2d, dst_i2d, zeros_blk, acc_rows, tr0, tr1):
    h = m.shape[1]
    zr = zeros_blk.shape[0]
    zc = acc_rows // (NS * zr)
    assert acc_rows == NS * zr * zc
    assert tr0 % 16 == 0 and tr1 % 16 == 0
    assert NS * (tr0 + tr1) == src_i2d.shape[0]
    wr = acc_rows // NS
    mesh = plsc.VectorSubcoreMesh(core_axis_name="c", subcore_axis_name="s")

    @functools.partial(
        pl.kernel,
        out_type=jax.ShapeDtypeStruct((NC, acc_rows, h), jnp.float32),
        mesh=mesh,
        scratch_types=[
            pltpu.VMEM((16, LANES), jnp.int32),
            pltpu.VMEM((16, LANES), jnp.int32),
            pltpu.VMEM((LANES, h), jnp.float32),
            pltpu.VMEM((LANES, h), jnp.float32),
            pltpu.VMEM_SHARED((acc_rows, h), jnp.float32),
            pltpu.SemaphoreType.DMA,
            pltpu.SemaphoreType.DMA,
        ],
    )
    def k(m_hbm, src_hbm, dst_hbm, z_hbm, out_hbm,
          src_v, dst_v, rows0, rows1, acc, sem0, sem1):
        c = lax.axis_index("c")
        s = lax.axis_index("s")
        my_tr = jnp.where(c == 0, tr0, tr1)
        base = c * (NS * tr0) + s * my_tr
        slab = 16
        for q in range(zc):
            pltpu.sync_copy(z_hbm, acc.at[pl.ds((s * zc + q) * zr, zr)])
        plsc.subcore_barrier()

        @pl.loop(0, my_tr // slab)
        def _(u):
            sbase = base + u * slab
            pltpu.sync_copy(src_hbm.at[pl.ds(sbase, slab)], src_v)
            pltpu.sync_copy(dst_hbm.at[pl.ds(sbase, slab)], dst_v)
            pltpu.async_copy(m_hbm.at[src_v.at[0]], rows0, sem0)

            @pl.loop(0, slab // 2)
            def _(i):
                j0 = 2 * i
                pltpu.async_copy(m_hbm.at[src_v.at[j0 + 1]], rows1, sem1)
                pltpu.make_async_copy(m_hbm.at[src_v.at[j0]], rows0,
                                      sem0).wait()
                pltpu.sync_copy(rows0, acc.at[dst_v.at[j0]], add=True)

                @pl.when(j0 + 2 < slab)
                def _():
                    pltpu.async_copy(m_hbm.at[src_v.at[j0 + 2]], rows0, sem0)

                pltpu.make_async_copy(m_hbm.at[src_v.at[j0 + 1]], rows1,
                                      sem1).wait()
                pltpu.sync_copy(rows1, acc.at[dst_v.at[j0 + 1]], add=True)

        plsc.subcore_barrier()
        pltpu.sync_copy(acc.at[pl.ds(s * wr, wr)],
                        out_hbm.at[c].at[pl.ds(s * wr, wr)])

    return k(m, src_i2d, dst_i2d, zeros_blk)


def _tc_mg(h, wcat, bvec, n, bn):
    hd = h.shape[1]
    ko = wcat.shape[1]

    def body(h_ref, w_ref, b_ref, m_ref, gh_ref):
        mg = jax.lax.dot_general(
            h_ref[...], w_ref[...], (((1,), (0,)), ((), ())),
            precision=_DE, preferred_element_type=jnp.float32) + b_ref[...]
        m_ref[...] = mg[:, :hd]
        gh_ref[...] = mg[:, hd:]

    return pl.pallas_call(
        body,
        grid=(n // bn,),
        in_specs=[
            pl.BlockSpec((bn, hd), lambda i: (i, 0)),
            pl.BlockSpec((hd, ko), lambda i: (0, 0)),
            pl.BlockSpec((1, ko), lambda i: (0, 0)),
        ],
        out_specs=[
            pl.BlockSpec((bn, hd), lambda i: (i, 0)),
            pl.BlockSpec((bn, ko - hd), lambda i: (i, 0)),
        ],
        out_shape=[
            jax.ShapeDtypeStruct((n, hd), jnp.float32),
            jax.ShapeDtypeStruct((n, ko - hd), jnp.float32),
        ],
    )(h, wcat, bvec)


def _gru_block(aggp, gh, h_prev, w_iht, b_ih):
    agg = aggp[0] + aggp[1]
    hd = h_prev.shape[1]
    gi = jax.lax.dot_general(
        agg, w_iht, (((1,), (0,)), ((), ())),
        precision=_DE, preferred_element_type=jnp.float32) + b_ih
    r = jax.nn.sigmoid(gi[:, :hd] + gh[:, :hd])
    z = jax.nn.sigmoid(gi[:, hd:2 * hd] + gh[:, hd:2 * hd])
    nn = jnp.tanh(gi[:, 2 * hd:] + r * gh[:, 2 * hd:])
    return (1.0 - z) * nn + z * h_prev


def _tc_gru_next(aggp, gh, h, w_iht, b_ih, wcat, bvec, n, bn):
    hd = h.shape[1]
    ko = wcat.shape[1]
    gw = gh.shape[1]

    def body(a_ref, gh_ref, h_ref, wi_ref, bi_ref, wc_ref, bv_ref,
             hn_ref, m_ref, ghn_ref):
        hn = _gru_block(a_ref[...], gh_ref[...], h_ref[...],
                        wi_ref[...], bi_ref[...])
        hn_ref[...] = hn
        mg = jax.lax.dot_general(
            hn, wc_ref[...], (((1,), (0,)), ((), ())),
            precision=_DE, preferred_element_type=jnp.float32) + bv_ref[...]
        m_ref[...] = mg[:, :hd]
        ghn_ref[...] = mg[:, hd:]

    return pl.pallas_call(
        body,
        grid=(n // bn,),
        in_specs=[
            pl.BlockSpec((2, bn, hd), lambda i: (0, i, 0)),
            pl.BlockSpec((bn, gw), lambda i: (i, 0)),
            pl.BlockSpec((bn, hd), lambda i: (i, 0)),
            pl.BlockSpec((hd, gw), lambda i: (0, 0)),
            pl.BlockSpec((1, gw), lambda i: (0, 0)),
            pl.BlockSpec((hd, ko), lambda i: (0, 0)),
            pl.BlockSpec((1, ko), lambda i: (0, 0)),
        ],
        out_specs=[
            pl.BlockSpec((bn, hd), lambda i: (i, 0)),
            pl.BlockSpec((bn, hd), lambda i: (i, 0)),
            pl.BlockSpec((bn, ko - hd), lambda i: (i, 0)),
        ],
        out_shape=[
            jax.ShapeDtypeStruct((n, hd), jnp.float32),
            jax.ShapeDtypeStruct((n, hd), jnp.float32),
            jax.ShapeDtypeStruct((n, ko - hd), jnp.float32),
        ],
    )(aggp, gh, h, w_iht, b_ih, wcat, bvec)


def _tc_gru_pool(aggp, gh, h, w_iht, b_ih, batchf, g, n, bn):
    hd = h.shape[1]
    gw = gh.shape[1]
    nb = n // bn

    def body(a_ref, gh_ref, h_ref, wi_ref, bi_ref, b_ref, out_ref,
             sum_scr, cnt_scr):
        i = pl.program_id(0)

        @pl.when(i == 0)
        def _():
            sum_scr[...] = jnp.zeros_like(sum_scr)
            cnt_scr[...] = jnp.zeros_like(cnt_scr)

        hn = _gru_block(a_ref[...], gh_ref[...], h_ref[...],
                        wi_ref[...], bi_ref[...])
        gids = jax.lax.broadcasted_iota(jnp.int32, (bn, g), 1)
        oh = jnp.where(b_ref[...] == gids, 1.0, 0.0)
        sum_scr[...] += jax.lax.dot_general(
            oh, hn, (((0,), (0,)), ((), ())),
            precision=_HI, preferred_element_type=jnp.float32)
        cnt_scr[...] += jax.lax.dot_general(
            oh, jnp.ones((bn, hd), jnp.float32), (((0,), (0,)), ((), ())),
            precision=_HI, preferred_element_type=jnp.float32)

        @pl.when(i == nb - 1)
        def _():
            out_ref[...] = sum_scr[...] / jnp.maximum(cnt_scr[...], 1.0)

    return pl.pallas_call(
        body,
        grid=(nb,),
        in_specs=[
            pl.BlockSpec((2, bn, hd), lambda i: (0, i, 0)),
            pl.BlockSpec((bn, gw), lambda i: (i, 0)),
            pl.BlockSpec((bn, hd), lambda i: (i, 0)),
            pl.BlockSpec((hd, gw), lambda i: (0, 0)),
            pl.BlockSpec((1, gw), lambda i: (0, 0)),
            pl.BlockSpec((bn, 1), lambda i: (i, 0)),
        ],
        out_specs=pl.BlockSpec((g, hd), lambda i: (0, 0)),
        out_shape=jax.ShapeDtypeStruct((g, hd), jnp.float32),
        scratch_shapes=[
            pltpu.VMEM((g, hd), jnp.float32),
            pltpu.VMEM((g, hd), jnp.float32),
        ],
    )(aggp, gh, h, w_iht, b_ih, batchf)


def kernel(x, edge_index, batch, emb_table, W, w_ih, w_hh, b_ih, b_hh):
    n = x.shape[0]
    hd = emb_table.shape[1]
    num_layers = W.shape[0]
    e = edge_index.shape[1]
    g = 64
    bn = 400

    acc_rows = 10240
    assert acc_rows >= n + 1 and acc_rows % (NS * LANES) == 0
    chunk = 8 * LANES * NW
    ep = ((e + chunk - 1) // chunk) * chunk
    src = edge_index[0]
    dst = edge_index[1]
    pad = ep - e
    src_p = jnp.concatenate([src, jnp.zeros((pad,), jnp.int32)])
    dst_p = jnp.concatenate([dst, jnp.full((pad,), n, jnp.int32)])
    src_i2d = src_p.reshape(ep // LANES, LANES)
    dst_i2d = dst_p.reshape(ep // LANES, LANES)
    zeros_blk = jnp.zeros((acc_rows // (NS * 5), hd), jnp.float32)

    xchunk = 8 * LANES
    xp_len = ((n + xchunk - 1) // xchunk) * xchunk
    x_p = jnp.concatenate([x[:, 0], jnp.zeros((xp_len - n,), jnp.int32)])
    x_i2d = x_p.reshape(xp_len // LANES, LANES)

    w_iht = w_ih.T
    b_ih2 = b_ih.reshape(1, 3 * hd)
    bvec = jnp.concatenate([jnp.zeros((hd,), jnp.float32), b_hh])
    bvec = bvec.reshape(1, hd + 3 * hd)
    wcats = [jnp.concatenate([W[l], w_hh.T], axis=1) for l in range(num_layers)]
    batchf = batch.reshape(n, 1)

    h = _sc_embed(emb_table, x_i2d)
    m, gh = _tc_mg(h, wcats[0], bvec, n, bn)
    for l in range(num_layers):
        aggp = _sc_aggregate(m, src_i2d, dst_i2d, zeros_blk, acc_rows,
                             144, 16)
        if l + 1 < num_layers:
            h, m, gh = _tc_gru_next(aggp, gh, h, w_iht, b_ih2,
                                    wcats[l + 1], bvec, n, bn)
        else:
            out = _tc_gru_pool(aggp, gh, h, w_iht, b_ih2, batchf, g, n, bn)
    return out

# --- scband reference (transcript-rebuilt; emitter-appended) ---
"""Pipeline reference for scband-ggnnembedder-32684701122850 (READ-ONLY COPY).

The authoritative reference and input builder live on the scoring server;
editing this copy changes nothing except your own understanding.
"""

import jax, jax.numpy as jnp
import numpy as np

N = 10000
E = 320000
H = 128
L = 5
A = 512
G = 64


def setup_inputs(seed: int = 0) -> dict:
    key = jax.random.key(seed)
    ks = jax.random.split(key, 10)
    x = jax.random.randint(ks[0], (N, 1), 0, A, dtype=jnp.int32)
    edge_index = jax.random.randint(ks[1], (2, E), 0, N, dtype=jnp.int32)
    batch = jnp.sort(jax.random.randint(ks[2], (N,), 0, G, dtype=jnp.int32))
    emb_table = jax.random.normal(ks[3], (A, H), dtype=jnp.float32)
    W = jax.random.normal(ks[4], (L, H, H), dtype=jnp.float32) * 0.05
    w_ih = jax.random.normal(ks[5], (3 * H, H), dtype=jnp.float32) * 0.05
    w_hh = jax.random.normal(ks[6], (3 * H, H), dtype=jnp.float32) * 0.05
    b_ih = jnp.zeros((3 * H,), dtype=jnp.float32)
    b_hh = jnp.zeros((3 * H,), dtype=jnp.float32)
    return {
        "x": x,
        "edge_index": edge_index,
        "batch": batch,
        "emb_table": emb_table,
        "W": W,
        "w_ih": w_ih,
        "w_hh": w_hh,
        "b_ih": b_ih,
        "b_hh": b_hh,
    }


def _gru_cell(m, h, w_ih, w_hh, b_ih, b_hh):
    gi = m @ w_ih.T + b_ih
    gh = h @ w_hh.T + b_hh
    i_r, i_z, i_n = jnp.split(gi, 3, axis=-1)
    h_r, h_z, h_n = jnp.split(gh, 3, axis=-1)
    r = jax.nn.sigmoid(i_r + h_r)
    z = jax.nn.sigmoid(i_z + h_z)
    n = jnp.tanh(i_n + r * h_n)
    return (1.0 - z) * n + z * h


def reference(x, edge_index, batch, emb_table, W, w_ih, w_hh, b_ih, b_hh):
    # node embedding lookup (gather)
    h = jnp.take(emb_table, x[:, 0], axis=0)  # [N, H]
    src = edge_index[0]
    dst = edge_index[1]
    # GatedGraphConv: L layers, message = x_src @ W[l], sum-aggregate at dst, GRU update
    for l in range(L):
        m = h @ W[l]  # [N, H]
        msg = jnp.take(m, src, axis=0)  # gather per-edge messages
        agg = jax.ops.segment_sum(msg, dst, num_segments=N)  # scatter-add
        h = _gru_cell(agg, h, w_ih, w_hh, b_ih, b_hh)
    # scatter_mean pooling over graph-batch assignment
    sums = jax.ops.segment_sum(h, batch, num_segments=G)
    counts = jax.ops.segment_sum(jnp.ones((N,), dtype=jnp.float32), batch, num_segments=G)
    counts = jnp.maximum(counts, 1.0)
    return sums / counts[:, None]

if __name__ == "__main__":
    import jax
    _d = setup_inputs()
    print(jax.jit(kernel)(*tuple(_d.values())))

</pallas_src>

<mosaic_0001>
#map = affine_map<(d0, d1) -> (0, 0)>
#map1 = affine_map<(d0, d1) -> (0, 0, 0)>
module attributes {stable_mosaic.version = 14 : i64} {
  func.func @k(%arg0: i32, %arg1: i32, %arg2: memref<10000x128xf32, #tpu.memory_space<hbm>>, %arg3: memref<2560x128xi32, #tpu.memory_space<hbm>>, %arg4: memref<2560x128xi32, #tpu.memory_space<hbm>>, %arg5: memref<128x128xf32, #tpu.memory_space<hbm>>, %arg6: memref<2x10240x128xf32, #tpu.memory_space<hbm>>, %arg7: memref<16x128xi32, #tpu.memory_space<vmem>>, %arg8: memref<16x128xi32, #tpu.memory_space<vmem>>, %arg9: memref<128x128xf32, #tpu.memory_space<vmem>>, %arg10: memref<128x128xf32, #tpu.memory_space<vmem>>, %arg11: memref<10240x128xf32, #tpu.memory_space<vmem_shared>>, %arg12: memref<!tpu.dma_semaphore, #tpu.memory_space<semaphore_mem>>, %arg13: memref<!tpu.dma_semaphore, #tpu.memory_space<semaphore_mem>>) attributes {dimension_semantics = [#tpu.dimension_semantics<core_parallel>, #tpu.dimension_semantics<subcore_parallel>], iteration_bounds = array<i64: 2, 16>, scalar_prefetch = 0 : i64, scratch_operands = 7 : i64, tpu.core_type = #tpu.core_type<sc_vector_subcore>, window_params = [{transform_indices = #map}, {transform_indices = #map}, {transform_indices = #map}, {transform_indices = #map}, {transform_indices = #map1}]} {
    %eq3A = arith.constant 0 : i32
    %eq3A_0 = arith.cmpi eq, %arg0, %eq3A : i32
    %jit3A = arith.constant 144 : i32
    %jit3A_1 = arith.constant 16 : i32
    %select_n3A = arith.select %eq3A_0, %jit3A, %jit3A_1 : i32
    %mul3A = arith.constant 2304 : i32
    %mul3A_2 = arith.muli %arg0, %mul3A : i32
    %mul3A_3 = arith.muli %arg1, %select_n3A : i32
    %add3A = arith.addi %mul3A_2, %mul3A_3 : i32
    %mul3A_4 = arith.constant 5 : i32
    %mul3A_5 = arith.muli %arg1, %mul3A_4 : i32
    %add3A_6 = arith.constant 0 : i32
    %add3A_7 = arith.addi %mul3A_5, %add3A_6 : i32
    %mul3A_8 = arith.constant 128 : i32
    %mul3A_9 = arith.muli %add3A_7, %mul3A_8 : i32
    "tpu.region"() ({
      %run_scoped3A = tpu.sem_alloc : memref<!tpu.dma_semaphore, #tpu.memory_space<semaphore_mem>>
      %dma_start3A = arith.constant 0 : i32
      %dma_start3A_75 = tpu.memref_slice %arg11[%mul3A_9, %dma_start3A] : memref<10240x128xf32, #tpu.memory_space<vmem_shared>> -> memref<128x128xf32, #tpu.memory_space<vmem_shared>>
      tpu.enqueue_dma source(%arg5 : memref<128x128xf32, #tpu.memory_space<hbm>>) target(%dma_start3A_75 : memref<128x128xf32, #tpu.memory_space<vmem_shared>>) target_semaphore(%run_scoped3A : memref<!tpu.dma_semaphore, #tpu.memory_space<semaphore_mem>>)
      %dma_wait3A = arith.constant 0 : i32
      %dma_wait3A_76 = tpu.memref_slice %arg11[%mul3A_9, %dma_wait3A] : memref<10240x128xf32, #tpu.memory_space<vmem_shared>> -> memref<128x128xf32, #tpu.memory_space<vmem_shared>>
      tpu.wait_dma2 semaphore(%run_scoped3A : memref<!tpu.dma_semaphore, #tpu.memory_space<semaphore_mem>>) src(%arg5 : memref<128x128xf32, #tpu.memory_space<hbm>>) dst(%dma_wait3A_76 : memref<128x128xf32, #tpu.memory_space<vmem_shared>>)
      tpu.yield
    }) : () -> ()
    %mul3A_10 = arith.constant 5 : i32
    %mul3A_11 = arith.muli %arg1, %mul3A_10 : i32
    %add3A_12 = arith.constant 1 : i32
    %add3A_13 = arith.addi %mul3A_11, %add3A_12 : i32
    %mul3A_14 = arith.constant 128 : i32
    %mul3A_15 = arith.muli %add3A_13, %mul3A_14 : i32
    "tpu.region"() ({
      %run_scoped3A = tpu.sem_alloc : memref<!tpu.dma_semaphore, #tpu.memory_space<semaphore_mem>>
      %dma_start3A = arith.constant 0 : i32
      %dma_start3A_75 = tpu.memref_slice %arg11[%mul3A_15, %dma_start3A] : memref<10240x128xf32, #tpu.memory_space<vmem_shared>> -> memref<128x128xf32, #tpu.memory_space<vmem_shared>>
      tpu.enqueue_dma source(%arg5 : memref<128x128xf32, #tpu.memory_space<hbm>>) target(%dma_start3A_75 : memref<128x128xf32, #tpu.memory_space<vmem_shared>>) target_semaphore(%run_scoped3A : memref<!tpu.dma_semaphore, #tpu.memory_space<semaphore_mem>>)
      %dma_wait3A = arith.constant 0 : i32
      %dma_wait3A_76 = tpu.memref_slice %arg11[%mul3A_15, %dma_wait3A] : memref<10240x128xf32, #tpu.memory_space<vmem_shared>> -> memref<128x128xf32, #tpu.memory_space<vmem_shared>>
      tpu.wait_dma2 semaphore(%run_scoped3A : memref<!tpu.dma_semaphore, #tpu.memory_space<semaphore_mem>>) src(%arg5 : memref<128x128xf32, #tpu.memory_space<hbm>>) dst(%dma_wait3A_76 : memref<128x128xf32, #tpu.memory_space<vmem_shared>>)
      tpu.yield
    }) : () -> ()
    %mul3A_16 = arith.constant 5 : i32
    %mul3A_17 = arith.muli %arg1, %mul3A_16 : i32
    %add3A_18 = arith.constant 2 : i32
    %add3A_19 = arith.addi %mul3A_17, %add3A_18 : i32
    %mul3A_20 = arith.constant 128 : i32
    %mul3A_21 = arith.muli %add3A_19, %mul3A_20 : i32
    "tpu.region"() ({
      %run_scoped3A = tpu.sem_alloc : memref<!tpu.dma_semaphore, #tpu.memory_space<semaphore_mem>>
      %dma_start3A = arith.constant 0 : i32
      %dma_start3A_75 = tpu.memref_slice %arg11[%mul3A_21, %dma_start3A] : memref<10240x128xf32, #tpu.memory_space<vmem_shared>> -> memref<128x128xf32, #tpu.memory_space<vmem_shared>>
      tpu.enqueue_dma source(%arg5 : memref<128x128xf32, #tpu.memory_space<hbm>>) target(%dma_start3A_75 : memref<128x128xf32, #tpu.memory_space<vmem_shared>>) target_semaphore(%run_scoped3A : memref<!tpu.dma_semaphore, #tpu.memory_space<semaphore_mem>>)
      %dma_wait3A = arith.constant 0 : i32
      %dma_wait3A_76 = tpu.memref_slice %arg11[%mul3A_21, %dma_wait3A] : memref<10240x128xf32, #tpu.memory_space<vmem_shared>> -> memref<128x128xf32, #tpu.memory_space<vmem_shared>>
      tpu.wait_dma2 semaphore(%run_scoped3A : memref<!tpu.dma_semaphore, #tpu.memory_space<semaphore_mem>>) src(%arg5 : memref<128x128xf32, #tpu.memory_space<hbm>>) dst(%dma_wait3A_76 : memref<128x128xf32, #tpu.memory_space<vmem_shared>>)
      tpu.yield
    }) : () -> ()
    %mul3A_22 = arith.constant 5 : i32
    %mul3A_23 = arith.muli %arg1, %mul3A_22 : i32
    %add3A_24 = arith.constant 3 : i32
    %add3A_25 = arith.addi %mul3A_23, %add3A_24 : i32
    %mul3A_26 = arith.constant 128 : i32
    %mul3A_27 = arith.muli %add3A_25, %mul3A_26 : i32
    "tpu.region"() ({
      %run_scoped3A = tpu.sem_alloc : memref<!tpu.dma_semaphore, #tpu.memory_space<semaphore_mem>>
      %dma_start3A = arith.constant 0 : i32
      %dma_start3A_75 = tpu.memref_slice %arg11[%mul3A_27, %dma_start3A] : memref<10240x128xf32, #tpu.memory_space<vmem_shared>> -> memref<128x128xf32, #tpu.memory_space<vmem_shared>>
      tpu.enqueue_dma source(%arg5 : memref<128x128xf32, #tpu.memory_space<hbm>>) target(%dma_start3A_75 : memref<128x128xf32, #tpu.memory_space<vmem_shared>>) target_semaphore(%run_scoped3A : memref<!tpu.dma_semaphore, #tpu.memory_space<semaphore_mem>>)
      %dma_wait3A = arith.constant 0 : i32
      %dma_wait3A_76 = tpu.memref_slice %arg11[%mul3A_27, %dma_wait3A] : memref<10240x128xf32, #tpu.memory_space<vmem_shared>> -> memref<128x128xf32, #tpu.memory_space<vmem_shared>>
      tpu.wait_dma2 semaphore(%run_scoped3A : memref<!tpu.dma_semaphore, #tpu.memory_space<semaphore_mem>>) src(%arg5 : memref<128x128xf32, #tpu.memory_space<hbm>>) dst(%dma_wait3A_76 : memref<128x128xf32, #tpu.memory_space<vmem_shared>>)
      tpu.yield
    }) : () -> ()
    %mul3A_28 = arith.constant 5 : i32
    %mul3A_29 = arith.muli %arg1, %mul3A_28 : i32
    %add3A_30 = arith.constant 4 : i32
    %add3A_31 = arith.addi %mul3A_29, %add3A_30 : i32
    %mul3A_32 = arith.constant 128 : i32
    %mul3A_33 = arith.muli %add3A_31, %mul3A_32 : i32
    "tpu.region"() ({
      %run_scoped3A = tpu.sem_alloc : memref<!tpu.dma_semaphore, #tpu.memory_space<semaphore_mem>>
      %dma_start3A = arith.constant 0 : i32
      %dma_start3A_75 = tpu.memref_slice %arg11[%mul3A_33, %dma_start3A] : memref<10240x128xf32, #tpu.memory_space<vmem_shared>> -> memref<128x128xf32, #tpu.memory_space<vmem_shared>>
      tpu.enqueue_dma source(%arg5 : memref<128x128xf32, #tpu.memory_space<hbm>>) target(%dma_start3A_75 : memref<128x128xf32, #tpu.memory_space<vmem_shared>>) target_semaphore(%run_scoped3A : memref<!tpu.dma_semaphore, #tpu.memory_space<semaphore_mem>>)
      %dma_wait3A = arith.constant 0 : i32
      %dma_wait3A_76 = tpu.memref_slice %arg11[%mul3A_33, %dma_wait3A] : memref<10240x128xf32, #tpu.memory_space<vmem_shared>> -> memref<128x128xf32, #tpu.memory_space<vmem_shared>>
      tpu.wait_dma2 semaphore(%run_scoped3A : memref<!tpu.dma_semaphore, #tpu.memory_space<semaphore_mem>>) src(%arg5 : memref<128x128xf32, #tpu.memory_space<hbm>>) dst(%dma_wait3A_76 : memref<128x128xf32, #tpu.memory_space<vmem_shared>>)
      tpu.yield
    }) : () -> ()
    %barrier3A = arith.constant 0 : index
    tpu.barrier barrier_id(%barrier3A)
    %jit3A_34 = arith.constant 16 : i32
    %div3A = arith.divsi %select_n3A, %jit3A_34 : i32
    %sign3A = arith.constant 0 : i32
    %sign3A_35 = arith.cmpi sgt, %select_n3A, %sign3A : i32
    %sign3A_36 = arith.extui %sign3A_35 : i1 to i32
    %sign3A_37 = arith.constant 0 : i32
    %sign3A_38 = arith.cmpi slt, %select_n3A, %sign3A_37 : i32
    %sign3A_39 = arith.extui %sign3A_38 : i1 to i32
    %sign3A_40 = arith.subi %sign3A_36, %sign3A_39 : i32
    %sign3A_41 = arith.constant 0 : i32
    %sign3A_42 = arith.cmpi sgt, %jit3A_34, %sign3A_41 : i32
    %sign3A_43 = arith.extui %sign3A_42 : i1 to i32
    %sign3A_44 = arith.constant 0 : i32
    %sign3A_45 = arith.cmpi slt, %jit3A_34, %sign3A_44 : i32
    %sign3A_46 = arith.extui %sign3A_45 : i1 to i32
    %sign3A_47 = arith.subi %sign3A_43, %sign3A_46 : i32
    %ne3A = arith.cmpi ne, %sign3A_40, %sign3A_47 : i32
    %rem3A = arith.remsi %select_n3A, %jit3A_34 : i32
    %ne3A_48 = arith.constant 0 : i32
    %ne3A_49 = arith.cmpi ne, %rem3A, %ne3A_48 : i32
    %and3A = arith.andi %ne3A, %ne3A_49 : i1
    %sub3A = arith.constant 1 : i32
    %sub3A_50 = arith.subi %div3A, %sub3A : i32
    %select_n3A_51 = arith.select %and3A, %sub3A_50, %div3A : i32
    %sub3A_52 = arith.constant 0 : i32
    %sub3A_53 = arith.subi %select_n3A_51, %sub3A_52 : i32
    %sub3A_54 = arith.constant 1 : i32
    %sub3A_55 = arith.constant 1 : i32
    %sub3A_56 = arith.subi %sub3A_54, %sub3A_55 : i32
    %add3A_57 = arith.addi %sub3A_53, %sub3A_56 : i32
    %div3A_58 = arith.constant 1 : i32
    %div3A_59 = arith.divsi %add3A_57, %div3A_58 : i32
    %while3A = arith.constant 1 : i32
    %while3A_60 = arith.constant 0 : i32
    %while3A_61 = arith.constant 0 : i32
    %while3A_62 = arith.subi %div3A_59, %while3A_61 : i32
    %while3A_63 = arith.addi %while3A_61, %while3A_62 : i32
    %while3A_64 = arith.constant 1 : i32
    %while3A_65 = arith.divsi %while3A_62, %while3A_64 : i32
    %while3A_66 = arith.muli %while3A_65, %while3A_64 : i32
    %while3A_67 = arith.addi %while3A_61, %while3A_66 : i32
    %while3A_68 = arith.constant 1 : i32
    scf.for %while3A_75 = %while3A_61 to %while3A_67 step %while3A_68  : i32 {
      %mul3A_76 = arith.muli %while3A_75, %while3A : i32
      %add3A_77 = arith.addi %while3A_60, %mul3A_76 : i32
      %mul3A_78 = arith.constant 16 : i32
      %mul3A_79 = arith.muli %add3A_77, %mul3A_78 : i32
      %add3A_80 = arith.addi %add3A, %mul3A_79 : i32
      "tpu.region"() ({
        %run_scoped3A = tpu.sem_alloc : memref<!tpu.dma_semaphore, #tpu.memory_space<semaphore_mem>>
        %dma_start3A_91 = arith.constant 0 : i32
        %dma_start3A_92 = tpu.memref_slice %arg3[%add3A_80, %dma_start3A_91] : memref<2560x128xi32, #tpu.memory_space<hbm>> -> memref<16x128xi32, #tpu.memory_space<hbm>>
        %dma_start3A_93 = arith.constant 0 : i32
        %dma_start3A_94 = tpu.memref_slice %arg3[%add3A_80, %dma_start3A_93] : memref<2560x128xi32, #tpu.memory_space<hbm>> -> memref<16x128xi32, #tpu.memory_space<hbm>>
        tpu.enqueue_dma source(%dma_start3A_94 : memref<16x128xi32, #tpu.memory_space<hbm>>) target(%arg7 : memref<16x128xi32, #tpu.memory_space<vmem>>) target_semaphore(%run_scoped3A : memref<!tpu.dma_semaphore, #tpu.memory_space<semaphore_mem>>)
        %dma_wait3A = arith.constant 0 : i32
        %dma_wait3A_95 = tpu.memref_slice %arg3[%add3A_80, %dma_wait3A] : memref<2560x128xi32, #tpu.memory_space<hbm>> -> memref<16x128xi32, #tpu.memory_space<hbm>>
        %dma_wait3A_96 = arith.constant 0 : i32
        %dma_wait3A_97 = tpu.memref_slice %arg3[%add3A_80, %dma_wait3A_96] : memref<2560x128xi32, #tpu.memory_space<hbm>> -> memref<16x128xi32, #tpu.memory_space<hbm>>
        tpu.wait_dma2 semaphore(%run_scoped3A : memref<!tpu.dma_semaphore, #tpu.memory_space<semaphore_mem>>) src(%dma_wait3A_97 : memref<16x128xi32, #tpu.memory_space<hbm>>) dst(%arg7 : memref<16x128xi32, #tpu.memory_space<vmem>>)
        tpu.yield
      }) : () -> ()
      "tpu.region"() ({
        %run_scoped3A = tpu.sem_alloc : memref<!tpu.dma_semaphore, #tpu.memory_space<semaphore_mem>>
        %dma_start3A_91 = arith.constant 0 : i32
        %dma_start3A_92 = tpu.memref_slice %arg4[%add3A_80, %dma_start3A_91] : memref<2560x128xi32, #tpu.memory_space<hbm>> -> memref<16x128xi32, #tpu.memory_space<hbm>>
        %dma_start3A_93 = arith.constant 0 : i32
        %dma_start3A_94 = tpu.memref_slice %arg4[%add3A_80, %dma_start3A_93] : memref<2560x128xi32, #tpu.memory_space<hbm>> -> memref<16x128xi32, #tpu.memory_space<hbm>>
        tpu.enqueue_dma source(%dma_start3A_94 : memref<16x128xi32, #tpu.memory_space<hbm>>) target(%arg8 : memref<16x128xi32, #tpu.memory_space<vmem>>) target_semaphore(%run_scoped3A : memref<!tpu.dma_semaphore, #tpu.memory_space<semaphore_mem>>)
        %dma_wait3A = arith.constant 0 : i32
        %dma_wait3A_95 = tpu.memref_slice %arg4[%add3A_80, %dma_wait3A] : memref<2560x128xi32, #tpu.memory_space<hbm>> -> memref<16x128xi32, #tpu.memory_space<hbm>>
        %dma_wait3A_96 = arith.constant 0 : i32
        %dma_wait3A_97 = tpu.memref_slice %arg4[%add3A_80, %dma_wait3A_96] : memref<2560x128xi32, #tpu.memory_space<hbm>> -> memref<16x128xi32, #tpu.memory_space<hbm>>
        tpu.wait_dma2 semaphore(%run_scoped3A : memref<!tpu.dma_semaphore, #tpu.memory_space<semaphore_mem>>) src(%dma_wait3A_97 : memref<16x128xi32, #tpu.memory_space<hbm>>) dst(%arg8 : memref<16x128xi32, #tpu.memory_space<vmem>>)
        tpu.yield
      }) : () -> ()
      %dma_start3A = arith.constant 0 : i32
      %dma_start3A_81 = arith.constant 0 : i32
      %dma_start3A_82 = tpu.memref_slice %arg7[%dma_start3A, %dma_start3A_81] : memref<16x128xi32, #tpu.memory_space<vmem>> -> memref<1x128xi32, #tpu.memory_space<vmem>>
      %dma_start3A_83 = tpu.memref_squeeze %dma_start3A_82 : memref<1x128xi32, #tpu.memory_space<vmem>> -> memref<128xi32, #tpu.memory_space<vmem>>
      %dma_start3A_84 = arith.constant 0 : i32
      %dma_start3A_85 = arith.constant 0 : i32
      %dma_start3A_86 = tpu.memref_slice %arg2[%dma_start3A_84, %dma_start3A_85] : memref<10000x128xf32, #tpu.memory_space<hbm>> -> memref<10000x128xf32, #tpu.memory_space<hbm>>
      tpu.enqueue_indirect_dma source(%dma_start3A_86 : memref<10000x128xf32, #tpu.memory_space<hbm>>) target(%arg9 : memref<128x128xf32, #tpu.memory_space<vmem>>) offsets(%dma_start3A_83 : memref<128xi32, #tpu.memory_space<vmem>>) semaphore(%arg12 : memref<!tpu.dma_semaphore, #tpu.memory_space<semaphore_mem>>)
      %scan3A = arith.constant 0 : i32
      %scan3A_87 = arith.constant 8 : i32
      %scan3A_88 = arith.addi %scan3A, %scan3A_87 : i32
      %scan3A_89 = arith.constant 1 : i32
      scf.for %scan3A_91 = %scan3A to %scan3A_88 step %scan3A_89  : i32 {
        %mul3A_92 = arith.constant 1 : i32
        %mul3A_93 = arith.muli %scan3A_91, %mul3A_92 : i32
        %add3A_94 = arith.constant 0 : i32
        %add3A_95 = arith.addi %add3A_94, %mul3A_93 : i32
        %mul3A_96 = arith.constant 2 : i32
        %mul3A_97 = arith.muli %mul3A_96, %add3A_95 : i32
        %add3A_98 = arith.constant 1 : i32
        %add3A_99 = arith.addi %mul3A_97, %add3A_98 : i32
        %dma_start3A_100 = arith.constant 0 : i32
        %dma_start3A_101 = tpu.memref_slice %arg7[%add3A_99, %dma_start3A_100] : memref<16x128xi32, #tpu.memory_space<vmem>> -> memref<1x128xi32, #tpu.memory_space<vmem>>
        %dma_start3A_102 = tpu.memref_squeeze %dma_start3A_101 : memref<1x128xi32, #tpu.memory_space<vmem>> -> memref<128xi32, #tpu.memory_space<vmem>>
        %dma_start3A_103 = arith.constant 0 : i32
        %dma_start3A_104 = arith.constant 0 : i32
        %dma_start3A_105 = tpu.memref_slice %arg2[%dma_start3A_103, %dma_start3A_104] : memref<10000x128xf32, #tpu.memory_space<hbm>> -> memref<10000x128xf32, #tpu.memory_space<hbm>>
        tpu.enqueue_indirect_dma source(%dma_start3A_105 : memref<10000x128xf32, #tpu.memory_space<hbm>>) target(%arg10 : memref<128x128xf32, #tpu.memory_space<vmem>>) offsets(%dma_start3A_102 : memref<128xi32, #tpu.memory_space<vmem>>) semaphore(%arg13 : memref<!tpu.dma_semaphore, #tpu.memory_space<semaphore_mem>>)
        %dma_wait3A = arith.constant 0 : i32
        %dma_wait3A_106 = tpu.memref_slice %arg7[%mul3A_97, %dma_wait3A] : memref<16x128xi32, #tpu.memory_space<vmem>> -> memref<1x128xi32, #tpu.memory_space<vmem>>
        %dma_wait3A_107 = tpu.memref_squeeze %dma_wait3A_106 : memref<1x128xi32, #tpu.memory_space<vmem>> -> memref<128xi32, #tpu.memory_space<vmem>>
        %dma_wait3A_108 = arith.constant 0 : i32
        %dma_wait3A_109 = arith.constant 0 : i32
        %dma_wait3A_110 = tpu.memref_slice %arg2[%dma_wait3A_108, %dma_wait3A_109] : memref<10000x128xf32, #tpu.memory_space<hbm>> -> memref<10000x128xf32, #tpu.memory_space<hbm>>
        tpu.wait_indirect_dma semaphore(%arg12 : memref<!tpu.dma_semaphore, #tpu.memory_space<semaphore_mem>>) src(%dma_wait3A_110 : memref<10000x128xf32, #tpu.memory_space<hbm>>) dst(%arg9 : memref<128x128xf32, #tpu.memory_space<vmem>>)
        "tpu.region"() ({
          %run_scoped3A = tpu.sem_alloc : memref<!tpu.dma_semaphore, #tpu.memory_space<semaphore_mem>>
          %dma_start3A_125 = arith.constant 0 : i32
          %dma_start3A_126 = tpu.memref_slice %arg8[%mul3A_97, %dma_start3A_125] : memref<16x128xi32, #tpu.memory_space<vmem>> -> memref<1x128xi32, #tpu.memory_space<vmem>>
          %dma_start3A_127 = tpu.memref_squeeze %dma_start3A_126 : memref<1x128xi32, #tpu.memory_space<vmem>> -> memref<128xi32, #tpu.memory_space<vmem>>
          %dma_start3A_128 = arith.constant 0 : i32
          %dma_start3A_129 = arith.constant 0 : i32
          %dma_start3A_130 = tpu.memref_slice %arg11[%dma_start3A_128, %dma_start3A_129] : memref<10240x128xf32, #tpu.memory_space<vmem_shared>> -> memref<10240x128xf32, #tpu.memory_space<vmem_shared>>
          tpu.enqueue_indirect_dma source(%arg9 : memref<128x128xf32, #tpu.memory_space<vmem>>) target(%dma_start3A_130 : memref<10240x128xf32, #tpu.memory_space<vmem_shared>>) offsets(%dma_start3A_127 : memref<128xi32, #tpu.memory_space<vmem>>) semaphore(%run_scoped3A : memref<!tpu.dma_semaphore, #tpu.memory_space<semaphore_mem>>) {add = true}
          %dma_wait3A_131 = arith.constant 0 : i32
          %dma_wait3A_132 = tpu.memref_slice %arg8[%mul3A_97, %dma_wait3A_131] : memref<16x128xi32, #tpu.memory_space<vmem>> -> memref<1x128xi32, #tpu.memory_space<vmem>>
          %dma_wait3A_133 = tpu.memref_squeeze %dma_wait3A_132 : memref<1x128xi32, #tpu.memory_space<vmem>> -> memref<128xi32, #tpu.memory_space<vmem>>
          %dma_wait3A_134 = arith.constant 0 : i32
          %dma_wait3A_135 = arith.constant 0 : i32
          %dma_wait3A_136 = tpu.memref_slice %arg11[%dma_wait3A_134, %dma_wait3A_135] : memref<10240x128xf32, #tpu.memory_space<vmem_shared>> -> memref<10240x128xf32, #tpu.memory_space<vmem_shared>>
          tpu.wait_indirect_dma semaphore(%run_scoped3A : memref<!tpu.dma_semaphore, #tpu.memory_space<semaphore_mem>>) src(%arg9 : memref<128x128xf32, #tpu.memory_space<vmem>>) dst(%dma_wait3A_136 : memref<10240x128xf32, #tpu.memory_space<vmem_shared>>)
          tpu.yield
        }) : () -> ()
        %add3A_111 = arith.constant 2 : i32
        %add3A_112 = arith.addi %mul3A_97, %add3A_111 : i32
        %lt3A = arith.constant 16 : i32
        %lt3A_113 = arith.cmpi slt, %add3A_112, %lt3A : i32
        %convert_element_type3A = arith.extui %lt3A_113 : i1 to i32
        %cond3A = arith.constant 0 : i32
        %cond3A_114 = arith.cmpi ne, %convert_element_type3A, %cond3A : i32
        scf.if %cond3A_114 {
          %add3A_125 = arith.constant 2 : i32
          %add3A_126 = arith.addi %mul3A_97, %add3A_125 : i32
          %dma_start3A_127 = arith.constant 0 : i32
          %dma_start3A_128 = tpu.memref_slice %arg7[%add3A_126, %dma_start3A_127] : memref<16x128xi32, #tpu.memory_space<vmem>> -> memref<1x128xi32, #tpu.memory_space<vmem>>
          %dma_start3A_129 = tpu.memref_squeeze %dma_start3A_128 : memref<1x128xi32, #tpu.memory_space<vmem>> -> memref<128xi32, #tpu.memory_space<vmem>>
          %dma_start3A_130 = arith.constant 0 : i32
          %dma_start3A_131 = arith.constant 0 : i32
          %dma_start3A_132 = tpu.memref_slice %arg2[%dma_start3A_130, %dma_start3A_131] : memref<10000x128xf32, #tpu.memory_space<hbm>> -> memref<10000x128xf32, #tpu.memory_space<hbm>>
          tpu.enqueue_indirect_dma source(%dma_start3A_132 : memref<10000x128xf32, #tpu.memory_space<hbm>>) target(%arg9 : memref<128x128xf32, #tpu.memory_space<vmem>>) offsets(%dma_start3A_129 : memref<128xi32, #tpu.memory_space<vmem>>) semaphore(%arg12 : memref<!tpu.dma_semaphore, #tpu.memory_space<semaphore_mem>>)
        } else {
        }
        %add3A_115 = arith.constant 1 : i32
        %add3A_116 = arith.addi %mul3A_97, %add3A_115 : i32
        %dma_wait3A_117 = arith.constant 0 : i32
        %dma_wait3A_118 = tpu.memref_slice %arg7[%add3A_116, %dma_wait3A_117] : memref<16x128xi32, #tpu.memory_space<vmem>> -> memref<1x128xi32, #tpu.memory_space<vmem>>
        %dma_wait3A_119 = tpu.memref_squeeze %dma_wait3A_118 : memref<1x128xi32, #tpu.memory_space<vmem>> -> memref<128xi32, #tpu.memory_space<vmem>>
        %dma_wait3A_120 = arith.constant 0 : i32
        %dma_wait3A_121 = arith.constant 0 : i32
        %dma_wait3A_122 = tpu.memref_slice %arg2[%dma_wait3A_120, %dma_wait3A_121] : memref<10000x128xf32, #tpu.memory_space<hbm>> -> memref<10000x128xf32, #tpu.memory_space<hbm>>
        tpu.wait_indirect_dma semaphore(%arg13 : memref<!tpu.dma_semaphore, #tpu.memory_space<semaphore_mem>>) src(%dma_wait3A_122 : memref<10000x128xf32, #tpu.memory_space<hbm>>) dst(%arg10 : memref<128x128xf32, #tpu.memory_space<vmem>>)
        %add3A_123 = arith.constant 1 : i32
        %add3A_124 = arith.addi %mul3A_97, %add3A_123 : i32
        "tpu.region"() ({
          %run_scoped3A = tpu.sem_alloc : memref<!tpu.dma_semaphore, #tpu.memory_space<semaphore_mem>>
          %dma_start3A_125 = arith.constant 0 : i32
          %dma_start3A_126 = tpu.memref_slice %arg8[%add3A_124, %dma_start3A_125] : memref<16x128xi32, #tpu.memory_space<vmem>> -> memref<1x128xi32, #tpu.memory_space<vmem>>
          %dma_start3A_127 = tpu.memref_squeeze %dma_start3A_126 : memref<1x128xi32, #tpu.memory_space<vmem>> -> memref<128xi32, #tpu.memory_space<vmem>>
          %dma_start3A_128 = arith.constant 0 : i32
          %dma_start3A_129 = arith.constant 0 : i32
          %dma_start3A_130 = tpu.memref_slice %arg11[%dma_start3A_128, %dma_start3A_129] : memref<10240x128xf32, #tpu.memory_space<vmem_shared>> -> memref<10240x128xf32, #tpu.memory_space<vmem_shared>>
          tpu.enqueue_indirect_dma source(%arg10 : memref<128x128xf32, #tpu.memory_space<vmem>>) target(%dma_start3A_130 : memref<10240x128xf32, #tpu.memory_space<vmem_shared>>) offsets(%dma_start3A_127 : memref<128xi32, #tpu.memory_space<vmem>>) semaphore(%run_scoped3A : memref<!tpu.dma_semaphore, #tpu.memory_space<semaphore_mem>>) {add = true}
          %dma_wait3A_131 = arith.constant 0 : i32
          %dma_wait3A_132 = tpu.memref_slice %arg8[%add3A_124, %dma_wait3A_131] : memref<16x128xi32, #tpu.memory_space<vmem>> -> memref<1x128xi32, #tpu.memory_space<vmem>>
          %dma_wait3A_133 = tpu.memref_squeeze %dma_wait3A_132 : memref<1x128xi32, #tpu.memory_space<vmem>> -> memref<128xi32, #tpu.memory_space<vmem>>
          %dma_wait3A_134 = arith.constant 0 : i32
          %dma_wait3A_135 = arith.constant 0 : i32
          %dma_wait3A_136 = tpu.memref_slice %arg11[%dma_wait3A_134, %dma_wait3A_135] : memref<10240x128xf32, #tpu.memory_space<vmem_shared>> -> memref<10240x128xf32, #tpu.memory_space<vmem_shared>>
          tpu.wait_indirect_dma semaphore(%run_scoped3A : memref<!tpu.dma_semaphore, #tpu.memory_space<semaphore_mem>>) src(%arg10 : memref<128x128xf32, #tpu.memory_space<vmem>>) dst(%dma_wait3A_136 : memref<10240x128xf32, #tpu.memory_space<vmem_shared>>)
          tpu.yield
        }) : () -> ()
      }
      %scan3A_90 = arith.constant 8 : i32
    }
    %while3A_69 = arith.constant 1 : i32
    scf.for %while3A_75 = %while3A_67 to %while3A_63 step %while3A_69  : i32 {
      %mul3A_76 = arith.muli %while3A_75, %while3A : i32
      %add3A_77 = arith.addi %while3A_60, %mul3A_76 : i32
      %mul3A_78 = arith.constant 16 : i32
      %mul3A_79 = arith.muli %add3A_77, %mul3A_78 : i32
      %add3A_80 = arith.addi %add3A, %mul3A_79 : i32
      "tpu.region"() ({
        %run_scoped3A = tpu.sem_alloc : memref<!tpu.dma_semaphore, #tpu.memory_space<semaphore_mem>>
        %dma_start3A_91 = arith.constant 0 : i32
        %dma_start3A_92 = tpu.memref_slice %arg3[%add3A_80, %dma_start3A_91] : memref<2560x128xi32, #tpu.memory_space<hbm>> -> memref<16x128xi32, #tpu.memory_space<hbm>>
        %dma_start3A_93 = arith.constant 0 : i32
        %dma_start3A_94 = tpu.memref_slice %arg3[%add3A_80, %dma_start3A_93] : memref<2560x128xi32, #tpu.memory_space<hbm>> -> memref<16x128xi32, #tpu.memory_space<hbm>>
        tpu.enqueue_dma source(%dma_start3A_94 : memref<16x128xi32, #tpu.memory_space<hbm>>) target(%arg7 : memref<16x128xi32, #tpu.memory_space<vmem>>) target_semaphore(%run_scoped3A : memref<!tpu.dma_semaphore, #tpu.memory_space<semaphore_mem>>)
        %dma_wait3A = arith.constant 0 : i32
        %dma_wait3A_95 = tpu.memref_slice %arg3[%add3A_80, %dma_wait3A] : memref<2560x128xi32, #tpu.memory_space<hbm>> -> memref<16x128xi32, #tpu.memory_space<hbm>>
        %dma_wait3A_96 = arith.constant 0 : i32
        %dma_wait3A_97 = tpu.memref_slice %arg3[%add3A_80, %dma_wait3A_96] : memref<2560x128xi32, #tpu.memory_space<hbm>> -> memref<16x128xi32, #tpu.memory_space<hbm>>
        tpu.wait_dma2 semaphore(%run_scoped3A : memref<!tpu.dma_semaphore, #tpu.memory_space<semaphore_mem>>) src(%dma_wait3A_97 : memref<16x128xi32, #tpu.memory_space<hbm>>) dst(%arg7 : memref<16x128xi32, #tpu.memory_space<vmem>>)
        tpu.yield
      }) : () -> ()
      "tpu.region"() ({
        %run_scoped3A = tpu.sem_alloc : memref<!tpu.dma_semaphore, #tpu.memory_space<semaphore_mem>>
        %dma_start3A_91 = arith.constant 0 : i32
        %dma_start3A_92 = tpu.memref_slice %arg4[%add3A_80, %dma_start3A_91] : memref<2560x128xi32, #tpu.memory_space<hbm>> -> memref<16x128xi32, #tpu.memory_space<hbm>>
        %dma_start3A_93 = arith.constant 0 : i32
        %dma_start3A_94 = tpu.memref_slice %arg4[%add3A_80, %dma_start3A_93] : memref<2560x128xi32, #tpu.memory_space<hbm>> -> memref<16x128xi32, #tpu.memory_space<hbm>>
        tpu.enqueue_dma source(%dma_start3A_94 : memref<16x128xi32, #tpu.memory_space<hbm>>) target(%arg8 : memref<16x128xi32, #tpu.memory_space<vmem>>) target_semaphore(%run_scoped3A : memref<!tpu.dma_semaphore, #tpu.memory_space<semaphore_mem>>)
        %dma_wait3A = arith.constant 0 : i32
        %dma_wait3A_95 = tpu.memref_slice %arg4[%add3A_80, %dma_wait3A] : memref<2560x128xi32, #tpu.memory_space<hbm>> -> memref<16x128xi32, #tpu.memory_space<hbm>>
        %dma_wait3A_96 = arith.constant 0 : i32
        %dma_wait3A_97 = tpu.memref_slice %arg4[%add3A_80, %dma_wait3A_96] : memref<2560x128xi32, #tpu.memory_space<hbm>> -> memref<16x128xi32, #tpu.memory_space<hbm>>
        tpu.wait_dma2 semaphore(%run_scoped3A : memref<!tpu.dma_semaphore, #tpu.memory_space<semaphore_mem>>) src(%dma_wait3A_97 : memref<16x128xi32, #tpu.memory_space<hbm>>) dst(%arg8 : memref<16x128xi32, #tpu.memory_space<vmem>>)
        tpu.yield
      }) : () -> ()
      %dma_start3A = arith.constant 0 : i32
      %dma_start3A_81 = arith.constant 0 : i32
      %dma_start3A_82 = tpu.memref_slice %arg7[%dma_start3A, %dma_start3A_81] : memref<16x128xi32, #tpu.memory_space<vmem>> -> memref<1x128xi32, #tpu.memory_space<vmem>>
      %dma_start3A_83 = tpu.memref_squeeze %dma_start3A_82 : memref<1x128xi32, #tpu.memory_space<vmem>> -> memref<128xi32, #tpu.memory_space<vmem>>
      %dma_start3A_84 = arith.constant 0 : i32
      %dma_start3A_85 = arith.constant 0 : i32
      %dma_start3A_86 = tpu.memref_slice %arg2[%dma_start3A_84, %dma_start3A_85] : memref<10000x128xf32, #tpu.memory_space<hbm>> -> memref<10000x128xf32, #tpu.memory_space<hbm>>
      tpu.enqueue_indirect_dma source(%dma_start3A_86 : memref<10000x128xf32, #tpu.memory_space<hbm>>) target(%arg9 : memref<128x128xf32, #tpu.memory_space<vmem>>) offsets(%dma_start3A_83 : memref<128xi32, #tpu.memory_space<vmem>>) semaphore(%arg12 : memref<!tpu.dma_semaphore, #tpu.memory_space<semaphore_mem>>)
      %scan3A = arith.constant 0 : i32
      %scan3A_87 = arith.constant 8 : i32
      %scan3A_88 = arith.addi %scan3A, %scan3A_87 : i32
      %scan3A_89 = arith.constant 1 : i32
      scf.for %scan3A_91 = %scan3A to %scan3A_88 step %scan3A_89  : i32 {
        %mul3A_92 = arith.constant 1 : i32
        %mul3A_93 = arith.muli %scan3A_91, %mul3A_92 : i32
        %add3A_94 = arith.constant 0 : i32
        %add3A_95 = arith.addi %add3A_94, %mul3A_93 : i32
        %mul3A_96 = arith.constant 2 : i32
        %mul3A_97 = arith.muli %mul3A_96, %add3A_95 : i32
        %add3A_98 = arith.constant 1 : i32
        %add3A_99 = arith.addi %mul3A_97, %add3A_98 : i32
        %dma_start3A_100 = arith.constant 0 : i32
        %dma_start3A_101 = tpu.memref_slice %arg7[%add3A_99, %dma_start3A_100] : memref<16x128xi32, #tpu.memory_space<vmem>> -> memref<1x128xi32, #tpu.memory_space<vmem>>
        %dma_start3A_102 = tpu.memref_squeeze %dma_start3A_101 : memref<1x128xi32, #tpu.memory_space<vmem>> -> memref<128xi32, #tpu.memory_space<vmem>>
        %dma_start3A_103 = arith.constant 0 : i32
        %dma_start3A_104 = arith.constant 0 : i32
        %dma_start3A_105 = tpu.memref_slice %arg2[%dma_start3A_103, %dma_start3A_104] : memref<10000x128xf32, #tpu.memory_space<hbm>> -> memref<10000x128xf32, #tpu.memory_space<hbm>>
        tpu.enqueue_indirect_dma source(%dma_start3A_105 : memref<10000x128xf32, #tpu.memory_space<hbm>>) target(%arg10 : memref<128x128xf32, #tpu.memory_space<vmem>>) offsets(%dma_start3A_102 : memref<128xi32, #tpu.memory_space<vmem>>) semaphore(%arg13 : memref<!tpu.dma_semaphore, #tpu.memory_space<semaphore_mem>>)
        %dma_wait3A = arith.constant 0 : i32
        %dma_wait3A_106 = tpu.memref_slice %arg7[%mul3A_97, %dma_wait3A] : memref<16x128xi32, #tpu.memory_space<vmem>> -> memref<1x128xi32, #tpu.memory_space<vmem>>
        %dma_wait3A_107 = tpu.memref_squeeze %dma_wait3A_106 : memref<1x128xi32, #tpu.memory_space<vmem>> -> memref<128xi32, #tpu.memory_space<vmem>>
        %dma_wait3A_108 = arith.constant 0 : i32
        %dma_wait3A_109 = arith.constant 0 : i32
        %dma_wait3A_110 = tpu.memref_slice %arg2[%dma_wait3A_108, %dma_wait3A_109] : memref<10000x128xf32, #tpu.memory_space<hbm>> -> memref<10000x128xf32, #tpu.memory_space<hbm>>
        tpu.wait_indirect_dma semaphore(%arg12 : memref<!tpu.dma_semaphore, #tpu.memory_space<semaphore_mem>>) src(%dma_wait3A_110 : memref<10000x128xf32, #tpu.memory_space<hbm>>) dst(%arg9 : memref<128x128xf32, #tpu.memory_space<vmem>>)
        "tpu.region"() ({
          %run_scoped3A = tpu.sem_alloc : memref<!tpu.dma_semaphore, #tpu.memory_space<semaphore_mem>>
          %dma_start3A_125 = arith.constant 0 : i32
          %dma_start3A_126 = tpu.memref_slice %arg8[%mul3A_97, %dma_start3A_125] : memref<16x128xi32, #tpu.memory_space<vmem>> -> memref<1x128xi32, #tpu.memory_space<vmem>>
          %dma_start3A_127 = tpu.memref_squeeze %dma_start3A_126 : memref<1x128xi32, #tpu.memory_space<vmem>> -> memref<128xi32, #tpu.memory_space<vmem>>
          %dma_start3A_128 = arith.constant 0 : i32
          %dma_start3A_129 = arith.constant 0 : i32
          %dma_start3A_130 = tpu.memref_slice %arg11[%dma_start3A_128, %dma_start3A_129] : memref<10240x128xf32, #tpu.memory_space<vmem_shared>> -> memref<10240x128xf32, #tpu.memory_space<vmem_shared>>
          tpu.enqueue_indirect_dma source(%arg9 : memref<128x128xf32, #tpu.memory_space<vmem>>) target(%dma_start3A_130 : memref<10240x128xf32, #tpu.memory_space<vmem_shared>>) offsets(%dma_start3A_127 : memref<128xi32, #tpu.memory_space<vmem>>) semaphore(%run_scoped3A : memref<!tpu.dma_semaphore, #tpu.memory_space<semaphore_mem>>) {add = true}
          %dma_wait3A_131 = arith.constant 0 : i32
          %dma_wait3A_132 = tpu.memref_slice %arg8[%mul3A_97, %dma_wait3A_131] : memref<16x128xi32, #tpu.memory_space<vmem>> -> memref<1x128xi32, #tpu.memory_space<vmem>>
          %dma_wait3A_133 = tpu.memref_squeeze %dma_wait3A_132 : memref<1x128xi32, #tpu.memory_space<vmem>> -> memref<128xi32, #tpu.memory_space<vmem>>
          %dma_wait3A_134 = arith.constant 0 : i32
          %dma_wait3A_135 = arith.constant 0 : i32
          %dma_wait3A_136 = tpu.memref_slice %arg11[%dma_wait3A_134, %dma_wait3A_135] : memref<10240x128xf32, #tpu.memory_space<vmem_shared>> -> memref<10240x128xf32, #tpu.memory_space<vmem_shared>>
          tpu.wait_indirect_dma semaphore(%run_scoped3A : memref<!tpu.dma_semaphore, #tpu.memory_space<semaphore_mem>>) src(%arg9 : memref<128x128xf32, #tpu.memory_space<vmem>>) dst(%dma_wait3A_136 : memref<10240x128xf32, #tpu.memory_space<vmem_shared>>)
          tpu.yield
        }) : () -> ()
        %add3A_111 = arith.constant 2 : i32
        %add3A_112 = arith.addi %mul3A_97, %add3A_111 : i32
        %lt3A = arith.constant 16 : i32
        %lt3A_113 = arith.cmpi slt, %add3A_112, %lt3A : i32
        %convert_element_type3A = arith.extui %lt3A_113 : i1 to i32
        %cond3A = arith.constant 0 : i32
        %cond3A_114 = arith.cmpi ne, %convert_element_type3A, %cond3A : i32
        scf.if %cond3A_114 {
          %add3A_125 = arith.constant 2 : i32
          %add3A_126 = arith.addi %mul3A_97, %add3A_125 : i32
          %dma_start3A_127 = arith.constant 0 : i32
          %dma_start3A_128 = tpu.memref_slice %arg7[%add3A_126, %dma_start3A_127] : memref<16x128xi32, #tpu.memory_space<vmem>> -> memref<1x128xi32, #tpu.memory_space<vmem>>
          %dma_start3A_129 = tpu.memref_squeeze %dma_start3A_128 : memref<1x128xi32, #tpu.memory_space<vmem>> -> memref<128xi32, #tpu.memory_space<vmem>>
          %dma_start3A_130 = arith.constant 0 : i32
          %dma_start3A_131 = arith.constant 0 : i32
          %dma_start3A_132 = tpu.memref_slice %arg2[%dma_start3A_130, %dma_start3A_131] : memref<10000x128xf32, #tpu.memory_space<hbm>> -> memref<10000x128xf32, #tpu.memory_space<hbm>>
          tpu.enqueue_indirect_dma source(%dma_start3A_132 : memref<10000x128xf32, #tpu.memory_space<hbm>>) target(%arg9 : memref<128x128xf32, #tpu.memory_space<vmem>>) offsets(%dma_start3A_129 : memref<128xi32, #tpu.memory_space<vmem>>) semaphore(%arg12 : memref<!tpu.dma_semaphore, #tpu.memory_space<semaphore_mem>>)
        } else {
        }
        %add3A_115 = arith.constant 1 : i32
        %add3A_116 = arith.addi %mul3A_97, %add3A_115 : i32
        %dma_wait3A_117 = arith.constant 0 : i32
        %dma_wait3A_118 = tpu.memref_slice %arg7[%add3A_116, %dma_wait3A_117] : memref<16x128xi32, #tpu.memory_space<vmem>> -> memref<1x128xi32, #tpu.memory_space<vmem>>
        %dma_wait3A_119 = tpu.memref_squeeze %dma_wait3A_118 : memref<1x128xi32, #tpu.memory_space<vmem>> -> memref<128xi32, #tpu.memory_space<vmem>>
        %dma_wait3A_120 = arith.constant 0 : i32
        %dma_wait3A_121 = arith.constant 0 : i32
        %dma_wait3A_122 = tpu.memref_slice %arg2[%dma_wait3A_120, %dma_wait3A_121] : memref<10000x128xf32, #tpu.memory_space<hbm>> -> memref<10000x128xf32, #tpu.memory_space<hbm>>
        tpu.wait_indirect_dma semaphore(%arg13 : memref<!tpu.dma_semaphore, #tpu.memory_space<semaphore_mem>>) src(%dma_wait3A_122 : memref<10000x128xf32, #tpu.memory_space<hbm>>) dst(%arg10 : memref<128x128xf32, #tpu.memory_space<vmem>>)
        %add3A_123 = arith.constant 1 : i32
        %add3A_124 = arith.addi %mul3A_97, %add3A_123 : i32
        "tpu.region"() ({
          %run_scoped3A = tpu.sem_alloc : memref<!tpu.dma_semaphore, #tpu.memory_space<semaphore_mem>>
          %dma_start3A_125 = arith.constant 0 : i32
          %dma_start3A_126 = tpu.memref_slice %arg8[%add3A_124, %dma_start3A_125] : memref<16x128xi32, #tpu.memory_space<vmem>> -> memref<1x128xi32, #tpu.memory_space<vmem>>
          %dma_start3A_127 = tpu.memref_squeeze %dma_start3A_126 : memref<1x128xi32, #tpu.memory_space<vmem>> -> memref<128xi32, #tpu.memory_space<vmem>>
          %dma_start3A_128 = arith.constant 0 : i32
          %dma_start3A_129 = arith.constant 0 : i32
          %dma_start3A_130 = tpu.memref_slice %arg11[%dma_start3A_128, %dma_start3A_129] : memref<10240x128xf32, #tpu.memory_space<vmem_shared>> -> memref<10240x128xf32, #tpu.memory_space<vmem_shared>>
          tpu.enqueue_indirect_dma source(%arg10 : memref<128x128xf32, #tpu.memory_space<vmem>>) target(%dma_start3A_130 : memref<10240x128xf32, #tpu.memory_space<vmem_shared>>) offsets(%dma_start3A_127 : memref<128xi32, #tpu.memory_space<vmem>>) semaphore(%run_scoped3A : memref<!tpu.dma_semaphore, #tpu.memory_space<semaphore_mem>>) {add = true}
          %dma_wait3A_131 = arith.constant 0 : i32
          %dma_wait3A_132 = tpu.memref_slice %arg8[%add3A_124, %dma_wait3A_131] : memref<16x128xi32, #tpu.memory_space<vmem>> -> memref<1x128xi32, #tpu.memory_space<vmem>>
          %dma_wait3A_133 = tpu.memref_squeeze %dma_wait3A_132 : memref<1x128xi32, #tpu.memory_space<vmem>> -> memref<128xi32, #tpu.memory_space<vmem>>
          %dma_wait3A_134 = arith.constant 0 : i32
          %dma_wait3A_135 = arith.constant 0 : i32
          %dma_wait3A_136 = tpu.memref_slice %arg11[%dma_wait3A_134, %dma_wait3A_135] : memref<10240x128xf32, #tpu.memory_space<vmem_shared>> -> memref<10240x128xf32, #tpu.memory_space<vmem_shared>>
          tpu.wait_indirect_dma semaphore(%run_scoped3A : memref<!tpu.dma_semaphore, #tpu.memory_space<semaphore_mem>>) src(%arg10 : memref<128x128xf32, #tpu.memory_space<vmem>>) dst(%dma_wait3A_136 : memref<10240x128xf32, #tpu.memory_space<vmem_shared>>)
          tpu.yield
        }) : () -> ()
      }
      %scan3A_90 = arith.constant 8 : i32
    }
    %barrier3A_70 = arith.constant 0 : index
    tpu.barrier barrier_id(%barrier3A_70)
    %mul3A_71 = arith.constant 640 : i32
    %mul3A_72 = arith.muli %arg1, %mul3A_71 : i32
    %mul3A_73 = arith.constant 640 : i32
    %mul3A_74 = arith.muli %arg1, %mul3A_73 : i32
    "tpu.region"() ({
      %run_scoped3A = tpu.sem_alloc : memref<!tpu.dma_semaphore, #tpu.memory_space<semaphore_mem>>
      %dma_start3A = arith.constant 0 : i32
      %dma_start3A_75 = arith.constant 0 : i32
      %dma_start3A_76 = tpu.memref_slice %arg6[%arg0, %dma_start3A, %dma_start3A_75] : memref<2x10240x128xf32, #tpu.memory_space<hbm>> -> memref<1x10240x128xf32, #tpu.memory_space<hbm>>
      %dma_start3A_77 = tpu.memref_squeeze %dma_start3A_76 : memref<1x10240x128xf32, #tpu.memory_space<hbm>> -> memref<10240x128xf32, #tpu.memory_space<hbm>>
      %dma_start3A_78 = arith.constant 0 : i32
      %dma_start3A_79 = tpu.memref_slice %dma_start3A_77[%mul3A_74, %dma_start3A_78] : memref<10240x128xf32, #tpu.memory_space<hbm>> -> memref<640x128xf32, #tpu.memory_space<hbm>>
      %dma_start3A_80 = arith.constant 0 : i32
      %dma_start3A_81 = tpu.memref_slice %arg11[%mul3A_72, %dma_start3A_80] : memref<10240x128xf32, #tpu.memory_space<vmem_shared>> -> memref<640x128xf32, #tpu.memory_space<vmem_shared>>
      tpu.enqueue_dma source(%dma_start3A_81 : memref<640x128xf32, #tpu.memory_space<vmem_shared>>) target(%dma_start3A_79 : memref<640x128xf32, #tpu.memory_space<hbm>>) target_semaphore(%run_scoped3A : memref<!tpu.dma_semaphore, #tpu.memory_space<semaphore_mem>>)
      %dma_wait3A = arith.constant 0 : i32
      %dma_wait3A_82 = arith.constant 0 : i32
      %dma_wait3A_83 = tpu.memref_slice %arg6[%arg0, %dma_wait3A, %dma_wait3A_82] : memref<2x10240x128xf32, #tpu.memory_space<hbm>> -> memref<1x10240x128xf32, #tpu.memory_space<hbm>>
      %dma_wait3A_84 = tpu.memref_squeeze %dma_wait3A_83 : memref<1x10240x128xf32, #tpu.memory_space<hbm>> -> memref<10240x128xf32, #tpu.memory_space<hbm>>
      %dma_wait3A_85 = arith.constant 0 : i32
      %dma_wait3A_86 = tpu.memref_slice %dma_wait3A_84[%mul3A_74, %dma_wait3A_85] : memref<10240x128xf32, #tpu.memory_space<hbm>> -> memref<640x128xf32, #tpu.memory_space<hbm>>
      %dma_wait3A_87 = arith.constant 0 : i32
      %dma_wait3A_88 = tpu.memref_slice %arg11[%mul3A_72, %dma_wait3A_87] : memref<10240x128xf32, #tpu.memory_space<vmem_shared>> -> memref<640x128xf32, #tpu.memory_space<vmem_shared>>
      tpu.wait_dma2 semaphore(%run_scoped3A : memref<!tpu.dma_semaphore, #tpu.memory_space<semaphore_mem>>) src(%dma_wait3A_88 : memref<640x128xf32, #tpu.memory_space<vmem_shared>>) dst(%dma_wait3A_86 : memref<640x128xf32, #tpu.memory_space<hbm>>)
      tpu.yield
    }) : () -> ()
    return
  }
}

#map = affine_map<(d0, d1) -> (0, 0)>
module attributes {stable_mosaic.version = 14 : i64} {
  func.func @k(%arg0: i32, %arg1: i32, %arg2: memref<512x128xf32, #tpu.memory_space<hbm>>, %arg3: memref<80x128xi32, #tpu.memory_space<hbm>>, %arg4: memref<10240x128xf32, #tpu.memory_space<hbm>>, %arg5: memref<8x128xi32, #tpu.memory_space<vmem>>, %arg6: memref<128x128xf32, #tpu.memory_space<vmem>>, %arg7: memref<!tpu.dma_semaphore, #tpu.memory_space<semaphore_mem>>) attributes {dimension_semantics = [#tpu.dimension_semantics<core_parallel>, #tpu.dimension_semantics<subcore_parallel>], iteration_bounds = array<i64: 2, 16>, scalar_prefetch = 0 : i64, scratch_operands = 3 : i64, tpu.core_type = #tpu.core_type<sc_vector_subcore>, window_params = [{transform_indices = #map}, {transform_indices = #map}, {transform_indices = #map}]} {
    %mul3A = arith.constant 16 : i32
    %mul3A_0 = arith.muli %arg0, %mul3A : i32
    %add3A = arith.addi %mul3A_0, %arg1 : i32
    %lt3A = arith.constant 10 : i32
    %lt3A_1 = arith.cmpi slt, %add3A, %lt3A : i32
    %convert_element_type3A = arith.extui %lt3A_1 : i1 to i32
    %cond3A = arith.constant 0 : i32
    %cond3A_2 = arith.cmpi ne, %convert_element_type3A, %cond3A : i32
    scf.if %cond3A_2 {
      %mul3A_3 = arith.constant 8 : i32
      %mul3A_4 = arith.muli %add3A, %mul3A_3 : i32
      "tpu.region"() ({
        %run_scoped3A = tpu.sem_alloc : memref<!tpu.dma_semaphore, #tpu.memory_space<semaphore_mem>>
        %dma_start3A_147 = arith.constant 0 : i32
        %dma_start3A_148 = tpu.memref_slice %arg3[%mul3A_4, %dma_start3A_147] : memref<80x128xi32, #tpu.memory_space<hbm>> -> memref<8x128xi32, #tpu.memory_space<hbm>>
        %dma_start3A_149 = arith.constant 0 : i32
        %dma_start3A_150 = tpu.memref_slice %arg3[%mul3A_4, %dma_start3A_149] : memref<80x128xi32, #tpu.memory_space<hbm>> -> memref<8x128xi32, #tpu.memory_space<hbm>>
        tpu.enqueue_dma source(%dma_start3A_150 : memref<8x128xi32, #tpu.memory_space<hbm>>) target(%arg5 : memref<8x128xi32, #tpu.memory_space<vmem>>) target_semaphore(%run_scoped3A : memref<!tpu.dma_semaphore, #tpu.memory_space<semaphore_mem>>)
        %dma_wait3A_151 = arith.constant 0 : i32
        %dma_wait3A_152 = tpu.memref_slice %arg3[%mul3A_4, %dma_wait3A_151] : memref<80x128xi32, #tpu.memory_space<hbm>> -> memref<8x128xi32, #tpu.memory_space<hbm>>
        %dma_wait3A_153 = arith.constant 0 : i32
        %dma_wait3A_154 = tpu.memref_slice %arg3[%mul3A_4, %dma_wait3A_153] : memref<80x128xi32, #tpu.memory_space<hbm>> -> memref<8x128xi32, #tpu.memory_space<hbm>>
        tpu.wait_dma2 semaphore(%run_scoped3A : memref<!tpu.dma_semaphore, #tpu.memory_space<semaphore_mem>>) src(%dma_wait3A_154 : memref<8x128xi32, #tpu.memory_space<hbm>>) dst(%arg5 : memref<8x128xi32, #tpu.memory_space<vmem>>)
        tpu.yield
      }) : () -> ()
      %dma_start3A = arith.constant 0 : i32
      %dma_start3A_5 = arith.constant 0 : i32
      %dma_start3A_6 = tpu.memref_slice %arg5[%dma_start3A, %dma_start3A_5] : memref<8x128xi32, #tpu.memory_space<vmem>> -> memref<1x128xi32, #tpu.memory_space<vmem>>
      %dma_start3A_7 = tpu.memref_squeeze %dma_start3A_6 : memref<1x128xi32, #tpu.memory_space<vmem>> -> memref<128xi32, #tpu.memory_space<vmem>>
      %dma_start3A_8 = arith.constant 0 : i32
      %dma_start3A_9 = arith.constant 0 : i32
      %dma_start3A_10 = tpu.memref_slice %arg2[%dma_start3A_8, %dma_start3A_9] : memref<512x128xf32, #tpu.memory_space<hbm>> -> memref<512x128xf32, #tpu.memory_space<hbm>>
      tpu.enqueue_indirect_dma source(%dma_start3A_10 : memref<512x128xf32, #tpu.memory_space<hbm>>) target(%arg6 : memref<128x128xf32, #tpu.memory_space<vmem>>) offsets(%dma_start3A_7 : memref<128xi32, #tpu.memory_space<vmem>>) semaphore(%arg7 : memref<!tpu.dma_semaphore, #tpu.memory_space<semaphore_mem>>)
      %dma_wait3A = arith.constant 0 : i32
      %dma_wait3A_11 = arith.constant 0 : i32
      %dma_wait3A_12 = tpu.memref_slice %arg5[%dma_wait3A, %dma_wait3A_11] : memref<8x128xi32, #tpu.memory_space<vmem>> -> memref<1x128xi32, #tpu.memory_space<vmem>>
      %dma_wait3A_13 = tpu.memref_squeeze %dma_wait3A_12 : memref<1x128xi32, #tpu.memory_space<vmem>> -> memref<128xi32, #tpu.memory_space<vmem>>
      %dma_wait3A_14 = arith.constant 0 : i32
      %dma_wait3A_15 = arith.constant 0 : i32
      %dma_wait3A_16 = tpu.memref_slice %arg2[%dma_wait3A_14, %dma_wait3A_15] : memref<512x128xf32, #tpu.memory_space<hbm>> -> memref<512x128xf32, #tpu.memory_space<hbm>>
      tpu.wait_indirect_dma semaphore(%arg7 : memref<!tpu.dma_semaphore, #tpu.memory_space<semaphore_mem>>) src(%dma_wait3A_16 : memref<512x128xf32, #tpu.memory_space<hbm>>) dst(%arg6 : memref<128x128xf32, #tpu.memory_space<vmem>>)
      %add3A_17 = arith.constant 0 : i32
      %add3A_18 = arith.addi %mul3A_4, %add3A_17 : i32
      %mul3A_19 = arith.constant 128 : i32
      %mul3A_20 = arith.muli %add3A_18, %mul3A_19 : i32
      "tpu.region"() ({
        %run_scoped3A = tpu.sem_alloc : memref<!tpu.dma_semaphore, #tpu.memory_space<semaphore_mem>>
        %dma_start3A_147 = arith.constant 0 : i32
        %dma_start3A_148 = tpu.memref_slice %arg4[%mul3A_20, %dma_start3A_147] : memref<10240x128xf32, #tpu.memory_space<hbm>> -> memref<128x128xf32, #tpu.memory_space<hbm>>
        %dma_start3A_149 = arith.constant 0 : i32
        %dma_start3A_150 = tpu.memref_slice %arg4[%mul3A_20, %dma_start3A_149] : memref<10240x128xf32, #tpu.memory_space<hbm>> -> memref<128x128xf32, #tpu.memory_space<hbm>>
        tpu.enqueue_dma source(%arg6 : memref<128x128xf32, #tpu.memory_space<vmem>>) target(%dma_start3A_150 : memref<128x128xf32, #tpu.memory_space<hbm>>) target_semaphore(%run_scoped3A : memref<!tpu.dma_semaphore, #tpu.memory_space<semaphore_mem>>)
        %dma_wait3A_151 = arith.constant 0 : i32
        %dma_wait3A_152 = tpu.memref_slice %arg4[%mul3A_20, %dma_wait3A_151] : memref<10240x128xf32, #tpu.memory_space<hbm>> -> memref<128x128xf32, #tpu.memory_space<hbm>>
        %dma_wait3A_153 = arith.constant 0 : i32
        %dma_wait3A_154 = tpu.memref_slice %arg4[%mul3A_20, %dma_wait3A_153] : memref<10240x128xf32, #tpu.memory_space<hbm>> -> memref<128x128xf32, #tpu.memory_space<hbm>>
        tpu.wait_dma2 semaphore(%run_scoped3A : memref<!tpu.dma_semaphore, #tpu.memory_space<semaphore_mem>>) src(%arg6 : memref<128x128xf32, #tpu.memory_space<vmem>>) dst(%dma_wait3A_154 : memref<128x128xf32, #tpu.memory_space<hbm>>)
        tpu.yield
      }) : () -> ()
      %dma_start3A_21 = arith.constant 1 : i32
      %dma_start3A_22 = arith.constant 0 : i32
      %dma_start3A_23 = tpu.memref_slice %arg5[%dma_start3A_21, %dma_start3A_22] : memref<8x128xi32, #tpu.memory_space<vmem>> -> memref<1x128xi32, #tpu.memory_space<vmem>>
      %dma_start3A_24 = tpu.memref_squeeze %dma_start3A_23 : memref<1x128xi32, #tpu.memory_space<vmem>> -> memref<128xi32, #tpu.memory_space<vmem>>
      %dma_start3A_25 = arith.constant 0 : i32
      %dma_start3A_26 = arith.constant 0 : i32
      %dma_start3A_27 = tpu.memref_slice %arg2[%dma_start3A_25, %dma_start3A_26] : memref<512x128xf32, #tpu.memory_space<hbm>> -> memref<512x128xf32, #tpu.memory_space<hbm>>
      tpu.enqueue_indirect_dma source(%dma_start3A_27 : memref<512x128xf32, #tpu.memory_space<hbm>>) target(%arg6 : memref<128x128xf32, #tpu.memory_space<vmem>>) offsets(%dma_start3A_24 : memref<128xi32, #tpu.memory_space<vmem>>) semaphore(%arg7 : memref<!tpu.dma_semaphore, #tpu.memory_space<semaphore_mem>>)
      %dma_wait3A_28 = arith.constant 1 : i32
      %dma_wait3A_29 = arith.constant 0 : i32
      %dma_wait3A_30 = tpu.memref_slice %arg5[%dma_wait3A_28, %dma_wait3A_29] : memref<8x128xi32, #tpu.memory_space<vmem>> -> memref<1x128xi32, #tpu.memory_space<vmem>>
      %dma_wait3A_31 = tpu.memref_squeeze %dma_wait3A_30 : memref<1x128xi32, #tpu.memory_space<vmem>> -> memref<128xi32, #tpu.memory_space<vmem>>
      %dma_wait3A_32 = arith.constant 0 : i32
      %dma_wait3A_33 = arith.constant 0 : i32
      %dma_wait3A_34 = tpu.memref_slice %arg2[%dma_wait3A_32, %dma_wait3A_33] : memref<512x128xf32, #tpu.memory_space<hbm>> -> memref<512x128xf32, #tpu.memory_space<hbm>>
      tpu.wait_indirect_dma semaphore(%arg7 : memref<!tpu.dma_semaphore, #tpu.memory_space<semaphore_mem>>) src(%dma_wait3A_34 : memref<512x128xf32, #tpu.memory_space<hbm>>) dst(%arg6 : memref<128x128xf32, #tpu.memory_space<vmem>>)
      %add3A_35 = arith.constant 1 : i32
      %add3A_36 = arith.addi %mul3A_4, %add3A_35 : i32
      %mul3A_37 = arith.constant 128 : i32
      %mul3A_38 = arith.muli %add3A_36, %mul3A_37 : i32
      "tpu.region"() ({
        %run_scoped3A = tpu.sem_alloc : memref<!tpu.dma_semaphore, #tpu.memory_space<semaphore_mem>>
        %dma_start3A_147 = arith.constant 0 : i32
        %dma_start3A_148 = tpu.memref_slice %arg4[%mul3A_38, %dma_start3A_147] : memref<10240x128xf32, #tpu.memory_space<hbm>> -> memref<128x128xf32, #tpu.memory_space<hbm>>
        %dma_start3A_149 = arith.constant 0 : i32
        %dma_start3A_150 = tpu.memref_slice %arg4[%mul3A_38, %dma_start3A_149] : memref<10240x128xf32, #tpu.memory_space<hbm>> -> memref<128x128xf32, #tpu.memory_space<hbm>>
        tpu.enqueue_dma source(%arg6 : memref<128x128xf32, #tpu.memory_space<vmem>>) target(%dma_start3A_150 : memref<128x128xf32, #tpu.memory_space<hbm>>) target_semaphore(%run_scoped3A : memref<!tpu.dma_semaphore, #tpu.memory_space<semaphore_mem>>)
        %dma_wait3A_151 = arith.constant 0 : i32
        %dma_wait3A_152 = tpu.memref_slice %arg4[%mul3A_38, %dma_wait3A_151] : memref<10240x128xf32, #tpu.memory_space<hbm>> -> memref<128x128xf32, #tpu.memory_space<hbm>>
        %dma_wait3A_153 = arith.constant 0 : i32
        %dma_wait3A_154 = tpu.memref_slice %arg4[%mul3A_38, %dma_wait3A_153] : memref<10240x128xf32, #tpu.memory_space<hbm>> -> memref<128x128xf32, #tpu.memory_space<hbm>>
        tpu.wait_dma2 semaphore(%run_scoped3A : memref<!tpu.dma_semaphore, #tpu.memory_space<semaphore_mem>>) src(%arg6 : memref<128x128xf32, #tpu.memory_space<vmem>>) dst(%dma_wait3A_154 : memref<128x128xf32, #tpu.memory_space<hbm>>)
        tpu.yield
      }) : () -> ()
      %dma_start3A_39 = arith.constant 2 : i32
      %dma_start3A_40 = arith.constant 0 : i32
      %dma_start3A_41 = tpu.memref_slice %arg5[%dma_start3A_39, %dma_start3A_40] : memref<8x128xi32, #tpu.memory_space<vmem>> -> memref<1x128xi32, #tpu.memory_space<vmem>>
      %dma_start3A_42 = tpu.memref_squeeze %dma_start3A_41 : memref<1x128xi32, #tpu.memory_space<vmem>> -> memref<128xi32, #tpu.memory_space<vmem>>
      %dma_start3A_43 = arith.constant 0 : i32
      %dma_start3A_44 = arith.constant 0 : i32
      %dma_start3A_45 = tpu.memref_slice %arg2[%dma_start3A_43, %dma_start3A_44] : memref<512x128xf32, #tpu.memory_space<hbm>> -> memref<512x128xf32, #tpu.memory_space<hbm>>
      tpu.enqueue_indirect_dma source(%dma_start3A_45 : memref<512x128xf32, #tpu.memory_space<hbm>>) target(%arg6 : memref<128x128xf32, #tpu.memory_space<vmem>>) offsets(%dma_start3A_42 : memref<128xi32, #tpu.memory_space<vmem>>) semaphore(%arg7 : memref<!tpu.dma_semaphore, #tpu.memory_space<semaphore_mem>>)
      %dma_wait3A_46 = arith.constant 2 : i32
      %dma_wait3A_47 = arith.constant 0 : i32
      %dma_wait3A_48 = tpu.memref_slice %arg5[%dma_wait3A_46, %dma_wait3A_47] : memref<8x128xi32, #tpu.memory_space<vmem>> -> memref<1x128xi32, #tpu.memory_space<vmem>>
      %dma_wait3A_49 = tpu.memref_squeeze %dma_wait3A_48 : memref<1x128xi32, #tpu.memory_space<vmem>> -> memref<128xi32, #tpu.memory_space<vmem>>
      %dma_wait3A_50 = arith.constant 0 : i32
      %dma_wait3A_51 = arith.constant 0 : i32
      %dma_wait3A_52 = tpu.memref_slice %arg2[%dma_wait3A_50, %dma_wait3A_51] : memref<512x128xf32, #tpu.memory_space<hbm>> -> memref<512x128xf32, #tpu.memory_space<hbm>>
      tpu.wait_indirect_dma semaphore(%arg7 : memref<!tpu.dma_semaphore, #tpu.memory_space<semaphore_mem>>) src(%dma_wait3A_52 : memref<512x128xf32, #tpu.memory_space<hbm>>) dst(%arg6 : memref<128x128xf32, #tpu.memory_space<vmem>>)
      %add3A_53 = arith.constant 2 : i32
      %add3A_54 = arith.addi %mul3A_4, %add3A_53 : i32
      %mul3A_55 = arith.constant 128 : i32
      %mul3A_56 = arith.muli %add3A_54, %mul3A_55 : i32
      "tpu.region"() ({
        %run_scoped3A = tpu.sem_alloc : memref<!tpu.dma_semaphore, #tpu.memory_space<semaphore_mem>>
        %dma_start3A_147 = arith.constant 0 : i32
        %dma_start3A_148 = tpu.memref_slice %arg4[%mul3A_56, %dma_start3A_147] : memref<10240x128xf32, #tpu.memory_space<hbm>> -> memref<128x128xf32, #tpu.memory_space<hbm>>
        %dma_start3A_149 = arith.constant 0 : i32
        %dma_start3A_150 = tpu.memref_slice %arg4[%mul3A_56, %dma_start3A_149] : memref<10240x128xf32, #tpu.memory_space<hbm>> -> memref<128x128xf32, #tpu.memory_space<hbm>>
        tpu.enqueue_dma source(%arg6 : memref<128x128xf32, #tpu.memory_space<vmem>>) target(%dma_start3A_150 : memref<128x128xf32, #tpu.memory_space<hbm>>) target_semaphore(%run_scoped3A : memref<!tpu.dma_semaphore, #tpu.memory_space<semaphore_mem>>)
        %dma_wait3A_151 = arith.constant 0 : i32
        %dma_wait3A_152 = tpu.memref_slice %arg4[%mul3A_56, %dma_wait3A_151] : memref<10240x128xf32, #tpu.memory_space<hbm>> -> memref<128x128xf32, #tpu.memory_space<hbm>>
        %dma_wait3A_153 = arith.constant 0 : i32
        %dma_wait3A_154 = tpu.memref_slice %arg4[%mul3A_56, %dma_wait3A_153] : memref<10240x128xf32, #tpu.memory_space<hbm>> -> memref<128x128xf32, #tpu.memory_space<hbm>>
        tpu.wait_dma2 semaphore(%run_scoped3A : memref<!tpu.dma_semaphore, #tpu.memory_space<semaphore_mem>>) src(%arg6 : memref<128x128xf32, #tpu.memory_space<vmem>>) dst(%dma_wait3A_154 : memref<128x128xf32, #tpu.memory_space<hbm>>)
        tpu.yield
      }) : () -> ()
      %dma_start3A_57 = arith.constant 3 : i32
      %dma_start3A_58 = arith.constant 0 : i32
      %dma_start3A_59 = tpu.memref_slice %arg5[%dma_start3A_57, %dma_start3A_58] : memref<8x128xi32, #tpu.memory_space<vmem>> -> memref<1x128xi32, #tpu.memory_space<vmem>>
      %dma_start3A_60 = tpu.memref_squeeze %dma_start3A_59 : memref<1x128xi32, #tpu.memory_space<vmem>> -> memref<128xi32, #tpu.memory_space<vmem>>
      %dma_start3A_61 = arith.constant 0 : i32
      %dma_start3A_62 = arith.constant 0 : i32
      %dma_start3A_63 = tpu.memref_slice %arg2[%dma_start3A_61, %dma_start3A_62] : memref<512x128xf32, #tpu.memory_space<hbm>> -> memref<512x128xf32, #tpu.memory_space<hbm>>
      tpu.enqueue_indirect_dma source(%dma_start3A_63 : memref<512x128xf32, #tpu.memory_space<hbm>>) target(%arg6 : memref<128x128xf32, #tpu.memory_space<vmem>>) offsets(%dma_start3A_60 : memref<128xi32, #tpu.memory_space<vmem>>) semaphore(%arg7 : memref<!tpu.dma_semaphore, #tpu.memory_space<semaphore_mem>>)
      %dma_wait3A_64 = arith.constant 3 : i32
      %dma_wait3A_65 = arith.constant 0 : i32
      %dma_wait3A_66 = tpu.memref_slice %arg5[%dma_wait3A_64, %dma_wait3A_65] : memref<8x128xi32, #tpu.memory_space<vmem>> -> memref<1x128xi32, #tpu.memory_space<vmem>>
      %dma_wait3A_67 = tpu.memref_squeeze %dma_wait3A_66 : memref<1x128xi32, #tpu.memory_space<vmem>> -> memref<128xi32, #tpu.memory_space<vmem>>
      %dma_wait3A_68 = arith.constant 0 : i32
      %dma_wait3A_69 = arith.constant 0 : i32
      %dma_wait3A_70 = tpu.memref_slice %arg2[%dma_wait3A_68, %dma_wait3A_69] : memref<512x128xf32, #tpu.memory_space<hbm>> -> memref<512x128xf32, #tpu.memory_space<hbm>>
      tpu.wait_indirect_dma semaphore(%arg7 : memref<!tpu.dma_semaphore, #tpu.memory_space<semaphore_mem>>) src(%dma_wait3A_70 : memref<512x128xf32, #tpu.memory_space<hbm>>) dst(%arg6 : memref<128x128xf32, #tpu.memory_space<vmem>>)
      %add3A_71 = arith.constant 3 : i32
      %add3A_72 = arith.addi %mul3A_4, %add3A_71 : i32
      %mul3A_73 = arith.constant 128 : i32
      %mul3A_74 = arith.muli %add3A_72, %mul3A_73 : i32
      "tpu.region"() ({
        %run_scoped3A = tpu.sem_alloc : memref<!tpu.dma_semaphore, #tpu.memory_space<semaphore_mem>>
        %dma_start3A_147 = arith.constant 0 : i32
        %dma_start3A_148 = tpu.memref_slice %arg4[%mul3A_74, %dma_start3A_147] : memref<10240x128xf32, #tpu.memory_space<hbm>> -> memref<128x128xf32, #tpu.memory_space<hbm>>
        %dma_start3A_149 = arith.constant 0 : i32
        %dma_start3A_150 = tpu.memref_slice %arg4[%mul3A_74, %dma_start3A_149] : memref<10240x128xf32, #tpu.memory_space<hbm>> -> memref<128x128xf32, #tpu.memory_space<hbm>>
        tpu.enqueue_dma source(%arg6 : memref<128x128xf32, #tpu.memory_space<vmem>>) target(%dma_start3A_150 : memref<128x128xf32, #tpu.memory_space<hbm>>) target_semaphore(%run_scoped3A : memref<!tpu.dma_semaphore, #tpu.memory_space<semaphore_mem>>)
        %dma_wait3A_151 = arith.constant 0 : i32
        %dma_wait3A_152 = tpu.memref_slice %arg4[%mul3A_74, %dma_wait3A_151] : memref<10240x128xf32, #tpu.memory_space<hbm>> -> memref<128x128xf32, #tpu.memory_space<hbm>>
        %dma_wait3A_153 = arith.constant 0 : i32
        %dma_wait3A_154 = tpu.memref_slice %arg4[%mul3A_74, %dma_wait3A_153] : memref<10240x128xf32, #tpu.memory_space<hbm>> -> memref<128x128xf32, #tpu.memory_space<hbm>>
        tpu.wait_dma2 semaphore(%run_scoped3A : memref<!tpu.dma_semaphore, #tpu.memory_space<semaphore_mem>>) src(%arg6 : memref<128x128xf32, #tpu.memory_space<vmem>>) dst(%dma_wait3A_154 : memref<128x128xf32, #tpu.memory_space<hbm>>)
        tpu.yield
      }) : () -> ()
      %dma_start3A_75 = arith.constant 4 : i32
      %dma_start3A_76 = arith.constant 0 : i32
      %dma_start3A_77 = tpu.memref_slice %arg5[%dma_start3A_75, %dma_start3A_76] : memref<8x128xi32, #tpu.memory_space<vmem>> -> memref<1x128xi32, #tpu.memory_space<vmem>>
      %dma_start3A_78 = tpu.memref_squeeze %dma_start3A_77 : memref<1x128xi32, #tpu.memory_space<vmem>> -> memref<128xi32, #tpu.memory_space<vmem>>
      %dma_start3A_79 = arith.constant 0 : i32
      %dma_start3A_80 = arith.constant 0 : i32
      %dma_start3A_81 = tpu.memref_slice %arg2[%dma_start3A_79, %dma_start3A_80] : memref<512x128xf32, #tpu.memory_space<hbm>> -> memref<512x128xf32, #tpu.memory_space<hbm>>
      tpu.enqueue_indirect_dma source(%dma_start3A_81 : memref<512x128xf32, #tpu.memory_space<hbm>>) target(%arg6 : memref<128x128xf32, #tpu.memory_space<vmem>>) offsets(%dma_start3A_78 : memref<128xi32, #tpu.memory_space<vmem>>) semaphore(%arg7 : memref<!tpu.dma_semaphore, #tpu.memory_space<semaphore_mem>>)
      %dma_wait3A_82 = arith.constant 4 : i32
      %dma_wait3A_83 = arith.constant 0 : i32
      %dma_wait3A_84 = tpu.memref_slice %arg5[%dma_wait3A_82, %dma_wait3A_83] : memref<8x128xi32, #tpu.memory_space<vmem>> -> memref<1x128xi32, #tpu.memory_space<vmem>>
      %dma_wait3A_85 = tpu.memref_squeeze %dma_wait3A_84 : memref<1x128xi32, #tpu.memory_space<vmem>> -> memref<128xi32, #tpu.memory_space<vmem>>
      %dma_wait3A_86 = arith.constant 0 : i32
      %dma_wait3A_87 = arith.constant 0 : i32
      %dma_wait3A_88 = tpu.memref_slice %arg2[%dma_wait3A_86, %dma_wait3A_87] : memref<512x128xf32, #tpu.memory_space<hbm>> -> memref<512x128xf32, #tpu.memory_space<hbm>>
      tpu.wait_indirect_dma semaphore(%arg7 : memref<!tpu.dma_semaphore, #tpu.memory_space<semaphore_mem>>) src(%dma_wait3A_88 : memref<512x128xf32, #tpu.memory_space<hbm>>) dst(%arg6 : memref<128x128xf32, #tpu.memory_space<vmem>>)
      %add3A_89 = arith.constant 4 : i32
      %add3A_90 = arith.addi %mul3A_4, %add3A_89 : i32
      %mul3A_91 = arith.constant 128 : i32
      %mul3A_92 = arith.muli %add3A_90, %mul3A_91 : i32
      "tpu.region"() ({
        %run_scoped3A = tpu.sem_alloc : memref<!tpu.dma_semaphore, #tpu.memory_space<semaphore_mem>>
        %dma_start3A_147 = arith.constant 0 : i32
        %dma_start3A_148 = tpu.memref_slice %arg4[%mul3A_92, %dma_start3A_147] : memref<10240x128xf32, #tpu.memory_space<hbm>> -> memref<128x128xf32, #tpu.memory_space<hbm>>
        %dma_start3A_149 = arith.constant 0 : i32
        %dma_start3A_150 = tpu.memref_slice %arg4[%mul3A_92, %dma_start3A_149] : memref<10240x128xf32, #tpu.memory_space<hbm>> -> memref<128x128xf32, #tpu.memory_space<hbm>>
        tpu.enqueue_dma source(%arg6 : memref<128x128xf32, #tpu.memory_space<vmem>>) target(%dma_start3A_150 : memref<128x128xf32, #tpu.memory_space<hbm>>) target_semaphore(%run_scoped3A : memref<!tpu.dma_semaphore, #tpu.memory_space<semaphore_mem>>)
        %dma_wait3A_151 = arith.constant 0 : i32
        %dma_wait3A_152 = tpu.memref_slice %arg4[%mul3A_92, %dma_wait3A_151] : memref<10240x128xf32, #tpu.memory_space<hbm>> -> memref<128x128xf32, #tpu.memory_space<hbm>>
        %dma_wait3A_153 = arith.constant 0 : i32
        %dma_wait3A_154 = tpu.memref_slice %arg4[%mul3A_92, %dma_wait3A_153] : memref<10240x128xf32, #tpu.memory_space<hbm>> -> memref<128x128xf32, #tpu.memory_space<hbm>>
        tpu.wait_dma2 semaphore(%run_scoped3A : memref<!tpu.dma_semaphore, #tpu.memory_space<semaphore_mem>>) src(%arg6 : memref<128x128xf32, #tpu.memory_space<vmem>>) dst(%dma_wait3A_154 : memref<128x128xf32, #tpu.memory_space<hbm>>)
        tpu.yield
      }) : () -> ()
      %dma_start3A_93 = arith.constant 5 : i32
      %dma_start3A_94 = arith.constant 0 : i32
      %dma_start3A_95 = tpu.memref_slice %arg5[%dma_start3A_93, %dma_start3A_94] : memref<8x128xi32, #tpu.memory_space<vmem>> -> memref<1x128xi32, #tpu.memory_space<vmem>>
      %dma_start3A_96 = tpu.memref_squeeze %dma_start3A_95 : memref<1x128xi32, #tpu.memory_space<vmem>> -> memref<128xi32, #tpu.memory_space<vmem>>
      %dma_start3A_97 = arith.constant 0 : i32
      %dma_start3A_98 = arith.constant 0 : i32
      %dma_start3A_99 = tpu.memref_slice %arg2[%dma_start3A_97, %dma_start3A_98] : memref<512x128xf32, #tpu.memory_space<hbm>> -> memref<512x128xf32, #tpu.memory_space<hbm>>
      tpu.enqueue_indirect_dma source(%dma_start3A_99 : memref<512x128xf32, #tpu.memory_space<hbm>>) target(%arg6 : memref<128x128xf32, #tpu.memory_space<vmem>>) offsets(%dma_start3A_96 : memref<128xi32, #tpu.memory_space<vmem>>) semaphore(%arg7 : memref<!tpu.dma_semaphore, #tpu.memory_space<semaphore_mem>>)
      %dma_wait3A_100 = arith.constant 5 : i32
      %dma_wait3A_101 = arith.constant 0 : i32
      %dma_wait3A_102 = tpu.memref_slice %arg5[%dma_wait3A_100, %dma_wait3A_101] : memref<8x128xi32, #tpu.memory_space<vmem>> -> memref<1x128xi32, #tpu.memory_space<vmem>>
      %dma_wait3A_103 = tpu.memref_squeeze %dma_wait3A_102 : memref<1x128xi32, #tpu.memory_space<vmem>> -> memref<128xi32, #tpu.memory_space<vmem>>
      %dma_wait3A_104 = arith.constant 0 : i32
      %dma_wait3A_105 = arith.constant 0 : i32
      %dma_wait3A_106 = tpu.memref_slice %arg2[%dma_wait3A_104, %dma_wait3A_105] : memref<512x128xf32, #tpu.memory_space<hbm>> -> memref<512x128xf32, #tpu.memory_space<hbm>>
      tpu.wait_indirect_dma semaphore(%arg7 : memref<!tpu.dma_semaphore, #tpu.memory_space<semaphore_mem>>) src(%dma_wait3A_106 : memref<512x128xf32, #tpu.memory_space<hbm>>) dst(%arg6 : memref<128x128xf32, #tpu.memory_space<vmem>>)
      %add3A_107 = arith.constant 5 : i32
      %add3A_108 = arith.addi %mul3A_4, %add3A_107 : i32
      %mul3A_109 = arith.constant 128 : i32
      %mul3A_110 = arith.muli %add3A_108, %mul3A_109 : i32
      "tpu.region"() ({
        %run_scoped3A = tpu.sem_alloc : memref<!tpu.dma_semaphore, #tpu.memory_space<semaphore_mem>>
        %dma_start3A_147 = arith.constant 0 : i32
        %dma_start3A_148 = tpu.memref_slice %arg4[%mul3A_110, %dma_start3A_147] : memref<10240x128xf32, #tpu.memory_space<hbm>> -> memref<128x128xf32, #tpu.memory_space<hbm>>
        %dma_start3A_149 = arith.constant 0 : i32
        %dma_start3A_150 = tpu.memref_slice %arg4[%mul3A_110, %dma_start3A_149] : memref<10240x128xf32, #tpu.memory_space<hbm>> -> memref<128x128xf32, #tpu.memory_space<hbm>>
        tpu.enqueue_dma source(%arg6 : memref<128x128xf32, #tpu.memory_space<vmem>>) target(%dma_start3A_150 : memref<128x128xf32, #tpu.memory_space<hbm>>) target_semaphore(%run_scoped3A : memref<!tpu.dma_semaphore, #tpu.memory_space<semaphore_mem>>)
        %dma_wait3A_151 = arith.constant 0 : i32
        %dma_wait3A_152 = tpu.memref_slice %arg4[%mul3A_110, %dma_wait3A_151] : memref<10240x128xf32, #tpu.memory_space<hbm>> -> memref<128x128xf32, #tpu.memory_space<hbm>>
        %dma_wait3A_153 = arith.constant 0 : i32
        %dma_wait3A_154 = tpu.memref_slice %arg4[%mul3A_110, %dma_wait3A_153] : memref<10240x128xf32, #tpu.memory_space<hbm>> -> memref<128x128xf32, #tpu.memory_space<hbm>>
        tpu.wait_dma2 semaphore(%run_scoped3A : memref<!tpu.dma_semaphore, #tpu.memory_space<semaphore_mem>>) src(%arg6 : memref<128x128xf32, #tpu.memory_space<vmem>>) dst(%dma_wait3A_154 : memref<128x128xf32, #tpu.memory_space<hbm>>)
        tpu.yield
      }) : () -> ()
      %dma_start3A_111 = arith.constant 6 : i32
      %dma_start3A_112 = arith.constant 0 : i32
      %dma_start3A_113 = tpu.memref_slice %arg5[%dma_start3A_111, %dma_start3A_112] : memref<8x128xi32, #tpu.memory_space<vmem>> -> memref<1x128xi32, #tpu.memory_space<vmem>>
      %dma_start3A_114 = tpu.memref_squeeze %dma_start3A_113 : memref<1x128xi32, #tpu.memory_space<vmem>> -> memref<128xi32, #tpu.memory_space<vmem>>
      %dma_start3A_115 = arith.constant 0 : i32
      %dma_start3A_116 = arith.constant 0 : i32
      %dma_start3A_117 = tpu.memref_slice %arg2[%dma_start3A_115, %dma_start3A_116] : memref<512x128xf32, #tpu.memory_space<hbm>> -> memref<512x128xf32, #tpu.memory_space<hbm>>
      tpu.enqueue_indirect_dma source(%dma_start3A_117 : memref<512x128xf32, #tpu.memory_space<hbm>>) target(%arg6 : memref<128x128xf32, #tpu.memory_space<vmem>>) offsets(%dma_start3A_114 : memref<128xi32, #tpu.memory_space<vmem>>) semaphore(%arg7 : memref<!tpu.dma_semaphore, #tpu.memory_space<semaphore_mem>>)
      %dma_wait3A_118 = arith.constant 6 : i32
      %dma_wait3A_119 = arith.constant 0 : i32
      %dma_wait3A_120 = tpu.memref_slice %arg5[%dma_wait3A_118, %dma_wait3A_119] : memref<8x128xi32, #tpu.memory_space<vmem>> -> memref<1x128xi32, #tpu.memory_space<vmem>>
      %dma_wait3A_121 = tpu.memref_squeeze %dma_wait3A_120 : memref<1x128xi32, #tpu.memory_space<vmem>> -> memref<128xi32, #tpu.memory_space<vmem>>
      %dma_wait3A_122 = arith.constant 0 : i32
      %dma_wait3A_123 = arith.constant 0 : i32
      %dma_wait3A_124 = tpu.memref_slice %arg2[%dma_wait3A_122, %dma_wait3A_123] : memref<512x128xf32, #tpu.memory_space<hbm>> -> memref<512x128xf32, #tpu.memory_space<hbm>>
      tpu.wait_indirect_dma semaphore(%arg7 : memref<!tpu.dma_semaphore, #tpu.memory_space<semaphore_mem>>) src(%dma_wait3A_124 : memref<512x128xf32, #tpu.memory_space<hbm>>) dst(%arg6 : memref<128x128xf32, #tpu.memory_space<vmem>>)
      %add3A_125 = arith.constant 6 : i32
      %add3A_126 = arith.addi %mul3A_4, %add3A_125 : i32
      %mul3A_127 = arith.constant 128 : i32
      %mul3A_128 = arith.muli %add3A_126, %mul3A_127 : i32
      "tpu.region"() ({
        %run_scoped3A = tpu.sem_alloc : memref<!tpu.dma_semaphore, #tpu.memory_space<semaphore_mem>>
        %dma_start3A_147 = arith.constant 0 : i32
        %dma_start3A_148 = tpu.memref_slice %arg4[%mul3A_128, %dma_start3A_147] : memref<10240x128xf32, #tpu.memory_space<hbm>> -> memref<128x128xf32, #tpu.memory_space<hbm>>
        %dma_start3A_149 = arith.constant 0 : i32
        %dma_start3A_150 = tpu.memref_slice %arg4[%mul3A_128, %dma_start3A_149] : memref<10240x128xf32, #tpu.memory_space<hbm>> -> memref<128x128xf32, #tpu.memory_space<hbm>>
        tpu.enqueue_dma source(%arg6 : memref<128x128xf32, #tpu.memory_space<vmem>>) target(%dma_start3A_150 : memref<128x128xf32, #tpu.memory_space<hbm>>) target_semaphore(%run_scoped3A : memref<!tpu.dma_semaphore, #tpu.memory_space<semaphore_mem>>)
        %dma_wait3A_151 = arith.constant 0 : i32
        %dma_wait3A_152 = tpu.memref_slice %arg4[%mul3A_128, %dma_wait3A_151] : memref<10240x128xf32, #tpu.memory_space<hbm>> -> memref<128x128xf32, #tpu.memory_space<hbm>>
        %dma_wait3A_153 = arith.constant 0 : i32
        %dma_wait3A_154 = tpu.memref_slice %arg4[%mul3A_128, %dma_wait3A_153] : memref<10240x128xf32, #tpu.memory_space<hbm>> -> memref<128x128xf32, #tpu.memory_space<hbm>>
        tpu.wait_dma2 semaphore(%run_scoped3A : memref<!tpu.dma_semaphore, #tpu.memory_space<semaphore_mem>>) src(%arg6 : memref<128x128xf32, #tpu.memory_space<vmem>>) dst(%dma_wait3A_154 : memref<128x128xf32, #tpu.memory_space<hbm>>)
        tpu.yield
      }) : () -> ()
      %dma_start3A_129 = arith.constant 7 : i32
      %dma_start3A_130 = arith.constant 0 : i32
      %dma_start3A_131 = tpu.memref_slice %arg5[%dma_start3A_129, %dma_start3A_130] : memref<8x128xi32, #tpu.memory_space<vmem>> -> memref<1x128xi32, #tpu.memory_space<vmem>>
      %dma_start3A_132 = tpu.memref_squeeze %dma_start3A_131 : memref<1x128xi32, #tpu.memory_space<vmem>> -> memref<128xi32, #tpu.memory_space<vmem>>
      %dma_start3A_133 = arith.constant 0 : i32
      %dma_start3A_134 = arith.constant 0 : i32
      %dma_start3A_135 = tpu.memref_slice %arg2[%dma_start3A_133, %dma_start3A_134] : memref<512x128xf32, #tpu.memory_space<hbm>> -> memref<512x128xf32, #tpu.memory_space<hbm>>
      tpu.enqueue_indirect_dma source(%dma_start3A_135 : memref<512x128xf32, #tpu.memory_space<hbm>>) target(%arg6 : memref<128x128xf32, #tpu.memory_space<vmem>>) offsets(%dma_start3A_132 : memref<128xi32, #tpu.memory_space<vmem>>) semaphore(%arg7 : memref<!tpu.dma_semaphore, #tpu.memory_space<semaphore_mem>>)
      %dma_wait3A_136 = arith.constant 7 : i32
      %dma_wait3A_137 = arith.constant 0 : i32
      %dma_wait3A_138 = tpu.memref_slice %arg5[%dma_wait3A_136, %dma_wait3A_137] : memref<8x128xi32, #tpu.memory_space<vmem>> -> memref<1x128xi32, #tpu.memory_space<vmem>>
      %dma_wait3A_139 = tpu.memref_squeeze %dma_wait3A_138 : memref<1x128xi32, #tpu.memory_space<vmem>> -> memref<128xi32, #tpu.memory_space<vmem>>
      %dma_wait3A_140 = arith.constant 0 : i32
      %dma_wait3A_141 = arith.constant 0 : i32
      %dma_wait3A_142 = tpu.memref_slice %arg2[%dma_wait3A_140, %dma_wait3A_141] : memref<512x128xf32, #tpu.memory_space<hbm>> -> memref<512x128xf32, #tpu.memory_space<hbm>>
      tpu.wait_indirect_dma semaphore(%arg7 : memref<!tpu.dma_semaphore, #tpu.memory_space<semaphore_mem>>) src(%dma_wait3A_142 : memref<512x128xf32, #tpu.memory_space<hbm>>) dst(%arg6 : memref<128x128xf32, #tpu.memory_space<vmem>>)
      %add3A_143 = arith.constant 7 : i32
      %add3A_144 = arith.addi %mul3A_4, %add3A_143 : i32
      %mul3A_145 = arith.constant 128 : i32
      %mul3A_146 = arith.muli %add3A_144, %mul3A_145 : i32
      "tpu.region"() ({
        %run_scoped3A = tpu.sem_alloc : memref<!tpu.dma_semaphore, #tpu.memory_space<semaphore_mem>>
        %dma_start3A_147 = arith.constant 0 : i32
        %dma_start3A_148 = tpu.memref_slice %arg4[%mul3A_146, %dma_start3A_147] : memref<10240x128xf32, #tpu.memory_space<hbm>> -> memref<128x128xf32, #tpu.memory_space<hbm>>
        %dma_start3A_149 = arith.constant 0 : i32
        %dma_start3A_150 = tpu.memref_slice %arg4[%mul3A_146, %dma_start3A_149] : memref<10240x128xf32, #tpu.memory_space<hbm>> -> memref<128x128xf32, #tpu.memory_space<hbm>>
        tpu.enqueue_dma source(%arg6 : memref<128x128xf32, #tpu.memory_space<vmem>>) target(%dma_start3A_150 : memref<128x128xf32, #tpu.memory_space<hbm>>) target_semaphore(%run_scoped3A : memref<!tpu.dma_semaphore, #tpu.memory_space<semaphore_mem>>)
        %dma_wait3A_151 = arith.constant 0 : i32
        %dma_wait3A_152 = tpu.memref_slice %arg4[%mul3A_146, %dma_wait3A_151] : memref<10240x128xf32, #tpu.memory_space<hbm>> -> memref<128x128xf32, #tpu.memory_space<hbm>>
        %dma_wait3A_153 = arith.constant 0 : i32
        %dma_wait3A_154 = tpu.memref_slice %arg4[%mul3A_146, %dma_wait3A_153] : memref<10240x128xf32, #tpu.memory_space<hbm>> -> memref<128x128xf32, #tpu.memory_space<hbm>>
        tpu.wait_dma2 semaphore(%run_scoped3A : memref<!tpu.dma_semaphore, #tpu.memory_space<semaphore_mem>>) src(%arg6 : memref<128x128xf32, #tpu.memory_space<vmem>>) dst(%dma_wait3A_154 : memref<128x128xf32, #tpu.memory_space<hbm>>)
        tpu.yield
      }) : () -> ()
    } else {
    }
    return
  }
}

#map = affine_map<(d0, d1) -> (0, 0)>
#map1 = affine_map<(d0, d1) -> (0, 0, 0)>
module attributes {stable_mosaic.version = 14 : i64} {
  func.func @k(%arg0: i32, %arg1: i32, %arg2: memref<10000x128xf32, #tpu.memory_space<hbm>>, %arg3: memref<2560x128xi32, #tpu.memory_space<hbm>>, %arg4: memref<2560x128xi32, #tpu.memory_space<hbm>>, %arg5: memref<128x128xf32, #tpu.memory_space<hbm>>, %arg6: memref<2x10240x128xf32, #tpu.memory_space<hbm>>, %arg7: memref<16x128xi32, #tpu.memory_space<vmem>>, %arg8: memref<16x128xi32, #tpu.memory_space<vmem>>, %arg9: memref<128x128xf32, #tpu.memory_space<vmem>>, %arg10: memref<128x128xf32, #tpu.memory_space<vmem>>, %arg11: memref<10240x128xf32, #tpu.memory_space<vmem_shared>>, %arg12: memref<!tpu.dma_semaphore, #tpu.memory_space<semaphore_mem>>, %arg13: memref<!tpu.dma_semaphore, #tpu.memory_space<semaphore_mem>>) attributes {dimension_semantics = [#tpu.dimension_semantics<core_parallel>, #tpu.dimension_semantics<subcore_parallel>], iteration_bounds = array<i64: 2, 16>, scalar_prefetch = 0 : i64, scratch_operands = 7 : i64, tpu.core_type = #tpu.core_type<sc_vector_subcore>, window_params = [{transform_indices = #map}, {transform_indices = #map}, {transform_indices = #map}, {transform_indices = #map}, {transform_indices = #map1}]} {
    %eq3A = arith.constant 0 : i32
    %eq3A_0 = arith.cmpi eq, %arg0, %eq3A : i32
    %jit3A = arith.constant 144 : i32
    %jit3A_1 = arith.constant 16 : i32
    %select_n3A = arith.select %eq3A_0, %jit3A, %jit3A_1 : i32
    %mul3A = arith.constant 2304 : i32
    %mul3A_2 = arith.muli %arg0, %mul3A : i32
    %mul3A_3 = arith.muli %arg1, %select_n3A : i32
    %add3A = arith.addi %mul3A_2, %mul3A_3 : i32
    %mul3A_4 = arith.constant 5 : i32
    %mul3A_5 = arith.muli %arg1, %mul3A_4 : i32
    %add3A_6 = arith.constant 0 : i32
    %add3A_7 = arith.addi %mul3A_5, %add3A_6 : i32
    %mul3A_8 = arith.constant 128 : i32
    %mul3A_9 = arith.muli %add3A_7, %mul3A_8 : i32
    "tpu.region"() ({
      %run_scoped3A = tpu.sem_alloc : memref<!tpu.dma_semaphore, #tpu.memory_space<semaphore_mem>>
      %dma_start3A = arith.constant 0 : i32
      %dma_start3A_75 = tpu.memref_slice %arg11[%mul3A_9, %dma_start3A] : memref<10240x128xf32, #tpu.memory_space<vmem_shared>> -> memref<128x128xf32, #tpu.memory_space<vmem_shared>>
      tpu.enqueue_dma source(%arg5 : memref<128x128xf32, #tpu.memory_space<hbm>>) target(%dma_start3A_75 : memref<128x128xf32, #tpu.memory_space<vmem_shared>>) target_semaphore(%run_scoped3A : memref<!tpu.dma_semaphore, #tpu.memory_space<semaphore_mem>>)
      %dma_wait3A = arith.constant 0 : i32
      %dma_wait3A_76 = tpu.memref_slice %arg11[%mul3A_9, %dma_wait3A] : memref<10240x128xf32, #tpu.memory_space<vmem_shared>> -> memref<128x128xf32, #tpu.memory_space<vmem_shared>>
      tpu.wait_dma2 semaphore(%run_scoped3A : memref<!tpu.dma_semaphore, #tpu.memory_space<semaphore_mem>>) src(%arg5 : memref<128x128xf32, #tpu.memory_space<hbm>>) dst(%dma_wait3A_76 : memref<128x128xf32, #tpu.memory_space<vmem_shared>>)
      tpu.yield
    }) : () -> ()
    %mul3A_10 = arith.constant 5 : i32
    %mul3A_11 = arith.muli %arg1, %mul3A_10 : i32
    %add3A_12 = arith.constant 1 : i32
    %add3A_13 = arith.addi %mul3A_11, %add3A_12 : i32
    %mul3A_14 = arith.constant 128 : i32
    %mul3A_15 = arith.muli %add3A_13, %mul3A_14 : i32
    "tpu.region"() ({
      %run_scoped3A = tpu.sem_alloc : memref<!tpu.dma_semaphore, #tpu.memory_space<semaphore_mem>>
      %dma_start3A = arith.constant 0 : i32
      %dma_start3A_75 = tpu.memref_slice %arg11[%mul3A_15, %dma_start3A] : memref<10240x128xf32, #tpu.memory_space<vmem_shared>> -> memref<128x128xf32, #tpu.memory_space<vmem_shared>>
      tpu.enqueue_dma source(%arg5 : memref<128x128xf32, #tpu.memory_space<hbm>>) target(%dma_start3A_75 : memref<128x128xf32, #tpu.memory_space<vmem_shared>>) target_semaphore(%run_scoped3A : memref<!tpu.dma_semaphore, #tpu.memory_space<semaphore_mem>>)
      %dma_wait3A = arith.constant 0 : i32
      %dma_wait3A_76 = tpu.memref_slice %arg11[%mul3A_15, %dma_wait3A] : memref<10240x128xf32, #tpu.memory_space<vmem_shared>> -> memref<128x128xf32, #tpu.memory_space<vmem_shared>>
      tpu.wait_dma2 semaphore(%run_scoped3A : memref<!tpu.dma_semaphore, #tpu.memory_space<semaphore_mem>>) src(%arg5 : memref<128x128xf32, #tpu.memory_space<hbm>>) dst(%dma_wait3A_76 : memref<128x128xf32, #tpu.memory_space<vmem_shared>>)
      tpu.yield
    }) : () -> ()
    %mul3A_16 = arith.constant 5 : i32
    %mul3A_17 = arith.muli %arg1, %mul3A_16 : i32
    %add3A_18 = arith.constant 2 : i32
    %add3A_19 = arith.addi %mul3A_17, %add3A_18 : i32
    %mul3A_20 = arith.constant 128 : i32
    %mul3A_21 = arith.muli %add3A_19, %mul3A_20 : i32
    "tpu.region"() ({
      %run_scoped3A = tpu.sem_alloc : memref<!tpu.dma_semaphore, #tpu.memory_space<semaphore_mem>>
      %dma_start3A = arith.constant 0 : i32
      %dma_start3A_75 = tpu.memref_slice %arg11[%mul3A_21, %dma_start3A] : memref<10240x128xf32, #tpu.memory_space<vmem_shared>> -> memref<128x128xf32, #tpu.memory_space<vmem_shared>>
      tpu.enqueue_dma source(%arg5 : memref<128x128xf32, #tpu.memory_space<hbm>>) target(%dma_start3A_75 : memref<128x128xf32, #tpu.memory_space<vmem_shared>>) target_semaphore(%run_scoped3A : memref<!tpu.dma_semaphore, #tpu.memory_space<semaphore_mem>>)
      %dma_wait3A = arith.constant 0 : i32
      %dma_wait3A_76 = tpu.memref_slice %arg11[%mul3A_21, %dma_wait3A] : memref<10240x128xf32, #tpu.memory_space<vmem_shared>> -> memref<128x128xf32, #tpu.memory_space<vmem_shared>>
      tpu.wait_dma2 semaphore(%run_scoped3A : memref<!tpu.dma_semaphore, #tpu.memory_space<semaphore_mem>>) src(%arg5 : memref<128x128xf32, #tpu.memory_space<hbm>>) dst(%dma_wait3A_76 : memref<128x128xf32, #tpu.memory_space<vmem_shared>>)
      tpu.yield
    }) : () -> ()
    %mul3A_22 = arith.constant 5 : i32
    %mul3A_23 = arith.muli %arg1, %mul3A_22 : i32
    %add3A_24 = arith.constant 3 : i32
    %add3A_25 = arith.addi %mul3A_23, %add3A_24 : i32
    %mul3A_26 = arith.constant 128 : i32
    %mul3A_27 = arith.muli %add3A_25, %mul3A_26 : i32
    "tpu.region"() ({
      %run_scoped3A = tpu.sem_alloc : memref<!tpu.dma_semaphore, #tpu.memory_space<semaphore_mem>>
      %dma_start3A = arith.constant 0 : i32
      %dma_start3A_75 = tpu.memref_slice %arg11[%mul3A_27, %dma_start3A] : memref<10240x128xf32, #tpu.memory_space<vmem_shared>> -> memref<128x128xf32, #tpu.memory_space<vmem_shared>>
      tpu.enqueue_dma source(%arg5 : memref<128x128xf32, #tpu.memory_space<hbm>>) target(%dma_start3A_75 : memref<128x128xf32, #tpu.memory_space<vmem_shared>>) target_semaphore(%run_scoped3A : memref<!tpu.dma_semaphore, #tpu.memory_space<semaphore_mem>>)
      %dma_wait3A = arith.constant 0 : i32
      %dma_wait3A_76 = tpu.memref_slice %arg11[%mul3A_27, %dma_wait3A] : memref<10240x128xf32, #tpu.memory_space<vmem_shared>> -> memref<128x128xf32, #tpu.memory_space<vmem_shared>>
      tpu.wait_dma2 semaphore(%run_scoped3A : memref<!tpu.dma_semaphore, #tpu.memory_space<semaphore_mem>>) src(%arg5 : memref<128x128xf32, #tpu.memory_space<hbm>>) dst(%dma_wait3A_76 : memref<128x128xf32, #tpu.memory_space<vmem_shared>>)
      tpu.yield
    }) : () -> ()
    %mul3A_28 = arith.constant 5 : i32
    %mul3A_29 = arith.muli %arg1, %mul3A_28 : i32
    %add3A_30 = arith.constant 4 : i32
    %add3A_31 = arith.addi %mul3A_29, %add3A_30 : i32
    %mul3A_32 = arith.constant 128 : i32
    %mul3A_33 = arith.muli %add3A_31, %mul3A_32 : i32
    "tpu.region"() ({
      %run_scoped3A = tpu.sem_alloc : memref<!tpu.dma_semaphore, #tpu.memory_space<semaphore_mem>>
      %dma_start3A = arith.constant 0 : i32
      %dma_start3A_75 = tpu.memref_slice %arg11[%mul3A_33, %dma_start3A] : memref<10240x128xf32, #tpu.memory_space<vmem_shared>> -> memref<128x128xf32, #tpu.memory_space<vmem_shared>>
      tpu.enqueue_dma source(%arg5 : memref<128x128xf32, #tpu.memory_space<hbm>>) target(%dma_start3A_75 : memref<128x128xf32, #tpu.memory_space<vmem_shared>>) target_semaphore(%run_scoped3A : memref<!tpu.dma_semaphore, #tpu.memory_space<semaphore_mem>>)
      %dma_wait3A = arith.constant 0 : i32
      %dma_wait3A_76 = tpu.memref_slice %arg11[%mul3A_33, %dma_wait3A] : memref<10240x128xf32, #tpu.memory_space<vmem_shared>> -> memref<128x128xf32, #tpu.memory_space<vmem_shared>>
      tpu.wait_dma2 semaphore(%run_scoped3A : memref<!tpu.dma_semaphore, #tpu.memory_space<semaphore_mem>>) src(%arg5 : memref<128x128xf32, #tpu.memory_space<hbm>>) dst(%dma_wait3A_76 : memref<128x128xf32, #tpu.memory_space<vmem_shared>>)
      tpu.yield
    }) : () -> ()
    %barrier3A = arith.constant 0 : index
    tpu.barrier barrier_id(%barrier3A)
    %jit3A_34 = arith.constant 16 : i32
    %div3A = arith.divsi %select_n3A, %jit3A_34 : i32
    %sign3A = arith.constant 0 : i32
    %sign3A_35 = arith.cmpi sgt, %select_n3A, %sign3A : i32
    %sign3A_36 = arith.extui %sign3A_35 : i1 to i32
    %sign3A_37 = arith.constant 0 : i32
    %sign3A_38 = arith.cmpi slt, %select_n3A, %sign3A_37 : i32
    %sign3A_39 = arith.extui %sign3A_38 : i1 to i32
    %sign3A_40 = arith.subi %sign3A_36, %sign3A_39 : i32
    %sign3A_41 = arith.constant 0 : i32
    %sign3A_42 = arith.cmpi sgt, %jit3A_34, %sign3A_41 : i32
    %sign3A_43 = arith.extui %sign3A_42 : i1 to i32
    %sign3A_44 = arith.constant 0 : i32
    %sign3A_45 = arith.cmpi slt, %jit3A_34, %sign3A_44 : i32
    %sign3A_46 = arith.extui %sign3A_45 : i1 to i32
    %sign3A_47 = arith.subi %sign3A_43, %sign3A_46 : i32
    %ne3A = arith.cmpi ne, %sign3A_40, %sign3A_47 : i32
    %rem3A = arith.remsi %select_n3A, %jit3A_34 : i32
    %ne3A_48 = arith.constant 0 : i32
    %ne3A_49 = arith.cmpi ne, %rem3A, %ne3A_48 : i32
    %and3A = arith.andi %ne3A, %ne3A_49 : i1
    %sub3A = arith.constant 1 : i32
    %sub3A_50 = arith.subi %div3A, %sub3A : i32
    %select_n3A_51 = arith.select %and3A, %sub3A_50, %div3A : i32
    %sub3A_52 = arith.constant 0 : i32
    %sub3A_53 = arith.subi %select_n3A_51, %sub3A_52 : i32
    %sub3A_54 = arith.constant 1 : i32
    %sub3A_55 = arith.constant 1 : i32
    %sub3A_56 = arith.subi %sub3A_54, %sub3A_55 : i32
    %add3A_57 = arith.addi %sub3A_53, %sub3A_56 : i32
    %div3A_58 = arith.constant 1 : i32
    %div3A_59 = arith.divsi %add3A_57, %div3A_58 : i32
    %while3A = arith.constant 1 : i32
    %while3A_60 = arith.constant 0 : i32
    %while3A_61 = arith.constant 0 : i32
    %while3A_62 = arith.subi %div3A_59, %while3A_61 : i32
    %while3A_63 = arith.addi %while3A_61, %while3A_62 : i32
    %while3A_64 = arith.constant 1 : i32
    %while3A_65 = arith.divsi %while3A_62, %while3A_64 : i32
    %while3A_66 = arith.muli %while3A_65, %while3A_64 : i32
    %while3A_67 = arith.addi %while3A_61, %while3A_66 : i32
    %while3A_68 = arith.constant 1 : i32
    scf.for %while3A_75 = %while3A_61 to %while3A_67 step %while3A_68  : i32 {
      %mul3A_76 = arith.muli %while3A_75, %while3A : i32
      %add3A_77 = arith.addi %while3A_60, %mul3A_76 : i32
      %mul3A_78 = arith.constant 16 : i32
      %mul3A_79 = arith.muli %add3A_77, %mul3A_78 : i32
      %add3A_80 = arith.addi %add3A, %mul3A_79 : i32
      "tpu.region"() ({
        %run_scoped3A = tpu.sem_alloc : memref<!tpu.dma_semaphore, #tpu.memory_space<semaphore_mem>>
        %dma_start3A_91 = arith.constant 0 : i32
        %dma_start3A_92 = tpu.memref_slice %arg3[%add3A_80, %dma_start3A_91] : memref<2560x128xi32, #tpu.memory_space<hbm>> -> memref<16x128xi32, #tpu.memory_space<hbm>>
        %dma_start3A_93 = arith.constant 0 : i32
        %dma_start3A_94 = tpu.memref_slice %arg3[%add3A_80, %dma_start3A_93] : memref<2560x128xi32, #tpu.memory_space<hbm>> -> memref<16x128xi32, #tpu.memory_space<hbm>>
        tpu.enqueue_dma source(%dma_start3A_94 : memref<16x128xi32, #tpu.memory_space<hbm>>) target(%arg7 : memref<16x128xi32, #tpu.memory_space<vmem>>) target_semaphore(%run_scoped3A : memref<!tpu.dma_semaphore, #tpu.memory_space<semaphore_mem>>)
        %dma_wait3A = arith.constant 0 : i32
        %dma_wait3A_95 = tpu.memref_slice %arg3[%add3A_80, %dma_wait3A] : memref<2560x128xi32, #tpu.memory_space<hbm>> -> memref<16x128xi32, #tpu.memory_space<hbm>>
        %dma_wait3A_96 = arith.constant 0 : i32
        %dma_wait3A_97 = tpu.memref_slice %arg3[%add3A_80, %dma_wait3A_96] : memref<2560x128xi32, #tpu.memory_space<hbm>> -> memref<16x128xi32, #tpu.memory_space<hbm>>
        tpu.wait_dma2 semaphore(%run_scoped3A : memref<!tpu.dma_semaphore, #tpu.memory_space<semaphore_mem>>) src(%dma_wait3A_97 : memref<16x128xi32, #tpu.memory_space<hbm>>) dst(%arg7 : memref<16x128xi32, #tpu.memory_space<vmem>>)
        tpu.yield
      }) : () -> ()
      "tpu.region"() ({
        %run_scoped3A = tpu.sem_alloc : memref<!tpu.dma_semaphore, #tpu.memory_space<semaphore_mem>>
        %dma_start3A_91 = arith.constant 0 : i32
        %dma_start3A_92 = tpu.memref_slice %arg4[%add3A_80, %dma_start3A_91] : memref<2560x128xi32, #tpu.memory_space<hbm>> -> memref<16x128xi32, #tpu.memory_space<hbm>>
        %dma_start3A_93 = arith.constant 0 : i32
        %dma_start3A_94 = tpu.memref_slice %arg4[%add3A_80, %dma_start3A_93] : memref<2560x128xi32, #tpu.memory_space<hbm>> -> memref<16x128xi32, #tpu.memory_space<hbm>>
        tpu.enqueue_dma source(%dma_start3A_94 : memref<16x128xi32, #tpu.memory_space<hbm>>) target(%arg8 : memref<16x128xi32, #tpu.memory_space<vmem>>) target_semaphore(%run_scoped3A : memref<!tpu.dma_semaphore, #tpu.memory_space<semaphore_mem>>)
        %dma_wait3A = arith.constant 0 : i32
        %dma_wait3A_95 = tpu.memref_slice %arg4[%add3A_80, %dma_wait3A] : memref<2560x128xi32, #tpu.memory_space<hbm>> -> memref<16x128xi32, #tpu.memory_space<hbm>>
        %dma_wait3A_96 = arith.constant 0 : i32
        %dma_wait3A_97 = tpu.memref_slice %arg4[%add3A_80, %dma_wait3A_96] : memref<2560x128xi32, #tpu.memory_space<hbm>> -> memref<16x128xi32, #tpu.memory_space<hbm>>
        tpu.wait_dma2 semaphore(%run_scoped3A : memref<!tpu.dma_semaphore, #tpu.memory_space<semaphore_mem>>) src(%dma_wait3A_97 : memref<16x128xi32, #tpu.memory_space<hbm>>) dst(%arg8 : memref<16x128xi32, #tpu.memory_space<vmem>>)
        tpu.yield
      }) : () -> ()
      %dma_start3A = arith.constant 0 : i32
      %dma_start3A_81 = arith.constant 0 : i32
      %dma_start3A_82 = tpu.memref_slice %arg7[%dma_start3A, %dma_start3A_81] : memref<16x128xi32, #tpu.memory_space<vmem>> -> memref<1x128xi32, #tpu.memory_space<vmem>>
      %dma_start3A_83 = tpu.memref_squeeze %dma_start3A_82 : memref<1x128xi32, #tpu.memory_space<vmem>> -> memref<128xi32, #tpu.memory_space<vmem>>
      %dma_start3A_84 = arith.constant 0 : i32
      %dma_start3A_85 = arith.constant 0 : i32
      %dma_start3A_86 = tpu.memref_slice %arg2[%dma_start3A_84, %dma_start3A_85] : memref<10000x128xf32, #tpu.memory_space<hbm>> -> memref<10000x128xf32, #tpu.memory_space<hbm>>
      tpu.enqueue_indirect_dma source(%dma_start3A_86 : memref<10000x128xf32, #tpu.memory_space<hbm>>) target(%arg9 : memref<128x128xf32, #tpu.memory_space<vmem>>) offsets(%dma_start3A_83 : memref<128xi32, #tpu.memory_space<vmem>>) semaphore(%arg12 : memref<!tpu.dma_semaphore, #tpu.memory_space<semaphore_mem>>)
      %scan3A = arith.constant 0 : i32
      %scan3A_87 = arith.constant 8 : i32
      %scan3A_88 = arith.addi %scan3A, %scan3A_87 : i32
      %scan3A_89 = arith.constant 1 : i32
      scf.for %scan3A_91 = %scan3A to %scan3A_88 step %scan3A_89  : i32 {
        %mul3A_92 = arith.constant 1 : i32
        %mul3A_93 = arith.muli %scan3A_91, %mul3A_92 : i32
        %add3A_94 = arith.constant 0 : i32
        %add3A_95 = arith.addi %add3A_94, %mul3A_93 : i32
        %mul3A_96 = arith.constant 2 : i32
        %mul3A_97 = arith.muli %mul3A_96, %add3A_95 : i32
        %add3A_98 = arith.constant 1 : i32
        %add3A_99 = arith.addi %mul3A_97, %add3A_98 : i32
        %dma_start3A_100 = arith.constant 0 : i32
        %dma_start3A_101 = tpu.memref_slice %arg7[%add3A_99, %dma_start3A_100] : memref<16x128xi32, #tpu.memory_space<vmem>> -> memref<1x128xi32, #tpu.memory_space<vmem>>
        %dma_start3A_102 = tpu.memref_squeeze %dma_start3A_101 : memref<1x128xi32, #tpu.memory_space<vmem>> -> memref<128xi32, #tpu.memory_space<vmem>>
        %dma_start3A_103 = arith.constant 0 : i32
        %dma_start3A_104 = arith.constant 0 : i32
        %dma_start3A_105 = tpu.memref_slice %arg2[%dma_start3A_103, %dma_start3A_104] : memref<10000x128xf32, #tpu.memory_space<hbm>> -> memref<10000x128xf32, #tpu.memory_space<hbm>>
        tpu.enqueue_indirect_dma source(%dma_start3A_105 : memref<10000x128xf32, #tpu.memory_space<hbm>>) target(%arg10 : memref<128x128xf32, #tpu.memory_space<vmem>>) offsets(%dma_start3A_102 : memref<128xi32, #tpu.memory_space<vmem>>) semaphore(%arg13 : memref<!tpu.dma_semaphore, #tpu.memory_space<semaphore_mem>>)
        %dma_wait3A = arith.constant 0 : i32
        %dma_wait3A_106 = tpu.memref_slice %arg7[%mul3A_97, %dma_wait3A] : memref<16x128xi32, #tpu.memory_space<vmem>> -> memref<1x128xi32, #tpu.memory_space<vmem>>
        %dma_wait3A_107 = tpu.memref_squeeze %dma_wait3A_106 : memref<1x128xi32, #tpu.memory_space<vmem>> -> memref<128xi32, #tpu.memory_space<vmem>>
        %dma_wait3A_108 = arith.constant 0 : i32
        %dma_wait3A_109 = arith.constant 0 : i32
        %dma_wait3A_110 = tpu.memref_slice %arg2[%dma_wait3A_108, %dma_wait3A_109] : memref<10000x128xf32, #tpu.memory_space<hbm>> -> memref<10000x128xf32, #tpu.memory_space<hbm>>
        tpu.wait_indirect_dma semaphore(%arg12 : memref<!tpu.dma_semaphore, #tpu.memory_space<semaphore_mem>>) src(%dma_wait3A_110 : memref<10000x128xf32, #tpu.memory_space<hbm>>) dst(%arg9 : memref<128x128xf32, #tpu.memory_space<vmem>>)
        "tpu.region"() ({
          %run_scoped3A = tpu.sem_alloc : memref<!tpu.dma_semaphore, #tpu.memory_space<semaphore_mem>>
          %dma_start3A_125 = arith.constant 0 : i32
          %dma_start3A_126 = tpu.memref_slice %arg8[%mul3A_97, %dma_start3A_125] : memref<16x128xi32, #tpu.memory_space<vmem>> -> memref<1x128xi32, #tpu.memory_space<vmem>>
          %dma_start3A_127 = tpu.memref_squeeze %dma_start3A_126 : memref<1x128xi32, #tpu.memory_space<vmem>> -> memref<128xi32, #tpu.memory_space<vmem>>
          %dma_start3A_128 = arith.constant 0 : i32
          %dma_start3A_129 = arith.constant 0 : i32
          %dma_start3A_130 = tpu.memref_slice %arg11[%dma_start3A_128, %dma_start3A_129] : memref<10240x128xf32, #tpu.memory_space<vmem_shared>> -> memref<10240x128xf32, #tpu.memory_space<vmem_shared>>
          tpu.enqueue_indirect_dma source(%arg9 : memref<128x128xf32, #tpu.memory_space<vmem>>) target(%dma_start3A_130 : memref<10240x128xf32, #tpu.memory_space<vmem_shared>>) offsets(%dma_start3A_127 : memref<128xi32, #tpu.memory_space<vmem>>) semaphore(%run_scoped3A : memref<!tpu.dma_semaphore, #tpu.memory_space<semaphore_mem>>) {add = true}
          %dma_wait3A_131 = arith.constant 0 : i32
          %dma_wait3A_132 = tpu.memref_slice %arg8[%mul3A_97, %dma_wait3A_131] : memref<16x128xi32, #tpu.memory_space<vmem>> -> memref<1x128xi32, #tpu.memory_space<vmem>>
          %dma_wait3A_133 = tpu.memref_squeeze %dma_wait3A_132 : memref<1x128xi32, #tpu.memory_space<vmem>> -> memref<128xi32, #tpu.memory_space<vmem>>
          %dma_wait3A_134 = arith.constant 0 : i32
          %dma_wait3A_135 = arith.constant 0 : i32
          %dma_wait3A_136 = tpu.memref_slice %arg11[%dma_wait3A_134, %dma_wait3A_135] : memref<10240x128xf32, #tpu.memory_space<vmem_shared>> -> memref<10240x128xf32, #tpu.memory_space<vmem_shared>>
          tpu.wait_indirect_dma semaphore(%run_scoped3A : memref<!tpu.dma_semaphore, #tpu.memory_space<semaphore_mem>>) src(%arg9 : memref<128x128xf32, #tpu.memory_space<vmem>>) dst(%dma_wait3A_136 : memref<10240x128xf32, #tpu.memory_space<vmem_shared>>)
          tpu.yield
        }) : () -> ()
        %add3A_111 = arith.constant 2 : i32
        %add3A_112 = arith.addi %mul3A_97, %add3A_111 : i32
        %lt3A = arith.constant 16 : i32
        %lt3A_113 = arith.cmpi slt, %add3A_112, %lt3A : i32
        %convert_element_type3A = arith.extui %lt3A_113 : i1 to i32
        %cond3A = arith.constant 0 : i32
        %cond3A_114 = arith.cmpi ne, %convert_element_type3A, %cond3A : i32
        scf.if %cond3A_114 {
          %add3A_125 = arith.constant 2 : i32
          %add3A_126 = arith.addi %mul3A_97, %add3A_125 : i32
          %dma_start3A_127 = arith.constant 0 : i32
          %dma_start3A_128 = tpu.memref_slice %arg7[%add3A_126, %dma_start3A_127] : memref<16x128xi32, #tpu.memory_space<vmem>> -> memref<1x128xi32, #tpu.memory_space<vmem>>
          %dma_start3A_129 = tpu.memref_squeeze %dma_start3A_128 : memref<1x128xi32, #tpu.memory_space<vmem>> -> memref<128xi32, #tpu.memory_space<vmem>>
          %dma_start3A_130 = arith.constant 0 : i32
          %dma_start3A_131 = arith.constant 0 : i32
          %dma_start3A_132 = tpu.memref_slice %arg2[%dma_start3A_130, %dma_start3A_131] : memref<10000x128xf32, #tpu.memory_space<hbm>> -> memref<10000x128xf32, #tpu.memory_space<hbm>>
          tpu.enqueue_indirect_dma source(%dma_start3A_132 : memref<10000x128xf32, #tpu.memory_space<hbm>>) target(%arg9 : memref<128x128xf32, #tpu.memory_space<vmem>>) offsets(%dma_start3A_129 : memref<128xi32, #tpu.memory_space<vmem>>) semaphore(%arg12 : memref<!tpu.dma_semaphore, #tpu.memory_space<semaphore_mem>>)
        } else {
        }
        %add3A_115 = arith.constant 1 : i32
        %add3A_116 = arith.addi %mul3A_97, %add3A_115 : i32
        %dma_wait3A_117 = arith.constant 0 : i32
        %dma_wait3A_118 = tpu.memref_slice %arg7[%add3A_116, %dma_wait3A_117] : memref<16x128xi32, #tpu.memory_space<vmem>> -> memref<1x128xi32, #tpu.memory_space<vmem>>
        %dma_wait3A_119 = tpu.memref_squeeze %dma_wait3A_118 : memref<1x128xi32, #tpu.memory_space<vmem>> -> memref<128xi32, #tpu.memory_space<vmem>>
        %dma_wait3A_120 = arith.constant 0 : i32
        %dma_wait3A_121 = arith.constant 0 : i32
        %dma_wait3A_122 = tpu.memref_slice %arg2[%dma_wait3A_120, %dma_wait3A_121] : memref<10000x128xf32, #tpu.memory_space<hbm>> -> memref<10000x128xf32, #tpu.memory_space<hbm>>
        tpu.wait_indirect_dma semaphore(%arg13 : memref<!tpu.dma_semaphore, #tpu.memory_space<semaphore_mem>>) src(%dma_wait3A_122 : memref<10000x128xf32, #tpu.memory_space<hbm>>) dst(%arg10 : memref<128x128xf32, #tpu.memory_space<vmem>>)
        %add3A_123 = arith.constant 1 : i32
        %add3A_124 = arith.addi %mul3A_97, %add3A_123 : i32
        "tpu.region"() ({
          %run_scoped3A = tpu.sem_alloc : memref<!tpu.dma_semaphore, #tpu.memory_space<semaphore_mem>>
          %dma_start3A_125 = arith.constant 0 : i32
          %dma_start3A_126 = tpu.memref_slice %arg8[%add3A_124, %dma_start3A_125] : memref<16x128xi32, #tpu.memory_space<vmem>> -> memref<1x128xi32, #tpu.memory_space<vmem>>
          %dma_start3A_127 = tpu.memref_squeeze %dma_start3A_126 : memref<1x128xi32, #tpu.memory_space<vmem>> -> memref<128xi32, #tpu.memory_space<vmem>>
          %dma_start3A_128 = arith.constant 0 : i32
          %dma_start3A_129 = arith.constant 0 : i32
          %dma_start3A_130 = tpu.memref_slice %arg11[%dma_start3A_128, %dma_start3A_129] : memref<10240x128xf32, #tpu.memory_space<vmem_shared>> -> memref<10240x128xf32, #tpu.memory_space<vmem_shared>>
          tpu.enqueue_indirect_dma source(%arg10 : memref<128x128xf32, #tpu.memory_space<vmem>>) target(%dma_start3A_130 : memref<10240x128xf32, #tpu.memory_space<vmem_shared>>) offsets(%dma_start3A_127 : memref<128xi32, #tpu.memory_space<vmem>>) semaphore(%run_scoped3A : memref<!tpu.dma_semaphore, #tpu.memory_space<semaphore_mem>>) {add = true}
          %dma_wait3A_131 = arith.constant 0 : i32
          %dma_wait3A_132 = tpu.memref_slice %arg8[%add3A_124, %dma_wait3A_131] : memref<16x128xi32, #tpu.memory_space<vmem>> -> memref<1x128xi32, #tpu.memory_space<vmem>>
          %dma_wait3A_133 = tpu.memref_squeeze %dma_wait3A_132 : memref<1x128xi32, #tpu.memory_space<vmem>> -> memref<128xi32, #tpu.memory_space<vmem>>
          %dma_wait3A_134 = arith.constant 0 : i32
          %dma_wait3A_135 = arith.constant 0 : i32
          %dma_wait3A_136 = tpu.memref_slice %arg11[%dma_wait3A_134, %dma_wait3A_135] : memref<10240x128xf32, #tpu.memory_space<vmem_shared>> -> memref<10240x128xf32, #tpu.memory_space<vmem_shared>>
          tpu.wait_indirect_dma semaphore(%run_scoped3A : memref<!tpu.dma_semaphore, #tpu.memory_space<semaphore_mem>>) src(%arg10 : memref<128x128xf32, #tpu.memory_space<vmem>>) dst(%dma_wait3A_136 : memref<10240x128xf32, #tpu.memory_space<vmem_shared>>)
          tpu.yield
        }) : () -> ()
      }
      %scan3A_90 = arith.constant 8 : i32
    }
    %while3A_69 = arith.constant 1 : i32
    scf.for %while3A_75 = %while3A_67 to %while3A_63 step %while3A_69  : i32 {
      %mul3A_76 = arith.muli %while3A_75, %while3A : i32
      %add3A_77 = arith.addi %while3A_60, %mul3A_76 : i32
      %mul3A_78 = arith.constant 16 : i32
      %mul3A_79 = arith.muli %add3A_77, %mul3A_78 : i32
      %add3A_80 = arith.addi %add3A, %mul3A_79 : i32
      "tpu.region"() ({
        %run_scoped3A = tpu.sem_alloc : memref<!tpu.dma_semaphore, #tpu.memory_space<semaphore_mem>>
        %dma_start3A_91 = arith.constant 0 : i32
        %dma_start3A_92 = tpu.memref_slice %arg3[%add3A_80, %dma_start3A_91] : memref<2560x128xi32, #tpu.memory_space<hbm>> -> memref<16x128xi32, #tpu.memory_space<hbm>>
        %dma_start3A_93 = arith.constant 0 : i32
        %dma_start3A_94 = tpu.memref_slice %arg3[%add3A_80, %dma_start3A_93] : memref<2560x128xi32, #tpu.memory_space<hbm>> -> memref<16x128xi32, #tpu.memory_space<hbm>>
        tpu.enqueue_dma source(%dma_start3A_94 : memref<16x128xi32, #tpu.memory_space<hbm>>) target(%arg7 : memref<16x128xi32, #tpu.memory_space<vmem>>) target_semaphore(%run_scoped3A : memref<!tpu.dma_semaphore, #tpu.memory_space<semaphore_mem>>)
        %dma_wait3A = arith.constant 0 : i32
        %dma_wait3A_95 = tpu.memref_slice %arg3[%add3A_80, %dma_wait3A] : memref<2560x128xi32, #tpu.memory_space<hbm>> -> memref<16x128xi32, #tpu.memory_space<hbm>>
        %dma_wait3A_96 = arith.constant 0 : i32
        %dma_wait3A_97 = tpu.memref_slice %arg3[%add3A_80, %dma_wait3A_96] : memref<2560x128xi32, #tpu.memory_space<hbm>> -> memref<16x128xi32, #tpu.memory_space<hbm>>
        tpu.wait_dma2 semaphore(%run_scoped3A : memref<!tpu.dma_semaphore, #tpu.memory_space<semaphore_mem>>) src(%dma_wait3A_97 : memref<16x128xi32, #tpu.memory_space<hbm>>) dst(%arg7 : memref<16x128xi32, #tpu.memory_space<vmem>>)
        tpu.yield
      }) : () -> ()
      "tpu.region"() ({
        %run_scoped3A = tpu.sem_alloc : memref<!tpu.dma_semaphore, #tpu.memory_space<semaphore_mem>>
        %dma_start3A_91 = arith.constant 0 : i32
        %dma_start3A_92 = tpu.memref_slice %arg4[%add3A_80, %dma_start3A_91] : memref<2560x128xi32, #tpu.memory_space<hbm>> -> memref<16x128xi32, #tpu.memory_space<hbm>>
        %dma_start3A_93 = arith.constant 0 : i32
        %dma_start3A_94 = tpu.memref_slice %arg4[%add3A_80, %dma_start3A_93] : memref<2560x128xi32, #tpu.memory_space<hbm>> -> memref<16x128xi32, #tpu.memory_space<hbm>>
        tpu.enqueue_dma source(%dma_start3A_94 : memref<16x128xi32, #tpu.memory_space<hbm>>) target(%arg8 : memref<16x128xi32, #tpu.memory_space<vmem>>) target_semaphore(%run_scoped3A : memref<!tpu.dma_semaphore, #tpu.memory_space<semaphore_mem>>)
        %dma_wait3A = arith.constant 0 : i32
        %dma_wait3A_95 = tpu.memref_slice %arg4[%add3A_80, %dma_wait3A] : memref<2560x128xi32, #tpu.memory_space<hbm>> -> memref<16x128xi32, #tpu.memory_space<hbm>>
        %dma_wait3A_96 = arith.constant 0 : i32
        %dma_wait3A_97 = tpu.memref_slice %arg4[%add3A_80, %dma_wait3A_96] : memref<2560x128xi32, #tpu.memory_space<hbm>> -> memref<16x128xi32, #tpu.memory_space<hbm>>
        tpu.wait_dma2 semaphore(%run_scoped3A : memref<!tpu.dma_semaphore, #tpu.memory_space<semaphore_mem>>) src(%dma_wait3A_97 : memref<16x128xi32, #tpu.memory_space<hbm>>) dst(%arg8 : memref<16x128xi32, #tpu.memory_space<vmem>>)
        tpu.yield
      }) : () -> ()
      %dma_start3A = arith.constant 0 : i32
      %dma_start3A_81 = arith.constant 0 : i32
      %dma_start3A_82 = tpu.memref_slice %arg7[%dma_start3A, %dma_start3A_81] : memref<16x128xi32, #tpu.memory_space<vmem>> -> memref<1x128xi32, #tpu.memory_space<vmem>>
      %dma_start3A_83 = tpu.memref_squeeze %dma_start3A_82 : memref<1x128xi32, #tpu.memory_space<vmem>> -> memref<128xi32, #tpu.memory_space<vmem>>
      %dma_start3A_84 = arith.constant 0 : i32
      %dma_start3A_85 = arith.constant 0 : i32
      %dma_start3A_86 = tpu.memref_slice %arg2[%dma_start3A_84, %dma_start3A_85] : memref<10000x128xf32, #tpu.memory_space<hbm>> -> memref<10000x128xf32, #tpu.memory_space<hbm>>
      tpu.enqueue_indirect_dma source(%dma_start3A_86 : memref<10000x128xf32, #tpu.memory_space<hbm>>) target(%arg9 : memref<128x128xf32, #tpu.memory_space<vmem>>) offsets(%dma_start3A_83 : memref<128xi32, #tpu.memory_space<vmem>>) semaphore(%arg12 : memref<!tpu.dma_semaphore, #tpu.memory_space<semaphore_mem>>)
      %scan3A = arith.constant 0 : i32
      %scan3A_87 = arith.constant 8 : i32
      %scan3A_88 = arith.addi %scan3A, %scan3A_87 : i32
      %scan3A_89 = arith.constant 1 : i32
      scf.for %scan3A_91 = %scan3A to %scan3A_88 step %scan3A_89  : i32 {
        %mul3A_92 = arith.constant 1 : i32
        %mul3A_93 = arith.muli %scan3A_91, %mul3A_92 : i32
        %add3A_94 = arith.constant 0 : i32
        %add3A_95 = arith.addi %add3A_94, %mul3A_93 : i32
        %mul3A_96 = arith.constant 2 : i32
        %mul3A_97 = arith.muli %mul3A_96, %add3A_95 : i32
        %add3A_98 = arith.constant 1 : i32
        %add3A_99 = arith.addi %mul3A_97, %add3A_98 : i32
        %dma_start3A_100 = arith.constant 0 : i32
        %dma_start3A_101 = tpu.memref_slice %arg7[%add3A_99, %dma_start3A_100] : memref<16x128xi32, #tpu.memory_space<vmem>> -> memref<1x128xi32, #tpu.memory_space<vmem>>
        %dma_start3A_102 = tpu.memref_squeeze %dma_start3A_101 : memref<1x128xi32, #tpu.memory_space<vmem>> -> memref<128xi32, #tpu.memory_space<vmem>>
        %dma_start3A_103 = arith.constant 0 : i32
        %dma_start3A_104 = arith.constant 0 : i32
        %dma_start3A_105 = tpu.memref_slice %arg2[%dma_start3A_103, %dma_start3A_104] : memref<10000x128xf32, #tpu.memory_space<hbm>> -> memref<10000x128xf32, #tpu.memory_space<hbm>>
        tpu.enqueue_indirect_dma source(%dma_start3A_105 : memref<10000x128xf32, #tpu.memory_space<hbm>>) target(%arg10 : memref<128x128xf32, #tpu.memory_space<vmem>>) offsets(%dma_start3A_102 : memref<128xi32, #tpu.memory_space<vmem>>) semaphore(%arg13 : memref<!tpu.dma_semaphore, #tpu.memory_space<semaphore_mem>>)
        %dma_wait3A = arith.constant 0 : i32
        %dma_wait3A_106 = tpu.memref_slice %arg7[%mul3A_97, %dma_wait3A] : memref<16x128xi32, #tpu.memory_space<vmem>> -> memref<1x128xi32, #tpu.memory_space<vmem>>
        %dma_wait3A_107 = tpu.memref_squeeze %dma_wait3A_106 : memref<1x128xi32, #tpu.memory_space<vmem>> -> memref<128xi32, #tpu.memory_space<vmem>>
        %dma_wait3A_108 = arith.constant 0 : i32
        %dma_wait3A_109 = arith.constant 0 : i32
        %dma_wait3A_110 = tpu.memref_slice %arg2[%dma_wait3A_108, %dma_wait3A_109] : memref<10000x128xf32, #tpu.memory_space<hbm>> -> memref<10000x128xf32, #tpu.memory_space<hbm>>
        tpu.wait_indirect_dma semaphore(%arg12 : memref<!tpu.dma_semaphore, #tpu.memory_space<semaphore_mem>>) src(%dma_wait3A_110 : memref<10000x128xf32, #tpu.memory_space<hbm>>) dst(%arg9 : memref<128x128xf32, #tpu.memory_space<vmem>>)
        "tpu.region"() ({
          %run_scoped3A = tpu.sem_alloc : memref<!tpu.dma_semaphore, #tpu.memory_space<semaphore_mem>>
          %dma_start3A_125 = arith.constant 0 : i32
          %dma_start3A_126 = tpu.memref_slice %arg8[%mul3A_97, %dma_start3A_125] : memref<16x128xi32, #tpu.memory_space<vmem>> -> memref<1x128xi32, #tpu.memory_space<vmem>>
          %dma_start3A_127 = tpu.memref_squeeze %dma_start3A_126 : memref<1x128xi32, #tpu.memory_space<vmem>> -> memref<128xi32, #tpu.memory_space<vmem>>
          %dma_start3A_128 = arith.constant 0 : i32
          %dma_start3A_129 = arith.constant 0 : i32
          %dma_start3A_130 = tpu.memref_slice %arg11[%dma_start3A_128, %dma_start3A_129] : memref<10240x128xf32, #tpu.memory_space<vmem_shared>> -> memref<10240x128xf32, #tpu.memory_space<vmem_shared>>
          tpu.enqueue_indirect_dma source(%arg9 : memref<128x128xf32, #tpu.memory_space<vmem>>) target(%dma_start3A_130 : memref<10240x128xf32, #tpu.memory_space<vmem_shared>>) offsets(%dma_start3A_127 : memref<128xi32, #tpu.memory_space<vmem>>) semaphore(%run_scoped3A : memref<!tpu.dma_semaphore, #tpu.memory_space<semaphore_mem>>) {add = true}
          %dma_wait3A_131 = arith.constant 0 : i32
          %dma_wait3A_132 = tpu.memref_slice %arg8[%mul3A_97, %dma_wait3A_131] : memref<16x128xi32, #tpu.memory_space<vmem>> -> memref<1x128xi32, #tpu.memory_space<vmem>>
          %dma_wait3A_133 = tpu.memref_squeeze %dma_wait3A_132 : memref<1x128xi32, #tpu.memory_space<vmem>> -> memref<128xi32, #tpu.memory_space<vmem>>
          %dma_wait3A_134 = arith.constant 0 : i32
          %dma_wait3A_135 = arith.constant 0 : i32
          %dma_wait3A_136 = tpu.memref_slice %arg11[%dma_wait3A_134, %dma_wait3A_135] : memref<10240x128xf32, #tpu.memory_space<vmem_shared>> -> memref<10240x128xf32, #tpu.memory_space<vmem_shared>>
          tpu.wait_indirect_dma semaphore(%run_scoped3A : memref<!tpu.dma_semaphore, #tpu.memory_space<semaphore_mem>>) src(%arg9 : memref<128x128xf32, #tpu.memory_space<vmem>>) dst(%dma_wait3A_136 : memref<10240x128xf32, #tpu.memory_space<vmem_shared>>)
          tpu.yield
        }) : () -> ()
        %add3A_111 = arith.constant 2 : i32
        %add3A_112 = arith.addi %mul3A_97, %add3A_111 : i32
        %lt3A = arith.constant 16 : i32
        %lt3A_113 = arith.cmpi slt, %add3A_112, %lt3A : i32
        %convert_element_type3A = arith.extui %lt3A_113 : i1 to i32
        %cond3A = arith.constant 0 : i32
        %cond3A_114 = arith.cmpi ne, %convert_element_type3A, %cond3A : i32
        scf.if %cond3A_114 {
          %add3A_125 = arith.constant 2 : i32
          %add3A_126 = arith.addi %mul3A_97, %add3A_125 : i32
          %dma_start3A_127 = arith.constant 0 : i32
          %dma_start3A_128 = tpu.memref_slice %arg7[%add3A_126, %dma_start3A_127] : memref<16x128xi32, #tpu.memory_space<vmem>> -> memref<1x128xi32, #tpu.memory_space<vmem>>
          %dma_start3A_129 = tpu.memref_squeeze %dma_start3A_128 : memref<1x128xi32, #tpu.memory_space<vmem>> -> memref<128xi32, #tpu.memory_space<vmem>>
          %dma_start3A_130 = arith.constant 0 : i32
          %dma_start3A_131 = arith.constant 0 : i32
          %dma_start3A_132 = tpu.memref_slice %arg2[%dma_start3A_130, %dma_start3A_131] : memref<10000x128xf32, #tpu.memory_space<hbm>> -> memref<10000x128xf32, #tpu.memory_space<hbm>>
          tpu.enqueue_indirect_dma source(%dma_start3A_132 : memref<10000x128xf32, #tpu.memory_space<hbm>>) target(%arg9 : memref<128x128xf32, #tpu.memory_space<vmem>>) offsets(%dma_start3A_129 : memref<128xi32, #tpu.memory_space<vmem>>) semaphore(%arg12 : memref<!tpu.dma_semaphore, #tpu.memory_space<semaphore_mem>>)
        } else {
        }
        %add3A_115 = arith.constant 1 : i32
        %add3A_116 = arith.addi %mul3A_97, %add3A_115 : i32
        %dma_wait3A_117 = arith.constant 0 : i32
        %dma_wait3A_118 = tpu.memref_slice %arg7[%add3A_116, %dma_wait3A_117] : memref<16x128xi32, #tpu.memory_space<vmem>> -> memref<1x128xi32, #tpu.memory_space<vmem>>
        %dma_wait3A_119 = tpu.memref_squeeze %dma_wait3A_118 : memref<1x128xi32, #tpu.memory_space<vmem>> -> memref<128xi32, #tpu.memory_space<vmem>>
        %dma_wait3A_120 = arith.constant 0 : i32
        %dma_wait3A_121 = arith.constant 0 : i32
        %dma_wait3A_122 = tpu.memref_slice %arg2[%dma_wait3A_120, %dma_wait3A_121] : memref<10000x128xf32, #tpu.memory_space<hbm>> -> memref<10000x128xf32, #tpu.memory_space<hbm>>
        tpu.wait_indirect_dma semaphore(%arg13 : memref<!tpu.dma_semaphore, #tpu.memory_space<semaphore_mem>>) src(%dma_wait3A_122 : memref<10000x128xf32, #tpu.memory_space<hbm>>) dst(%arg10 : memref<128x128xf32, #tpu.memory_space<vmem>>)
        %add3A_123 = arith.constant 1 : i32
        %add3A_124 = arith.addi %mul3A_97, %add3A_123 : i32
        "tpu.region"() ({
          %run_scoped3A = tpu.sem_alloc : memref<!tpu.dma_semaphore, #tpu.memory_space<semaphore_mem>>
          %dma_start3A_125 = arith.constant 0 : i32
          %dma_start3A_126 = tpu.memref_slice %arg8[%add3A_124, %dma_start3A_125] : memref<16x128xi32, #tpu.memory_space<vmem>> -> memref<1x128xi32, #tpu.memory_space<vmem>>
          %dma_start3A_127 = tpu.memref_squeeze %dma_start3A_126 : memref<1x128xi32, #tpu.memory_space<vmem>> -> memref<128xi32, #tpu.memory_space<vmem>>
          %dma_start3A_128 = arith.constant 0 : i32
          %dma_start3A_129 = arith.constant 0 : i32
          %dma_start3A_130 = tpu.memref_slice %arg11[%dma_start3A_128, %dma_start3A_129] : memref<10240x128xf32, #tpu.memory_space<vmem_shared>> -> memref<10240x128xf32, #tpu.memory_space<vmem_shared>>
          tpu.enqueue_indirect_dma source(%arg10 : memref<128x128xf32, #tpu.memory_space<vmem>>) target(%dma_start3A_130 : memref<10240x128xf32, #tpu.memory_space<vmem_shared>>) offsets(%dma_start3A_127 : memref<128xi32, #tpu.memory_space<vmem>>) semaphore(%run_scoped3A : memref<!tpu.dma_semaphore, #tpu.memory_space<semaphore_mem>>) {add = true}
          %dma_wait3A_131 = arith.constant 0 : i32
          %dma_wait3A_132 = tpu.memref_slice %arg8[%add3A_124, %dma_wait3A_131] : memref<16x128xi32, #tpu.memory_space<vmem>> -> memref<1x128xi32, #tpu.memory_space<vmem>>
          %dma_wait3A_133 = tpu.memref_squeeze %dma_wait3A_132 : memref<1x128xi32, #tpu.memory_space<vmem>> -> memref<128xi32, #tpu.memory_space<vmem>>
          %dma_wait3A_134 = arith.constant 0 : i32
          %dma_wait3A_135 = arith.constant 0 : i32
          %dma_wait3A_136 = tpu.memref_slice %arg11[%dma_wait3A_134, %dma_wait3A_135] : memref<10240x128xf32, #tpu.memory_space<vmem_shared>> -> memref<10240x128xf32, #tpu.memory_space<vmem_shared>>
          tpu.wait_indirect_dma semaphore(%run_scoped3A : memref<!tpu.dma_semaphore, #tpu.memory_space<semaphore_mem>>) src(%arg10 : memref<128x128xf32, #tpu.memory_space<vmem>>) dst(%dma_wait3A_136 : memref<10240x128xf32, #tpu.memory_space<vmem_shared>>)
          tpu.yield
        }) : () -> ()
      }
      %scan3A_90 = arith.constant 8 : i32
    }
    %barrier3A_70 = arith.constant 0 : index
    tpu.barrier barrier_id(%barrier3A_70)
    %mul3A_71 = arith.constant 640 : i32
    %mul3A_72 = arith.muli %arg1, %mul3A_71 : i32
    %mul3A_73 = arith.constant 640 : i32
    %mul3A_74 = arith.muli %arg1, %mul3A_73 : i32
    "tpu.region"() ({
      %run_scoped3A = tpu.sem_alloc : memref<!tpu.dma_semaphore, #tpu.memory_space<semaphore_mem>>
      %dma_start3A = arith.constant 0 : i32
      %dma_start3A_75 = arith.constant 0 : i32
      %dma_start3A_76 = tpu.memref_slice %arg6[%arg0, %dma_start3A, %dma_start3A_75] : memref<2x10240x128xf32, #tpu.memory_space<hbm>> -> memref<1x10240x128xf32, #tpu.memory_space<hbm>>
      %dma_start3A_77 = tpu.memref_squeeze %dma_start3A_76 : memref<1x10240x128xf32, #tpu.memory_space<hbm>> -> memref<10240x128xf32, #tpu.memory_space<hbm>>
      %dma_start3A_78 = arith.constant 0 : i32
      %dma_start3A_79 = tpu.memref_slice %dma_start3A_77[%mul3A_74, %dma_start3A_78] : memref<10240x128xf32, #tpu.memory_space<hbm>> -> memref<640x128xf32, #tpu.memory_space<hbm>>
      %dma_start3A_80 = arith.constant 0 : i32
      %dma_start3A_81 = tpu.memref_slice %arg11[%mul3A_72, %dma_start3A_80] : memref<10240x128xf32, #tpu.memory_space<vmem_shared>> -> memref<640x128xf32, #tpu.memory_space<vmem_shared>>
      tpu.enqueue_dma source(%dma_start3A_81 : memref<640x128xf32, #tpu.memory_space<vmem_shared>>) target(%dma_start3A_79 : memref<640x128xf32, #tpu.memory_space<hbm>>) target_semaphore(%run_scoped3A : memref<!tpu.dma_semaphore, #tpu.memory_space<semaphore_mem>>)
      %dma_wait3A = arith.constant 0 : i32
      %dma_wait3A_82 = arith.constant 0 : i32
      %dma_wait3A_83 = tpu.memref_slice %arg6[%arg0, %dma_wait3A, %dma_wait3A_82] : memref<2x10240x128xf32, #tpu.memory_space<hbm>> -> memref<1x10240x128xf32, #tpu.memory_space<hbm>>
      %dma_wait3A_84 = tpu.memref_squeeze %dma_wait3A_83 : memref<1x10240x128xf32, #tpu.memory_space<hbm>> -> memref<10240x128xf32, #tpu.memory_space<hbm>>
      %dma_wait3A_85 = arith.constant 0 : i32
      %dma_wait3A_86 = tpu.memref_slice %dma_wait3A_84[%mul3A_74, %dma_wait3A_85] : memref<10240x128xf32, #tpu.memory_space<hbm>> -> memref<640x128xf32, #tpu.memory_space<hbm>>
      %dma_wait3A_87 = arith.constant 0 : i32
      %dma_wait3A_88 = tpu.memref_slice %arg11[%mul3A_72, %dma_wait3A_87] : memref<10240x128xf32, #tpu.memory_space<vmem_shared>> -> memref<640x128xf32, #tpu.memory_space<vmem_shared>>
      tpu.wait_dma2 semaphore(%run_scoped3A : memref<!tpu.dma_semaphore, #tpu.memory_space<semaphore_mem>>) src(%dma_wait3A_88 : memref<640x128xf32, #tpu.memory_space<vmem_shared>>) dst(%dma_wait3A_86 : memref<640x128xf32, #tpu.memory_space<hbm>>)
      tpu.yield
    }) : () -> ()
    return
  }
}

#map = affine_map<(d0, d1) -> (0, 0)>
#map1 = affine_map<(d0, d1) -> (0, 0, 0)>
module attributes {stable_mosaic.version = 14 : i64} {
  func.func @k(%arg0: i32, %arg1: i32, %arg2: memref<10000x128xf32, #tpu.memory_space<hbm>>, %arg3: memref<2560x128xi32, #tpu.memory_space<hbm>>, %arg4: memref<2560x128xi32, #tpu.memory_space<hbm>>, %arg5: memref<128x128xf32, #tpu.memory_space<hbm>>, %arg6: memref<2x10240x128xf32, #tpu.memory_space<hbm>>, %arg7: memref<16x128xi32, #tpu.memory_space<vmem>>, %arg8: memref<16x128xi32, #tpu.memory_space<vmem>>, %arg9: memref<128x128xf32, #tpu.memory_space<vmem>>, %arg10: memref<128x128xf32, #tpu.memory_space<vmem>>, %arg11: memref<10240x128xf32, #tpu.memory_space<vmem_shared>>, %arg12: memref<!tpu.dma_semaphore, #tpu.memory_space<semaphore_mem>>, %arg13: memref<!tpu.dma_semaphore, #tpu.memory_space<semaphore_mem>>) attributes {dimension_semantics = [#tpu.dimension_semantics<core_parallel>, #tpu.dimension_semantics<subcore_parallel>], iteration_bounds = array<i64: 2, 16>, scalar_prefetch = 0 : i64, scratch_operands = 7 : i64, tpu.core_type = #tpu.core_type<sc_vector_subcore>, window_params = [{transform_indices = #map}, {transform_indices = #map}, {transform_indices = #map}, {transform_indices = #map}, {transform_indices = #map1}]} {
    %eq3A = arith.constant 0 : i32
    %eq3A_0 = arith.cmpi eq, %arg0, %eq3A : i32
    %jit3A = arith.constant 144 : i32
    %jit3A_1 = arith.constant 16 : i32
    %select_n3A = arith.select %eq3A_0, %jit3A, %jit3A_1 : i32
    %mul3A = arith.constant 2304 : i32
    %mul3A_2 = arith.muli %arg0, %mul3A : i32
    %mul3A_3 = arith.muli %arg1, %select_n3A : i32
    %add3A = arith.addi %mul3A_2, %mul3A_3 : i32
    %mul3A_4 = arith.constant 5 : i32
    %mul3A_5 = arith.muli %arg1, %mul3A_4 : i32
    %add3A_6 = arith.constant 0 : i32
    %add3A_7 = arith.addi %mul3A_5, %add3A_6 : i32
    %mul3A_8 = arith.constant 128 : i32
    %mul3A_9 = arith.muli %add3A_7, %mul3A_8 : i32
    "tpu.region"() ({
      %run_scoped3A = tpu.sem_alloc : memref<!tpu.dma_semaphore, #tpu.memory_space<semaphore_mem>>
      %dma_start3A = arith.constant 0 : i32
      %dma_start3A_75 = tpu.memref_slice %arg11[%mul3A_9, %dma_start3A] : memref<10240x128xf32, #tpu.memory_space<vmem_shared>> -> memref<128x128xf32, #tpu.memory_space<vmem_shared>>
      tpu.enqueue_dma source(%arg5 : memref<128x128xf32, #tpu.memory_space<hbm>>) target(%dma_start3A_75 : memref<128x128xf32, #tpu.memory_space<vmem_shared>>) target_semaphore(%run_scoped3A : memref<!tpu.dma_semaphore, #tpu.memory_space<semaphore_mem>>)
      %dma_wait3A = arith.constant 0 : i32
      %dma_wait3A_76 = tpu.memref_slice %arg11[%mul3A_9, %dma_wait3A] : memref<10240x128xf32, #tpu.memory_space<vmem_shared>> -> memref<128x128xf32, #tpu.memory_space<vmem_shared>>
      tpu.wait_dma2 semaphore(%run_scoped3A : memref<!tpu.dma_semaphore, #tpu.memory_space<semaphore_mem>>) src(%arg5 : memref<128x128xf32, #tpu.memory_space<hbm>>) dst(%dma_wait3A_76 : memref<128x128xf32, #tpu.memory_space<vmem_shared>>)
      tpu.yield
    }) : () -> ()
    %mul3A_10 = arith.constant 5 : i32
    %mul3A_11 = arith.muli %arg1, %mul3A_10 : i32
    %add3A_12 = arith.constant 1 : i32
    %add3A_13 = arith.addi %mul3A_11, %add3A_12 : i32
    %mul3A_14 = arith.constant 128 : i32
    %mul3A_15 = arith.muli %add3A_13, %mul3A_14 : i32
    "tpu.region"() ({
      %run_scoped3A = tpu.sem_alloc : memref<!tpu.dma_semaphore, #tpu.memory_space<semaphore_mem>>
      %dma_start3A = arith.constant 0 : i32
      %dma_start3A_75 = tpu.memref_slice %arg11[%mul3A_15, %dma_start3A] : memref<10240x128xf32, #tpu.memory_space<vmem_shared>> -> memref<128x128xf32, #tpu.memory_space<vmem_shared>>
      tpu.enqueue_dma source(%arg5 : memref<128x128xf32, #tpu.memory_space<hbm>>) target(%dma_start3A_75 : memref<128x128xf32, #tpu.memory_space<vmem_shared>>) target_semaphore(%run_scoped3A : memref<!tpu.dma_semaphore, #tpu.memory_space<semaphore_mem>>)
      %dma_wait3A = arith.constant 0 : i32
      %dma_wait3A_76 = tpu.memref_slice %arg11[%mul3A_15, %dma_wait3A] : memref<10240x128xf32, #tpu.memory_space<vmem_shared>> -> memref<128x128xf32, #tpu.memory_space<vmem_shared>>
      tpu.wait_dma2 semaphore(%run_scoped3A : memref<!tpu.dma_semaphore, #tpu.memory_space<semaphore_mem>>) src(%arg5 : memref<128x128xf32, #tpu.memory_space<hbm>>) dst(%dma_wait3A_76 : memref<128x128xf32, #tpu.memory_space<vmem_shared>>)
      tpu.yield
    }) : () -> ()
    %mul3A_16 = arith.constant 5 : i32
    %mul3A_17 = arith.muli %arg1, %mul3A_16 : i32
    %add3A_18 = arith.constant 2 : i32
    %add3A_19 = arith.addi %mul3A_17, %add3A_18 : i32
    %mul3A_20 = arith.constant 128 : i32
    %mul3A_21 = arith.muli %add3A_19, %mul3A_20 : i32
    "tpu.region"() ({
      %run_scoped3A = tpu.sem_alloc : memref<!tpu.dma_semaphore, #tpu.memory_space<semaphore_mem>>
      %dma_start3A = arith.constant 0 : i32
      %dma_start3A_75 = tpu.memref_slice %arg11[%mul3A_21, %dma_start3A] : memref<10240x128xf32, #tpu.memory_space<vmem_shared>> -> memref<128x128xf32, #tpu.memory_space<vmem_shared>>
      tpu.enqueue_dma source(%arg5 : memref<128x128xf32, #tpu.memory_space<hbm>>) target(%dma_start3A_75 : memref<128x128xf32, #tpu.memory_space<vmem_shared>>) target_semaphore(%run_scoped3A : memref<!tpu.dma_semaphore, #tpu.memory_space<semaphore_mem>>)
      %dma_wait3A = arith.constant 0 : i32
      %dma_wait3A_76 = tpu.memref_slice %arg11[%mul3A_21, %dma_wait3A] : memref<10240x128xf32, #tpu.memory_space<vmem_shared>> -> memref<128x128xf32, #tpu.memory_space<vmem_shared>>
      tpu.wait_dma2 semaphore(%run_scoped3A : memref<!tpu.dma_semaphore, #tpu.memory_space<semaphore_mem>>) src(%arg5 : memref<128x128xf32, #tpu.memory_space<hbm>>) dst(%dma_wait3A_76 : memref<128x128xf32, #tpu.memory_space<vmem_shared>>)
      tpu.yield
    }) : () -> ()
    %mul3A_22 = arith.constant 5 : i32
    %mul3A_23 = arith.muli %arg1, %mul3A_22 : i32
    %add3A_24 = arith.constant 3 : i32
    %add3A_25 = arith.addi %mul3A_23, %add3A_24 : i32
    %mul3A_26 = arith.constant 128 : i32
    %mul3A_27 = arith.muli %add3A_25, %mul3A_26 : i32
    "tpu.region"() ({
      %run_scoped3A = tpu.sem_alloc : memref<!tpu.dma_semaphore, #tpu.memory_space<semaphore_mem>>
      %dma_start3A = arith.constant 0 : i32
      %dma_start3A_75 = tpu.memref_slice %arg11[%mul3A_27, %dma_start3A] : memref<10240x128xf32, #tpu.memory_space<vmem_shared>> -> memref<128x128xf32, #tpu.memory_space<vmem_shared>>
      tpu.enqueue_dma source(%arg5 : memref<128x128xf32, #tpu.memory_space<hbm>>) target(%dma_start3A_75 : memref<128x128xf32, #tpu.memory_space<vmem_shared>>) target_semaphore(%run_scoped3A : memref<!tpu.dma_semaphore, #tpu.memory_space<semaphore_mem>>)
      %dma_wait3A = arith.constant 0 : i32
      %dma_wait3A_76 = tpu.memref_slice %arg11[%mul3A_27, %dma_wait3A] : memref<10240x128xf32, #tpu.memory_space<vmem_shared>> -> memref<128x128xf32, #tpu.memory_space<vmem_shared>>
      tpu.wait_dma2 semaphore(%run_scoped3A : memref<!tpu.dma_semaphore, #tpu.memory_space<semaphore_mem>>) src(%arg5 : memref<128x128xf32, #tpu.memory_space<hbm>>) dst(%dma_wait3A_76 : memref<128x128xf32, #tpu.memory_space<vmem_shared>>)
      tpu.yield
    }) : () -> ()
    %mul3A_28 = arith.constant 5 : i32
    %mul3A_29 = arith.muli %arg1, %mul3A_28 : i32
    %add3A_30 = arith.constant 4 : i32
    %add3A_31 = arith.addi %mul3A_29, %add3A_30 : i32
    %mul3A_32 = arith.constant 128 : i32
    %mul3A_33 = arith.muli %add3A_31, %mul3A_32 : i32
    "tpu.region"() ({
      %run_scoped3A = tpu.sem_alloc : memref<!tpu.dma_semaphore, #tpu.memory_space<semaphore_mem>>
      %dma_start3A = arith.constant 0 : i32
      %dma_start3A_75 = tpu.memref_slice %arg11[%mul3A_33, %dma_start3A] : memref<10240x128xf32, #tpu.memory_space<vmem_shared>> -> memref<128x128xf32, #tpu.memory_space<vmem_shared>>
      tpu.enqueue_dma source(%arg5 : memref<128x128xf32, #tpu.memory_space<hbm>>) target(%dma_start3A_75 : memref<128x128xf32, #tpu.memory_space<vmem_shared>>) target_semaphore(%run_scoped3A : memref<!tpu.dma_semaphore, #tpu.memory_space<semaphore_mem>>)
      %dma_wait3A = arith.constant 0 : i32
      %dma_wait3A_76 = tpu.memref_slice %arg11[%mul3A_33, %dma_wait3A] : memref<10240x128xf32, #tpu.memory_space<vmem_shared>> -> memref<128x128xf32, #tpu.memory_space<vmem_shared>>
      tpu.wait_dma2 semaphore(%run_scoped3A : memref<!tpu.dma_semaphore, #tpu.memory_space<semaphore_mem>>) src(%arg5 : memref<128x128xf32, #tpu.memory_space<hbm>>) dst(%dma_wait3A_76 : memref<128x128xf32, #tpu.memory_space<vmem_shared>>)
      tpu.yield
    }) : () -> ()
    %barrier3A = arith.constant 0 : index
    tpu.barrier barrier_id(%barrier3A)
    %jit3A_34 = arith.constant 16 : i32
    %div3A = arith.divsi %select_n3A, %jit3A_34 : i32
    %sign3A = arith.constant 0 : i32
    %sign3A_35 = arith.cmpi sgt, %select_n3A, %sign3A : i32
    %sign3A_36 = arith.extui %sign3A_35 : i1 to i32
    %sign3A_37 = arith.constant 0 : i32
    %sign3A_38 = arith.cmpi slt, %select_n3A, %sign3A_37 : i32
    %sign3A_39 = arith.extui %sign3A_38 : i1 to i32
    %sign3A_40 = arith.subi %sign3A_36, %sign3A_39 : i32
    %sign3A_41 = arith.constant 0 : i32
    %sign3A_42 = arith.cmpi sgt, %jit3A_34, %sign3A_41 : i32
    %sign3A_43 = arith.extui %sign3A_42 : i1 to i32
    %sign3A_44 = arith.constant 0 : i32
    %sign3A_45 = arith.cmpi slt, %jit3A_34, %sign3A_44 : i32
    %sign3A_46 = arith.extui %sign3A_45 : i1 to i32
    %sign3A_47 = arith.subi %sign3A_43, %sign3A_46 : i32
    %ne3A = arith.cmpi ne, %sign3A_40, %sign3A_47 : i32
    %rem3A = arith.remsi %select_n3A, %jit3A_34 : i32
    %ne3A_48 = arith.constant 0 : i32
    %ne3A_49 = arith.cmpi ne, %rem3A, %ne3A_48 : i32
    %and3A = arith.andi %ne3A, %ne3A_49 : i1
    %sub3A = arith.constant 1 : i32
    %sub3A_50 = arith.subi %div3A, %sub3A : i32
    %select_n3A_51 = arith.select %and3A, %sub3A_50, %div3A : i32
    %sub3A_52 = arith.constant 0 : i32
    %sub3A_53 = arith.subi %select_n3A_51, %sub3A_52 : i32
    %sub3A_54 = arith.constant 1 : i32
    %sub3A_55 = arith.constant 1 : i32
    %sub3A_56 = arith.subi %sub3A_54, %sub3A_55 : i32
    %add3A_57 = arith.addi %sub3A_53, %sub3A_56 : i32
    %div3A_58 = arith.constant 1 : i32
    %div3A_59 = arith.divsi %add3A_57, %div3A_58 : i32
    %while3A = arith.constant 1 : i32
    %while3A_60 = arith.constant 0 : i32
    %while3A_61 = arith.constant 0 : i32
    %while3A_62 = arith.subi %div3A_59, %while3A_61 : i32
    %while3A_63 = arith.addi %while3A_61, %while3A_62 : i32
    %while3A_64 = arith.constant 1 : i32
    %while3A_65 = arith.divsi %while3A_62, %while3A_64 : i32
    %while3A_66 = arith.muli %while3A_65, %while3A_64 : i32
    %while3A_67 = arith.addi %while3A_61, %while3A_66 : i32
    %while3A_68 = arith.constant 1 : i32
    scf.for %while3A_75 = %while3A_61 to %while3A_67 step %while3A_68  : i32 {
      %mul3A_76 = arith.muli %while3A_75, %while3A : i32
      %add3A_77 = arith.addi %while3A_60, %mul3A_76 : i32
      %mul3A_78 = arith.constant 16 : i32
      %mul3A_79 = arith.muli %add3A_77, %mul3A_78 : i32
      %add3A_80 = arith.addi %add3A, %mul3A_79 : i32
      "tpu.region"() ({
        %run_scoped3A = tpu.sem_alloc : memref<!tpu.dma_semaphore, #tpu.memory_space<semaphore_mem>>
        %dma_start3A_91 = arith.constant 0 : i32
        %dma_start3A_92 = tpu.memref_slice %arg3[%add3A_80, %dma_start3A_91] : memref<2560x128xi32, #tpu.memory_space<hbm>> -> memref<16x128xi32, #tpu.memory_space<hbm>>
        %dma_start3A_93 = arith.constant 0 : i32
        %dma_start3A_94 = tpu.memref_slice %arg3[%add3A_80, %dma_start3A_93] : memref<2560x128xi32, #tpu.memory_space<hbm>> -> memref<16x128xi32, #tpu.memory_space<hbm>>
        tpu.enqueue_dma source(%dma_start3A_94 : memref<16x128xi32, #tpu.memory_space<hbm>>) target(%arg7 : memref<16x128xi32, #tpu.memory_space<vmem>>) target_semaphore(%run_scoped3A : memref<!tpu.dma_semaphore, #tpu.memory_space<semaphore_mem>>)
        %dma_wait3A = arith.constant 0 : i32
        %dma_wait3A_95 = tpu.memref_slice %arg3[%add3A_80, %dma_wait3A] : memref<2560x128xi32, #tpu.memory_space<hbm>> -> memref<16x128xi32, #tpu.memory_space<hbm>>
        %dma_wait3A_96 = arith.constant 0 : i32
        %dma_wait3A_97 = tpu.memref_slice %arg3[%add3A_80, %dma_wait3A_96] : memref<2560x128xi32, #tpu.memory_space<hbm>> -> memref<16x128xi32, #tpu.memory_space<hbm>>
        tpu.wait_dma2 semaphore(%run_scoped3A : memref<!tpu.dma_semaphore, #tpu.memory_space<semaphore_mem>>) src(%dma_wait3A_97 : memref<16x128xi32, #tpu.memory_space<hbm>>) dst(%arg7 : memref<16x128xi32, #tpu.memory_space<vmem>>)
        tpu.yield
      }) : () -> ()
      "tpu.region"() ({
        %run_scoped3A = tpu.sem_alloc : memref<!tpu.dma_semaphore, #tpu.memory_space<semaphore_mem>>
        %dma_start3A_91 = arith.constant 0 : i32
        %dma_start3A_92 = tpu.memref_slice %arg4[%add3A_80, %dma_start3A_91] : memref<2560x128xi32, #tpu.memory_space<hbm>> -> memref<16x128xi32, #tpu.memory_space<hbm>>
        %dma_start3A_93 = arith.constant 0 : i32
        %dma_start3A_94 = tpu.memref_slice %arg4[%add3A_80, %dma_start3A_93] : memref<2560x128xi32, #tpu.memory_space<hbm>> -> memref<16x128xi32, #tpu.memory_space<hbm>>
        tpu.enqueue_dma source(%dma_start3A_94 : memref<16x128xi32, #tpu.memory_space<hbm>>) target(%arg8 : memref<16x128xi32, #tpu.memory_space<vmem>>) target_semaphore(%run_scoped3A : memref<!tpu.dma_semaphore, #tpu.memory_space<semaphore_mem>>)
        %dma_wait3A = arith.constant 0 : i32
        %dma_wait3A_95 = tpu.memref_slice %arg4[%add3A_80, %dma_wait3A] : memref<2560x128xi32, #tpu.memory_space<hbm>> -> memref<16x128xi32, #tpu.memory_space<hbm>>
        %dma_wait3A_96 = arith.constant 0 : i32
        %dma_wait3A_97 = tpu.memref_slice %arg4[%add3A_80, %dma_wait3A_96] : memref<2560x128xi32, #tpu.memory_space<hbm>> -> memref<16x128xi32, #tpu.memory_space<hbm>>
        tpu.wait_dma2 semaphore(%run_scoped3A : memref<!tpu.dma_semaphore, #tpu.memory_space<semaphore_mem>>) src(%dma_wait3A_97 : memref<16x128xi32, #tpu.memory_space<hbm>>) dst(%arg8 : memref<16x128xi32, #tpu.memory_space<vmem>>)
        tpu.yield
      }) : () -> ()
      %dma_start3A = arith.constant 0 : i32
      %dma_start3A_81 = arith.constant 0 : i32
      %dma_start3A_82 = tpu.memref_slice %arg7[%dma_start3A, %dma_start3A_81] : memref<16x128xi32, #tpu.memory_space<vmem>> -> memref<1x128xi32, #tpu.memory_space<vmem>>
      %dma_start3A_83 = tpu.memref_squeeze %dma_start3A_82 : memref<1x128xi32, #tpu.memory_space<vmem>> -> memref<128xi32, #tpu.memory_space<vmem>>
      %dma_start3A_84 = arith.constant 0 : i32
      %dma_start3A_85 = arith.constant 0 : i32
      %dma_start3A_86 = tpu.memref_slice %arg2[%dma_start3A_84, %dma_start3A_85] : memref<10000x128xf32, #tpu.memory_space<hbm>> -> memref<10000x128xf32, #tpu.memory_space<hbm>>
      tpu.enqueue_indirect_dma source(%dma_start3A_86 : memref<10000x128xf32, #tpu.memory_space<hbm>>) target(%arg9 : memref<128x128xf32, #tpu.memory_space<vmem>>) offsets(%dma_start3A_83 : memref<128xi32, #tpu.memory_space<vmem>>) semaphore(%arg12 : memref<!tpu.dma_semaphore, #tpu.memory_space<semaphore_mem>>)
      %scan3A = arith.constant 0 : i32
      %scan3A_87 = arith.constant 8 : i32
      %scan3A_88 = arith.addi %scan3A, %scan3A_87 : i32
      %scan3A_89 = arith.constant 1 : i32
      scf.for %scan3A_91 = %scan3A to %scan3A_88 step %scan3A_89  : i32 {
        %mul3A_92 = arith.constant 1 : i32
        %mul3A_93 = arith.muli %scan3A_91, %mul3A_92 : i32
        %add3A_94 = arith.constant 0 : i32
        %add3A_95 = arith.addi %add3A_94, %mul3A_93 : i32
        %mul3A_96 = arith.constant 2 : i32
        %mul3A_97 = arith.muli %mul3A_96, %add3A_95 : i32
        %add3A_98 = arith.constant 1 : i32
        %add3A_99 = arith.addi %mul3A_97, %add3A_98 : i32
        %dma_start3A_100 = arith.constant 0 : i32
        %dma_start3A_101 = tpu.memref_slice %arg7[%add3A_99, %dma_start3A_100] : memref<16x128xi32, #tpu.memory_space<vmem>> -> memref<1x128xi32, #tpu.memory_space<vmem>>
        %dma_start3A_102 = tpu.memref_squeeze %dma_start3A_101 : memref<1x128xi32, #tpu.memory_space<vmem>> -> memref<128xi32, #tpu.memory_space<vmem>>
        %dma_start3A_103 = arith.constant 0 : i32
        %dma_start3A_104 = arith.constant 0 : i32
        %dma_start3A_105 = tpu.memref_slice %arg2[%dma_start3A_103, %dma_start3A_104] : memref<10000x128xf32, #tpu.memory_space<hbm>> -> memref<10000x128xf32, #tpu.memory_space<hbm>>
        tpu.enqueue_indirect_dma source(%dma_start3A_105 : memref<10000x128xf32, #tpu.memory_space<hbm>>) target(%arg10 : memref<128x128xf32, #tpu.memory_space<vmem>>) offsets(%dma_start3A_102 : memref<128xi32, #tpu.memory_space<vmem>>) semaphore(%arg13 : memref<!tpu.dma_semaphore, #tpu.memory_space<semaphore_mem>>)
        %dma_wait3A = arith.constant 0 : i32
        %dma_wait3A_106 = tpu.memref_slice %arg7[%mul3A_97, %dma_wait3A] : memref<16x128xi32, #tpu.memory_space<vmem>> -> memref<1x128xi32, #tpu.memory_space<vmem>>
        %dma_wait3A_107 = tpu.memref_squeeze %dma_wait3A_106 : memref<1x128xi32, #tpu.memory_space<vmem>> -> memref<128xi32, #tpu.memory_space<vmem>>
        %dma_wait3A_108 = arith.constant 0 : i32
        %dma_wait3A_109 = arith.constant 0 : i32
        %dma_wait3A_110 = tpu.memref_slice %arg2[%dma_wait3A_108, %dma_wait3A_109] : memref<10000x128xf32, #tpu.memory_space<hbm>> -> memref<10000x128xf32, #tpu.memory_space<hbm>>
        tpu.wait_indirect_dma semaphore(%arg12 : memref<!tpu.dma_semaphore, #tpu.memory_space<semaphore_mem>>) src(%dma_wait3A_110 : memref<10000x128xf32, #tpu.memory_space<hbm>>) dst(%arg9 : memref<128x128xf32, #tpu.memory_space<vmem>>)
        "tpu.region"() ({
          %run_scoped3A = tpu.sem_alloc : memref<!tpu.dma_semaphore, #tpu.memory_space<semaphore_mem>>
          %dma_start3A_125 = arith.constant 0 : i32
          %dma_start3A_126 = tpu.memref_slice %arg8[%mul3A_97, %dma_start3A_125] : memref<16x128xi32, #tpu.memory_space<vmem>> -> memref<1x128xi32, #tpu.memory_space<vmem>>
          %dma_start3A_127 = tpu.memref_squeeze %dma_start3A_126 : memref<1x128xi32, #tpu.memory_space<vmem>> -> memref<128xi32, #tpu.memory_space<vmem>>
          %dma_start3A_128 = arith.constant 0 : i32
          %dma_start3A_129 = arith.constant 0 : i32
          %dma_start3A_130 = tpu.memref_slice %arg11[%dma_start3A_128, %dma_start3A_129] : memref<10240x128xf32, #tpu.memory_space<vmem_shared>> -> memref<10240x128xf32, #tpu.memory_space<vmem_shared>>
          tpu.enqueue_indirect_dma source(%arg9 : memref<128x128xf32, #tpu.memory_space<vmem>>) target(%dma_start3A_130 : memref<10240x128xf32, #tpu.memory_space<vmem_shared>>) offsets(%dma_start3A_127 : memref<128xi32, #tpu.memory_space<vmem>>) semaphore(%run_scoped3A : memref<!tpu.dma_semaphore, #tpu.memory_space<semaphore_mem>>) {add = true}
          %dma_wait3A_131 = arith.constant 0 : i32
          %dma_wait3A_132 = tpu.memref_slice %arg8[%mul3A_97, %dma_wait3A_131] : memref<16x128xi32, #tpu.memory_space<vmem>> -> memref<1x128xi32, #tpu.memory_space<vmem>>
          %dma_wait3A_133 = tpu.memref_squeeze %dma_wait3A_132 : memref<1x128xi32, #tpu.memory_space<vmem>> -> memref<128xi32, #tpu.memory_space<vmem>>
          %dma_wait3A_134 = arith.constant 0 : i32
          %dma_wait3A_135 = arith.constant 0 : i32
          %dma_wait3A_136 = tpu.memref_slice %arg11[%dma_wait3A_134, %dma_wait3A_135] : memref<10240x128xf32, #tpu.memory_space<vmem_shared>> -> memref<10240x128xf32, #tpu.memory_space<vmem_shared>>
          tpu.wait_indirect_dma semaphore(%run_scoped3A : memref<!tpu.dma_semaphore, #tpu.memory_space<semaphore_mem>>) src(%arg9 : memref<128x128xf32, #tpu.memory_space<vmem>>) dst(%dma_wait3A_136 : memref<10240x128xf32, #tpu.memory_space<vmem_shared>>)
          tpu.yield
        }) : () -> ()
        %add3A_111 = arith.constant 2 : i32
        %add3A_112 = arith.addi %mul3A_97, %add3A_111 : i32
        %lt3A = arith.constant 16 : i32
        %lt3A_113 = arith.cmpi slt, %add3A_112, %lt3A : i32
        %convert_element_type3A = arith.extui %lt3A_113 : i1 to i32
        %cond3A = arith.constant 0 : i32
        %cond3A_114 = arith.cmpi ne, %convert_element_type3A, %cond3A : i32
        scf.if %cond3A_114 {
          %add3A_125 = arith.constant 2 : i32
          %add3A_126 = arith.addi %mul3A_97, %add3A_125 : i32
          %dma_start3A_127 = arith.constant 0 : i32
          %dma_start3A_128 = tpu.memref_slice %arg7[%add3A_126, %dma_start3A_127] : memref<16x128xi32, #tpu.memory_space<vmem>> -> memref<1x128xi32, #tpu.memory_space<vmem>>
          %dma_start3A_129 = tpu.memref_squeeze %dma_start3A_128 : memref<1x128xi32, #tpu.memory_space<vmem>> -> memref<128xi32, #tpu.memory_space<vmem>>
          %dma_start3A_130 = arith.constant 0 : i32
          %dma_start3A_131 = arith.constant 0 : i32
          %dma_start3A_132 = tpu.memref_slice %arg2[%dma_start3A_130, %dma_start3A_131] : memref<10000x128xf32, #tpu.memory_space<hbm>> -> memref<10000x128xf32, #tpu.memory_space<hbm>>
          tpu.enqueue_indirect_dma source(%dma_start3A_132 : memref<10000x128xf32, #tpu.memory_space<hbm>>) target(%arg9 : memref<128x128xf32, #tpu.memory_space<vmem>>) offsets(%dma_start3A_129 : memref<128xi32, #tpu.memory_space<vmem>>) semaphore(%arg12 : memref<!tpu.dma_semaphore, #tpu.memory_space<semaphore_mem>>)
        } else {
        }
        %add3A_115 = arith.constant 1 : i32
        %add3A_116 = arith.addi %mul3A_97, %add3A_115 : i32
        %dma_wait3A_117 = arith.constant 0 : i32
        %dma_wait3A_118 = tpu.memref_slice %arg7[%add3A_116, %dma_wait3A_117] : memref<16x128xi32, #tpu.memory_space<vmem>> -> memref<1x128xi32, #tpu.memory_space<vmem>>
        %dma_wait3A_119 = tpu.memref_squeeze %dma_wait3A_118 : memref<1x128xi32, #tpu.memory_space<vmem>> -> memref<128xi32, #tpu.memory_space<vmem>>
        %dma_wait3A_120 = arith.constant 0 : i32
        %dma_wait3A_121 = arith.constant 0 : i32
        %dma_wait3A_122 = tpu.memref_slice %arg2[%dma_wait3A_120, %dma_wait3A_121] : memref<10000x128xf32, #tpu.memory_space<hbm>> -> memref<10000x128xf32, #tpu.memory_space<hbm>>
        tpu.wait_indirect_dma semaphore(%arg13 : memref<!tpu.dma_semaphore, #tpu.memory_space<semaphore_mem>>) src(%dma_wait3A_122 : memref<10000x128xf32, #tpu.memory_space<hbm>>) dst(%arg10 : memref<128x128xf32, #tpu.memory_space<vmem>>)
        %add3A_123 = arith.constant 1 : i32
        %add3A_124 = arith.addi %mul3A_97, %add3A_123 : i32
        "tpu.region"() ({
          %run_scoped3A = tpu.sem_alloc : memref<!tpu.dma_semaphore, #tpu.memory_space<semaphore_mem>>
          %dma_start3A_125 = arith.constant 0 : i32
          %dma_start3A_126 = tpu.memref_slice %arg8[%add3A_124, %dma_start3A_125] : memref<16x128xi32, #tpu.memory_space<vmem>> -> memref<1x128xi32, #tpu.memory_space<vmem>>
          %dma_start3A_127 = tpu.memref_squeeze %dma_start3A_126 : memref<1x128xi32, #tpu.memory_space<vmem>> -> memref<128xi32, #tpu.memory_space<vmem>>
          %dma_start3A_128 = arith.constant 0 : i32
          %dma_start3A_129 = arith.constant 0 : i32
          %dma_start3A_130 = tpu.memref_slice %arg11[%dma_start3A_128, %dma_start3A_129] : memref<10240x128xf32, #tpu.memory_space<vmem_shared>> -> memref<10240x128xf32, #tpu.memory_space<vmem_shared>>
          tpu.enqueue_indirect_dma source(%arg10 : memref<128x128xf32, #tpu.memory_space<vmem>>) target(%dma_start3A_130 : memref<10240x128xf32, #tpu.memory_space<vmem_shared>>) offsets(%dma_start3A_127 : memref<128xi32, #tpu.memory_space<vmem>>) semaphore(%run_scoped3A : memref<!tpu.dma_semaphore, #tpu.memory_space<semaphore_mem>>) {add = true}
          %dma_wait3A_131 = arith.constant 0 : i32
          %dma_wait3A_132 = tpu.memref_slice %arg8[%add3A_124, %dma_wait3A_131] : memref<16x128xi32, #tpu.memory_space<vmem>> -> memref<1x128xi32, #tpu.memory_space<vmem>>
          %dma_wait3A_133 = tpu.memref_squeeze %dma_wait3A_132 : memref<1x128xi32, #tpu.memory_space<vmem>> -> memref<128xi32, #tpu.memory_space<vmem>>
          %dma_wait3A_134 = arith.constant 0 : i32
          %dma_wait3A_135 = arith.constant 0 : i32
          %dma_wait3A_136 = tpu.memref_slice %arg11[%dma_wait3A_134, %dma_wait3A_135] : memref<10240x128xf32, #tpu.memory_space<vmem_shared>> -> memref<10240x128xf32, #tpu.memory_space<vmem_shared>>
          tpu.wait_indirect_dma semaphore(%run_scoped3A : memref<!tpu.dma_semaphore, #tpu.memory_space<semaphore_mem>>) src(%arg10 : memref<128x128xf32, #tpu.memory_space<vmem>>) dst(%dma_wait3A_136 : memref<10240x128xf32, #tpu.memory_space<vmem_shared>>)
          tpu.yield
        }) : () -> ()
      }
      %scan3A_90 = arith.constant 8 : i32
    }
    %while3A_69 = arith.constant 1 : i32
    scf.for %while3A_75 = %while3A_67 to %while3A_63 step %while3A_69  : i32 {
      %mul3A_76 = arith.muli %while3A_75, %while3A : i32
      %add3A_77 = arith.addi %while3A_60, %mul3A_76 : i32
      %mul3A_78 = arith.constant 16 : i32
      %mul3A_79 = arith.muli %add3A_77, %mul3A_78 : i32
      %add3A_80 = arith.addi %add3A, %mul3A_79 : i32
      "tpu.region"() ({
        %run_scoped3A = tpu.sem_alloc : memref<!tpu.dma_semaphore, #tpu.memory_space<semaphore_mem>>
        %dma_start3A_91 = arith.constant 0 : i32
        %dma_start3A_92 = tpu.memref_slice %arg3[%add3A_80, %dma_start3A_91] : memref<2560x128xi32, #tpu.memory_space<hbm>> -> memref<16x128xi32, #tpu.memory_space<hbm>>
        %dma_start3A_93 = arith.constant 0 : i32
        %dma_start3A_94 = tpu.memref_slice %arg3[%add3A_80, %dma_start3A_93] : memref<2560x128xi32, #tpu.memory_space<hbm>> -> memref<16x128xi32, #tpu.memory_space<hbm>>
        tpu.enqueue_dma source(%dma_start3A_94 : memref<16x128xi32, #tpu.memory_space<hbm>>) target(%arg7 : memref<16x128xi32, #tpu.memory_space<vmem>>) target_semaphore(%run_scoped3A : memref<!tpu.dma_semaphore, #tpu.memory_space<semaphore_mem>>)
        %dma_wait3A = arith.constant 0 : i32
        %dma_wait3A_95 = tpu.memref_slice %arg3[%add3A_80, %dma_wait3A] : memref<2560x128xi32, #tpu.memory_space<hbm>> -> memref<16x128xi32, #tpu.memory_space<hbm>>
        %dma_wait3A_96 = arith.constant 0 : i32
        %dma_wait3A_97 = tpu.memref_slice %arg3[%add3A_80, %dma_wait3A_96] : memref<2560x128xi32, #tpu.memory_space<hbm>> -> memref<16x128xi32, #tpu.memory_space<hbm>>
        tpu.wait_dma2 semaphore(%run_scoped3A : memref<!tpu.dma_semaphore, #tpu.memory_space<semaphore_mem>>) src(%dma_wait3A_97 : memref<16x128xi32, #tpu.memory_space<hbm>>) dst(%arg7 : memref<16x128xi32, #tpu.memory_space<vmem>>)
        tpu.yield
      }) : () -> ()
      "tpu.region"() ({
        %run_scoped3A = tpu.sem_alloc : memref<!tpu.dma_semaphore, #tpu.memory_space<semaphore_mem>>
        %dma_start3A_91 = arith.constant 0 : i32
        %dma_start3A_92 = tpu.memref_slice %arg4[%add3A_80, %dma_start3A_91] : memref<2560x128xi32, #tpu.memory_space<hbm>> -> memref<16x128xi32, #tpu.memory_space<hbm>>
        %dma_start3A_93 = arith.constant 0 : i32
        %dma_start3A_94 = tpu.memref_slice %arg4[%add3A_80, %dma_start3A_93] : memref<2560x128xi32, #tpu.memory_space<hbm>> -> memref<16x128xi32, #tpu.memory_space<hbm>>
        tpu.enqueue_dma source(%dma_start3A_94 : memref<16x128xi32, #tpu.memory_space<hbm>>) target(%arg8 : memref<16x128xi32, #tpu.memory_space<vmem>>) target_semaphore(%run_scoped3A : memref<!tpu.dma_semaphore, #tpu.memory_space<semaphore_mem>>)
        %dma_wait3A = arith.constant 0 : i32
        %dma_wait3A_95 = tpu.memref_slice %arg4[%add3A_80, %dma_wait3A] : memref<2560x128xi32, #tpu.memory_space<hbm>> -> memref<16x128xi32, #tpu.memory_space<hbm>>
        %dma_wait3A_96 = arith.constant 0 : i32
        %dma_wait3A_97 = tpu.memref_slice %arg4[%add3A_80, %dma_wait3A_96] : memref<2560x128xi32, #tpu.memory_space<hbm>> -> memref<16x128xi32, #tpu.memory_space<hbm>>
        tpu.wait_dma2 semaphore(%run_scoped3A : memref<!tpu.dma_semaphore, #tpu.memory_space<semaphore_mem>>) src(%dma_wait3A_97 : memref<16x128xi32, #tpu.memory_space<hbm>>) dst(%arg8 : memref<16x128xi32, #tpu.memory_space<vmem>>)
        tpu.yield
      }) : () -> ()
      %dma_start3A = arith.constant 0 : i32
      %dma_start3A_81 = arith.constant 0 : i32
      %dma_start3A_82 = tpu.memref_slice %arg7[%dma_start3A, %dma_start3A_81] : memref<16x128xi32, #tpu.memory_space<vmem>> -> memref<1x128xi32, #tpu.memory_space<vmem>>
      %dma_start3A_83 = tpu.memref_squeeze %dma_start3A_82 : memref<1x128xi32, #tpu.memory_space<vmem>> -> memref<128xi32, #tpu.memory_space<vmem>>
      %dma_start3A_84 = arith.constant 0 : i32
      %dma_start3A_85 = arith.constant 0 : i32
      %dma_start3A_86 = tpu.memref_slice %arg2[%dma_start3A_84, %dma_start3A_85] : memref<10000x128xf32, #tpu.memory_space<hbm>> -> memref<10000x128xf32, #tpu.memory_space<hbm>>
      tpu.enqueue_indirect_dma source(%dma_start3A_86 : memref<10000x128xf32, #tpu.memory_space<hbm>>) target(%arg9 : memref<128x128xf32, #tpu.memory_space<vmem>>) offsets(%dma_start3A_83 : memref<128xi32, #tpu.memory_space<vmem>>) semaphore(%arg12 : memref<!tpu.dma_semaphore, #tpu.memory_space<semaphore_mem>>)
      %scan3A = arith.constant 0 : i32
      %scan3A_87 = arith.constant 8 : i32
      %scan3A_88 = arith.addi %scan3A, %scan3A_87 : i32
      %scan3A_89 = arith.constant 1 : i32
      scf.for %scan3A_91 = %scan3A to %scan3A_88 step %scan3A_89  : i32 {
        %mul3A_92 = arith.constant 1 : i32
        %mul3A_93 = arith.muli %scan3A_91, %mul3A_92 : i32
        %add3A_94 = arith.constant 0 : i32
        %add3A_95 = arith.addi %add3A_94, %mul3A_93 : i32
        %mul3A_96 = arith.constant 2 : i32
        %mul3A_97 = arith.muli %mul3A_96, %add3A_95 : i32
        %add3A_98 = arith.constant 1 : i32
        %add3A_99 = arith.addi %mul3A_97, %add3A_98 : i32
        %dma_start3A_100 = arith.constant 0 : i32
        %dma_start3A_101 = tpu.memref_slice %arg7[%add3A_99, %dma_start3A_100] : memref<16x128xi32, #tpu.memory_space<vmem>> -> memref<1x128xi32, #tpu.memory_space<vmem>>
        %dma_start3A_102 = tpu.memref_squeeze %dma_start3A_101 : memref<1x128xi32, #tpu.memory_space<vmem>> -> memref<128xi32, #tpu.memory_space<vmem>>
        %dma_start3A_103 = arith.constant 0 : i32
        %dma_start3A_104 = arith.constant 0 : i32
        %dma_start3A_105 = tpu.memref_slice %arg2[%dma_start3A_103, %dma_start3A_104] : memref<10000x128xf32, #tpu.memory_space<hbm>> -> memref<10000x128xf32, #tpu.memory_space<hbm>>
        tpu.enqueue_indirect_dma source(%dma_start3A_105 : memref<10000x128xf32, #tpu.memory_space<hbm>>) target(%arg10 : memref<128x128xf32, #tpu.memory_space<vmem>>) offsets(%dma_start3A_102 : memref<128xi32, #tpu.memory_space<vmem>>) semaphore(%arg13 : memref<!tpu.dma_semaphore, #tpu.memory_space<semaphore_mem>>)
        %dma_wait3A = arith.constant 0 : i32
        %dma_wait3A_106 = tpu.memref_slice %arg7[%mul3A_97, %dma_wait3A] : memref<16x128xi32, #tpu.memory_space<vmem>> -> memref<1x128xi32, #tpu.memory_space<vmem>>
        %dma_wait3A_107 = tpu.memref_squeeze %dma_wait3A_106 : memref<1x128xi32, #tpu.memory_space<vmem>> -> memref<128xi32, #tpu.memory_space<vmem>>
        %dma_wait3A_108 = arith.constant 0 : i32
        %dma_wait3A_109 = arith.constant 0 : i32
        %dma_wait3A_110 = tpu.memref_slice %arg2[%dma_wait3A_108, %dma_wait3A_109] : memref<10000x128xf32, #tpu.memory_space<hbm>> -> memref<10000x128xf32, #tpu.memory_space<hbm>>
        tpu.wait_indirect_dma semaphore(%arg12 : memref<!tpu.dma_semaphore, #tpu.memory_space<semaphore_mem>>) src(%dma_wait3A_110 : memref<10000x128xf32, #tpu.memory_space<hbm>>) dst(%arg9 : memref<128x128xf32, #tpu.memory_space<vmem>>)
        "tpu.region"() ({
          %run_scoped3A = tpu.sem_alloc : memref<!tpu.dma_semaphore, #tpu.memory_space<semaphore_mem>>
          %dma_start3A_125 = arith.constant 0 : i32
          %dma_start3A_126 = tpu.memref_slice %arg8[%mul3A_97, %dma_start3A_125] : memref<16x128xi32, #tpu.memory_space<vmem>> -> memref<1x128xi32, #tpu.memory_space<vmem>>
          %dma_start3A_127 = tpu.memref_squeeze %dma_start3A_126 : memref<1x128xi32, #tpu.memory_space<vmem>> -> memref<128xi32, #tpu.memory_space<vmem>>
          %dma_start3A_128 = arith.constant 0 : i32
          %dma_start3A_129 = arith.constant 0 : i32
          %dma_start3A_130 = tpu.memref_slice %arg11[%dma_start3A_128, %dma_start3A_129] : memref<10240x128xf32, #tpu.memory_space<vmem_shared>> -> memref<10240x128xf32, #tpu.memory_space<vmem_shared>>
          tpu.enqueue_indirect_dma source(%arg9 : memref<128x128xf32, #tpu.memory_space<vmem>>) target(%dma_start3A_130 : memref<10240x128xf32, #tpu.memory_space<vmem_shared>>) offsets(%dma_start3A_127 : memref<128xi32, #tpu.memory_space<vmem>>) semaphore(%run_scoped3A : memref<!tpu.dma_semaphore, #tpu.memory_space<semaphore_mem>>) {add = true}
          %dma_wait3A_131 = arith.constant 0 : i32
          %dma_wait3A_132 = tpu.memref_slice %arg8[%mul3A_97, %dma_wait3A_131] : memref<16x128xi32, #tpu.memory_space<vmem>> -> memref<1x128xi32, #tpu.memory_space<vmem>>
          %dma_wait3A_133 = tpu.memref_squeeze %dma_wait3A_132 : memref<1x128xi32, #tpu.memory_space<vmem>> -> memref<128xi32, #tpu.memory_space<vmem>>
          %dma_wait3A_134 = arith.constant 0 : i32
          %dma_wait3A_135 = arith.constant 0 : i32
          %dma_wait3A_136 = tpu.memref_slice %arg11[%dma_wait3A_134, %dma_wait3A_135] : memref<10240x128xf32, #tpu.memory_space<vmem_shared>> -> memref<10240x128xf32, #tpu.memory_space<vmem_shared>>
          tpu.wait_indirect_dma semaphore(%run_scoped3A : memref<!tpu.dma_semaphore, #tpu.memory_space<semaphore_mem>>) src(%arg9 : memref<128x128xf32, #tpu.memory_space<vmem>>) dst(%dma_wait3A_136 : memref<10240x128xf32, #tpu.memory_space<vmem_shared>>)
          tpu.yield
        }) : () -> ()
        %add3A_111 = arith.constant 2 : i32
        %add3A_112 = arith.addi %mul3A_97, %add3A_111 : i32
        %lt3A = arith.constant 16 : i32
        %lt3A_113 = arith.cmpi slt, %add3A_112, %lt3A : i32
        %convert_element_type3A = arith.extui %lt3A_113 : i1 to i32
        %cond3A = arith.constant 0 : i32
        %cond3A_114 = arith.cmpi ne, %convert_element_type3A, %cond3A : i32
        scf.if %cond3A_114 {
          %add3A_125 = arith.constant 2 : i32
          %add3A_126 = arith.addi %mul3A_97, %add3A_125 : i32
          %dma_start3A_127 = arith.constant 0 : i32
          %dma_start3A_128 = tpu.memref_slice %arg7[%add3A_126, %dma_start3A_127] : memref<16x128xi32, #tpu.memory_space<vmem>> -> memref<1x128xi32, #tpu.memory_space<vmem>>
          %dma_start3A_129 = tpu.memref_squeeze %dma_start3A_128 : memref<1x128xi32, #tpu.memory_space<vmem>> -> memref<128xi32, #tpu.memory_space<vmem>>
          %dma_start3A_130 = arith.constant 0 : i32
          %dma_start3A_131 = arith.constant 0 : i32
          %dma_start3A_132 = tpu.memref_slice %arg2[%dma_start3A_130, %dma_start3A_131] : memref<10000x128xf32, #tpu.memory_space<hbm>> -> memref<10000x128xf32, #tpu.memory_space<hbm>>
          tpu.enqueue_indirect_dma source(%dma_start3A_132 : memref<10000x128xf32, #tpu.memory_space<hbm>>) target(%arg9 : memref<128x128xf32, #tpu.memory_space<vmem>>) offsets(%dma_start3A_129 : memref<128xi32, #tpu.memory_space<vmem>>) semaphore(%arg12 : memref<!tpu.dma_semaphore, #tpu.memory_space<semaphore_mem>>)
        } else {
        }
        %add3A_115 = arith.constant 1 : i32
        %add3A_116 = arith.addi %mul3A_97, %add3A_115 : i32
        %dma_wait3A_117 = arith.constant 0 : i32
        %dma_wait3A_118 = tpu.memref_slice %arg7[%add3A_116, %dma_wait3A_117] : memref<16x128xi32, #tpu.memory_space<vmem>> -> memref<1x128xi32, #tpu.memory_space<vmem>>
        %dma_wait3A_119 = tpu.memref_squeeze %dma_wait3A_118 : memref<1x128xi32, #tpu.memory_space<vmem>> -> memref<128xi32, #tpu.memory_space<vmem>>
        %dma_wait3A_120 = arith.constant 0 : i32
        %dma_wait3A_121 = arith.constant 0 : i32
        %dma_wait3A_122 = tpu.memref_slice %arg2[%dma_wait3A_120, %dma_wait3A_121] : memref<10000x128xf32, #tpu.memory_space<hbm>> -> memref<10000x128xf32, #tpu.memory_space<hbm>>
        tpu.wait_indirect_dma semaphore(%arg13 : memref<!tpu.dma_semaphore, #tpu.memory_space<semaphore_mem>>) src(%dma_wait3A_122 : memref<10000x128xf32, #tpu.memory_space<hbm>>) dst(%arg10 : memref<128x128xf32, #tpu.memory_space<vmem>>)
        %add3A_123 = arith.constant 1 : i32
        %add3A_124 = arith.addi %mul3A_97, %add3A_123 : i32
        "tpu.region"() ({
          %run_scoped3A = tpu.sem_alloc : memref<!tpu.dma_semaphore, #tpu.memory_space<semaphore_mem>>
          %dma_start3A_125 = arith.constant 0 : i32
          %dma_start3A_126 = tpu.memref_slice %arg8[%add3A_124, %dma_start3A_125] : memref<16x128xi32, #tpu.memory_space<vmem>> -> memref<1x128xi32, #tpu.memory_space<vmem>>
          %dma_start3A_127 = tpu.memref_squeeze %dma_start3A_126 : memref<1x128xi32, #tpu.memory_space<vmem>> -> memref<128xi32, #tpu.memory_space<vmem>>
          %dma_start3A_128 = arith.constant 0 : i32
          %dma_start3A_129 = arith.constant 0 : i32
          %dma_start3A_130 = tpu.memref_slice %arg11[%dma_start3A_128, %dma_start3A_129] : memref<10240x128xf32, #tpu.memory_space<vmem_shared>> -> memref<10240x128xf32, #tpu.memory_space<vmem_shared>>
          tpu.enqueue_indirect_dma source(%arg10 : memref<128x128xf32, #tpu.memory_space<vmem>>) target(%dma_start3A_130 : memref<10240x128xf32, #tpu.memory_space<vmem_shared>>) offsets(%dma_start3A_127 : memref<128xi32, #tpu.memory_space<vmem>>) semaphore(%run_scoped3A : memref<!tpu.dma_semaphore, #tpu.memory_space<semaphore_mem>>) {add = true}
          %dma_wait3A_131 = arith.constant 0 : i32
          %dma_wait3A_132 = tpu.memref_slice %arg8[%add3A_124, %dma_wait3A_131] : memref<16x128xi32, #tpu.memory_space<vmem>> -> memref<1x128xi32, #tpu.memory_space<vmem>>
          %dma_wait3A_133 = tpu.memref_squeeze %dma_wait3A_132 : memref<1x128xi32, #tpu.memory_space<vmem>> -> memref<128xi32, #tpu.memory_space<vmem>>
          %dma_wait3A_134 = arith.constant 0 : i32
          %dma_wait3A_135 = arith.constant 0 : i32
          %dma_wait3A_136 = tpu.memref_slice %arg11[%dma_wait3A_134, %dma_wait3A_135] : memref<10240x128xf32, #tpu.memory_space<vmem_shared>> -> memref<10240x128xf32, #tpu.memory_space<vmem_shared>>
          tpu.wait_indirect_dma semaphore(%run_scoped3A : memref<!tpu.dma_semaphore, #tpu.memory_space<semaphore_mem>>) src(%arg10 : memref<128x128xf32, #tpu.memory_space<vmem>>) dst(%dma_wait3A_136 : memref<10240x128xf32, #tpu.memory_space<vmem_shared>>)
          tpu.yield
        }) : () -> ()
      }
      %scan3A_90 = arith.constant 8 : i32
    }
    %barrier3A_70 = arith.constant 0 : index
    tpu.barrier barrier_id(%barrier3A_70)
    %mul3A_71 = arith.constant 640 : i32
    %mul3A_72 = arith.muli %arg1, %mul3A_71 : i32
    %mul3A_73 = arith.constant 640 : i32
    %mul3A_74 = arith.muli %arg1, %mul3A_73 : i32
    "tpu.region"() ({
      %run_scoped3A = tpu.sem_alloc : memref<!tpu.dma_semaphore, #tpu.memory_space<semaphore_mem>>
      %dma_start3A = arith.constant 0 : i32
      %dma_start3A_75 = arith.constant 0 : i32
      %dma_start3A_76 = tpu.memref_slice %arg6[%arg0, %dma_start3A, %dma_start3A_75] : memref<2x10240x128xf32, #tpu.memory_space<hbm>> -> memref<1x10240x128xf32, #tpu.memory_space<hbm>>
      %dma_start3A_77 = tpu.memref_squeeze %dma_start3A_76 : memref<1x10240x128xf32, #tpu.memory_space<hbm>> -> memref<10240x128xf32, #tpu.memory_space<hbm>>
      %dma_start3A_78 = arith.constant 0 : i32
      %dma_start3A_79 = tpu.memref_slice %dma_start3A_77[%mul3A_74, %dma_start3A_78] : memref<10240x128xf32, #tpu.memory_space<hbm>> -> memref<640x128xf32, #tpu.memory_space<hbm>>
      %dma_start3A_80 = arith.constant 0 : i32
      %dma_start3A_81 = tpu.memref_slice %arg11[%mul3A_72, %dma_start3A_80] : memref<10240x128xf32, #tpu.memory_space<vmem_shared>> -> memref<640x128xf32, #tpu.memory_space<vmem_shared>>
      tpu.enqueue_dma source(%dma_start3A_81 : memref<640x128xf32, #tpu.memory_space<vmem_shared>>) target(%dma_start3A_79 : memref<640x128xf32, #tpu.memory_space<hbm>>) target_semaphore(%run_scoped3A : memref<!tpu.dma_semaphore, #tpu.memory_space<semaphore_mem>>)
      %dma_wait3A = arith.constant 0 : i32
      %dma_wait3A_82 = arith.constant 0 : i32
      %dma_wait3A_83 = tpu.memref_slice %arg6[%arg0, %dma_wait3A, %dma_wait3A_82] : memref<2x10240x128xf32, #tpu.memory_space<hbm>> -> memref<1x10240x128xf32, #tpu.memory_space<hbm>>
      %dma_wait3A_84 = tpu.memref_squeeze %dma_wait3A_83 : memref<1x10240x128xf32, #tpu.memory_space<hbm>> -> memref<10240x128xf32, #tpu.memory_space<hbm>>
      %dma_wait3A_85 = arith.constant 0 : i32
      %dma_wait3A_86 = tpu.memref_slice %dma_wait3A_84[%mul3A_74, %dma_wait3A_85] : memref<10240x128xf32, #tpu.memory_space<hbm>> -> memref<640x128xf32, #tpu.memory_space<hbm>>
      %dma_wait3A_87 = arith.constant 0 : i32
      %dma_wait3A_88 = tpu.memref_slice %arg11[%mul3A_72, %dma_wait3A_87] : memref<10240x128xf32, #tpu.memory_space<vmem_shared>> -> memref<640x128xf32, #tpu.memory_space<vmem_shared>>
      tpu.wait_dma2 semaphore(%run_scoped3A : memref<!tpu.dma_semaphore, #tpu.memory_space<semaphore_mem>>) src(%dma_wait3A_88 : memref<640x128xf32, #tpu.memory_space<vmem_shared>>) dst(%dma_wait3A_86 : memref<640x128xf32, #tpu.memory_space<hbm>>)
      tpu.yield
    }) : () -> ()
    return
  }
}

#map = affine_map<(d0, d1) -> (0, 0)>
#map1 = affine_map<(d0, d1) -> (0, 0, 0)>
module attributes {stable_mosaic.version = 14 : i64} {
  func.func @k(%arg0: i32, %arg1: i32, %arg2: memref<10000x128xf32, #tpu.memory_space<hbm>>, %arg3: memref<2560x128xi32, #tpu.memory_space<hbm>>, %arg4: memref<2560x128xi32, #tpu.memory_space<hbm>>, %arg5: memref<128x128xf32, #tpu.memory_space<hbm>>, %arg6: memref<2x10240x128xf32, #tpu.memory_space<hbm>>, %arg7: memref<16x128xi32, #tpu.memory_space<vmem>>, %arg8: memref<16x128xi32, #tpu.memory_space<vmem>>, %arg9: memref<128x128xf32, #tpu.memory_space<vmem>>, %arg10: memref<128x128xf32, #tpu.memory_space<vmem>>, %arg11: memref<10240x128xf32, #tpu.memory_space<vmem_shared>>, %arg12: memref<!tpu.dma_semaphore, #tpu.memory_space<semaphore_mem>>, %arg13: memref<!tpu.dma_semaphore, #tpu.memory_space<semaphore_mem>>) attributes {dimension_semantics = [#tpu.dimension_semantics<core_parallel>, #tpu.dimension_semantics<subcore_parallel>], iteration_bounds = array<i64: 2, 16>, scalar_prefetch = 0 : i64, scratch_operands = 7 : i64, tpu.core_type = #tpu.core_type<sc_vector_subcore>, window_params = [{transform_indices = #map}, {transform_indices = #map}, {transform_indices = #map}, {transform_indices = #map}, {transform_indices = #map1}]} {
    %eq3A = arith.constant 0 : i32
    %eq3A_0 = arith.cmpi eq, %arg0, %eq3A : i32
    %jit3A = arith.constant 144 : i32
    %jit3A_1 = arith.constant 16 : i32
    %select_n3A = arith.select %eq3A_0, %jit3A, %jit3A_1 : i32
    %mul3A = arith.constant 2304 : i32
    %mul3A_2 = arith.muli %arg0, %mul3A : i32
    %mul3A_3 = arith.muli %arg1, %select_n3A : i32
    %add3A = arith.addi %mul3A_2, %mul3A_3 : i32
    %mul3A_4 = arith.constant 5 : i32
    %mul3A_5 = arith.muli %arg1, %mul3A_4 : i32
    %add3A_6 = arith.constant 0 : i32
    %add3A_7 = arith.addi %mul3A_5, %add3A_6 : i32
    %mul3A_8 = arith.constant 128 : i32
    %mul3A_9 = arith.muli %add3A_7, %mul3A_8 : i32
    "tpu.region"() ({
      %run_scoped3A = tpu.sem_alloc : memref<!tpu.dma_semaphore, #tpu.memory_space<semaphore_mem>>
      %dma_start3A = arith.constant 0 : i32
      %dma_start3A_75 = tpu.memref_slice %arg11[%mul3A_9, %dma_start3A] : memref<10240x128xf32, #tpu.memory_space<vmem_shared>> -> memref<128x128xf32, #tpu.memory_space<vmem_shared>>
      tpu.enqueue_dma source(%arg5 : memref<128x128xf32, #tpu.memory_space<hbm>>) target(%dma_start3A_75 : memref<128x128xf32, #tpu.memory_space<vmem_shared>>) target_semaphore(%run_scoped3A : memref<!tpu.dma_semaphore, #tpu.memory_space<semaphore_mem>>)
      %dma_wait3A = arith.constant 0 : i32
      %dma_wait3A_76 = tpu.memref_slice %arg11[%mul3A_9, %dma_wait3A] : memref<10240x128xf32, #tpu.memory_space<vmem_shared>> -> memref<128x128xf32, #tpu.memory_space<vmem_shared>>
      tpu.wait_dma2 semaphore(%run_scoped3A : memref<!tpu.dma_semaphore, #tpu.memory_space<semaphore_mem>>) src(%arg5 : memref<128x128xf32, #tpu.memory_space<hbm>>) dst(%dma_wait3A_76 : memref<128x128xf32, #tpu.memory_space<vmem_shared>>)
      tpu.yield
    }) : () -> ()
    %mul3A_10 = arith.constant 5 : i32
    %mul3A_11 = arith.muli %arg1, %mul3A_10 : i32
    %add3A_12 = arith.constant 1 : i32
    %add3A_13 = arith.addi %mul3A_11, %add3A_12 : i32
    %mul3A_14 = arith.constant 128 : i32
    %mul3A_15 = arith.muli %add3A_13, %mul3A_14 : i32
    "tpu.region"() ({
      %run_scoped3A = tpu.sem_alloc : memref<!tpu.dma_semaphore, #tpu.memory_space<semaphore_mem>>
      %dma_start3A = arith.constant 0 : i32
      %dma_start3A_75 = tpu.memref_slice %arg11[%mul3A_15, %dma_start3A] : memref<10240x128xf32, #tpu.memory_space<vmem_shared>> -> memref<128x128xf32, #tpu.memory_space<vmem_shared>>
      tpu.enqueue_dma source(%arg5 : memref<128x128xf32, #tpu.memory_space<hbm>>) target(%dma_start3A_75 : memref<128x128xf32, #tpu.memory_space<vmem_shared>>) target_semaphore(%run_scoped3A : memref<!tpu.dma_semaphore, #tpu.memory_space<semaphore_mem>>)
      %dma_wait3A = arith.constant 0 : i32
      %dma_wait3A_76 = tpu.memref_slice %arg11[%mul3A_15, %dma_wait3A] : memref<10240x128xf32, #tpu.memory_space<vmem_shared>> -> memref<128x128xf32, #tpu.memory_space<vmem_shared>>
      tpu.wait_dma2 semaphore(%run_scoped3A : memref<!tpu.dma_semaphore, #tpu.memory_space<semaphore_mem>>) src(%arg5 : memref<128x128xf32, #tpu.memory_space<hbm>>) dst(%dma_wait3A_76 : memref<128x128xf32, #tpu.memory_space<vmem_shared>>)
      tpu.yield
    }) : () -> ()
    %mul3A_16 = arith.constant 5 : i32
    %mul3A_17 = arith.muli %arg1, %mul3A_16 : i32
    %add3A_18 = arith.constant 2 : i32
    %add3A_19 = arith.addi %mul3A_17, %add3A_18 : i32
    %mul3A_20 = arith.constant 128 : i32
    %mul3A_21 = arith.muli %add3A_19, %mul3A_20 : i32
    "tpu.region"() ({
      %run_scoped3A = tpu.sem_alloc : memref<!tpu.dma_semaphore, #tpu.memory_space<semaphore_mem>>
      %dma_start3A = arith.constant 0 : i32
      %dma_start3A_75 = tpu.memref_slice %arg11[%mul3A_21, %dma_start3A] : memref<10240x128xf32, #tpu.memory_space<vmem_shared>> -> memref<128x128xf32, #tpu.memory_space<vmem_shared>>
      tpu.enqueue_dma source(%arg5 : memref<128x128xf32, #tpu.memory_space<hbm>>) target(%dma_start3A_75 : memref<128x128xf32, #tpu.memory_space<vmem_shared>>) target_semaphore(%run_scoped3A : memref<!tpu.dma_semaphore, #tpu.memory_space<semaphore_mem>>)
      %dma_wait3A = arith.constant 0 : i32
      %dma_wait3A_76 = tpu.memref_slice %arg11[%mul3A_21, %dma_wait3A] : memref<10240x128xf32, #tpu.memory_space<vmem_shared>> -> memref<128x128xf32, #tpu.memory_space<vmem_shared>>
      tpu.wait_dma2 semaphore(%run_scoped3A : memref<!tpu.dma_semaphore, #tpu.memory_space<semaphore_mem>>) src(%arg5 : memref<128x128xf32, #tpu.memory_space<hbm>>) dst(%dma_wait3A_76 : memref<128x128xf32, #tpu.memory_space<vmem_shared>>)
      tpu.yield
    }) : () -> ()
    %mul3A_22 = arith.constant 5 : i32
    %mul3A_23 = arith.muli %arg1, %mul3A_22 : i32
    %add3A_24 = arith.constant 3 : i32
    %add3A_25 = arith.addi %mul3A_23, %add3A_24 : i32
    %mul3A_26 = arith.constant 128 : i32
    %mul3A_27 = arith.muli %add3A_25, %mul3A_26 : i32
    "tpu.region"() ({
      %run_scoped3A = tpu.sem_alloc : memref<!tpu.dma_semaphore, #tpu.memory_space<semaphore_mem>>
      %dma_start3A = arith.constant 0 : i32
      %dma_start3A_75 = tpu.memref_slice %arg11[%mul3A_27, %dma_start3A] : memref<10240x128xf32, #tpu.memory_space<vmem_shared>> -> memref<128x128xf32, #tpu.memory_space<vmem_shared>>
      tpu.enqueue_dma source(%arg5 : memref<128x128xf32, #tpu.memory_space<hbm>>) target(%dma_start3A_75 : memref<128x128xf32, #tpu.memory_space<vmem_shared>>) target_semaphore(%run_scoped3A : memref<!tpu.dma_semaphore, #tpu.memory_space<semaphore_mem>>)
      %dma_wait3A = arith.constant 0 : i32
      %dma_wait3A_76 = tpu.memref_slice %arg11[%mul3A_27, %dma_wait3A] : memref<10240x128xf32, #tpu.memory_space<vmem_shared>> -> memref<128x128xf32, #tpu.memory_space<vmem_shared>>
      tpu.wait_dma2 semaphore(%run_scoped3A : memref<!tpu.dma_semaphore, #tpu.memory_space<semaphore_mem>>) src(%arg5 : memref<128x128xf32, #tpu.memory_space<hbm>>) dst(%dma_wait3A_76 : memref<128x128xf32, #tpu.memory_space<vmem_shared>>)
      tpu.yield
    }) : () -> ()
    %mul3A_28 = arith.constant 5 : i32
    %mul3A_29 = arith.muli %arg1, %mul3A_28 : i32
    %add3A_30 = arith.constant 4 : i32
    %add3A_31 = arith.addi %mul3A_29, %add3A_30 : i32
    %mul3A_32 = arith.constant 128 : i32
    %mul3A_33 = arith.muli %add3A_31, %mul3A_32 : i32
    "tpu.region"() ({
      %run_scoped3A = tpu.sem_alloc : memref<!tpu.dma_semaphore, #tpu.memory_space<semaphore_mem>>
      %dma_start3A = arith.constant 0 : i32
      %dma_start3A_75 = tpu.memref_slice %arg11[%mul3A_33, %dma_start3A] : memref<10240x128xf32, #tpu.memory_space<vmem_shared>> -> memref<128x128xf32, #tpu.memory_space<vmem_shared>>
      tpu.enqueue_dma source(%arg5 : memref<128x128xf32, #tpu.memory_space<hbm>>) target(%dma_start3A_75 : memref<128x128xf32, #tpu.memory_space<vmem_shared>>) target_semaphore(%run_scoped3A : memref<!tpu.dma_semaphore, #tpu.memory_space<semaphore_mem>>)
      %dma_wait3A = arith.constant 0 : i32
      %dma_wait3A_76 = tpu.memref_slice %arg11[%mul3A_33, %dma_wait3A] : memref<10240x128xf32, #tpu.memory_space<vmem_shared>> -> memref<128x128xf32, #tpu.memory_space<vmem_shared>>
      tpu.wait_dma2 semaphore(%run_scoped3A : memref<!tpu.dma_semaphore, #tpu.memory_space<semaphore_mem>>) src(%arg5 : memref<128x128xf32, #tpu.memory_space<hbm>>) dst(%dma_wait3A_76 : memref<128x128xf32, #tpu.memory_space<vmem_shared>>)
      tpu.yield
    }) : () -> ()
    %barrier3A = arith.constant 0 : index
    tpu.barrier barrier_id(%barrier3A)
    %jit3A_34 = arith.constant 16 : i32
    %div3A = arith.divsi %select_n3A, %jit3A_34 : i32
    %sign3A = arith.constant 0 : i32
    %sign3A_35 = arith.cmpi sgt, %select_n3A, %sign3A : i32
    %sign3A_36 = arith.extui %sign3A_35 : i1 to i32
    %sign3A_37 = arith.constant 0 : i32
    %sign3A_38 = arith.cmpi slt, %select_n3A, %sign3A_37 : i32
    %sign3A_39 = arith.extui %sign3A_38 : i1 to i32
    %sign3A_40 = arith.subi %sign3A_36, %sign3A_39 : i32
    %sign3A_41 = arith.constant 0 : i32
    %sign3A_42 = arith.cmpi sgt, %jit3A_34, %sign3A_41 : i32
    %sign3A_43 = arith.extui %sign3A_42 : i1 to i32
    %sign3A_44 = arith.constant 0 : i32
    %sign3A_45 = arith.cmpi slt, %jit3A_34, %sign3A_44 : i32
    %sign3A_46 = arith.extui %sign3A_45 : i1 to i32
    %sign3A_47 = arith.subi %sign3A_43, %sign3A_46 : i32
    %ne3A = arith.cmpi ne, %sign3A_40, %sign3A_47 : i32
    %rem3A = arith.remsi %select_n3A, %jit3A_34 : i32
    %ne3A_48 = arith.constant 0 : i32
    %ne3A_49 = arith.cmpi ne, %rem3A, %ne3A_48 : i32
    %and3A = arith.andi %ne3A, %ne3A_49 : i1
    %sub3A = arith.constant 1 : i32
    %sub3A_50 = arith.subi %div3A, %sub3A : i32
    %select_n3A_51 = arith.select %and3A, %sub3A_50, %div3A : i32
    %sub3A_52 = arith.constant 0 : i32
    %sub3A_53 = arith.subi %select_n3A_51, %sub3A_52 : i32
    %sub3A_54 = arith.constant 1 : i32
    %sub3A_55 = arith.constant 1 : i32
    %sub3A_56 = arith.subi %sub3A_54, %sub3A_55 : i32
    %add3A_57 = arith.addi %sub3A_53, %sub3A_56 : i32
    %div3A_58 = arith.constant 1 : i32
    %div3A_59 = arith.divsi %add3A_57, %div3A_58 : i32
    %while3A = arith.constant 1 : i32
    %while3A_60 = arith.constant 0 : i32
    %while3A_61 = arith.constant 0 : i32
    %while3A_62 = arith.subi %div3A_59, %while3A_61 : i32
    %while3A_63 = arith.addi %while3A_61, %while3A_62 : i32
    %while3A_64 = arith.constant 1 : i32
    %while3A_65 = arith.divsi %while3A_62, %while3A_64 : i32
    %while3A_66 = arith.muli %while3A_65, %while3A_64 : i32
    %while3A_67 = arith.addi %while3A_61, %while3A_66 : i32
    %while3A_68 = arith.constant 1 : i32
    scf.for %while3A_75 = %while3A_61 to %while3A_67 step %while3A_68  : i32 {
      %mul3A_76 = arith.muli %while3A_75, %while3A : i32
      %add3A_77 = arith.addi %while3A_60, %mul3A_76 : i32
      %mul3A_78 = arith.constant 16 : i32
      %mul3A_79 = arith.muli %add3A_77, %mul3A_78 : i32
      %add3A_80 = arith.addi %add3A, %mul3A_79 : i32
      "tpu.region"() ({
        %run_scoped3A = tpu.sem_alloc : memref<!tpu.dma_semaphore, #tpu.memory_space<semaphore_mem>>
        %dma_start3A_91 = arith.constant 0 : i32
        %dma_start3A_92 = tpu.memref_slice %arg3[%add3A_80, %dma_start3A_91] : memref<2560x128xi32, #tpu.memory_space<hbm>> -> memref<16x128xi32, #tpu.memory_space<hbm>>
        %dma_start3A_93 = arith.constant 0 : i32
        %dma_start3A_94 = tpu.memref_slice %arg3[%add3A_80, %dma_start3A_93] : memref<2560x128xi32, #tpu.memory_space<hbm>> -> memref<16x128xi32, #tpu.memory_space<hbm>>
        tpu.enqueue_dma source(%dma_start3A_94 : memref<16x128xi32, #tpu.memory_space<hbm>>) target(%arg7 : memref<16x128xi32, #tpu.memory_space<vmem>>) target_semaphore(%run_scoped3A : memref<!tpu.dma_semaphore, #tpu.memory_space<semaphore_mem>>)
        %dma_wait3A = arith.constant 0 : i32
        %dma_wait3A_95 = tpu.memref_slice %arg3[%add3A_80, %dma_wait3A] : memref<2560x128xi32, #tpu.memory_space<hbm>> -> memref<16x128xi32, #tpu.memory_space<hbm>>
        %dma_wait3A_96 = arith.constant 0 : i32
        %dma_wait3A_97 = tpu.memref_slice %arg3[%add3A_80, %dma_wait3A_96] : memref<2560x128xi32, #tpu.memory_space<hbm>> -> memref<16x128xi32, #tpu.memory_space<hbm>>
        tpu.wait_dma2 semaphore(%run_scoped3A : memref<!tpu.dma_semaphore, #tpu.memory_space<semaphore_mem>>) src(%dma_wait3A_97 : memref<16x128xi32, #tpu.memory_space<hbm>>) dst(%arg7 : memref<16x128xi32, #tpu.memory_space<vmem>>)
        tpu.yield
      }) : () -> ()
      "tpu.region"() ({
        %run_scoped3A = tpu.sem_alloc : memref<!tpu.dma_semaphore, #tpu.memory_space<semaphore_mem>>
        %dma_start3A_91 = arith.constant 0 : i32
        %dma_start3A_92 = tpu.memref_slice %arg4[%add3A_80, %dma_start3A_91] : memref<2560x128xi32, #tpu.memory_space<hbm>> -> memref<16x128xi32, #tpu.memory_space<hbm>>
        %dma_start3A_93 = arith.constant 0 : i32
        %dma_start3A_94 = tpu.memref_slice %arg4[%add3A_80, %dma_start3A_93] : memref<2560x128xi32, #tpu.memory_space<hbm>> -> memref<16x128xi32, #tpu.memory_space<hbm>>
        tpu.enqueue_dma source(%dma_start3A_94 : memref<16x128xi32, #tpu.memory_space<hbm>>) target(%arg8 : memref<16x128xi32, #tpu.memory_space<vmem>>) target_semaphore(%run_scoped3A : memref<!tpu.dma_semaphore, #tpu.memory_space<semaphore_mem>>)
        %dma_wait3A = arith.constant 0 : i32
        %dma_wait3A_95 = tpu.memref_slice %arg4[%add3A_80, %dma_wait3A] : memref<2560x128xi32, #tpu.memory_space<hbm>> -> memref<16x128xi32, #tpu.memory_space<hbm>>
        %dma_wait3A_96 = arith.constant 0 : i32
        %dma_wait3A_97 = tpu.memref_slice %arg4[%add3A_80, %dma_wait3A_96] : memref<2560x128xi32, #tpu.memory_space<hbm>> -> memref<16x128xi32, #tpu.memory_space<hbm>>
        tpu.wait_dma2 semaphore(%run_scoped3A : memref<!tpu.dma_semaphore, #tpu.memory_space<semaphore_mem>>) src(%dma_wait3A_97 : memref<16x128xi32, #tpu.memory_space<hbm>>) dst(%arg8 : memref<16x128xi32, #tpu.memory_space<vmem>>)
        tpu.yield
      }) : () -> ()
      %dma_start3A = arith.constant 0 : i32
      %dma_start3A_81 = arith.constant 0 : i32
      %dma_start3A_82 = tpu.memref_slice %arg7[%dma_start3A, %dma_start3A_81] : memref<16x128xi32, #tpu.memory_space<vmem>> -> memref<1x128xi32, #tpu.memory_space<vmem>>
      %dma_start3A_83 = tpu.memref_squeeze %dma_start3A_82 : memref<1x128xi32, #tpu.memory_space<vmem>> -> memref<128xi32, #tpu.memory_space<vmem>>
      %dma_start3A_84 = arith.constant 0 : i32
      %dma_start3A_85 = arith.constant 0 : i32
      %dma_start3A_86 = tpu.memref_slice %arg2[%dma_start3A_84, %dma_start3A_85] : memref<10000x128xf32, #tpu.memory_space<hbm>> -> memref<10000x128xf32, #tpu.memory_space<hbm>>
      tpu.enqueue_indirect_dma source(%dma_start3A_86 : memref<10000x128xf32, #tpu.memory_space<hbm>>) target(%arg9 : memref<128x128xf32, #tpu.memory_space<vmem>>) offsets(%dma_start3A_83 : memref<128xi32, #tpu.memory_space<vmem>>) semaphore(%arg12 : memref<!tpu.dma_semaphore, #tpu.memory_space<semaphore_mem>>)
      %scan3A = arith.constant 0 : i32
      %scan3A_87 = arith.constant 8 : i32
      %scan3A_88 = arith.addi %scan3A, %scan3A_87 : i32
      %scan3A_89 = arith.constant 1 : i32
      scf.for %scan3A_91 = %scan3A to %scan3A_88 step %scan3A_89  : i32 {
        %mul3A_92 = arith.constant 1 : i32
        %mul3A_93 = arith.muli %scan3A_91, %mul3A_92 : i32
        %add3A_94 = arith.constant 0 : i32
        %add3A_95 = arith.addi %add3A_94, %mul3A_93 : i32
        %mul3A_96 = arith.constant 2 : i32
        %mul3A_97 = arith.muli %mul3A_96, %add3A_95 : i32
        %add3A_98 = arith.constant 1 : i32
        %add3A_99 = arith.addi %mul3A_97, %add3A_98 : i32
        %dma_start3A_100 = arith.constant 0 : i32
        %dma_start3A_101 = tpu.memref_slice %arg7[%add3A_99, %dma_start3A_100] : memref<16x128xi32, #tpu.memory_space<vmem>> -> memref<1x128xi32, #tpu.memory_space<vmem>>
        %dma_start3A_102 = tpu.memref_squeeze %dma_start3A_101 : memref<1x128xi32, #tpu.memory_space<vmem>> -> memref<128xi32, #tpu.memory_space<vmem>>
        %dma_start3A_103 = arith.constant 0 : i32
        %dma_start3A_104 = arith.constant 0 : i32
        %dma_start3A_105 = tpu.memref_slice %arg2[%dma_start3A_103, %dma_start3A_104] : memref<10000x128xf32, #tpu.memory_space<hbm>> -> memref<10000x128xf32, #tpu.memory_space<hbm>>
        tpu.enqueue_indirect_dma source(%dma_start3A_105 : memref<10000x128xf32, #tpu.memory_space<hbm>>) target(%arg10 : memref<128x128xf32, #tpu.memory_space<vmem>>) offsets(%dma_start3A_102 : memref<128xi32, #tpu.memory_space<vmem>>) semaphore(%arg13 : memref<!tpu.dma_semaphore, #tpu.memory_space<semaphore_mem>>)
        %dma_wait3A = arith.constant 0 : i32
        %dma_wait3A_106 = tpu.memref_slice %arg7[%mul3A_97, %dma_wait3A] : memref<16x128xi32, #tpu.memory_space<vmem>> -> memref<1x128xi32, #tpu.memory_space<vmem>>
        %dma_wait3A_107 = tpu.memref_squeeze %dma_wait3A_106 : memref<1x128xi32, #tpu.memory_space<vmem>> -> memref<128xi32, #tpu.memory_space<vmem>>
        %dma_wait3A_108 = arith.constant 0 : i32
        %dma_wait3A_109 = arith.constant 0 : i32
        %dma_wait3A_110 = tpu.memref_slice %arg2[%dma_wait3A_108, %dma_wait3A_109] : memref<10000x128xf32, #tpu.memory_space<hbm>> -> memref<10000x128xf32, #tpu.memory_space<hbm>>
        tpu.wait_indirect_dma semaphore(%arg12 : memref<!tpu.dma_semaphore, #tpu.memory_space<semaphore_mem>>) src(%dma_wait3A_110 : memref<10000x128xf32, #tpu.memory_space<hbm>>) dst(%arg9 : memref<128x128xf32, #tpu.memory_space<vmem>>)
        "tpu.region"() ({
          %run_scoped3A = tpu.sem_alloc : memref<!tpu.dma_semaphore, #tpu.memory_space<semaphore_mem>>
          %dma_start3A_125 = arith.constant 0 : i32
          %dma_start3A_126 = tpu.memref_slice %arg8[%mul3A_97, %dma_start3A_125] : memref<16x128xi32, #tpu.memory_space<vmem>> -> memref<1x128xi32, #tpu.memory_space<vmem>>
          %dma_start3A_127 = tpu.memref_squeeze %dma_start3A_126 : memref<1x128xi32, #tpu.memory_space<vmem>> -> memref<128xi32, #tpu.memory_space<vmem>>
          %dma_start3A_128 = arith.constant 0 : i32
          %dma_start3A_129 = arith.constant 0 : i32
          %dma_start3A_130 = tpu.memref_slice %arg11[%dma_start3A_128, %dma_start3A_129] : memref<10240x128xf32, #tpu.memory_space<vmem_shared>> -> memref<10240x128xf32, #tpu.memory_space<vmem_shared>>
          tpu.enqueue_indirect_dma source(%arg9 : memref<128x128xf32, #tpu.memory_space<vmem>>) target(%dma_start3A_130 : memref<10240x128xf32, #tpu.memory_space<vmem_shared>>) offsets(%dma_start3A_127 : memref<128xi32, #tpu.memory_space<vmem>>) semaphore(%run_scoped3A : memref<!tpu.dma_semaphore, #tpu.memory_space<semaphore_mem>>) {add = true}
          %dma_wait3A_131 = arith.constant 0 : i32
          %dma_wait3A_132 = tpu.memref_slice %arg8[%mul3A_97, %dma_wait3A_131] : memref<16x128xi32, #tpu.memory_space<vmem>> -> memref<1x128xi32, #tpu.memory_space<vmem>>
          %dma_wait3A_133 = tpu.memref_squeeze %dma_wait3A_132 : memref<1x128xi32, #tpu.memory_space<vmem>> -> memref<128xi32, #tpu.memory_space<vmem>>
          %dma_wait3A_134 = arith.constant 0 : i32
          %dma_wait3A_135 = arith.constant 0 : i32
          %dma_wait3A_136 = tpu.memref_slice %arg11[%dma_wait3A_134, %dma_wait3A_135] : memref<10240x128xf32, #tpu.memory_space<vmem_shared>> -> memref<10240x128xf32, #tpu.memory_space<vmem_shared>>
          tpu.wait_indirect_dma semaphore(%run_scoped3A : memref<!tpu.dma_semaphore, #tpu.memory_space<semaphore_mem>>) src(%arg9 : memref<128x128xf32, #tpu.memory_space<vmem>>) dst(%dma_wait3A_136 : memref<10240x128xf32, #tpu.memory_space<vmem_shared>>)
          tpu.yield
        }) : () -> ()
        %add3A_111 = arith.constant 2 : i32
        %add3A_112 = arith.addi %mul3A_97, %add3A_111 : i32
        %lt3A = arith.constant 16 : i32
        %lt3A_113 = arith.cmpi slt, %add3A_112, %lt3A : i32
        %convert_element_type3A = arith.extui %lt3A_113 : i1 to i32
        %cond3A = arith.constant 0 : i32
        %cond3A_114 = arith.cmpi ne, %convert_element_type3A, %cond3A : i32
        scf.if %cond3A_114 {
          %add3A_125 = arith.constant 2 : i32
          %add3A_126 = arith.addi %mul3A_97, %add3A_125 : i32
          %dma_start3A_127 = arith.constant 0 : i32
          %dma_start3A_128 = tpu.memref_slice %arg7[%add3A_126, %dma_start3A_127] : memref<16x128xi32, #tpu.memory_space<vmem>> -> memref<1x128xi32, #tpu.memory_space<vmem>>
          %dma_start3A_129 = tpu.memref_squeeze %dma_start3A_128 : memref<1x128xi32, #tpu.memory_space<vmem>> -> memref<128xi32, #tpu.memory_space<vmem>>
          %dma_start3A_130 = arith.constant 0 : i32
          %dma_start3A_131 = arith.constant 0 : i32
          %dma_start3A_132 = tpu.memref_slice %arg2[%dma_start3A_130, %dma_start3A_131] : memref<10000x128xf32, #tpu.memory_space<hbm>> -> memref<10000x128xf32, #tpu.memory_space<hbm>>
          tpu.enqueue_indirect_dma source(%dma_start3A_132 : memref<10000x128xf32, #tpu.memory_space<hbm>>) target(%arg9 : memref<128x128xf32, #tpu.memory_space<vmem>>) offsets(%dma_start3A_129 : memref<128xi32, #tpu.memory_space<vmem>>) semaphore(%arg12 : memref<!tpu.dma_semaphore, #tpu.memory_space<semaphore_mem>>)
        } else {
        }
        %add3A_115 = arith.constant 1 : i32
        %add3A_116 = arith.addi %mul3A_97, %add3A_115 : i32
        %dma_wait3A_117 = arith.constant 0 : i32
        %dma_wait3A_118 = tpu.memref_slice %arg7[%add3A_116, %dma_wait3A_117] : memref<16x128xi32, #tpu.memory_space<vmem>> -> memref<1x128xi32, #tpu.memory_space<vmem>>
        %dma_wait3A_119 = tpu.memref_squeeze %dma_wait3A_118 : memref<1x128xi32, #tpu.memory_space<vmem>> -> memref<128xi32, #tpu.memory_space<vmem>>
        %dma_wait3A_120 = arith.constant 0 : i32
        %dma_wait3A_121 = arith.constant 0 : i32
        %dma_wait3A_122 = tpu.memref_slice %arg2[%dma_wait3A_120, %dma_wait3A_121] : memref<10000x128xf32, #tpu.memory_space<hbm>> -> memref<10000x128xf32, #tpu.memory_space<hbm>>
        tpu.wait_indirect_dma semaphore(%arg13 : memref<!tpu.dma_semaphore, #tpu.memory_space<semaphore_mem>>) src(%dma_wait3A_122 : memref<10000x128xf32, #tpu.memory_space<hbm>>) dst(%arg10 : memref<128x128xf32, #tpu.memory_space<vmem>>)
        %add3A_123 = arith.constant 1 : i32
        %add3A_124 = arith.addi %mul3A_97, %add3A_123 : i32
        "tpu.region"() ({
          %run_scoped3A = tpu.sem_alloc : memref<!tpu.dma_semaphore, #tpu.memory_space<semaphore_mem>>
          %dma_start3A_125 = arith.constant 0 : i32
          %dma_start3A_126 = tpu.memref_slice %arg8[%add3A_124, %dma_start3A_125] : memref<16x128xi32, #tpu.memory_space<vmem>> -> memref<1x128xi32, #tpu.memory_space<vmem>>
          %dma_start3A_127 = tpu.memref_squeeze %dma_start3A_126 : memref<1x128xi32, #tpu.memory_space<vmem>> -> memref<128xi32, #tpu.memory_space<vmem>>
          %dma_start3A_128 = arith.constant 0 : i32
          %dma_start3A_129 = arith.constant 0 : i32
          %dma_start3A_130 = tpu.memref_slice %arg11[%dma_start3A_128, %dma_start3A_129] : memref<10240x128xf32, #tpu.memory_space<vmem_shared>> -> memref<10240x128xf32, #tpu.memory_space<vmem_shared>>
          tpu.enqueue_indirect_dma source(%arg10 : memref<128x128xf32, #tpu.memory_space<vmem>>) target(%dma_start3A_130 : memref<10240x128xf32, #tpu.memory_space<vmem_shared>>) offsets(%dma_start3A_127 : memref<128xi32, #tpu.memory_space<vmem>>) semaphore(%run_scoped3A : memref<!tpu.dma_semaphore, #tpu.memory_space<semaphore_mem>>) {add = true}
          %dma_wait3A_131 = arith.constant 0 : i32
          %dma_wait3A_132 = tpu.memref_slice %arg8[%add3A_124, %dma_wait3A_131] : memref<16x128xi32, #tpu.memory_space<vmem>> -> memref<1x128xi32, #tpu.memory_space<vmem>>
          %dma_wait3A_133 = tpu.memref_squeeze %dma_wait3A_132 : memref<1x128xi32, #tpu.memory_space<vmem>> -> memref<128xi32, #tpu.memory_space<vmem>>
          %dma_wait3A_134 = arith.constant 0 : i32
          %dma_wait3A_135 = arith.constant 0 : i32
          %dma_wait3A_136 = tpu.memref_slice %arg11[%dma_wait3A_134, %dma_wait3A_135] : memref<10240x128xf32, #tpu.memory_space<vmem_shared>> -> memref<10240x128xf32, #tpu.memory_space<vmem_shared>>
          tpu.wait_indirect_dma semaphore(%run_scoped3A : memref<!tpu.dma_semaphore, #tpu.memory_space<semaphore_mem>>) src(%arg10 : memref<128x128xf32, #tpu.memory_space<vmem>>) dst(%dma_wait3A_136 : memref<10240x128xf32, #tpu.memory_space<vmem_shared>>)
          tpu.yield
        }) : () -> ()
      }
      %scan3A_90 = arith.constant 8 : i32
    }
    %while3A_69 = arith.constant 1 : i32
    scf.for %while3A_75 = %while3A_67 to %while3A_63 step %while3A_69  : i32 {
      %mul3A_76 = arith.muli %while3A_75, %while3A : i32
      %add3A_77 = arith.addi %while3A_60, %mul3A_76 : i32
      %mul3A_78 = arith.constant 16 : i32
      %mul3A_79 = arith.muli %add3A_77, %mul3A_78 : i32
      %add3A_80 = arith.addi %add3A, %mul3A_79 : i32
      "tpu.region"() ({
        %run_scoped3A = tpu.sem_alloc : memref<!tpu.dma_semaphore, #tpu.memory_space<semaphore_mem>>
        %dma_start3A_91 = arith.constant 0 : i32
        %dma_start3A_92 = tpu.memref_slice %arg3[%add3A_80, %dma_start3A_91] : memref<2560x128xi32, #tpu.memory_space<hbm>> -> memref<16x128xi32, #tpu.memory_space<hbm>>
        %dma_start3A_93 = arith.constant 0 : i32
        %dma_start3A_94 = tpu.memref_slice %arg3[%add3A_80, %dma_start3A_93] : memref<2560x128xi32, #tpu.memory_space<hbm>> -> memref<16x128xi32, #tpu.memory_space<hbm>>
        tpu.enqueue_dma source(%dma_start3A_94 : memref<16x128xi32, #tpu.memory_space<hbm>>) target(%arg7 : memref<16x128xi32, #tpu.memory_space<vmem>>) target_semaphore(%run_scoped3A : memref<!tpu.dma_semaphore, #tpu.memory_space<semaphore_mem>>)
        %dma_wait3A = arith.constant 0 : i32
        %dma_wait3A_95 = tpu.memref_slice %arg3[%add3A_80, %dma_wait3A] : memref<2560x128xi32, #tpu.memory_space<hbm>> -> memref<16x128xi32, #tpu.memory_space<hbm>>
        %dma_wait3A_96 = arith.constant 0 : i32
        %dma_wait3A_97 = tpu.memref_slice %arg3[%add3A_80, %dma_wait3A_96] : memref<2560x128xi32, #tpu.memory_space<hbm>> -> memref<16x128xi32, #tpu.memory_space<hbm>>
        tpu.wait_dma2 semaphore(%run_scoped3A : memref<!tpu.dma_semaphore, #tpu.memory_space<semaphore_mem>>) src(%dma_wait3A_97 : memref<16x128xi32, #tpu.memory_space<hbm>>) dst(%arg7 : memref<16x128xi32, #tpu.memory_space<vmem>>)
        tpu.yield
      }) : () -> ()
      "tpu.region"() ({
        %run_scoped3A = tpu.sem_alloc : memref<!tpu.dma_semaphore, #tpu.memory_space<semaphore_mem>>
        %dma_start3A_91 = arith.constant 0 : i32
        %dma_start3A_92 = tpu.memref_slice %arg4[%add3A_80, %dma_start3A_91] : memref<2560x128xi32, #tpu.memory_space<hbm>> -> memref<16x128xi32, #tpu.memory_space<hbm>>
        %dma_start3A_93 = arith.constant 0 : i32
        %dma_start3A_94 = tpu.memref_slice %arg4[%add3A_80, %dma_start3A_93] : memref<2560x128xi32, #tpu.memory_space<hbm>> -> memref<16x128xi32, #tpu.memory_space<hbm>>
        tpu.enqueue_dma source(%dma_start3A_94 : memref<16x128xi32, #tpu.memory_space<hbm>>) target(%arg8 : memref<16x128xi32, #tpu.memory_space<vmem>>) target_semaphore(%run_scoped3A : memref<!tpu.dma_semaphore, #tpu.memory_space<semaphore_mem>>)
        %dma_wait3A = arith.constant 0 : i32
        %dma_wait3A_95 = tpu.memref_slice %arg4[%add3A_80, %dma_wait3A] : memref<2560x128xi32, #tpu.memory_space<hbm>> -> memref<16x128xi32, #tpu.memory_space<hbm>>
        %dma_wait3A_96 = arith.constant 0 : i32
        %dma_wait3A_97 = tpu.memref_slice %arg4[%add3A_80, %dma_wait3A_96] : memref<2560x128xi32, #tpu.memory_space<hbm>> -> memref<16x128xi32, #tpu.memory_space<hbm>>
        tpu.wait_dma2 semaphore(%run_scoped3A : memref<!tpu.dma_semaphore, #tpu.memory_space<semaphore_mem>>) src(%dma_wait3A_97 : memref<16x128xi32, #tpu.memory_space<hbm>>) dst(%arg8 : memref<16x128xi32, #tpu.memory_space<vmem>>)
        tpu.yield
      }) : () -> ()
      %dma_start3A = arith.constant 0 : i32
      %dma_start3A_81 = arith.constant 0 : i32
      %dma_start3A_82 = tpu.memref_slice %arg7[%dma_start3A, %dma_start3A_81] : memref<16x128xi32, #tpu.memory_space<vmem>> -> memref<1x128xi32, #tpu.memory_space<vmem>>
      %dma_start3A_83 = tpu.memref_squeeze %dma_start3A_82 : memref<1x128xi32, #tpu.memory_space<vmem>> -> memref<128xi32, #tpu.memory_space<vmem>>
      %dma_start3A_84 = arith.constant 0 : i32
      %dma_start3A_85 = arith.constant 0 : i32
      %dma_start3A_86 = tpu.memref_slice %arg2[%dma_start3A_84, %dma_start3A_85] : memref<10000x128xf32, #tpu.memory_space<hbm>> -> memref<10000x128xf32, #tpu.memory_space<hbm>>
      tpu.enqueue_indirect_dma source(%dma_start3A_86 : memref<10000x128xf32, #tpu.memory_space<hbm>>) target(%arg9 : memref<128x128xf32, #tpu.memory_space<vmem>>) offsets(%dma_start3A_83 : memref<128xi32, #tpu.memory_space<vmem>>) semaphore(%arg12 : memref<!tpu.dma_semaphore, #tpu.memory_space<semaphore_mem>>)
      %scan3A = arith.constant 0 : i32
      %scan3A_87 = arith.constant 8 : i32
      %scan3A_88 = arith.addi %scan3A, %scan3A_87 : i32
      %scan3A_89 = arith.constant 1 : i32
      scf.for %scan3A_91 = %scan3A to %scan3A_88 step %scan3A_89  : i32 {
        %mul3A_92 = arith.constant 1 : i32
        %mul3A_93 = arith.muli %scan3A_91, %mul3A_92 : i32
        %add3A_94 = arith.constant 0 : i32
        %add3A_95 = arith.addi %add3A_94, %mul3A_93 : i32
        %mul3A_96 = arith.constant 2 : i32
        %mul3A_97 = arith.muli %mul3A_96, %add3A_95 : i32
        %add3A_98 = arith.constant 1 : i32
        %add3A_99 = arith.addi %mul3A_97, %add3A_98 : i32
        %dma_start3A_100 = arith.constant 0 : i32
        %dma_start3A_101 = tpu.memref_slice %arg7[%add3A_99, %dma_start3A_100] : memref<16x128xi32, #tpu.memory_space<vmem>> -> memref<1x128xi32, #tpu.memory_space<vmem>>
        %dma_start3A_102 = tpu.memref_squeeze %dma_start3A_101 : memref<1x128xi32, #tpu.memory_space<vmem>> -> memref<128xi32, #tpu.memory_space<vmem>>
        %dma_start3A_103 = arith.constant 0 : i32
        %dma_start3A_104 = arith.constant 0 : i32
        %dma_start3A_105 = tpu.memref_slice %arg2[%dma_start3A_103, %dma_start3A_104] : memref<10000x128xf32, #tpu.memory_space<hbm>> -> memref<10000x128xf32, #tpu.memory_space<hbm>>
        tpu.enqueue_indirect_dma source(%dma_start3A_105 : memref<10000x128xf32, #tpu.memory_space<hbm>>) target(%arg10 : memref<128x128xf32, #tpu.memory_space<vmem>>) offsets(%dma_start3A_102 : memref<128xi32, #tpu.memory_space<vmem>>) semaphore(%arg13 : memref<!tpu.dma_semaphore, #tpu.memory_space<semaphore_mem>>)
        %dma_wait3A = arith.constant 0 : i32
        %dma_wait3A_106 = tpu.memref_slice %arg7[%mul3A_97, %dma_wait3A] : memref<16x128xi32, #tpu.memory_space<vmem>> -> memref<1x128xi32, #tpu.memory_space<vmem>>
        %dma_wait3A_107 = tpu.memref_squeeze %dma_wait3A_106 : memref<1x128xi32, #tpu.memory_space<vmem>> -> memref<128xi32, #tpu.memory_space<vmem>>
        %dma_wait3A_108 = arith.constant 0 : i32
        %dma_wait3A_109 = arith.constant 0 : i32
        %dma_wait3A_110 = tpu.memref_slice %arg2[%dma_wait3A_108, %dma_wait3A_109] : memref<10000x128xf32, #tpu.memory_space<hbm>> -> memref<10000x128xf32, #tpu.memory_space<hbm>>
        tpu.wait_indirect_dma semaphore(%arg12 : memref<!tpu.dma_semaphore, #tpu.memory_space<semaphore_mem>>) src(%dma_wait3A_110 : memref<10000x128xf32, #tpu.memory_space<hbm>>) dst(%arg9 : memref<128x128xf32, #tpu.memory_space<vmem>>)
        "tpu.region"() ({
          %run_scoped3A = tpu.sem_alloc : memref<!tpu.dma_semaphore, #tpu.memory_space<semaphore_mem>>
          %dma_start3A_125 = arith.constant 0 : i32
          %dma_start3A_126 = tpu.memref_slice %arg8[%mul3A_97, %dma_start3A_125] : memref<16x128xi32, #tpu.memory_space<vmem>> -> memref<1x128xi32, #tpu.memory_space<vmem>>
          %dma_start3A_127 = tpu.memref_squeeze %dma_start3A_126 : memref<1x128xi32, #tpu.memory_space<vmem>> -> memref<128xi32, #tpu.memory_space<vmem>>
          %dma_start3A_128 = arith.constant 0 : i32
          %dma_start3A_129 = arith.constant 0 : i32
          %dma_start3A_130 = tpu.memref_slice %arg11[%dma_start3A_128, %dma_start3A_129] : memref<10240x128xf32, #tpu.memory_space<vmem_shared>> -> memref<10240x128xf32, #tpu.memory_space<vmem_shared>>
          tpu.enqueue_indirect_dma source(%arg9 : memref<128x128xf32, #tpu.memory_space<vmem>>) target(%dma_start3A_130 : memref<10240x128xf32, #tpu.memory_space<vmem_shared>>) offsets(%dma_start3A_127 : memref<128xi32, #tpu.memory_space<vmem>>) semaphore(%run_scoped3A : memref<!tpu.dma_semaphore, #tpu.memory_space<semaphore_mem>>) {add = true}
          %dma_wait3A_131 = arith.constant 0 : i32
          %dma_wait3A_132 = tpu.memref_slice %arg8[%mul3A_97, %dma_wait3A_131] : memref<16x128xi32, #tpu.memory_space<vmem>> -> memref<1x128xi32, #tpu.memory_space<vmem>>
          %dma_wait3A_133 = tpu.memref_squeeze %dma_wait3A_132 : memref<1x128xi32, #tpu.memory_space<vmem>> -> memref<128xi32, #tpu.memory_space<vmem>>
          %dma_wait3A_134 = arith.constant 0 : i32
          %dma_wait3A_135 = arith.constant 0 : i32
          %dma_wait3A_136 = tpu.memref_slice %arg11[%dma_wait3A_134, %dma_wait3A_135] : memref<10240x128xf32, #tpu.memory_space<vmem_shared>> -> memref<10240x128xf32, #tpu.memory_space<vmem_shared>>
          tpu.wait_indirect_dma semaphore(%run_scoped3A : memref<!tpu.dma_semaphore, #tpu.memory_space<semaphore_mem>>) src(%arg9 : memref<128x128xf32, #tpu.memory_space<vmem>>) dst(%dma_wait3A_136 : memref<10240x128xf32, #tpu.memory_space<vmem_shared>>)
          tpu.yield
        }) : () -> ()
        %add3A_111 = arith.constant 2 : i32
        %add3A_112 = arith.addi %mul3A_97, %add3A_111 : i32
        %lt3A = arith.constant 16 : i32
        %lt3A_113 = arith.cmpi slt, %add3A_112, %lt3A : i32
        %convert_element_type3A = arith.extui %lt3A_113 : i1 to i32
        %cond3A = arith.constant 0 : i32
        %cond3A_114 = arith.cmpi ne, %convert_element_type3A, %cond3A : i32
        scf.if %cond3A_114 {
          %add3A_125 = arith.constant 2 : i32
          %add3A_126 = arith.addi %mul3A_97, %add3A_125 : i32
          %dma_start3A_127 = arith.constant 0 : i32
          %dma_start3A_128 = tpu.memref_slice %arg7[%add3A_126, %dma_start3A_127] : memref<16x128xi32, #tpu.memory_space<vmem>> -> memref<1x128xi32, #tpu.memory_space<vmem>>
          %dma_start3A_129 = tpu.memref_squeeze %dma_start3A_128 : memref<1x128xi32, #tpu.memory_space<vmem>> -> memref<128xi32, #tpu.memory_space<vmem>>
          %dma_start3A_130 = arith.constant 0 : i32
          %dma_start3A_131 = arith.constant 0 : i32
          %dma_start3A_132 = tpu.memref_slice %arg2[%dma_start3A_130, %dma_start3A_131] : memref<10000x128xf32, #tpu.memory_space<hbm>> -> memref<10000x128xf32, #tpu.memory_space<hbm>>
          tpu.enqueue_indirect_dma source(%dma_start3A_132 : memref<10000x128xf32, #tpu.memory_space<hbm>>) target(%arg9 : memref<128x128xf32, #tpu.memory_space<vmem>>) offsets(%dma_start3A_129 : memref<128xi32, #tpu.memory_space<vmem>>) semaphore(%arg12 : memref<!tpu.dma_semaphore, #tpu.memory_space<semaphore_mem>>)
        } else {
        }
        %add3A_115 = arith.constant 1 : i32
        %add3A_116 = arith.addi %mul3A_97, %add3A_115 : i32
        %dma_wait3A_117 = arith.constant 0 : i32
        %dma_wait3A_118 = tpu.memref_slice %arg7[%add3A_116, %dma_wait3A_117] : memref<16x128xi32, #tpu.memory_space<vmem>> -> memref<1x128xi32, #tpu.memory_space<vmem>>
        %dma_wait3A_119 = tpu.memref_squeeze %dma_wait3A_118 : memref<1x128xi32, #tpu.memory_space<vmem>> -> memref<128xi32, #tpu.memory_space<vmem>>
        %dma_wait3A_120 = arith.constant 0 : i32
        %dma_wait3A_121 = arith.constant 0 : i32
        %dma_wait3A_122 = tpu.memref_slice %arg2[%dma_wait3A_120, %dma_wait3A_121] : memref<10000x128xf32, #tpu.memory_space<hbm>> -> memref<10000x128xf32, #tpu.memory_space<hbm>>
        tpu.wait_indirect_dma semaphore(%arg13 : memref<!tpu.dma_semaphore, #tpu.memory_space<semaphore_mem>>) src(%dma_wait3A_122 : memref<10000x128xf32, #tpu.memory_space<hbm>>) dst(%arg10 : memref<128x128xf32, #tpu.memory_space<vmem>>)
        %add3A_123 = arith.constant 1 : i32
        %add3A_124 = arith.addi %mul3A_97, %add3A_123 : i32
        "tpu.region"() ({
          %run_scoped3A = tpu.sem_alloc : memref<!tpu.dma_semaphore, #tpu.memory_space<semaphore_mem>>
          %dma_start3A_125 = arith.constant 0 : i32
          %dma_start3A_126 = tpu.memref_slice %arg8[%add3A_124, %dma_start3A_125] : memref<16x128xi32, #tpu.memory_space<vmem>> -> memref<1x128xi32, #tpu.memory_space<vmem>>
          %dma_start3A_127 = tpu.memref_squeeze %dma_start3A_126 : memref<1x128xi32, #tpu.memory_space<vmem>> -> memref<128xi32, #tpu.memory_space<vmem>>
          %dma_start3A_128 = arith.constant 0 : i32
          %dma_start3A_129 = arith.constant 0 : i32
          %dma_start3A_130 = tpu.memref_slice %arg11[%dma_start3A_128, %dma_start3A_129] : memref<10240x128xf32, #tpu.memory_space<vmem_shared>> -> memref<10240x128xf32, #tpu.memory_space<vmem_shared>>
          tpu.enqueue_indirect_dma source(%arg10 : memref<128x128xf32, #tpu.memory_space<vmem>>) target(%dma_start3A_130 : memref<10240x128xf32, #tpu.memory_space<vmem_shared>>) offsets(%dma_start3A_127 : memref<128xi32, #tpu.memory_space<vmem>>) semaphore(%run_scoped3A : memref<!tpu.dma_semaphore, #tpu.memory_space<semaphore_mem>>) {add = true}
          %dma_wait3A_131 = arith.constant 0 : i32
          %dma_wait3A_132 = tpu.memref_slice %arg8[%add3A_124, %dma_wait3A_131] : memref<16x128xi32, #tpu.memory_space<vmem>> -> memref<1x128xi32, #tpu.memory_space<vmem>>
          %dma_wait3A_133 = tpu.memref_squeeze %dma_wait3A_132 : memref<1x128xi32, #tpu.memory_space<vmem>> -> memref<128xi32, #tpu.memory_space<vmem>>
          %dma_wait3A_134 = arith.constant 0 : i32
          %dma_wait3A_135 = arith.constant 0 : i32
          %dma_wait3A_136 = tpu.memref_slice %arg11[%dma_wait3A_134, %dma_wait3A_135] : memref<10240x128xf32, #tpu.memory_space<vmem_shared>> -> memref<10240x128xf32, #tpu.memory_space<vmem_shared>>
          tpu.wait_indirect_dma semaphore(%run_scoped3A : memref<!tpu.dma_semaphore, #tpu.memory_space<semaphore_mem>>) src(%arg10 : memref<128x128xf32, #tpu.memory_space<vmem>>) dst(%dma_wait3A_136 : memref<10240x128xf32, #tpu.memory_space<vmem_shared>>)
          tpu.yield
        }) : () -> ()
      }
      %scan3A_90 = arith.constant 8 : i32
    }
    %barrier3A_70 = arith.constant 0 : index
    tpu.barrier barrier_id(%barrier3A_70)
    %mul3A_71 = arith.constant 640 : i32
    %mul3A_72 = arith.muli %arg1, %mul3A_71 : i32
    %mul3A_73 = arith.constant 640 : i32
    %mul3A_74 = arith.muli %arg1, %mul3A_73 : i32
    "tpu.region"() ({
      %run_scoped3A = tpu.sem_alloc : memref<!tpu.dma_semaphore, #tpu.memory_space<semaphore_mem>>
      %dma_start3A = arith.constant 0 : i32
      %dma_start3A_75 = arith.constant 0 : i32
      %dma_start3A_76 = tpu.memref_slice %arg6[%arg0, %dma_start3A, %dma_start3A_75] : memref<2x10240x128xf32, #tpu.memory_space<hbm>> -> memref<1x10240x128xf32, #tpu.memory_space<hbm>>
      %dma_start3A_77 = tpu.memref_squeeze %dma_start3A_76 : memref<1x10240x128xf32, #tpu.memory_space<hbm>> -> memref<10240x128xf32, #tpu.memory_space<hbm>>
      %dma_start3A_78 = arith.constant 0 : i32
      %dma_start3A_79 = tpu.memref_slice %dma_start3A_77[%mul3A_74, %dma_start3A_78] : memref<10240x128xf32, #tpu.memory_space<hbm>> -> memref<640x128xf32, #tpu.memory_space<hbm>>
      %dma_start3A_80 = arith.constant 0 : i32
      %dma_start3A_81 = tpu.memref_slice %arg11[%mul3A_72, %dma_start3A_80] : memref<10240x128xf32, #tpu.memory_space<vmem_shared>> -> memref<640x128xf32, #tpu.memory_space<vmem_shared>>
      tpu.enqueue_dma source(%dma_start3A_81 : memref<640x128xf32, #tpu.memory_space<vmem_shared>>) target(%dma_start3A_79 : memref<640x128xf32, #tpu.memory_space<hbm>>) target_semaphore(%run_scoped3A : memref<!tpu.dma_semaphore, #tpu.memory_space<semaphore_mem>>)
      %dma_wait3A = arith.constant 0 : i32
      %dma_wait3A_82 = arith.constant 0 : i32
      %dma_wait3A_83 = tpu.memref_slice %arg6[%arg0, %dma_wait3A, %dma_wait3A_82] : memref<2x10240x128xf32, #tpu.memory_space<hbm>> -> memref<1x10240x128xf32, #tpu.memory_space<hbm>>
      %dma_wait3A_84 = tpu.memref_squeeze %dma_wait3A_83 : memref<1x10240x128xf32, #tpu.memory_space<hbm>> -> memref<10240x128xf32, #tpu.memory_space<hbm>>
      %dma_wait3A_85 = arith.constant 0 : i32
      %dma_wait3A_86 = tpu.memref_slice %dma_wait3A_84[%mul3A_74, %dma_wait3A_85] : memref<10240x128xf32, #tpu.memory_space<hbm>> -> memref<640x128xf32, #tpu.memory_space<hbm>>
      %dma_wait3A_87 = arith.constant 0 : i32
      %dma_wait3A_88 = tpu.memref_slice %arg11[%mul3A_72, %dma_wait3A_87] : memref<10240x128xf32, #tpu.memory_space<vmem_shared>> -> memref<640x128xf32, #tpu.memory_space<vmem_shared>>
      tpu.wait_dma2 semaphore(%run_scoped3A : memref<!tpu.dma_semaphore, #tpu.memory_space<semaphore_mem>>) src(%dma_wait3A_88 : memref<640x128xf32, #tpu.memory_space<vmem_shared>>) dst(%dma_wait3A_86 : memref<640x128xf32, #tpu.memory_space<hbm>>)
      tpu.yield
    }) : () -> ()
    return
  }
}

#map = affine_map<(d0, d1) -> (0, 0)>
#map1 = affine_map<(d0, d1) -> (0, 0, 0)>
module attributes {stable_mosaic.version = 14 : i64} {
  func.func @k(%arg0: i32, %arg1: i32, %arg2: memref<10000x128xf32, #tpu.memory_space<hbm>>, %arg3: memref<2560x128xi32, #tpu.memory_space<hbm>>, %arg4: memref<2560x128xi32, #tpu.memory_space<hbm>>, %arg5: memref<128x128xf32, #tpu.memory_space<hbm>>, %arg6: memref<2x10240x128xf32, #tpu.memory_space<hbm>>, %arg7: memref<16x128xi32, #tpu.memory_space<vmem>>, %arg8: memref<16x128xi32, #tpu.memory_space<vmem>>, %arg9: memref<128x128xf32, #tpu.memory_space<vmem>>, %arg10: memref<128x128xf32, #tpu.memory_space<vmem>>, %arg11: memref<10240x128xf32, #tpu.memory_space<vmem_shared>>, %arg12: memref<!tpu.dma_semaphore, #tpu.memory_space<semaphore_mem>>, %arg13: memref<!tpu.dma_semaphore, #tpu.memory_space<semaphore_mem>>) attributes {dimension_semantics = [#tpu.dimension_semantics<core_parallel>, #tpu.dimension_semantics<subcore_parallel>], iteration_bounds = array<i64: 2, 16>, scalar_prefetch = 0 : i64, scratch_operands = 7 : i64, tpu.core_type = #tpu.core_type<sc_vector_subcore>, window_params = [{transform_indices = #map}, {transform_indices = #map}, {transform_indices = #map}, {transform_indices = #map}, {transform_indices = #map1}]} {
    %eq3A = arith.constant 0 : i32
    %eq3A_0 = arith.cmpi eq, %arg0, %eq3A : i32
    %jit3A = arith.constant 144 : i32
    %jit3A_1 = arith.constant 16 : i32
    %select_n3A = arith.select %eq3A_0, %jit3A, %jit3A_1 : i32
    %mul3A = arith.constant 2304 : i32
    %mul3A_2 = arith.muli %arg0, %mul3A : i32
    %mul3A_3 = arith.muli %arg1, %select_n3A : i32
    %add3A = arith.addi %mul3A_2, %mul3A_3 : i32
    %mul3A_4 = arith.constant 5 : i32
    %mul3A_5 = arith.muli %arg1, %mul3A_4 : i32
    %add3A_6 = arith.constant 0 : i32
    %add3A_7 = arith.addi %mul3A_5, %add3A_6 : i32
    %mul3A_8 = arith.constant 128 : i32
    %mul3A_9 = arith.muli %add3A_7, %mul3A_8 : i32
    "tpu.region"() ({
      %run_scoped3A = tpu.sem_alloc : memref<!tpu.dma_semaphore, #tpu.memory_space<semaphore_mem>>
      %dma_start3A = arith.constant 0 : i32
      %dma_start3A_75 = tpu.memref_slice %arg11[%mul3A_9, %dma_start3A] : memref<10240x128xf32, #tpu.memory_space<vmem_shared>> -> memref<128x128xf32, #tpu.memory_space<vmem_shared>>
      tpu.enqueue_dma source(%arg5 : memref<128x128xf32, #tpu.memory_space<hbm>>) target(%dma_start3A_75 : memref<128x128xf32, #tpu.memory_space<vmem_shared>>) target_semaphore(%run_scoped3A : memref<!tpu.dma_semaphore, #tpu.memory_space<semaphore_mem>>)
      %dma_wait3A = arith.constant 0 : i32
      %dma_wait3A_76 = tpu.memref_slice %arg11[%mul3A_9, %dma_wait3A] : memref<10240x128xf32, #tpu.memory_space<vmem_shared>> -> memref<128x128xf32, #tpu.memory_space<vmem_shared>>
      tpu.wait_dma2 semaphore(%run_scoped3A : memref<!tpu.dma_semaphore, #tpu.memory_space<semaphore_mem>>) src(%arg5 : memref<128x128xf32, #tpu.memory_space<hbm>>) dst(%dma_wait3A_76 : memref<128x128xf32, #tpu.memory_space<vmem_shared>>)
      tpu.yield
    }) : () -> ()
    %mul3A_10 = arith.constant 5 : i32
    %mul3A_11 = arith.muli %arg1, %mul3A_10 : i32
    %add3A_12 = arith.constant 1 : i32
    %add3A_13 = arith.addi %mul3A_11, %add3A_12 : i32
    %mul3A_14 = arith.constant 128 : i32
    %mul3A_15 = arith.muli %add3A_13, %mul3A_14 : i32
    "tpu.region"() ({
      %run_scoped3A = tpu.sem_alloc : memref<!tpu.dma_semaphore, #tpu.memory_space<semaphore_mem>>
      %dma_start3A = arith.constant 0 : i32
      %dma_start3A_75 = tpu.memref_slice %arg11[%mul3A_15, %dma_start3A] : memref<10240x128xf32, #tpu.memory_space<vmem_shared>> -> memref<128x128xf32, #tpu.memory_space<vmem_shared>>
      tpu.enqueue_dma source(%arg5 : memref<128x128xf32, #tpu.memory_space<hbm>>) target(%dma_start3A_75 : memref<128x128xf32, #tpu.memory_space<vmem_shared>>) target_semaphore(%run_scoped3A : memref<!tpu.dma_semaphore, #tpu.memory_space<semaphore_mem>>)
      %dma_wait3A = arith.constant 0 : i32
      %dma_wait3A_76 = tpu.memref_slice %arg11[%mul3A_15, %dma_wait3A] : memref<10240x128xf32, #tpu.memory_space<vmem_shared>> -> memref<128x128xf32, #tpu.memory_space<vmem_shared>>
      tpu.wait_dma2 semaphore(%run_scoped3A : memref<!tpu.dma_semaphore, #tpu.memory_space<semaphore_mem>>) src(%arg5 : memref<128x128xf32, #tpu.memory_space<hbm>>) dst(%dma_wait3A_76 : memref<128x128xf32, #tpu.memory_space<vmem_shared>>)
      tpu.yield
    }) : () -> ()
    %mul3A_16 = arith.constant 5 : i32
    %mul3A_17 = arith.muli %arg1, %mul3A_16 : i32
    %add3A_18 = arith.constant 2 : i32
    %add3A_19 = arith.addi %mul3A_17, %add3A_18 : i32
    %mul3A_20 = arith.constant 128 : i32
    %mul3A_21 = arith.muli %add3A_19, %mul3A_20 : i32
    "tpu.region"() ({
      %run_scoped3A = tpu.sem_alloc : memref<!tpu.dma_semaphore, #tpu.memory_space<semaphore_mem>>
      %dma_start3A = arith.constant 0 : i32
      %dma_start3A_75 = tpu.memref_slice %arg11[%mul3A_21, %dma_start3A] : memref<10240x128xf32, #tpu.memory_space<vmem_shared>> -> memref<128x128xf32, #tpu.memory_space<vmem_shared>>
      tpu.enqueue_dma source(%arg5 : memref<128x128xf32, #tpu.memory_space<hbm>>) target(%dma_start3A_75 : memref<128x128xf32, #tpu.memory_space<vmem_shared>>) target_semaphore(%run_scoped3A : memref<!tpu.dma_semaphore, #tpu.memory_space<semaphore_mem>>)
      %dma_wait3A = arith.constant 0 : i32
      %dma_wait3A_76 = tpu.memref_slice %arg11[%mul3A_21, %dma_wait3A] : memref<10240x128xf32, #tpu.memory_space<vmem_shared>> -> memref<128x128xf32, #tpu.memory_space<vmem_shared>>
      tpu.wait_dma2 semaphore(%run_scoped3A : memref<!tpu.dma_semaphore, #tpu.memory_space<semaphore_mem>>) src(%arg5 : memref<128x128xf32, #tpu.memory_space<hbm>>) dst(%dma_wait3A_76 : memref<128x128xf32, #tpu.memory_space<vmem_shared>>)
      tpu.yield
    }) : () -> ()
    %mul3A_22 = arith.constant 5 : i32
    %mul3A_23 = arith.muli %arg1, %mul3A_22 : i32
    %add3A_24 = arith.constant 3 : i32
    %add3A_25 = arith.addi %mul3A_23, %add3A_24 : i32
    %mul3A_26 = arith.constant 128 : i32
    %mul3A_27 = arith.muli %add3A_25, %mul3A_26 : i32
    "tpu.region"() ({
      %run_scoped3A = tpu.sem_alloc : memref<!tpu.dma_semaphore, #tpu.memory_space<semaphore_mem>>
      %dma_start3A = arith.constant 0 : i32
      %dma_start3A_75 = tpu.memref_slice %arg11[%mul3A_27, %dma_start3A] : memref<10240x128xf32, #tpu.memory_space<vmem_shared>> -> memref<128x128xf32, #tpu.memory_space<vmem_shared>>
      tpu.enqueue_dma source(%arg5 : memref<128x128xf32, #tpu.memory_space<hbm>>) target(%dma_start3A_75 : memref<128x128xf32, #tpu.memory_space<vmem_shared>>) target_semaphore(%run_scoped3A : memref<!tpu.dma_semaphore, #tpu.memory_space<semaphore_mem>>)
      %dma_wait3A = arith.constant 0 : i32
      %dma_wait3A_76 = tpu.memref_slice %arg11[%mul3A_27, %dma_wait3A] : memref<10240x128xf32, #tpu.memory_space<vmem_shared>> -> memref<128x128xf32, #tpu.memory_space<vmem_shared>>
      tpu.wait_dma2 semaphore(%run_scoped3A : memref<!tpu.dma_semaphore, #tpu.memory_space<semaphore_mem>>) src(%arg5 : memref<128x128xf32, #tpu.memory_space<hbm>>) dst(%dma_wait3A_76 : memref<128x128xf32, #tpu.memory_space<vmem_shared>>)
      tpu.yield
    }) : () -> ()
    %mul3A_28 = arith.constant 5 : i32
    %mul3A_29 = arith.muli %arg1, %mul3A_28 : i32
    %add3A_30 = arith.constant 4 : i32
    %add3A_31 = arith.addi %mul3A_29, %add3A_30 : i32
    %mul3A_32 = arith.constant 128 : i32
    %mul3A_33 = arith.muli %add3A_31, %mul3A_32 : i32
    "tpu.region"() ({
      %run_scoped3A = tpu.sem_alloc : memref<!tpu.dma_semaphore, #tpu.memory_space<semaphore_mem>>
      %dma_start3A = arith.constant 0 : i32
      %dma_start3A_75 = tpu.memref_slice %arg11[%mul3A_33, %dma_start3A] : memref<10240x128xf32, #tpu.memory_space<vmem_shared>> -> memref<128x128xf32, #tpu.memory_space<vmem_shared>>
      tpu.enqueue_dma source(%arg5 : memref<128x128xf32, #tpu.memory_space<hbm>>) target(%dma_start3A_75 : memref<128x128xf32, #tpu.memory_space<vmem_shared>>) target_semaphore(%run_scoped3A : memref<!tpu.dma_semaphore, #tpu.memory_space<semaphore_mem>>)
      %dma_wait3A = arith.constant 0 : i32
      %dma_wait3A_76 = tpu.memref_slice %arg11[%mul3A_33, %dma_wait3A] : memref<10240x128xf32, #tpu.memory_space<vmem_shared>> -> memref<128x128xf32, #tpu.memory_space<vmem_shared>>
      tpu.wait_dma2 semaphore(%run_scoped3A : memref<!tpu.dma_semaphore, #tpu.memory_space<semaphore_mem>>) src(%arg5 : memref<128x128xf32, #tpu.memory_space<hbm>>) dst(%dma_wait3A_76 : memref<128x128xf32, #tpu.memory_space<vmem_shared>>)
      tpu.yield
    }) : () -> ()
    %barrier3A = arith.constant 0 : index
    tpu.barrier barrier_id(%barrier3A)
    %jit3A_34 = arith.constant 16 : i32
    %div3A = arith.divsi %select_n3A, %jit3A_34 : i32
    %sign3A = arith.constant 0 : i32
    %sign3A_35 = arith.cmpi sgt, %select_n3A, %sign3A : i32
    %sign3A_36 = arith.extui %sign3A_35 : i1 to i32
    %sign3A_37 = arith.constant 0 : i32
    %sign3A_38 = arith.cmpi slt, %select_n3A, %sign3A_37 : i32
    %sign3A_39 = arith.extui %sign3A_38 : i1 to i32
    %sign3A_40 = arith.subi %sign3A_36, %sign3A_39 : i32
    %sign3A_41 = arith.constant 0 : i32
    %sign3A_42 = arith.cmpi sgt, %jit3A_34, %sign3A_41 : i32
    %sign3A_43 = arith.extui %sign3A_42 : i1 to i32
    %sign3A_44 = arith.constant 0 : i32
    %sign3A_45 = arith.cmpi slt, %jit3A_34, %sign3A_44 : i32
    %sign3A_46 = arith.extui %sign3A_45 : i1 to i32
    %sign3A_47 = arith.subi %sign3A_43, %sign3A_46 : i32
    %ne3A = arith.cmpi ne, %sign3A_40, %sign3A_47 : i32
    %rem3A = arith.remsi %select_n3A, %jit3A_34 : i32
    %ne3A_48 = arith.constant 0 : i32
    %ne3A_49 = arith.cmpi ne, %rem3A, %ne3A_48 : i32
    %and3A = arith.andi %ne3A, %ne3A_49 : i1
    %sub3A = arith.constant 1 : i32
    %sub3A_50 = arith.subi %div3A, %sub3A : i32
    %select_n3A_51 = arith.select %and3A, %sub3A_50, %div3A : i32
    %sub3A_52 = arith.constant 0 : i32
    %sub3A_53 = arith.subi %select_n3A_51, %sub3A_52 : i32
    %sub3A_54 = arith.constant 1 : i32
    %sub3A_55 = arith.constant 1 : i32
    %sub3A_56 = arith.subi %sub3A_54, %sub3A_55 : i32
    %add3A_57 = arith.addi %sub3A_53, %sub3A_56 : i32
    %div3A_58 = arith.constant 1 : i32
    %div3A_59 = arith.divsi %add3A_57, %div3A_58 : i32
    %while3A = arith.constant 1 : i32
    %while3A_60 = arith.constant 0 : i32
    %while3A_61 = arith.constant 0 : i32
    %while3A_62 = arith.subi %div3A_59, %while3A_61 : i32
    %while3A_63 = arith.addi %while3A_61, %while3A_62 : i32
    %while3A_64 = arith.constant 1 : i32
    %while3A_65 = arith.divsi %while3A_62, %while3A_64 : i32
    %while3A_66 = arith.muli %while3A_65, %while3A_64 : i32
    %while3A_67 = arith.addi %while3A_61, %while3A_66 : i32
    %while3A_68 = arith.constant 1 : i32
    scf.for %while3A_75 = %while3A_61 to %while3A_67 step %while3A_68  : i32 {
      %mul3A_76 = arith.muli %while3A_75, %while3A : i32
      %add3A_77 = arith.addi %while3A_60, %mul3A_76 : i32
      %mul3A_78 = arith.constant 16 : i32
      %mul3A_79 = arith.muli %add3A_77, %mul3A_78 : i32
      %add3A_80 = arith.addi %add3A, %mul3A_79 : i32
      "tpu.region"() ({
        %run_scoped3A = tpu.sem_alloc : memref<!tpu.dma_semaphore, #tpu.memory_space<semaphore_mem>>
        %dma_start3A_91 = arith.constant 0 : i32
        %dma_start3A_92 = tpu.memref_slice %arg3[%add3A_80, %dma_start3A_91] : memref<2560x128xi32, #tpu.memory_space<hbm>> -> memref<16x128xi32, #tpu.memory_space<hbm>>
        %dma_start3A_93 = arith.constant 0 : i32
        %dma_start3A_94 = tpu.memref_slice %arg3[%add3A_80, %dma_start3A_93] : memref<2560x128xi32, #tpu.memory_space<hbm>> -> memref<16x128xi32, #tpu.memory_space<hbm>>
        tpu.enqueue_dma source(%dma_start3A_94 : memref<16x128xi32, #tpu.memory_space<hbm>>) target(%arg7 : memref<16x128xi32, #tpu.memory_space<vmem>>) target_semaphore(%run_scoped3A : memref<!tpu.dma_semaphore, #tpu.memory_space<semaphore_mem>>)
        %dma_wait3A = arith.constant 0 : i32
        %dma_wait3A_95 = tpu.memref_slice %arg3[%add3A_80, %dma_wait3A] : memref<2560x128xi32, #tpu.memory_space<hbm>> -> memref<16x128xi32, #tpu.memory_space<hbm>>
        %dma_wait3A_96 = arith.constant 0 : i32
        %dma_wait3A_97 = tpu.memref_slice %arg3[%add3A_80, %dma_wait3A_96] : memref<2560x128xi32, #tpu.memory_space<hbm>> -> memref<16x128xi32, #tpu.memory_space<hbm>>
        tpu.wait_dma2 semaphore(%run_scoped3A : memref<!tpu.dma_semaphore, #tpu.memory_space<semaphore_mem>>) src(%dma_wait3A_97 : memref<16x128xi32, #tpu.memory_space<hbm>>) dst(%arg7 : memref<16x128xi32, #tpu.memory_space<vmem>>)
        tpu.yield
      }) : () -> ()
      "tpu.region"() ({
        %run_scoped3A = tpu.sem_alloc : memref<!tpu.dma_semaphore, #tpu.memory_space<semaphore_mem>>
        %dma_start3A_91 = arith.constant 0 : i32
        %dma_start3A_92 = tpu.memref_slice %arg4[%add3A_80, %dma_start3A_91] : memref<2560x128xi32, #tpu.memory_space<hbm>> -> memref<16x128xi32, #tpu.memory_space<hbm>>
        %dma_start3A_93 = arith.constant 0 : i32
        %dma_start3A_94 = tpu.memref_slice %arg4[%add3A_80, %dma_start3A_93] : memref<2560x128xi32, #tpu.memory_space<hbm>> -> memref<16x128xi32, #tpu.memory_space<hbm>>
        tpu.enqueue_dma source(%dma_start3A_94 : memref<16x128xi32, #tpu.memory_space<hbm>>) target(%arg8 : memref<16x128xi32, #tpu.memory_space<vmem>>) target_semaphore(%run_scoped3A : memref<!tpu.dma_semaphore, #tpu.memory_space<semaphore_mem>>)
        %dma_wait3A = arith.constant 0 : i32
        %dma_wait3A_95 = tpu.memref_slice %arg4[%add3A_80, %dma_wait3A] : memref<2560x128xi32, #tpu.memory_space<hbm>> -> memref<16x128xi32, #tpu.memory_space<hbm>>
        %dma_wait3A_96 = arith.constant 0 : i32
        %dma_wait3A_97 = tpu.memref_slice %arg4[%add3A_80, %dma_wait3A_96] : memref<2560x128xi32, #tpu.memory_space<hbm>> -> memref<16x128xi32, #tpu.memory_space<hbm>>
        tpu.wait_dma2 semaphore(%run_scoped3A : memref<!tpu.dma_semaphore, #tpu.memory_space<semaphore_mem>>) src(%dma_wait3A_97 : memref<16x128xi32, #tpu.memory_space<hbm>>) dst(%arg8 : memref<16x128xi32, #tpu.memory_space<vmem>>)
        tpu.yield
      }) : () -> ()
      %dma_start3A = arith.constant 0 : i32
      %dma_start3A_81 = arith.constant 0 : i32
      %dma_start3A_82 = tpu.memref_slice %arg7[%dma_start3A, %dma_start3A_81] : memref<16x128xi32, #tpu.memory_space<vmem>> -> memref<1x128xi32, #tpu.memory_space<vmem>>
      %dma_start3A_83 = tpu.memref_squeeze %dma_start3A_82 : memref<1x128xi32, #tpu.memory_space<vmem>> -> memref<128xi32, #tpu.memory_space<vmem>>
      %dma_start3A_84 = arith.constant 0 : i32
      %dma_start3A_85 = arith.constant 0 : i32
      %dma_start3A_86 = tpu.memref_slice %arg2[%dma_start3A_84, %dma_start3A_85] : memref<10000x128xf32, #tpu.memory_space<hbm>> -> memref<10000x128xf32, #tpu.memory_space<hbm>>
      tpu.enqueue_indirect_dma source(%dma_start3A_86 : memref<10000x128xf32, #tpu.memory_space<hbm>>) target(%arg9 : memref<128x128xf32, #tpu.memory_space<vmem>>) offsets(%dma_start3A_83 : memref<128xi32, #tpu.memory_space<vmem>>) semaphore(%arg12 : memref<!tpu.dma_semaphore, #tpu.memory_space<semaphore_mem>>)
      %scan3A = arith.constant 0 : i32
      %scan3A_87 = arith.constant 8 : i32
      %scan3A_88 = arith.addi %scan3A, %scan3A_87 : i32
      %scan3A_89 = arith.constant 1 : i32
      scf.for %scan3A_91 = %scan3A to %scan3A_88 step %scan3A_89  : i32 {
        %mul3A_92 = arith.constant 1 : i32
        %mul3A_93 = arith.muli %scan3A_91, %mul3A_92 : i32
        %add3A_94 = arith.constant 0 : i32
        %add3A_95 = arith.addi %add3A_94, %mul3A_93 : i32
        %mul3A_96 = arith.constant 2 : i32
        %mul3A_97 = arith.muli %mul3A_96, %add3A_95 : i32
        %add3A_98 = arith.constant 1 : i32
        %add3A_99 = arith.addi %mul3A_97, %add3A_98 : i32
        %dma_start3A_100 = arith.constant 0 : i32
        %dma_start3A_101 = tpu.memref_slice %arg7[%add3A_99, %dma_start3A_100] : memref<16x128xi32, #tpu.memory_space<vmem>> -> memref<1x128xi32, #tpu.memory_space<vmem>>
        %dma_start3A_102 = tpu.memref_squeeze %dma_start3A_101 : memref<1x128xi32, #tpu.memory_space<vmem>> -> memref<128xi32, #tpu.memory_space<vmem>>
        %dma_start3A_103 = arith.constant 0 : i32
        %dma_start3A_104 = arith.constant 0 : i32
        %dma_start3A_105 = tpu.memref_slice %arg2[%dma_start3A_103, %dma_start3A_104] : memref<10000x128xf32, #tpu.memory_space<hbm>> -> memref<10000x128xf32, #tpu.memory_space<hbm>>
        tpu.enqueue_indirect_dma source(%dma_start3A_105 : memref<10000x128xf32, #tpu.memory_space<hbm>>) target(%arg10 : memref<128x128xf32, #tpu.memory_space<vmem>>) offsets(%dma_start3A_102 : memref<128xi32, #tpu.memory_space<vmem>>) semaphore(%arg13 : memref<!tpu.dma_semaphore, #tpu.memory_space<semaphore_mem>>)
        %dma_wait3A = arith.constant 0 : i32
        %dma_wait3A_106 = tpu.memref_slice %arg7[%mul3A_97, %dma_wait3A] : memref<16x128xi32, #tpu.memory_space<vmem>> -> memref<1x128xi32, #tpu.memory_space<vmem>>
        %dma_wait3A_107 = tpu.memref_squeeze %dma_wait3A_106 : memref<1x128xi32, #tpu.memory_space<vmem>> -> memref<128xi32, #tpu.memory_space<vmem>>
        %dma_wait3A_108 = arith.constant 0 : i32
        %dma_wait3A_109 = arith.constant 0 : i32
        %dma_wait3A_110 = tpu.memref_slice %arg2[%dma_wait3A_108, %dma_wait3A_109] : memref<10000x128xf32, #tpu.memory_space<hbm>> -> memref<10000x128xf32, #tpu.memory_space<hbm>>
        tpu.wait_indirect_dma semaphore(%arg12 : memref<!tpu.dma_semaphore, #tpu.memory_space<semaphore_mem>>) src(%dma_wait3A_110 : memref<10000x128xf32, #tpu.memory_space<hbm>>) dst(%arg9 : memref<128x128xf32, #tpu.memory_space<vmem>>)
        "tpu.region"() ({
          %run_scoped3A = tpu.sem_alloc : memref<!tpu.dma_semaphore, #tpu.memory_space<semaphore_mem>>
          %dma_start3A_125 = arith.constant 0 : i32
          %dma_start3A_126 = tpu.memref_slice %arg8[%mul3A_97, %dma_start3A_125] : memref<16x128xi32, #tpu.memory_space<vmem>> -> memref<1x128xi32, #tpu.memory_space<vmem>>
          %dma_start3A_127 = tpu.memref_squeeze %dma_start3A_126 : memref<1x128xi32, #tpu.memory_space<vmem>> -> memref<128xi32, #tpu.memory_space<vmem>>
          %dma_start3A_128 = arith.constant 0 : i32
          %dma_start3A_129 = arith.constant 0 : i32
          %dma_start3A_130 = tpu.memref_slice %arg11[%dma_start3A_128, %dma_start3A_129] : memref<10240x128xf32, #tpu.memory_space<vmem_shared>> -> memref<10240x128xf32, #tpu.memory_space<vmem_shared>>
          tpu.enqueue_indirect_dma source(%arg9 : memref<128x128xf32, #tpu.memory_space<vmem>>) target(%dma_start3A_130 : memref<10240x128xf32, #tpu.memory_space<vmem_shared>>) offsets(%dma_start3A_127 : memref<128xi32, #tpu.memory_space<vmem>>) semaphore(%run_scoped3A : memref<!tpu.dma_semaphore, #tpu.memory_space<semaphore_mem>>) {add = true}
          %dma_wait3A_131 = arith.constant 0 : i32
          %dma_wait3A_132 = tpu.memref_slice %arg8[%mul3A_97, %dma_wait3A_131] : memref<16x128xi32, #tpu.memory_space<vmem>> -> memref<1x128xi32, #tpu.memory_space<vmem>>
          %dma_wait3A_133 = tpu.memref_squeeze %dma_wait3A_132 : memref<1x128xi32, #tpu.memory_space<vmem>> -> memref<128xi32, #tpu.memory_space<vmem>>
          %dma_wait3A_134 = arith.constant 0 : i32
          %dma_wait3A_135 = arith.constant 0 : i32
          %dma_wait3A_136 = tpu.memref_slice %arg11[%dma_wait3A_134, %dma_wait3A_135] : memref<10240x128xf32, #tpu.memory_space<vmem_shared>> -> memref<10240x128xf32, #tpu.memory_space<vmem_shared>>
          tpu.wait_indirect_dma semaphore(%run_scoped3A : memref<!tpu.dma_semaphore, #tpu.memory_space<semaphore_mem>>) src(%arg9 : memref<128x128xf32, #tpu.memory_space<vmem>>) dst(%dma_wait3A_136 : memref<10240x128xf32, #tpu.memory_space<vmem_shared>>)
          tpu.yield
        }) : () -> ()
        %add3A_111 = arith.constant 2 : i32
        %add3A_112 = arith.addi %mul3A_97, %add3A_111 : i32
        %lt3A = arith.constant 16 : i32
        %lt3A_113 = arith.cmpi slt, %add3A_112, %lt3A : i32
        %convert_element_type3A = arith.extui %lt3A_113 : i1 to i32
        %cond3A = arith.constant 0 : i32
        %cond3A_114 = arith.cmpi ne, %convert_element_type3A, %cond3A : i32
        scf.if %cond3A_114 {
          %add3A_125 = arith.constant 2 : i32
          %add3A_126 = arith.addi %mul3A_97, %add3A_125 : i32
          %dma_start3A_127 = arith.constant 0 : i32
          %dma_start3A_128 = tpu.memref_slice %arg7[%add3A_126, %dma_start3A_127] : memref<16x128xi32, #tpu.memory_space<vmem>> -> memref<1x128xi32, #tpu.memory_space<vmem>>
          %dma_start3A_129 = tpu.memref_squeeze %dma_start3A_128 : memref<1x128xi32, #tpu.memory_space<vmem>> -> memref<128xi32, #tpu.memory_space<vmem>>
          %dma_start3A_130 = arith.constant 0 : i32
          %dma_start3A_131 = arith.constant 0 : i32
          %dma_start3A_132 = tpu.memref_slice %arg2[%dma_start3A_130, %dma_start3A_131] : memref<10000x128xf32, #tpu.memory_space<hbm>> -> memref<10000x128xf32, #tpu.memory_space<hbm>>
          tpu.enqueue_indirect_dma source(%dma_start3A_132 : memref<10000x128xf32, #tpu.memory_space<hbm>>) target(%arg9 : memref<128x128xf32, #tpu.memory_space<vmem>>) offsets(%dma_start3A_129 : memref<128xi32, #tpu.memory_space<vmem>>) semaphore(%arg12 : memref<!tpu.dma_semaphore, #tpu.memory_space<semaphore_mem>>)
        } else {
        }
        %add3A_115 = arith.constant 1 : i32
        %add3A_116 = arith.addi %mul3A_97, %add3A_115 : i32
        %dma_wait3A_117 = arith.constant 0 : i32
        %dma_wait3A_118 = tpu.memref_slice %arg7[%add3A_116, %dma_wait3A_117] : memref<16x128xi32, #tpu.memory_space<vmem>> -> memref<1x128xi32, #tpu.memory_space<vmem>>
        %dma_wait3A_119 = tpu.memref_squeeze %dma_wait3A_118 : memref<1x128xi32, #tpu.memory_space<vmem>> -> memref<128xi32, #tpu.memory_space<vmem>>
        %dma_wait3A_120 = arith.constant 0 : i32
        %dma_wait3A_121 = arith.constant 0 : i32
        %dma_wait3A_122 = tpu.memref_slice %arg2[%dma_wait3A_120, %dma_wait3A_121] : memref<10000x128xf32, #tpu.memory_space<hbm>> -> memref<10000x128xf32, #tpu.memory_space<hbm>>
        tpu.wait_indirect_dma semaphore(%arg13 : memref<!tpu.dma_semaphore, #tpu.memory_space<semaphore_mem>>) src(%dma_wait3A_122 : memref<10000x128xf32, #tpu.memory_space<hbm>>) dst(%arg10 : memref<128x128xf32, #tpu.memory_space<vmem>>)
        %add3A_123 = arith.constant 1 : i32
        %add3A_124 = arith.addi %mul3A_97, %add3A_123 : i32
        "tpu.region"() ({
          %run_scoped3A = tpu.sem_alloc : memref<!tpu.dma_semaphore, #tpu.memory_space<semaphore_mem>>
          %dma_start3A_125 = arith.constant 0 : i32
          %dma_start3A_126 = tpu.memref_slice %arg8[%add3A_124, %dma_start3A_125] : memref<16x128xi32, #tpu.memory_space<vmem>> -> memref<1x128xi32, #tpu.memory_space<vmem>>
          %dma_start3A_127 = tpu.memref_squeeze %dma_start3A_126 : memref<1x128xi32, #tpu.memory_space<vmem>> -> memref<128xi32, #tpu.memory_space<vmem>>
          %dma_start3A_128 = arith.constant 0 : i32
          %dma_start3A_129 = arith.constant 0 : i32
          %dma_start3A_130 = tpu.memref_slice %arg11[%dma_start3A_128, %dma_start3A_129] : memref<10240x128xf32, #tpu.memory_space<vmem_shared>> -> memref<10240x128xf32, #tpu.memory_space<vmem_shared>>
          tpu.enqueue_indirect_dma source(%arg10 : memref<128x128xf32, #tpu.memory_space<vmem>>) target(%dma_start3A_130 : memref<10240x128xf32, #tpu.memory_space<vmem_shared>>) offsets(%dma_start3A_127 : memref<128xi32, #tpu.memory_space<vmem>>) semaphore(%run_scoped3A : memref<!tpu.dma_semaphore, #tpu.memory_space<semaphore_mem>>) {add = true}
          %dma_wait3A_131 = arith.constant 0 : i32
          %dma_wait3A_132 = tpu.memref_slice %arg8[%add3A_124, %dma_wait3A_131] : memref<16x128xi32, #tpu.memory_space<vmem>> -> memref<1x128xi32, #tpu.memory_space<vmem>>
          %dma_wait3A_133 = tpu.memref_squeeze %dma_wait3A_132 : memref<1x128xi32, #tpu.memory_space<vmem>> -> memref<128xi32, #tpu.memory_space<vmem>>
          %dma_wait3A_134 = arith.constant 0 : i32
          %dma_wait3A_135 = arith.constant 0 : i32
          %dma_wait3A_136 = tpu.memref_slice %arg11[%dma_wait3A_134, %dma_wait3A_135] : memref<10240x128xf32, #tpu.memory_space<vmem_shared>> -> memref<10240x128xf32, #tpu.memory_space<vmem_shared>>
          tpu.wait_indirect_dma semaphore(%run_scoped3A : memref<!tpu.dma_semaphore, #tpu.memory_space<semaphore_mem>>) src(%arg10 : memref<128x128xf32, #tpu.memory_space<vmem>>) dst(%dma_wait3A_136 : memref<10240x128xf32, #tpu.memory_space<vmem_shared>>)
          tpu.yield
        }) : () -> ()
      }
      %scan3A_90 = arith.constant 8 : i32
    }
    %while3A_69 = arith.constant 1 : i32
    scf.for %while3A_75 = %while3A_67 to %while3A_63 step %while3A_69  : i32 {
      %mul3A_76 = arith.muli %while3A_75, %while3A : i32
      %add3A_77 = arith.addi %while3A_60, %mul3A_76 : i32
      %mul3A_78 = arith.constant 16 : i32
      %mul3A_79 = arith.muli %add3A_77, %mul3A_78 : i32
      %add3A_80 = arith.addi %add3A, %mul3A_79 : i32
      "tpu.region"() ({
        %run_scoped3A = tpu.sem_alloc : memref<!tpu.dma_semaphore, #tpu.memory_space<semaphore_mem>>
        %dma_start3A_91 = arith.constant 0 : i32
        %dma_start3A_92 = tpu.memref_slice %arg3[%add3A_80, %dma_start3A_91] : memref<2560x128xi32, #tpu.memory_space<hbm>> -> memref<16x128xi32, #tpu.memory_space<hbm>>
        %dma_start3A_93 = arith.constant 0 : i32
        %dma_start3A_94 = tpu.memref_slice %arg3[%add3A_80, %dma_start3A_93] : memref<2560x128xi32, #tpu.memory_space<hbm>> -> memref<16x128xi32, #tpu.memory_space<hbm>>
        tpu.enqueue_dma source(%dma_start3A_94 : memref<16x128xi32, #tpu.memory_space<hbm>>) target(%arg7 : memref<16x128xi32, #tpu.memory_space<vmem>>) target_semaphore(%run_scoped3A : memref<!tpu.dma_semaphore, #tpu.memory_space<semaphore_mem>>)
        %dma_wait3A = arith.constant 0 : i32
        %dma_wait3A_95 = tpu.memref_slice %arg3[%add3A_80, %dma_wait3A] : memref<2560x128xi32, #tpu.memory_space<hbm>> -> memref<16x128xi32, #tpu.memory_space<hbm>>
        %dma_wait3A_96 = arith.constant 0 : i32
        %dma_wait3A_97 = tpu.memref_slice %arg3[%add3A_80, %dma_wait3A_96] : memref<2560x128xi32, #tpu.memory_space<hbm>> -> memref<16x128xi32, #tpu.memory_space<hbm>>
        tpu.wait_dma2 semaphore(%run_scoped3A : memref<!tpu.dma_semaphore, #tpu.memory_space<semaphore_mem>>) src(%dma_wait3A_97 : memref<16x128xi32, #tpu.memory_space<hbm>>) dst(%arg7 : memref<16x128xi32, #tpu.memory_space<vmem>>)
        tpu.yield
      }) : () -> ()
      "tpu.region"() ({
        %run_scoped3A = tpu.sem_alloc : memref<!tpu.dma_semaphore, #tpu.memory_space<semaphore_mem>>
        %dma_start3A_91 = arith.constant 0 : i32
        %dma_start3A_92 = tpu.memref_slice %arg4[%add3A_80, %dma_start3A_91] : memref<2560x128xi32, #tpu.memory_space<hbm>> -> memref<16x128xi32, #tpu.memory_space<hbm>>
        %dma_start3A_93 = arith.constant 0 : i32
        %dma_start3A_94 = tpu.memref_slice %arg4[%add3A_80, %dma_start3A_93] : memref<2560x128xi32, #tpu.memory_space<hbm>> -> memref<16x128xi32, #tpu.memory_space<hbm>>
        tpu.enqueue_dma source(%dma_start3A_94 : memref<16x128xi32, #tpu.memory_space<hbm>>) target(%arg8 : memref<16x128xi32, #tpu.memory_space<vmem>>) target_semaphore(%run_scoped3A : memref<!tpu.dma_semaphore, #tpu.memory_space<semaphore_mem>>)
        %dma_wait3A = arith.constant 0 : i32
        %dma_wait3A_95 = tpu.memref_slice %arg4[%add3A_80, %dma_wait3A] : memref<2560x128xi32, #tpu.memory_space<hbm>> -> memref<16x128xi32, #tpu.memory_space<hbm>>
        %dma_wait3A_96 = arith.constant 0 : i32
        %dma_wait3A_97 = tpu.memref_slice %arg4[%add3A_80, %dma_wait3A_96] : memref<2560x128xi32, #tpu.memory_space<hbm>> -> memref<16x128xi32, #tpu.memory_space<hbm>>
        tpu.wait_dma2 semaphore(%run_scoped3A : memref<!tpu.dma_semaphore, #tpu.memory_space<semaphore_mem>>) src(%dma_wait3A_97 : memref<16x128xi32, #tpu.memory_space<hbm>>) dst(%arg8 : memref<16x128xi32, #tpu.memory_space<vmem>>)
        tpu.yield
      }) : () -> ()
      %dma_start3A = arith.constant 0 : i32
      %dma_start3A_81 = arith.constant 0 : i32
      %dma_start3A_82 = tpu.memref_slice %arg7[%dma_start3A, %dma_start3A_81] : memref<16x128xi32, #tpu.memory_space<vmem>> -> memref<1x128xi32, #tpu.memory_space<vmem>>
      %dma_start3A_83 = tpu.memref_squeeze %dma_start3A_82 : memref<1x128xi32, #tpu.memory_space<vmem>> -> memref<128xi32, #tpu.memory_space<vmem>>
      %dma_start3A_84 = arith.constant 0 : i32
      %dma_start3A_85 = arith.constant 0 : i32
      %dma_start3A_86 = tpu.memref_slice %arg2[%dma_start3A_84, %dma_start3A_85] : memref<10000x128xf32, #tpu.memory_space<hbm>> -> memref<10000x128xf32, #tpu.memory_space<hbm>>
      tpu.enqueue_indirect_dma source(%dma_start3A_86 : memref<10000x128xf32, #tpu.memory_space<hbm>>) target(%arg9 : memref<128x128xf32, #tpu.memory_space<vmem>>) offsets(%dma_start3A_83 : memref<128xi32, #tpu.memory_space<vmem>>) semaphore(%arg12 : memref<!tpu.dma_semaphore, #tpu.memory_space<semaphore_mem>>)
      %scan3A = arith.constant 0 : i32
      %scan3A_87 = arith.constant 8 : i32
      %scan3A_88 = arith.addi %scan3A, %scan3A_87 : i32
      %scan3A_89 = arith.constant 1 : i32
      scf.for %scan3A_91 = %scan3A to %scan3A_88 step %scan3A_89  : i32 {
        %mul3A_92 = arith.constant 1 : i32
        %mul3A_93 = arith.muli %scan3A_91, %mul3A_92 : i32
        %add3A_94 = arith.constant 0 : i32
        %add3A_95 = arith.addi %add3A_94, %mul3A_93 : i32
        %mul3A_96 = arith.constant 2 : i32
        %mul3A_97 = arith.muli %mul3A_96, %add3A_95 : i32
        %add3A_98 = arith.constant 1 : i32
        %add3A_99 = arith.addi %mul3A_97, %add3A_98 : i32
        %dma_start3A_100 = arith.constant 0 : i32
        %dma_start3A_101 = tpu.memref_slice %arg7[%add3A_99, %dma_start3A_100] : memref<16x128xi32, #tpu.memory_space<vmem>> -> memref<1x128xi32, #tpu.memory_space<vmem>>
        %dma_start3A_102 = tpu.memref_squeeze %dma_start3A_101 : memref<1x128xi32, #tpu.memory_space<vmem>> -> memref<128xi32, #tpu.memory_space<vmem>>
        %dma_start3A_103 = arith.constant 0 : i32
        %dma_start3A_104 = arith.constant 0 : i32
        %dma_start3A_105 = tpu.memref_slice %arg2[%dma_start3A_103, %dma_start3A_104] : memref<10000x128xf32, #tpu.memory_space<hbm>> -> memref<10000x128xf32, #tpu.memory_space<hbm>>
        tpu.enqueue_indirect_dma source(%dma_start3A_105 : memref<10000x128xf32, #tpu.memory_space<hbm>>) target(%arg10 : memref<128x128xf32, #tpu.memory_space<vmem>>) offsets(%dma_start3A_102 : memref<128xi32, #tpu.memory_space<vmem>>) semaphore(%arg13 : memref<!tpu.dma_semaphore, #tpu.memory_space<semaphore_mem>>)
        %dma_wait3A = arith.constant 0 : i32
        %dma_wait3A_106 = tpu.memref_slice %arg7[%mul3A_97, %dma_wait3A] : memref<16x128xi32, #tpu.memory_space<vmem>> -> memref<1x128xi32, #tpu.memory_space<vmem>>
        %dma_wait3A_107 = tpu.memref_squeeze %dma_wait3A_106 : memref<1x128xi32, #tpu.memory_space<vmem>> -> memref<128xi32, #tpu.memory_space<vmem>>
        %dma_wait3A_108 = arith.constant 0 : i32
        %dma_wait3A_109 = arith.constant 0 : i32
        %dma_wait3A_110 = tpu.memref_slice %arg2[%dma_wait3A_108, %dma_wait3A_109] : memref<10000x128xf32, #tpu.memory_space<hbm>> -> memref<10000x128xf32, #tpu.memory_space<hbm>>
        tpu.wait_indirect_dma semaphore(%arg12 : memref<!tpu.dma_semaphore, #tpu.memory_space<semaphore_mem>>) src(%dma_wait3A_110 : memref<10000x128xf32, #tpu.memory_space<hbm>>) dst(%arg9 : memref<128x128xf32, #tpu.memory_space<vmem>>)
        "tpu.region"() ({
          %run_scoped3A = tpu.sem_alloc : memref<!tpu.dma_semaphore, #tpu.memory_space<semaphore_mem>>
          %dma_start3A_125 = arith.constant 0 : i32
          %dma_start3A_126 = tpu.memref_slice %arg8[%mul3A_97, %dma_start3A_125] : memref<16x128xi32, #tpu.memory_space<vmem>> -> memref<1x128xi32, #tpu.memory_space<vmem>>
          %dma_start3A_127 = tpu.memref_squeeze %dma_start3A_126 : memref<1x128xi32, #tpu.memory_space<vmem>> -> memref<128xi32, #tpu.memory_space<vmem>>
          %dma_start3A_128 = arith.constant 0 : i32
          %dma_start3A_129 = arith.constant 0 : i32
          %dma_start3A_130 = tpu.memref_slice %arg11[%dma_start3A_128, %dma_start3A_129] : memref<10240x128xf32, #tpu.memory_space<vmem_shared>> -> memref<10240x128xf32, #tpu.memory_space<vmem_shared>>
          tpu.enqueue_indirect_dma source(%arg9 : memref<128x128xf32, #tpu.memory_space<vmem>>) target(%dma_start3A_130 : memref<10240x128xf32, #tpu.memory_space<vmem_shared>>) offsets(%dma_start3A_127 : memref<128xi32, #tpu.memory_space<vmem>>) semaphore(%run_scoped3A : memref<!tpu.dma_semaphore, #tpu.memory_space<semaphore_mem>>) {add = true}
          %dma_wait3A_131 = arith.constant 0 : i32
          %dma_wait3A_132 = tpu.memref_slice %arg8[%mul3A_97, %dma_wait3A_131] : memref<16x128xi32, #tpu.memory_space<vmem>> -> memref<1x128xi32, #tpu.memory_space<vmem>>
          %dma_wait3A_133 = tpu.memref_squeeze %dma_wait3A_132 : memref<1x128xi32, #tpu.memory_space<vmem>> -> memref<128xi32, #tpu.memory_space<vmem>>
          %dma_wait3A_134 = arith.constant 0 : i32
          %dma_wait3A_135 = arith.constant 0 : i32
          %dma_wait3A_136 = tpu.memref_slice %arg11[%dma_wait3A_134, %dma_wait3A_135] : memref<10240x128xf32, #tpu.memory_space<vmem_shared>> -> memref<10240x128xf32, #tpu.memory_space<vmem_shared>>
          tpu.wait_indirect_dma semaphore(%run_scoped3A : memref<!tpu.dma_semaphore, #tpu.memory_space<semaphore_mem>>) src(%arg9 : memref<128x128xf32, #tpu.memory_space<vmem>>) dst(%dma_wait3A_136 : memref<10240x128xf32, #tpu.memory_space<vmem_shared>>)
          tpu.yield
        }) : () -> ()
        %add3A_111 = arith.constant 2 : i32
        %add3A_112 = arith.addi %mul3A_97, %add3A_111 : i32
        %lt3A = arith.constant 16 : i32
        %lt3A_113 = arith.cmpi slt, %add3A_112, %lt3A : i32
        %convert_element_type3A = arith.extui %lt3A_113 : i1 to i32
        %cond3A = arith.constant 0 : i32
        %cond3A_114 = arith.cmpi ne, %convert_element_type3A, %cond3A : i32
        scf.if %cond3A_114 {
          %add3A_125 = arith.constant 2 : i32
          %add3A_126 = arith.addi %mul3A_97, %add3A_125 : i32
          %dma_start3A_127 = arith.constant 0 : i32
          %dma_start3A_128 = tpu.memref_slice %arg7[%add3A_126, %dma_start3A_127] : memref<16x128xi32, #tpu.memory_space<vmem>> -> memref<1x128xi32, #tpu.memory_space<vmem>>
          %dma_start3A_129 = tpu.memref_squeeze %dma_start3A_128 : memref<1x128xi32, #tpu.memory_space<vmem>> -> memref<128xi32, #tpu.memory_space<vmem>>
          %dma_start3A_130 = arith.constant 0 : i32
          %dma_start3A_131 = arith.constant 0 : i32
          %dma_start3A_132 = tpu.memref_slice %arg2[%dma_start3A_130, %dma_start3A_131] : memref<10000x128xf32, #tpu.memory_space<hbm>> -> memref<10000x128xf32, #tpu.memory_space<hbm>>
          tpu.enqueue_indirect_dma source(%dma_start3A_132 : memref<10000x128xf32, #tpu.memory_space<hbm>>) target(%arg9 : memref<128x128xf32, #tpu.memory_space<vmem>>) offsets(%dma_start3A_129 : memref<128xi32, #tpu.memory_space<vmem>>) semaphore(%arg12 : memref<!tpu.dma_semaphore, #tpu.memory_space<semaphore_mem>>)
        } else {
        }
        %add3A_115 = arith.constant 1 : i32
        %add3A_116 = arith.addi %mul3A_97, %add3A_115 : i32
        %dma_wait3A_117 = arith.constant 0 : i32
        %dma_wait3A_118 = tpu.memref_slice %arg7[%add3A_116, %dma_wait3A_117] : memref<16x128xi32, #tpu.memory_space<vmem>> -> memref<1x128xi32, #tpu.memory_space<vmem>>
        %dma_wait3A_119 = tpu.memref_squeeze %dma_wait3A_118 : memref<1x128xi32, #tpu.memory_space<vmem>> -> memref<128xi32, #tpu.memory_space<vmem>>
        %dma_wait3A_120 = arith.constant 0 : i32
        %dma_wait3A_121 = arith.constant 0 : i32
        %dma_wait3A_122 = tpu.memref_slice %arg2[%dma_wait3A_120, %dma_wait3A_121] : memref<10000x128xf32, #tpu.memory_space<hbm>> -> memref<10000x128xf32, #tpu.memory_space<hbm>>
        tpu.wait_indirect_dma semaphore(%arg13 : memref<!tpu.dma_semaphore, #tpu.memory_space<semaphore_mem>>) src(%dma_wait3A_122 : memref<10000x128xf32, #tpu.memory_space<hbm>>) dst(%arg10 : memref<128x128xf32, #tpu.memory_space<vmem>>)
        %add3A_123 = arith.constant 1 : i32
        %add3A_124 = arith.addi %mul3A_97, %add3A_123 : i32
        "tpu.region"() ({
          %run_scoped3A = tpu.sem_alloc : memref<!tpu.dma_semaphore, #tpu.memory_space<semaphore_mem>>
          %dma_start3A_125 = arith.constant 0 : i32
          %dma_start3A_126 = tpu.memref_slice %arg8[%add3A_124, %dma_start3A_125] : memref<16x128xi32, #tpu.memory_space<vmem>> -> memref<1x128xi32, #tpu.memory_space<vmem>>
          %dma_start3A_127 = tpu.memref_squeeze %dma_start3A_126 : memref<1x128xi32, #tpu.memory_space<vmem>> -> memref<128xi32, #tpu.memory_space<vmem>>
          %dma_start3A_128 = arith.constant 0 : i32
          %dma_start3A_129 = arith.constant 0 : i32
          %dma_start3A_130 = tpu.memref_slice %arg11[%dma_start3A_128, %dma_start3A_129] : memref<10240x128xf32, #tpu.memory_space<vmem_shared>> -> memref<10240x128xf32, #tpu.memory_space<vmem_shared>>
          tpu.enqueue_indirect_dma source(%arg10 : memref<128x128xf32, #tpu.memory_space<vmem>>) target(%dma_start3A_130 : memref<10240x128xf32, #tpu.memory_space<vmem_shared>>) offsets(%dma_start3A_127 : memref<128xi32, #tpu.memory_space<vmem>>) semaphore(%run_scoped3A : memref<!tpu.dma_semaphore, #tpu.memory_space<semaphore_mem>>) {add = true}
          %dma_wait3A_131 = arith.constant 0 : i32
          %dma_wait3A_132 = tpu.memref_slice %arg8[%add3A_124, %dma_wait3A_131] : memref<16x128xi32, #tpu.memory_space<vmem>> -> memref<1x128xi32, #tpu.memory_space<vmem>>
          %dma_wait3A_133 = tpu.memref_squeeze %dma_wait3A_132 : memref<1x128xi32, #tpu.memory_space<vmem>> -> memref<128xi32, #tpu.memory_space<vmem>>
          %dma_wait3A_134 = arith.constant 0 : i32
          %dma_wait3A_135 = arith.constant 0 : i32
          %dma_wait3A_136 = tpu.memref_slice %arg11[%dma_wait3A_134, %dma_wait3A_135] : memref<10240x128xf32, #tpu.memory_space<vmem_shared>> -> memref<10240x128xf32, #tpu.memory_space<vmem_shared>>
          tpu.wait_indirect_dma semaphore(%run_scoped3A : memref<!tpu.dma_semaphore, #tpu.memory_space<semaphore_mem>>) src(%arg10 : memref<128x128xf32, #tpu.memory_space<vmem>>) dst(%dma_wait3A_136 : memref<10240x128xf32, #tpu.memory_space<vmem_shared>>)
          tpu.yield
        }) : () -> ()
      }
      %scan3A_90 = arith.constant 8 : i32
    }
    %barrier3A_70 = arith.constant 0 : index
    tpu.barrier barrier_id(%barrier3A_70)
    %mul3A_71 = arith.constant 640 : i32
    %mul3A_72 = arith.muli %arg1, %mul3A_71 : i32
    %mul3A_73 = arith.constant 640 : i32
    %mul3A_74 = arith.muli %arg1, %mul3A_73 : i32
    "tpu.region"() ({
      %run_scoped3A = tpu.sem_alloc : memref<!tpu.dma_semaphore, #tpu.memory_space<semaphore_mem>>
      %dma_start3A = arith.constant 0 : i32
      %dma_start3A_75 = arith.constant 0 : i32
      %dma_start3A_76 = tpu.memref_slice %arg6[%arg0, %dma_start3A, %dma_start3A_75] : memref<2x10240x128xf32, #tpu.memory_space<hbm>> -> memref<1x10240x128xf32, #tpu.memory_space<hbm>>
      %dma_start3A_77 = tpu.memref_squeeze %dma_start3A_76 : memref<1x10240x128xf32, #tpu.memory_space<hbm>> -> memref<10240x128xf32, #tpu.memory_space<hbm>>
      %dma_start3A_78 = arith.constant 0 : i32
      %dma_start3A_79 = tpu.memref_slice %dma_start3A_77[%mul3A_74, %dma_start3A_78] : memref<10240x128xf32, #tpu.memory_space<hbm>> -> memref<640x128xf32, #tpu.memory_space<hbm>>
      %dma_start3A_80 = arith.constant 0 : i32
      %dma_start3A_81 = tpu.memref_slice %arg11[%mul3A_72, %dma_start3A_80] : memref<10240x128xf32, #tpu.memory_space<vmem_shared>> -> memref<640x128xf32, #tpu.memory_space<vmem_shared>>
      tpu.enqueue_dma source(%dma_start3A_81 : memref<640x128xf32, #tpu.memory_space<vmem_shared>>) target(%dma_start3A_79 : memref<640x128xf32, #tpu.memory_space<hbm>>) target_semaphore(%run_scoped3A : memref<!tpu.dma_semaphore, #tpu.memory_space<semaphore_mem>>)
      %dma_wait3A = arith.constant 0 : i32
      %dma_wait3A_82 = arith.constant 0 : i32
      %dma_wait3A_83 = tpu.memref_slice %arg6[%arg0, %dma_wait3A, %dma_wait3A_82] : memref<2x10240x128xf32, #tpu.memory_space<hbm>> -> memref<1x10240x128xf32, #tpu.memory_space<hbm>>
      %dma_wait3A_84 = tpu.memref_squeeze %dma_wait3A_83 : memref<1x10240x128xf32, #tpu.memory_space<hbm>> -> memref<10240x128xf32, #tpu.memory_space<hbm>>
      %dma_wait3A_85 = arith.constant 0 : i32
      %dma_wait3A_86 = tpu.memref_slice %dma_wait3A_84[%mul3A_74, %dma_wait3A_85] : memref<10240x128xf32, #tpu.memory_space<hbm>> -> memref<640x128xf32, #tpu.memory_space<hbm>>
      %dma_wait3A_87 = arith.constant 0 : i32
      %dma_wait3A_88 = tpu.memref_slice %arg11[%mul3A_72, %dma_wait3A_87] : memref<10240x128xf32, #tpu.memory_space<vmem_shared>> -> memref<640x128xf32, #tpu.memory_space<vmem_shared>>
      tpu.wait_dma2 semaphore(%run_scoped3A : memref<!tpu.dma_semaphore, #tpu.memory_space<semaphore_mem>>) src(%dma_wait3A_88 : memref<640x128xf32, #tpu.memory_space<vmem_shared>>) dst(%dma_wait3A_86 : memref<640x128xf32, #tpu.memory_space<hbm>>)
      tpu.yield
    }) : () -> ()
    return
  }
}

module attributes {stable_mosaic.version = 14 : i64} {
  func.func @body(%arg0: i32, %arg1: memref<400x128xf32, #tpu.memory_space<vmem>>, %arg2: memref<128x512xf32, #tpu.memory_space<vmem>>, %arg3: memref<1x512xf32, #tpu.memory_space<vmem>>, %arg4: memref<400x128xf32, #tpu.memory_space<vmem>>, %arg5: memref<400x384xf32, #tpu.memory_space<vmem>>) attributes {dimension_semantics = [#tpu.dimension_semantics<arbitrary>], iteration_bounds = array<i64: 25>, scalar_prefetch = 0 : i64, scratch_operands = 0 : i64, tpu.core_type = #tpu.core_type<tc>, window_params = [{transform_indices = @transform_0, window_bounds = array<i64: 400, 128>}, {pipeline_mode = #tpu.pipeline_mode<synchronous>, transform_indices = @transform_1, window_bounds = array<i64: 128, 512>}, {pipeline_mode = #tpu.pipeline_mode<synchronous>, transform_indices = @transform_2, window_bounds = array<i64: 1, 512>}, {transform_indices = @transform_3, window_bounds = array<i64: 400, 128>}, {transform_indices = @transform_4, window_bounds = array<i64: 400, 384>}]} {
    %get3A = arith.constant 0 : index
    %get3A_0 = arith.constant 0 : index
    %get3A_1 = vector.load %arg1[%get3A, %get3A_0] : memref<400x128xf32, #tpu.memory_space<vmem>>, vector<400x128xf32>
    %get3A_2 = arith.constant 0 : index
    %get3A_3 = arith.constant 0 : index
    %get3A_4 = vector.load %arg2[%get3A_2, %get3A_3] : memref<128x512xf32, #tpu.memory_space<vmem>>, vector<128x512xf32>
    %dot_general3A = arith.constant dense<0.000000e+00> : vector<400x512xf32>
    %dot_general3A_5 = tpu.matmul %get3A_1, %get3A_4, %dot_general3A {dimension_numbers = #tpu.dot_dimension_numbers<[1], [0], [0], [1], [0, 0, 1, 1], [], []>, transpose_lhs_hint = false} : vector<400x128xf32>, vector<128x512xf32>, vector<400x512xf32> -> vector<400x512xf32>
    %get3A_6 = arith.constant 0 : index
    %get3A_7 = arith.constant 0 : index
    %get3A_8 = vector.load %arg3[%get3A_6, %get3A_7] : memref<1x512xf32, #tpu.memory_space<vmem>>, vector<1x512xf32>
    %add3A = vector.broadcast %get3A_8 : vector<1x512xf32> to vector<400x512xf32>
    %add3A_9 = arith.addf %dot_general3A_5, %add3A : vector<400x512xf32>
    %slice3A = vector.extract_strided_slice %add3A_9 {offsets = [0, 0], sizes = [400, 128], strides = [1, 1]} : vector<400x512xf32> to vector<400x128xf32>
    %swap3A = arith.constant 0 : index
    %swap3A_10 = arith.constant 0 : index
    %swap3A_11 = vector.load %arg4[%swap3A, %swap3A_10] : memref<400x128xf32, #tpu.memory_space<vmem>>, vector<400x128xf32>
    tpu.vector_store %arg4[%swap3A, %swap3A_10], %slice3A {strides = array<i32>} : memref<400x128xf32, #tpu.memory_space<vmem>>, vector<400x128xf32>,
    %slice3A_12 = vector.extract_strided_slice %add3A_9 {offsets = [0, 128], sizes = [400, 384], strides = [1, 1]} : vector<400x512xf32> to vector<400x384xf32>
    %swap3A_13 = arith.constant 0 : index
    %swap3A_14 = arith.constant 0 : index
    %swap3A_15 = vector.load %arg5[%swap3A_13, %swap3A_14] : memref<400x384xf32, #tpu.memory_space<vmem>>, vector<400x384xf32>
    tpu.vector_store %arg5[%swap3A_13, %swap3A_14], %slice3A_12 {strides = array<i32>} : memref<400x384xf32, #tpu.memory_space<vmem>>, vector<400x384xf32>,
    return
  }
  func.func @transform_0(%arg0: i32) -> (i32, i32) {
    %c0_i32 = arith.constant 0 : i32
    %c0_i32_0 = arith.constant 0 : i32
    return %arg0, %c0_i32 : i32, i32
  }
  func.func @transform_1(%arg0: i32) -> (i32, i32) {
    %c0_i32 = arith.constant 0 : i32
    %c0_i32_0 = arith.constant 0 : i32
    %c0_i32_1 = arith.constant 0 : i32
    return %c0_i32, %c0_i32_0 : i32, i32
  }
  func.func @transform_2(%arg0: i32) -> (i32, i32) {
    %c0_i32 = arith.constant 0 : i32
    %c0_i32_0 = arith.constant 0 : i32
    %c0_i32_1 = arith.constant 0 : i32
    return %c0_i32, %c0_i32_0 : i32, i32
  }
  func.func @transform_3(%arg0: i32) -> (i32, i32) {
    %c0_i32 = arith.constant 0 : i32
    %c0_i32_0 = arith.constant 0 : i32
    return %arg0, %c0_i32 : i32, i32
  }
  func.func @transform_4(%arg0: i32) -> (i32, i32) {
    %c0_i32 = arith.constant 0 : i32
    %c0_i32_0 = arith.constant 0 : i32
    return %arg0, %c0_i32 : i32, i32
  }
}

module attributes {stable_mosaic.version = 14 : i64} {
  func.func @body(%arg0: i32, %arg1: memref<2x400x128xf32, #tpu.memory_space<vmem>>, %arg2: memref<400x384xf32, #tpu.memory_space<vmem>>, %arg3: memref<400x128xf32, #tpu.memory_space<vmem>>, %arg4: memref<128x384xf32, #tpu.memory_space<vmem>>, %arg5: memref<1x384xf32, #tpu.memory_space<vmem>>, %arg6: memref<128x512xf32, #tpu.memory_space<vmem>>, %arg7: memref<1x512xf32, #tpu.memory_space<vmem>>, %arg8: memref<400x128xf32, #tpu.memory_space<vmem>>, %arg9: memref<400x128xf32, #tpu.memory_space<vmem>>, %arg10: memref<400x384xf32, #tpu.memory_space<vmem>>) attributes {dimension_semantics = [#tpu.dimension_semantics<arbitrary>], iteration_bounds = array<i64: 25>, scalar_prefetch = 0 : i64, scratch_operands = 0 : i64, tpu.core_type = #tpu.core_type<tc>, window_params = [{transform_indices = @transform_0, window_bounds = array<i64: 2, 400, 128>}, {transform_indices = @transform_1, window_bounds = array<i64: 400, 384>}, {transform_indices = @transform_2, window_bounds = array<i64: 400, 128>}, {pipeline_mode = #tpu.pipeline_mode<synchronous>, transform_indices = @transform_3, window_bounds = array<i64: 128, 384>}, {pipeline_mode = #tpu.pipeline_mode<synchronous>, transform_indices = @transform_4, window_bounds = array<i64: 1, 384>}, {pipeline_mode = #tpu.pipeline_mode<synchronous>, transform_indices = @transform_5, window_bounds = array<i64: 128, 512>}, {pipeline_mode = #tpu.pipeline_mode<synchronous>, transform_indices = @transform_6, window_bounds = array<i64: 1, 512>}, {transform_indices = @transform_7, window_bounds = array<i64: 400, 128>}, {transform_indices = @transform_8, window_bounds = array<i64: 400, 128>}, {transform_indices = @transform_9, window_bounds = array<i64: 400, 384>}]} {
    %get3A = arith.constant 0 : index
    %get3A_0 = arith.constant 0 : index
    %get3A_1 = arith.constant 0 : index
    %get3A_2 = vector.load %arg1[%get3A, %get3A_0, %get3A_1] : memref<2x400x128xf32, #tpu.memory_space<vmem>>, vector<2x400x128xf32>
    %get3A_3 = arith.constant 0 : index
    %get3A_4 = arith.constant 0 : index
    %get3A_5 = vector.load %arg2[%get3A_3, %get3A_4] : memref<400x384xf32, #tpu.memory_space<vmem>>, vector<400x384xf32>
    %get3A_6 = arith.constant 0 : index
    %get3A_7 = arith.constant 0 : index
    %get3A_8 = vector.load %arg3[%get3A_6, %get3A_7] : memref<400x128xf32, #tpu.memory_space<vmem>>, vector<400x128xf32>
    %get3A_9 = arith.constant 0 : index
    %get3A_10 = arith.constant 0 : index
    %get3A_11 = vector.load %arg4[%get3A_9, %get3A_10] : memref<128x384xf32, #tpu.memory_space<vmem>>, vector<128x384xf32>
    %get3A_12 = arith.constant 0 : index
    %get3A_13 = arith.constant 0 : index
    %get3A_14 = vector.load %arg5[%get3A_12, %get3A_13] : memref<1x384xf32, #tpu.memory_space<vmem>>, vector<1x384xf32>
    %slice3A = vector.extract_strided_slice %get3A_2 {offsets = [0, 0, 0], sizes = [1, 400, 128], strides = [1, 1, 1]} : vector<2x400x128xf32> to vector<1x400x128xf32>
    %squeeze3A = vector.shape_cast %slice3A : vector<1x400x128xf32> to vector<400x128xf32>
    %slice3A_15 = vector.extract_strided_slice %get3A_2 {offsets = [1, 0, 0], sizes = [1, 400, 128], strides = [1, 1, 1]} : vector<2x400x128xf32> to vector<1x400x128xf32>
    %squeeze3A_16 = vector.shape_cast %slice3A_15 : vector<1x400x128xf32> to vector<400x128xf32>
    %add3A = arith.addf %squeeze3A, %squeeze3A_16 : vector<400x128xf32>
    %dot_general3A = arith.constant dense<0.000000e+00> : vector<400x384xf32>
    %dot_general3A_17 = tpu.matmul %add3A, %get3A_11, %dot_general3A {dimension_numbers = #tpu.dot_dimension_numbers<[1], [0], [0], [1], [0, 0, 1, 1], [], []>, transpose_lhs_hint = false} : vector<400x128xf32>, vector<128x384xf32>, vector<400x384xf32> -> vector<400x384xf32>
    %add3A_18 = vector.broadcast %get3A_14 : vector<1x384xf32> to vector<400x384xf32>
    %add3A_19 = arith.addf %dot_general3A_17, %add3A_18 : vector<400x384xf32>
    %slice3A_20 = vector.extract_strided_slice %add3A_19 {offsets = [0, 0], sizes = [400, 128], strides = [1, 1]} : vector<400x384xf32> to vector<400x128xf32>
    %slice3A_21 = vector.extract_strided_slice %get3A_5 {offsets = [0, 0], sizes = [400, 128], strides = [1, 1]} : vector<400x384xf32> to vector<400x128xf32>
    %add3A_22 = arith.addf %slice3A_20, %slice3A_21 : vector<400x128xf32>
    %logistic3A = arith.negf %add3A_22 : vector<400x128xf32>
    %logistic3A_23 = math.exp %logistic3A : vector<400x128xf32>
    %logistic3A_24 = arith.constant 1.000000e+00 : f32
    %logistic3A_25 = vector.broadcast %logistic3A_24 : f32 to vector<400x128xf32>
    %logistic3A_26 = arith.addf %logistic3A_25, %logistic3A_23 : vector<400x128xf32>
    %logistic3A_27 = arith.divf %logistic3A_25, %logistic3A_26 : vector<400x128xf32>
    %slice3A_28 = vector.extract_strided_slice %add3A_19 {offsets = [0, 128], sizes = [400, 128], strides = [1, 1]} : vector<400x384xf32> to vector<400x128xf32>
    %slice3A_29 = vector.extract_strided_slice %get3A_5 {offsets = [0, 128], sizes = [400, 128], strides = [1, 1]} : vector<400x384xf32> to vector<400x128xf32>
    %add3A_30 = arith.addf %slice3A_28, %slice3A_29 : vector<400x128xf32>
    %logistic3A_31 = arith.negf %add3A_30 : vector<400x128xf32>
    %logistic3A_32 = math.exp %logistic3A_31 : vector<400x128xf32>
    %logistic3A_33 = arith.constant 1.000000e+00 : f32
    %logistic3A_34 = vector.broadcast %logistic3A_33 : f32 to vector<400x128xf32>
    %logistic3A_35 = arith.addf %logistic3A_34, %logistic3A_32 : vector<400x128xf32>
    %logistic3A_36 = arith.divf %logistic3A_34, %logistic3A_35 : vector<400x128xf32>
    %slice3A_37 = vector.extract_strided_slice %add3A_19 {offsets = [0, 256], sizes = [400, 128], strides = [1, 1]} : vector<400x384xf32> to vector<400x128xf32>
    %slice3A_38 = vector.extract_strided_slice %get3A_5 {offsets = [0, 256], sizes = [400, 128], strides = [1, 1]} : vector<400x384xf32> to vector<400x128xf32>
    %mul3A = arith.mulf %logistic3A_27, %slice3A_38 : vector<400x128xf32>
    %add3A_39 = arith.addf %slice3A_37, %mul3A : vector<400x128xf32>
    %tanh3A = math.tanh %add3A_39 : vector<400x128xf32>
    %sub3A = arith.constant 1.000000e+00 : f32
    %sub3A_40 = vector.broadcast %sub3A : f32 to vector<400x128xf32>
    %sub3A_41 = arith.subf %sub3A_40, %logistic3A_36 : vector<400x128xf32>
    %mul3A_42 = arith.mulf %sub3A_41, %tanh3A : vector<400x128xf32>
    %mul3A_43 = arith.mulf %logistic3A_36, %get3A_8 : vector<400x128xf32>
    %add3A_44 = arith.addf %mul3A_42, %mul3A_43 : vector<400x128xf32>
    %swap3A = arith.constant 0 : index
    %swap3A_45 = arith.constant 0 : index
    %swap3A_46 = vector.load %arg8[%swap3A, %swap3A_45] : memref<400x128xf32, #tpu.memory_space<vmem>>, vector<400x128xf32>
    tpu.vector_store %arg8[%swap3A, %swap3A_45], %add3A_44 {strides = array<i32>} : memref<400x128xf32, #tpu.memory_space<vmem>>, vector<400x128xf32>,
    %get3A_47 = arith.constant 0 : index
    %get3A_48 = arith.constant 0 : index
    %get3A_49 = vector.load %arg6[%get3A_47, %get3A_48] : memref<128x512xf32, #tpu.memory_space<vmem>>, vector<128x512xf32>
    %dot_general3A_50 = arith.constant dense<0.000000e+00> : vector<400x512xf32>
    %dot_general3A_51 = tpu.matmul %add3A_44, %get3A_49, %dot_general3A_50 {dimension_numbers = #tpu.dot_dimension_numbers<[1], [0], [0], [1], [0, 0, 1, 1], [], []>, transpose_lhs_hint = false} : vector<400x128xf32>, vector<128x512xf32>, vector<400x512xf32> -> vector<400x512xf32>
    %get3A_52 = arith.constant 0 : index
    %get3A_53 = arith.constant 0 : index
    %get3A_54 = vector.load %arg7[%get3A_52, %get3A_53] : memref<1x512xf32, #tpu.memory_space<vmem>>, vector<1x512xf32>
    %add3A_55 = vector.broadcast %get3A_54 : vector<1x512xf32> to vector<400x512xf32>
    %add3A_56 = arith.addf %dot_general3A_51, %add3A_55 : vector<400x512xf32>
    %slice3A_57 = vector.extract_strided_slice %add3A_56 {offsets = [0, 0], sizes = [400, 128], strides = [1, 1]} : vector<400x512xf32> to vector<400x128xf32>
    %swap3A_58 = arith.constant 0 : index
    %swap3A_59 = arith.constant 0 : index
    %swap3A_60 = vector.load %arg9[%swap3A_58, %swap3A_59] : memref<400x128xf32, #tpu.memory_space<vmem>>, vector<400x128xf32>
    tpu.vector_store %arg9[%swap3A_58, %swap3A_59], %slice3A_57 {strides = array<i32>} : memref<400x128xf32, #tpu.memory_space<vmem>>, vector<400x128xf32>,
    %slice3A_61 = vector.extract_strided_slice %add3A_56 {offsets = [0, 128], sizes = [400, 384], strides = [1, 1]} : vector<400x512xf32> to vector<400x384xf32>
    %swap3A_62 = arith.constant 0 : index
    %swap3A_63 = arith.constant 0 : index
    %swap3A_64 = vector.load %arg10[%swap3A_62, %swap3A_63] : memref<400x384xf32, #tpu.memory_space<vmem>>, vector<400x384xf32>
    tpu.vector_store %arg10[%swap3A_62, %swap3A_63], %slice3A_61 {strides = array<i32>} : memref<400x384xf32, #tpu.memory_space<vmem>>, vector<400x384xf32>,
    return
  }
  func.func @transform_0(%arg0: i32) -> (i32, i32, i32) {
    %c0_i32 = arith.constant 0 : i32
    %c0_i32_0 = arith.constant 0 : i32
    %c0_i32_1 = arith.constant 0 : i32
    return %c0_i32, %arg0, %c0_i32_0 : i32, i32, i32
  }
  func.func @transform_1(%arg0: i32) -> (i32, i32) {
    %c0_i32 = arith.constant 0 : i32
    %c0_i32_0 = arith.constant 0 : i32
    return %arg0, %c0_i32 : i32, i32
  }
  func.func @transform_2(%arg0: i32) -> (i32, i32) {
    %c0_i32 = arith.constant 0 : i32
    %c0_i32_0 = arith.constant 0 : i32
    return %arg0, %c0_i32 : i32, i32
  }
  func.func @transform_3(%arg0: i32) -> (i32, i32) {
    %c0_i32 = arith.constant 0 : i32
    %c0_i32_0 = arith.constant 0 : i32
    %c0_i32_1 = arith.constant 0 : i32
    return %c0_i32, %c0_i32_0 : i32, i32
  }
  func.func @transform_4(%arg0: i32) -> (i32, i32) {
    %c0_i32 = arith.constant 0 : i32
    %c0_i32_0 = arith.constant 0 : i32
    %c0_i32_1 = arith.constant 0 : i32
    return %c0_i32, %c0_i32_0 : i32, i32
  }
  func.func @transform_5(%arg0: i32) -> (i32, i32) {
    %c0_i32 = arith.constant 0 : i32
    %c0_i32_0 = arith.constant 0 : i32
    %c0_i32_1 = arith.constant 0 : i32
    return %c0_i32, %c0_i32_0 : i32, i32
  }
  func.func @transform_6(%arg0: i32) -> (i32, i32) {
    %c0_i32 = arith.constant 0 : i32
    %c0_i32_0 = arith.constant 0 : i32
    %c0_i32_1 = arith.constant 0 : i32
    return %c0_i32, %c0_i32_0 : i32, i32
  }
  func.func @transform_7(%arg0: i32) -> (i32, i32) {
    %c0_i32 = arith.constant 0 : i32
    %c0_i32_0 = arith.constant 0 : i32
    return %arg0, %c0_i32 : i32, i32
  }
  func.func @transform_8(%arg0: i32) -> (i32, i32) {
    %c0_i32 = arith.constant 0 : i32
    %c0_i32_0 = arith.constant 0 : i32
    return %arg0, %c0_i32 : i32, i32
  }
  func.func @transform_9(%arg0: i32) -> (i32, i32) {
    %c0_i32 = arith.constant 0 : i32
    %c0_i32_0 = arith.constant 0 : i32
    return %arg0, %c0_i32 : i32, i32
  }
}

module attributes {stable_mosaic.version = 14 : i64} {
  func.func @body(%arg0: i32, %arg1: memref<2x400x128xf32, #tpu.memory_space<vmem>>, %arg2: memref<400x384xf32, #tpu.memory_space<vmem>>, %arg3: memref<400x128xf32, #tpu.memory_space<vmem>>, %arg4: memref<128x384xf32, #tpu.memory_space<vmem>>, %arg5: memref<1x384xf32, #tpu.memory_space<vmem>>, %arg6: memref<128x512xf32, #tpu.memory_space<vmem>>, %arg7: memref<1x512xf32, #tpu.memory_space<vmem>>, %arg8: memref<400x128xf32, #tpu.memory_space<vmem>>, %arg9: memref<400x128xf32, #tpu.memory_space<vmem>>, %arg10: memref<400x384xf32, #tpu.memory_space<vmem>>) attributes {dimension_semantics = [#tpu.dimension_semantics<arbitrary>], iteration_bounds = array<i64: 25>, scalar_prefetch = 0 : i64, scratch_operands = 0 : i64, tpu.core_type = #tpu.core_type<tc>, window_params = [{transform_indices = @transform_0, window_bounds = array<i64: 2, 400, 128>}, {transform_indices = @transform_1, window_bounds = array<i64: 400, 384>}, {transform_indices = @transform_2, window_bounds = array<i64: 400, 128>}, {pipeline_mode = #tpu.pipeline_mode<synchronous>, transform_indices = @transform_3, window_bounds = array<i64: 128, 384>}, {pipeline_mode = #tpu.pipeline_mode<synchronous>, transform_indices = @transform_4, window_bounds = array<i64: 1, 384>}, {pipeline_mode = #tpu.pipeline_mode<synchronous>, transform_indices = @transform_5, window_bounds = array<i64: 128, 512>}, {pipeline_mode = #tpu.pipeline_mode<synchronous>, transform_indices = @transform_6, window_bounds = array<i64: 1, 512>}, {transform_indices = @transform_7, window_bounds = array<i64: 400, 128>}, {transform_indices = @transform_8, window_bounds = array<i64: 400, 128>}, {transform_indices = @transform_9, window_bounds = array<i64: 400, 384>}]} {
    %get3A = arith.constant 0 : index
    %get3A_0 = arith.constant 0 : index
    %get3A_1 = arith.constant 0 : index
    %get3A_2 = vector.load %arg1[%get3A, %get3A_0, %get3A_1] : memref<2x400x128xf32, #tpu.memory_space<vmem>>, vector<2x400x128xf32>
    %get3A_3 = arith.constant 0 : index
    %get3A_4 = arith.constant 0 : index
    %get3A_5 = vector.load %arg2[%get3A_3, %get3A_4] : memref<400x384xf32, #tpu.memory_space<vmem>>, vector<400x384xf32>
    %get3A_6 = arith.constant 0 : index
    %get3A_7 = arith.constant 0 : index
    %get3A_8 = vector.load %arg3[%get3A_6, %get3A_7] : memref<400x128xf32, #tpu.memory_space<vmem>>, vector<400x128xf32>
    %get3A_9 = arith.constant 0 : index
    %get3A_10 = arith.constant 0 : index
    %get3A_11 = vector.load %arg4[%get3A_9, %get3A_10] : memref<128x384xf32, #tpu.memory_space<vmem>>, vector<128x384xf32>
    %get3A_12 = arith.constant 0 : index
    %get3A_13 = arith.constant 0 : index
    %get3A_14 = vector.load %arg5[%get3A_12, %get3A_13] : memref<1x384xf32, #tpu.memory_space<vmem>>, vector<1x384xf32>
    %slice3A = vector.extract_strided_slice %get3A_2 {offsets = [0, 0, 0], sizes = [1, 400, 128], strides = [1, 1, 1]} : vector<2x400x128xf32> to vector<1x400x128xf32>
    %squeeze3A = vector.shape_cast %slice3A : vector<1x400x128xf32> to vector<400x128xf32>
    %slice3A_15 = vector.extract_strided_slice %get3A_2 {offsets = [1, 0, 0], sizes = [1, 400, 128], strides = [1, 1, 1]} : vector<2x400x128xf32> to vector<1x400x128xf32>
    %squeeze3A_16 = vector.shape_cast %slice3A_15 : vector<1x400x128xf32> to vector<400x128xf32>
    %add3A = arith.addf %squeeze3A, %squeeze3A_16 : vector<400x128xf32>
    %dot_general3A = arith.constant dense<0.000000e+00> : vector<400x384xf32>
    %dot_general3A_17 = tpu.matmul %add3A, %get3A_11, %dot_general3A {dimension_numbers = #tpu.dot_dimension_numbers<[1], [0], [0], [1], [0, 0, 1, 1], [], []>, transpose_lhs_hint = false} : vector<400x128xf32>, vector<128x384xf32>, vector<400x384xf32> -> vector<400x384xf32>
    %add3A_18 = vector.broadcast %get3A_14 : vector<1x384xf32> to vector<400x384xf32>
    %add3A_19 = arith.addf %dot_general3A_17, %add3A_18 : vector<400x384xf32>
    %slice3A_20 = vector.extract_strided_slice %add3A_19 {offsets = [0, 0], sizes = [400, 128], strides = [1, 1]} : vector<400x384xf32> to vector<400x128xf32>
    %slice3A_21 = vector.extract_strided_slice %get3A_5 {offsets = [0, 0], sizes = [400, 128], strides = [1, 1]} : vector<400x384xf32> to vector<400x128xf32>
    %add3A_22 = arith.addf %slice3A_20, %slice3A_21 : vector<400x128xf32>
    %logistic3A = arith.negf %add3A_22 : vector<400x128xf32>
    %logistic3A_23 = math.exp %logistic3A : vector<400x128xf32>
    %logistic3A_24 = arith.constant 1.000000e+00 : f32
    %logistic3A_25 = vector.broadcast %logistic3A_24 : f32 to vector<400x128xf32>
    %logistic3A_26 = arith.addf %logistic3A_25, %logistic3A_23 : vector<400x128xf32>
    %logistic3A_27 = arith.divf %logistic3A_25, %logistic3A_26 : vector<400x128xf32>
    %slice3A_28 = vector.extract_strided_slice %add3A_19 {offsets = [0, 128], sizes = [400, 128], strides = [1, 1]} : vector<400x384xf32> to vector<400x128xf32>
    %slice3A_29 = vector.extract_strided_slice %get3A_5 {offsets = [0, 128], sizes = [400, 128], strides = [1, 1]} : vector<400x384xf32> to vector<400x128xf32>
    %add3A_30 = arith.addf %slice3A_28, %slice3A_29 : vector<400x128xf32>
    %logistic3A_31 = arith.negf %add3A_30 : vector<400x128xf32>
    %logistic3A_32 = math.exp %logistic3A_31 : vector<400x128xf32>
    %logistic3A_33 = arith.constant 1.000000e+00 : f32
    %logistic3A_34 = vector.broadcast %logistic3A_33 : f32 to vector<400x128xf32>
    %logistic3A_35 = arith.addf %logistic3A_34, %logistic3A_32 : vector<400x128xf32>
    %logistic3A_36 = arith.divf %logistic3A_34, %logistic3A_35 : vector<400x128xf32>
    %slice3A_37 = vector.extract_strided_slice %add3A_19 {offsets = [0, 256], sizes = [400, 128], strides = [1, 1]} : vector<400x384xf32> to vector<400x128xf32>
    %slice3A_38 = vector.extract_strided_slice %get3A_5 {offsets = [0, 256], sizes = [400, 128], strides = [1, 1]} : vector<400x384xf32> to vector<400x128xf32>
    %mul3A = arith.mulf %logistic3A_27, %slice3A_38 : vector<400x128xf32>
    %add3A_39 = arith.addf %slice3A_37, %mul3A : vector<400x128xf32>
    %tanh3A = math.tanh %add3A_39 : vector<400x128xf32>
    %sub3A = arith.constant 1.000000e+00 : f32
    %sub3A_40 = vector.broadcast %sub3A : f32 to vector<400x128xf32>
    %sub3A_41 = arith.subf %sub3A_40, %logistic3A_36 : vector<400x128xf32>
    %mul3A_42 = arith.mulf %sub3A_41, %tanh3A : vector<400x128xf32>
    %mul3A_43 = arith.mulf %logistic3A_36, %get3A_8 : vector<400x128xf32>
    %add3A_44 = arith.addf %mul3A_42, %mul3A_43 : vector<400x128xf32>
    %swap3A = arith.constant 0 : index
    %swap3A_45 = arith.constant 0 : index
    %swap3A_46 = vector.load %arg8[%swap3A, %swap3A_45] : memref<400x128xf32, #tpu.memory_space<vmem>>, vector<400x128xf32>
    tpu.vector_store %arg8[%swap3A, %swap3A_45], %add3A_44 {strides = array<i32>} : memref<400x128xf32, #tpu.memory_space<vmem>>, vector<400x128xf32>,
    %get3A_47 = arith.constant 0 : index
    %get3A_48 = arith.constant 0 : index
    %get3A_49 = vector.load %arg6[%get3A_47, %get3A_48] : memref<128x512xf32, #tpu.memory_space<vmem>>, vector<128x512xf32>
    %dot_general3A_50 = arith.constant dense<0.000000e+00> : vector<400x512xf32>
    %dot_general3A_51 = tpu.matmul %add3A_44, %get3A_49, %dot_general3A_50 {dimension_numbers = #tpu.dot_dimension_numbers<[1], [0], [0], [1], [0, 0, 1, 1], [], []>, transpose_lhs_hint = false} : vector<400x128xf32>, vector<128x512xf32>, vector<400x512xf32> -> vector<400x512xf32>
    %get3A_52 = arith.constant 0 : index
    %get3A_53 = arith.constant 0 : index
    %get3A_54 = vector.load %arg7[%get3A_52, %get3A_53] : memref<1x512xf32, #tpu.memory_space<vmem>>, vector<1x512xf32>
    %add3A_55 = vector.broadcast %get3A_54 : vector<1x512xf32> to vector<400x512xf32>
    %add3A_56 = arith.addf %dot_general3A_51, %add3A_55 : vector<400x512xf32>
    %slice3A_57 = vector.extract_strided_slice %add3A_56 {offsets = [0, 0], sizes = [400, 128], strides = [1, 1]} : vector<400x512xf32> to vector<400x128xf32>
    %swap3A_58 = arith.constant 0 : index
    %swap3A_59 = arith.constant 0 : index
    %swap3A_60 = vector.load %arg9[%swap3A_58, %swap3A_59] : memref<400x128xf32, #tpu.memory_space<vmem>>, vector<400x128xf32>
    tpu.vector_store %arg9[%swap3A_58, %swap3A_59], %slice3A_57 {strides = array<i32>} : memref<400x128xf32, #tpu.memory_space<vmem>>, vector<400x128xf32>,
    %slice3A_61 = vector.extract_strided_slice %add3A_56 {offsets = [0, 128], sizes = [400, 384], strides = [1, 1]} : vector<400x512xf32> to vector<400x384xf32>
    %swap3A_62 = arith.constant 0 : index
    %swap3A_63 = arith.constant 0 : index
    %swap3A_64 = vector.load %arg10[%swap3A_62, %swap3A_63] : memref<400x384xf32, #tpu.memory_space<vmem>>, vector<400x384xf32>
    tpu.vector_store %arg10[%swap3A_62, %swap3A_63], %slice3A_61 {strides = array<i32>} : memref<400x384xf32, #tpu.memory_space<vmem>>, vector<400x384xf32>,
    return
  }
  func.func @transform_0(%arg0: i32) -> (i32, i32, i32) {
    %c0_i32 = arith.constant 0 : i32
    %c0_i32_0 = arith.constant 0 : i32
    %c0_i32_1 = arith.constant 0 : i32
    return %c0_i32, %arg0, %c0_i32_0 : i32, i32, i32
  }
  func.func @transform_1(%arg0: i32) -> (i32, i32) {
    %c0_i32 = arith.constant 0 : i32
    %c0_i32_0 = arith.constant 0 : i32
    return %arg0, %c0_i32 : i32, i32
  }
  func.func @transform_2(%arg0: i32) -> (i32, i32) {
    %c0_i32 = arith.constant 0 : i32
    %c0_i32_0 = arith.constant 0 : i32
    return %arg0, %c0_i32 : i32, i32
  }
  func.func @transform_3(%arg0: i32) -> (i32, i32) {
    %c0_i32 = arith.constant 0 : i32
    %c0_i32_0 = arith.constant 0 : i32
    %c0_i32_1 = arith.constant 0 : i32
    return %c0_i32, %c0_i32_0 : i32, i32
  }
  func.func @transform_4(%arg0: i32) -> (i32, i32) {
    %c0_i32 = arith.constant 0 : i32
    %c0_i32_0 = arith.constant 0 : i32
    %c0_i32_1 = arith.constant 0 : i32
    return %c0_i32, %c0_i32_0 : i32, i32
  }
  func.func @transform_5(%arg0: i32) -> (i32, i32) {
    %c0_i32 = arith.constant 0 : i32
    %c0_i32_0 = arith.constant 0 : i32
    %c0_i32_1 = arith.constant 0 : i32
    return %c0_i32, %c0_i32_0 : i32, i32
  }
  func.func @transform_6(%arg0: i32) -> (i32, i32) {
    %c0_i32 = arith.constant 0 : i32
    %c0_i32_0 = arith.constant 0 : i32
    %c0_i32_1 = arith.constant 0 : i32
    return %c0_i32, %c0_i32_0 : i32, i32
  }
  func.func @transform_7(%arg0: i32) -> (i32, i32) {
    %c0_i32 = arith.constant 0 : i32
    %c0_i32_0 = arith.constant 0 : i32
    return %arg0, %c0_i32 : i32, i32
  }
  func.func @transform_8(%arg0: i32) -> (i32, i32) {
    %c0_i32 = arith.constant 0 : i32
    %c0_i32_0 = arith.constant 0 : i32
    return %arg0, %c0_i32 : i32, i32
  }
  func.func @transform_9(%arg0: i32) -> (i32, i32) {
    %c0_i32 = arith.constant 0 : i32
    %c0_i32_0 = arith.constant 0 : i32
    return %arg0, %c0_i32 : i32, i32
  }
}

module attributes {stable_mosaic.version = 14 : i64} {
  func.func @body(%arg0: i32, %arg1: memref<2x400x128xf32, #tpu.memory_space<vmem>>, %arg2: memref<400x384xf32, #tpu.memory_space<vmem>>, %arg3: memref<400x128xf32, #tpu.memory_space<vmem>>, %arg4: memref<128x384xf32, #tpu.memory_space<vmem>>, %arg5: memref<1x384xf32, #tpu.memory_space<vmem>>, %arg6: memref<400x1xi32, #tpu.memory_space<vmem>>, %arg7: memref<64x128xf32, #tpu.memory_space<vmem>>, %arg8: memref<64x128xf32, #tpu.memory_space<vmem>>, %arg9: memref<64x128xf32, #tpu.memory_space<vmem>>) attributes {dimension_semantics = [#tpu.dimension_semantics<arbitrary>], iteration_bounds = array<i64: 25>, scalar_prefetch = 0 : i64, scratch_operands = 2 : i64, tpu.core_type = #tpu.core_type<tc>, window_params = [{transform_indices = @transform_0, window_bounds = array<i64: 2, 400, 128>}, {transform_indices = @transform_1, window_bounds = array<i64: 400, 384>}, {transform_indices = @transform_2, window_bounds = array<i64: 400, 128>}, {pipeline_mode = #tpu.pipeline_mode<synchronous>, transform_indices = @transform_3, window_bounds = array<i64: 128, 384>}, {pipeline_mode = #tpu.pipeline_mode<synchronous>, transform_indices = @transform_4, window_bounds = array<i64: 1, 384>}, {transform_indices = @transform_5, window_bounds = array<i64: 400, 1>}, {pipeline_mode = #tpu.pipeline_mode<synchronous>, transform_indices = @transform_6, window_bounds = array<i64: 64, 128>}]} {
    %eq3A = arith.constant 0 : i32
    %eq3A_0 = arith.cmpi eq, %arg0, %eq3A : i32
    %convert_element_type3A = arith.extui %eq3A_0 : i1 to i32
    %cond3A = arith.constant 0 : i32
    %cond3A_1 = arith.cmpi ne, %convert_element_type3A, %cond3A : i32
    scf.if %cond3A_1 {
      %broadcast_in_dim3A_78 = arith.constant 0.000000e+00 : f32
      %broadcast_in_dim3A_79 = vector.broadcast %broadcast_in_dim3A_78 : f32 to vector<64x128xf32>
      %swap3A_80 = arith.constant 0 : index
      %swap3A_81 = arith.constant 0 : index
      %swap3A_82 = vector.load %arg8[%swap3A_80, %swap3A_81] : memref<64x128xf32, #tpu.memory_space<vmem>>, vector<64x128xf32>
      tpu.vector_store %arg8[%swap3A_80, %swap3A_81], %broadcast_in_dim3A_79 {strides = array<i32>} : memref<64x128xf32, #tpu.memory_space<vmem>>, vector<64x128xf32>,
      %broadcast_in_dim3A_83 = arith.constant 0.000000e+00 : f32
      %broadcast_in_dim3A_84 = vector.broadcast %broadcast_in_dim3A_83 : f32 to vector<64x128xf32>
      %swap3A_85 = arith.constant 0 : index
      %swap3A_86 = arith.constant 0 : index
      %swap3A_87 = vector.load %arg9[%swap3A_85, %swap3A_86] : memref<64x128xf32, #tpu.memory_space<vmem>>, vector<64x128xf32>
      tpu.vector_store %arg9[%swap3A_85, %swap3A_86], %broadcast_in_dim3A_84 {strides = array<i32>} : memref<64x128xf32, #tpu.memory_space<vmem>>, vector<64x128xf32>,
    } else {
    }
    %get3A = arith.constant 0 : index
    %get3A_2 = arith.constant 0 : index
    %get3A_3 = arith.constant 0 : index
    %get3A_4 = vector.load %arg1[%get3A, %get3A_2, %get3A_3] : memref<2x400x128xf32, #tpu.memory_space<vmem>>, vector<2x400x128xf32>
    %get3A_5 = arith.constant 0 : index
    %get3A_6 = arith.constant 0 : index
    %get3A_7 = vector.load %arg2[%get3A_5, %get3A_6] : memref<400x384xf32, #tpu.memory_space<vmem>>, vector<400x384xf32>
    %get3A_8 = arith.constant 0 : index
    %get3A_9 = arith.constant 0 : index
    %get3A_10 = vector.load %arg3[%get3A_8, %get3A_9] : memref<400x128xf32, #tpu.memory_space<vmem>>, vector<400x128xf32>
    %get3A_11 = arith.constant 0 : index
    %get3A_12 = arith.constant 0 : index
    %get3A_13 = vector.load %arg4[%get3A_11, %get3A_12] : memref<128x384xf32, #tpu.memory_space<vmem>>, vector<128x384xf32>
    %get3A_14 = arith.constant 0 : index
    %get3A_15 = arith.constant 0 : index
    %get3A_16 = vector.load %arg5[%get3A_14, %get3A_15] : memref<1x384xf32, #tpu.memory_space<vmem>>, vector<1x384xf32>
    %slice3A = vector.extract_strided_slice %get3A_4 {offsets = [0, 0, 0], sizes = [1, 400, 128], strides = [1, 1, 1]} : vector<2x400x128xf32> to vector<1x400x128xf32>
    %squeeze3A = vector.shape_cast %slice3A : vector<1x400x128xf32> to vector<400x128xf32>
    %slice3A_17 = vector.extract_strided_slice %get3A_4 {offsets = [1, 0, 0], sizes = [1, 400, 128], strides = [1, 1, 1]} : vector<2x400x128xf32> to vector<1x400x128xf32>
    %squeeze3A_18 = vector.shape_cast %slice3A_17 : vector<1x400x128xf32> to vector<400x128xf32>
    %add3A = arith.addf %squeeze3A, %squeeze3A_18 : vector<400x128xf32>
    %dot_general3A = arith.constant dense<0.000000e+00> : vector<400x384xf32>
    %dot_general3A_19 = tpu.matmul %add3A, %get3A_13, %dot_general3A {dimension_numbers = #tpu.dot_dimension_numbers<[1], [0], [0], [1], [0, 0, 1, 1], [], []>, transpose_lhs_hint = false} : vector<400x128xf32>, vector<128x384xf32>, vector<400x384xf32> -> vector<400x384xf32>
    %add3A_20 = vector.broadcast %get3A_16 : vector<1x384xf32> to vector<400x384xf32>
    %add3A_21 = arith.addf %dot_general3A_19, %add3A_20 : vector<400x384xf32>
    %slice3A_22 = vector.extract_strided_slice %add3A_21 {offsets = [0, 0], sizes = [400, 128], strides = [1, 1]} : vector<400x384xf32> to vector<400x128xf32>
    %slice3A_23 = vector.extract_strided_slice %get3A_7 {offsets = [0, 0], sizes = [400, 128], strides = [1, 1]} : vector<400x384xf32> to vector<400x128xf32>
    %add3A_24 = arith.addf %slice3A_22, %slice3A_23 : vector<400x128xf32>
    %logistic3A = arith.negf %add3A_24 : vector<400x128xf32>
    %logistic3A_25 = math.exp %logistic3A : vector<400x128xf32>
    %logistic3A_26 = arith.constant 1.000000e+00 : f32
    %logistic3A_27 = vector.broadcast %logistic3A_26 : f32 to vector<400x128xf32>
    %logistic3A_28 = arith.addf %logistic3A_27, %logistic3A_25 : vector<400x128xf32>
    %logistic3A_29 = arith.divf %logistic3A_27, %logistic3A_28 : vector<400x128xf32>
    %slice3A_30 = vector.extract_strided_slice %add3A_21 {offsets = [0, 128], sizes = [400, 128], strides = [1, 1]} : vector<400x384xf32> to vector<400x128xf32>
    %slice3A_31 = vector.extract_strided_slice %get3A_7 {offsets = [0, 128], sizes = [400, 128], strides = [1, 1]} : vector<400x384xf32> to vector<400x128xf32>
    %add3A_32 = arith.addf %slice3A_30, %slice3A_31 : vector<400x128xf32>
    %logistic3A_33 = arith.negf %add3A_32 : vector<400x128xf32>
    %logistic3A_34 = math.exp %logistic3A_33 : vector<400x128xf32>
    %logistic3A_35 = arith.constant 1.000000e+00 : f32
    %logistic3A_36 = vector.broadcast %logistic3A_35 : f32 to vector<400x128xf32>
    %logistic3A_37 = arith.addf %logistic3A_36, %logistic3A_34 : vector<400x128xf32>
    %logistic3A_38 = arith.divf %logistic3A_36, %logistic3A_37 : vector<400x128xf32>
    %slice3A_39 = vector.extract_strided_slice %add3A_21 {offsets = [0, 256], sizes = [400, 128], strides = [1, 1]} : vector<400x384xf32> to vector<400x128xf32>
    %slice3A_40 = vector.extract_strided_slice %get3A_7 {offsets = [0, 256], sizes = [400, 128], strides = [1, 1]} : vector<400x384xf32> to vector<400x128xf32>
    %mul3A = arith.mulf %logistic3A_29, %slice3A_40 : vector<400x128xf32>
    %add3A_41 = arith.addf %slice3A_39, %mul3A : vector<400x128xf32>
    %tanh3A = math.tanh %add3A_41 : vector<400x128xf32>
    %sub3A = arith.constant 1.000000e+00 : f32
    %sub3A_42 = vector.broadcast %sub3A : f32 to vector<400x128xf32>
    %sub3A_43 = arith.subf %sub3A_42, %logistic3A_38 : vector<400x128xf32>
    %mul3A_44 = arith.mulf %sub3A_43, %tanh3A : vector<400x128xf32>
    %mul3A_45 = arith.mulf %logistic3A_38, %get3A_10 : vector<400x128xf32>
    %add3A_46 = arith.addf %mul3A_44, %mul3A_45 : vector<400x128xf32>
    %iota3A = tpu.iota {dimensions = array<i32: 1>} : vector<400x64xi32>
    %get3A_47 = arith.constant 0 : index
    %get3A_48 = arith.constant 0 : index
    %get3A_49 = vector.load %arg6[%get3A_47, %get3A_48] : memref<400x1xi32, #tpu.memory_space<vmem>>, vector<400x1xi32>
    %eq3A_50 = vector.broadcast %get3A_49 : vector<400x1xi32> to vector<400x64xi32>
    %eq3A_51 = arith.cmpi eq, %eq3A_50, %iota3A : vector<400x64xi32>
    %jit3A = arith.constant 1.000000e+00 : f32
    %jit3A_52 = arith.constant 0.000000e+00 : f32
    %broadcast_in_dim3A = vector.broadcast %jit3A : f32 to vector<400x64xf32>
    %broadcast_in_dim3A_53 = vector.broadcast %jit3A_52 : f32 to vector<400x64xf32>
    %select_n3A = arith.select %eq3A_51, %broadcast_in_dim3A, %broadcast_in_dim3A_53 : vector<400x64xi1>, vector<400x64xf32>
    %get3A_54 = arith.constant 0 : index
    %get3A_55 = arith.constant 0 : index
    %get3A_56 = vector.load %arg8[%get3A_54, %get3A_55] : memref<64x128xf32, #tpu.memory_space<vmem>>, vector<64x128xf32>
    %dot_general3A_57 = arith.constant dense<0.000000e+00> : vector<64x128xf32>
    %dot_general3A_58 = tpu.matmul %select_n3A, %add3A_46, %dot_general3A_57 {dimension_numbers = #tpu.dot_dimension_numbers<[0], [0], [1], [1], [0, 1, 1, 1], [], []>, precision = #tpu.contract_precision<fp32>, transpose_lhs_hint = false} : vector<400x64xf32>, vector<400x128xf32>, vector<64x128xf32> -> vector<64x128xf32>
    %add3A_59 = arith.addf %get3A_56, %dot_general3A_58 : vector<64x128xf32>
    %swap3A = arith.constant 0 : index
    %swap3A_60 = arith.constant 0 : index
    %swap3A_61 = vector.load %arg8[%swap3A, %swap3A_60] : memref<64x128xf32, #tpu.memory_space<vmem>>, vector<64x128xf32>
    tpu.vector_store %arg8[%swap3A, %swap3A_60], %add3A_59 {strides = array<i32>} : memref<64x128xf32, #tpu.memory_space<vmem>>, vector<64x128xf32>,
    %get3A_62 = arith.constant 0 : index
    %get3A_63 = arith.constant 0 : index
    %get3A_64 = vector.load %arg9[%get3A_62, %get3A_63] : memref<64x128xf32, #tpu.memory_space<vmem>>, vector<64x128xf32>
    %broadcast_in_dim3A_65 = arith.constant 1.000000e+00 : f32
    %broadcast_in_dim3A_66 = vector.broadcast %broadcast_in_dim3A_65 : f32 to vector<400x128xf32>
    %dot_general3A_67 = arith.constant dense<0.000000e+00> : vector<64x128xf32>
    %dot_general3A_68 = tpu.matmul %select_n3A, %broadcast_in_dim3A_66, %dot_general3A_67 {dimension_numbers = #tpu.dot_dimension_numbers<[0], [0], [1], [1], [0, 1, 1, 1], [], []>, precision = #tpu.contract_precision<fp32>, transpose_lhs_hint = false} : vector<400x64xf32>, vector<400x128xf32>, vector<64x128xf32> -> vector<64x128xf32>
    %add3A_69 = arith.addf %get3A_64, %dot_general3A_68 : vector<64x128xf32>
    %swap3A_70 = arith.constant 0 : index
    %swap3A_71 = arith.constant 0 : index
    %swap3A_72 = vector.load %arg9[%swap3A_70, %swap3A_71] : memref<64x128xf32, #tpu.memory_space<vmem>>, vector<64x128xf32>
    tpu.vector_store %arg9[%swap3A_70, %swap3A_71], %add3A_69 {strides = array<i32>} : memref<64x128xf32, #tpu.memory_space<vmem>>, vector<64x128xf32>,
    %eq3A_73 = arith.constant 24 : i32
    %eq3A_74 = arith.cmpi eq, %arg0, %eq3A_73 : i32
    %convert_element_type3A_75 = arith.extui %eq3A_74 : i1 to i32
    %cond3A_76 = arith.constant 0 : i32
    %cond3A_77 = arith.cmpi ne, %convert_element_type3A_75, %cond3A_76 : i32
    scf.if %cond3A_77 {
      %get3A_78 = arith.constant 0 : index
      %get3A_79 = arith.constant 0 : index
      %get3A_80 = vector.load %arg8[%get3A_78, %get3A_79] : memref<64x128xf32, #tpu.memory_space<vmem>>, vector<64x128xf32>
      %get3A_81 = arith.constant 0 : index
      %get3A_82 = arith.constant 0 : index
      %get3A_83 = vector.load %arg9[%get3A_81, %get3A_82] : memref<64x128xf32, #tpu.memory_space<vmem>>, vector<64x128xf32>
      %max3A = arith.constant 1.000000e+00 : f32
      %max3A_84 = vector.broadcast %max3A : f32 to vector<64x128xf32>
      %max3A_85 = arith.maximumf %get3A_83, %max3A_84 : vector<64x128xf32>
      %div3A = arith.divf %get3A_80, %max3A_85 : vector<64x128xf32>
      %swap3A_86 = arith.constant 0 : index
      %swap3A_87 = arith.constant 0 : index
      %swap3A_88 = vector.load %arg7[%swap3A_86, %swap3A_87] : memref<64x128xf32, #tpu.memory_space<vmem>>, vector<64x128xf32>
      tpu.vector_store %arg7[%swap3A_86, %swap3A_87], %div3A {strides = array<i32>} : memref<64x128xf32, #tpu.memory_space<vmem>>, vector<64x128xf32>,
    } else {
    }
    return
  }
  func.func @transform_0(%arg0: i32) -> (i32, i32, i32) {
    %c0_i32 = arith.constant 0 : i32
    %c0_i32_0 = arith.constant 0 : i32
    %c0_i32_1 = arith.constant 0 : i32
    return %c0_i32, %arg0, %c0_i32_0 : i32, i32, i32
  }
  func.func @transform_1(%arg0: i32) -> (i32, i32) {
    %c0_i32 = arith.constant 0 : i32
    %c0_i32_0 = arith.constant 0 : i32
    return %arg0, %c0_i32 : i32, i32
  }
  func.func @transform_2(%arg0: i32) -> (i32, i32) {
    %c0_i32 = arith.constant 0 : i32
    %c0_i32_0 = arith.constant 0 : i32
    return %arg0, %c0_i32 : i32, i32
  }
  func.func @transform_3(%arg0: i32) -> (i32, i32) {
    %c0_i32 = arith.constant 0 : i32
    %c0_i32_0 = arith.constant 0 : i32
    %c0_i32_1 = arith.constant 0 : i32
    return %c0_i32, %c0_i32_0 : i32, i32
  }
  func.func @transform_4(%arg0: i32) -> (i32, i32) {
    %c0_i32 = arith.constant 0 : i32
    %c0_i32_0 = arith.constant 0 : i32
    %c0_i32_1 = arith.constant 0 : i32
    return %c0_i32, %c0_i32_0 : i32, i32
  }
  func.func @transform_5(%arg0: i32) -> (i32, i32) {
    %c0_i32 = arith.constant 0 : i32
    %c0_i32_0 = arith.constant 0 : i32
    return %arg0, %c0_i32 : i32, i32
  }
  func.func @transform_6(%arg0: i32) -> (i32, i32) {
    %c0_i32 = arith.constant 0 : i32
    %c0_i32_0 = arith.constant 0 : i32
    %c0_i32_1 = arith.constant 0 : i32
    return %c0_i32, %c0_i32_0 : i32, i32
  }
}

</mosaic_0001>

<sc_bundles>
// kernel: kernel.14.cloned.1.call-start
scs
__scs_entry_jumppad:
0x0: {  	(pc) =	sbr.rel $0x88, $3  }
0x1: {  	(tag) =	ssettag $0x0;
	lr =	simm.s32 $0x1  }
0x2: {  	[smem:$0x3F98] =	sst lr;
	_ =	strace $0xD0000000  }
0x3: {  	_ = 	snop  }
0x4: {  	_ = 	snop  }
0x5: {  	_ = 	snop  }
0x6: {  	_ = 	snop  }
0x7: {  	_ = 	snop  }
__scs_overlays_trampoline_lowered:
0x8: {  	[smem:$0x3FA7] =	sst s0  }
0x9: {  	[smem:$0x3FA8] =	sst s1  }
0xa: {  	[smem:$0x3FA9] =	sst s2  }
0xb: {  	[smem:$0x3FAA] =	sst s3  }
0xc: {  	[smem:$0x3FAB] =	sst s4  }
0xd: {  	[smem:$0x3FAC] =	sst s5  }
0xe: {  	[smem:$0x3FAD] =	sst s6  }
0xf: {  	[smem:$0x3FAE] =	sst s7  }
0x10: {  	[smem:$0x3FAF] =	sst s8  }
0x11: {  	[smem:$0x3FB0] =	sst s9;
	s0 =	simm.s32 @!p0 $0x0  }
0x12: {  	s1 =	sld [smem:$0x3F96];
	s0 =	simm.s32 @p0 $0x1  }
0x13: {  	[smem:$0x3FB1] =	sst s0;
	s0 =	simm.s32 @!p1 $0x0  }
0x14: {  	s2 =	sld [smem:$0x3F95];
	s0 =	simm.s32 @p1 $0x1  }
0x15: {  	[smem:$0x3FB2] =	sst s0;
	s0 =	simm.s32 @!p2 $0x0  }
0x16: {  	s3 =	sld [smem:$0x3FDB];
	s0 =	simm.s32 @p2 $0x1  }
0x17: {  	s4 =	simm.s32 $0x1BF5;
	[smem:$0x3FB4] =	sst s0  }
0x18: {  	s0 =	sld [smem:$0x3F97];
	_ =	swait.ge [sflag:s4], $0x0  }
0x19: {  	s7 =	sld [smem:$0x3F98]  }
0x1a: {  	s8 =	sadd.s32 $0xFFFFE003, lr  }
0x1b: {  	s9 =	sadd.s32 $0xFFFFFEF7, lr;
	s5 =	simm.s32 $0xFFFFFFFF;
	p2 =	slt.u32 s8, $0xFFFFF086  }
0x1c: {  	p1 =	slt.u32 s9, $0xF7A;
	s5 =	simm.s32 @!p2 $0x0  }
0x1d: {  	s5 =	simm.s32 @p1 $0x1;
	p0 =	seq.s32 s7, s2  }
0x1e: {  	s7 =	smul.u32 @!p0 $0xF7A, s2;
	p2 =	seq.s32 @!p0 s5, $0x0  }
0x1f: {  	s9 =	smul.u32 $0xF7A, s1;
	s8 =	simm.s32 @!p0 $0x1BF5;
	p2 =	por !p2, p0  }
0x20: {  	[sflag:s8] =	ssyncset.s32 @!p0 $0xFFFFF086;
	s6 =	sadd.s32 @!p0 s3, s7;
	s7 =	simm.s32 @!p0 $0x108  }
0x21: {  	s3 =	sadd.s32 s3, s9;
	s6 =	sadd.s32 @!p0 $0x88, s6;
	s7 =	simm.s32 @p2 $0x1082  }
0x22: {  	[simem:s7], [sflag:s8] =	dma.local @!p0 [hbm:s6], $0xF7A  }
0x23: {  	s9 =	sor.u32 $0xD0000000, s2;
	s6 =	simm.s32 $0x108;
	_ =	swait.ge @!p0 [sflag:s8], $0x0  }
0x24: {  	s3 =	sadd.s32 $0x88, s3;
	s6 =	simm.s32 @!p1 $0x1082;
	[sflag:s4] =	ssyncset.s32 $0xFFFFF086  }
0x25: {  	[simem:s6], [sflag:s4] =	dma.local [hbm:s3], $0xF7A  }
0x26: {  	[smem:$0x3F98] =	sst s1;
	(tag) =	ssettag s2;
	_ =	strace s9  }
0x27: {  	s1 =	sld [smem:$0x3FA8]  }
0x28: {  	s2 =	sld [smem:$0x3FA9]  }
0x29: {  	s4 =	sld [smem:$0x3FAB]  }
0x2a: {  	p0 =	seq.s32 s5, $0x0;
	s5 =	sld [smem:$0x3FAC]  }
0x2b: {  	s6 =	sld [smem:$0x3FAD]  }
0x2c: {  	s7 =	sld [smem:$0x3FAE]  }
0x2d: {  	s3 =	simm.s32 $0x108;
	s8 =	sld [smem:$0x3FAF]  }
0x2e: {  	s3 =	simm.s32 @!p0 $0x1082;
	s9 =	sld [smem:$0x3FB0]  }
0x2f: {  	lr =	sadd.s32 s0, s3;
	s0 =	sld [smem:$0x3FA7]  }
0x30: {  	s3 =	sld [smem:$0x3FAA]  }
0x31: {  	[smem:$0x3FB3] =	sst s10  }
0x32: {  	s10 =	sld [smem:$0x3FB1];
	_ =	sdelay $0x3  }
0x33: {  	p0 =	seq.s32 s10, $0x1;
	s10 =	sld [smem:$0x3FB3];
	_ =	sdelay $0x3  }
0x34: {  	[smem:$0x3FB3] =	sst s10  }
0x35: {  	s10 =	sld [smem:$0x3FB2];
	_ =	sdelay $0x3  }
0x36: {  	p1 =	seq.s32 s10, $0x1;
	s10 =	sld [smem:$0x3FB3];
	_ =	sdelay $0x3  }
0x37: {  	[smem:$0x3FB3] =	sst s10  }
0x38: {  	s10 =	sld [smem:$0x3FB4]  }
0x39: {  	_ = 	snop;
	(pc) =	sbr.ind lr, $3  }
0x3a: {  	_ = 	snop  }
0x3b: {  	_ = 	snop  }
0x3c: {  	p2 =	seq.s32 s10, $0x1;
	s10 =	sld [smem:$0x3FB3]  }
0x3d: {  	_ =	shalt  }
0x3e: {  	_ =	shalt  }
0x3f: {  	_ =	shalt  }
0x40: {  	_ =	shalt  }
0x41: {  	_ =	shalt  }
0x42: {  	_ =	shalt  }
0x43: {  	_ =	shalt  }
0x44: {  	_ =	shalt  }
0x45: {  	_ =	shalt  }
0x46: {  	_ =	shalt  }
0x47: {  	_ =	shalt  }
0x48: {  	_ =	shalt  }
0x49: {  	_ =	shalt  }
0x4a: {  	_ =	shalt  }
0x4b: {  	_ =	shalt  }
0x4c: {  	_ =	shalt  }
0x4d: {  	_ =	shalt  }
0x4e: {  	_ =	shalt  }
0x4f: {  	_ =	shalt  }
0x50: {  	_ =	shalt  }
0x51: {  	_ =	shalt  }
0x52: {  	_ =	shalt  }
0x53: {  	_ =	shalt  }
0x54: {  	_ =	shalt  }
0x55: {  	_ =	shalt  }
0x56: {  	_ =	shalt  }
0x57: {  	_ =	shalt  }
0x58: {  	_ =	shalt  }
0x59: {  	_ =	shalt  }
0x5a: {  	_ =	shalt  }
0x5b: {  	_ =	shalt  }
0x5c: {  	_ =	shalt  }
0x5d: {  	_ =	shalt  }
0x5e: {  	_ =	shalt  }
0x5f: {  	_ =	shalt  }
0x60: {  	_ =	shalt  }
0x61: {  	_ =	shalt  }
0x62: {  	_ =	shalt  }
0x63: {  	_ =	shalt  }
0x64: {  	_ =	shalt  }
0x65: {  	_ =	shalt  }
0x66: {  	_ =	shalt  }
0x67: {  	_ =	shalt  }
0x68: {  	_ =	shalt  }
0x69: {  	_ =	shalt  }
0x6a: {  	_ =	shalt  }
0x6b: {  	_ =	shalt  }
0x6c: {  	_ =	shalt  }
0x6d: {  	_ =	shalt  }
0x6e: {  	_ =	shalt  }
0x6f: {  	_ =	shalt  }
0x70: {  	_ =	shalt  }
0x71: {  	_ =	shalt  }
0x72: {  	_ =	shalt  }
0x73: {  	_ =	shalt  }
0x74: {  	_ =	shalt  }
0x75: {  	_ =	shalt  }
0x76: {  	_ =	shalt  }
0x77: {  	_ =	shalt  }
0x78: {  	_ =	shalt  }
0x79: {  	_ =	shalt  }
0x7a: {  	_ =	shalt  }
0x7b: {  	_ =	shalt  }
0x7c: {  	_ =	shalt  }
0x7d: {  	_ =	shalt  }
0x7e: {  	_ =	shalt  }
0x7f: {  	_ =	shalt  }
0x80: {  	_ =	shalt  }
0x81: {  	_ =	shalt  }
0x82: {  	_ =	shalt  }
0x83: {  	_ =	shalt  }
0x84: {  	_ =	shalt  }
0x85: {  	_ =	shalt  }
0x86: {  	_ =	shalt  }
0x87: {  	_ =	shalt  }
.Lfunc_end0:
.L_simem_size_0:
called_computation_lowered:
.L_overlay_start_0:
0x88: {  	s2 =	sld [smem:$0x3FD9]  }
0x89: {  	s3 =	sld [smem:$0x3FFE];
	_ =	sdelay $0x1  }
0x8a: {  	s1 =	srdreg.scid  }
0x8b: {  	s0 =	sand.u32 $0x1, s1  }
0x8c: {  	s17 =	sshll.u32 s0, $0xA;
	s2 =	sadd.s32 s3, s2  }
0x8d: {  	s2 =	sadd.s32 s2, s17  }
0x8e: {  	[smem:$0x3FBF] =	sst s2  }
0x8f: {  	_ = 	snop  }
0x90: {  	s2 =	sld [smem:$0x3FC6];
	(tm) =	ssettm $0x1  }
0x91: {  	s18 =	sld [smem:$0x3FFB];
	_ =	sdelay $0x3  }
0x92: {  	_ =	strace s18  }
0x93: {  	s3 =	sld [smem:$0x3FFC];
	_ =	sdelay $0x3  }
0x94: {  	_ =	strace s3  }
0x95: {  	s3 =	sld [smem:$0x3FFD];
	_ =	sdelay $0x3  }
0x96: {  	_ =	strace s3  }
0x97: {  	_ =	strace $0x8FFFFFFF  }
0x98: {  	s19 =	sld [smem:$0x3FDB];
	_ =	sdelay $0x1  }
0x99: {  	s4 =	simm.s32 $_scs_section_size  }
0x9a: {  	s5 =	simm.s32 $_size__tile_overlayer_lowered;
	s6 =	simm.s32 $_tile_overlayer_lowered  }
0x9b: {  	s22 =	simm.s32 $0x1BFF;
	s21 =	sshll.u32 s6, $0x1;
	s3 =	sadd.s32 s4, s19  }
0x9c: {  	s7 =	simm.s32 $0x0;
	s20 =	sshll.u32 s5, $0x1;
	s5 =	sadd.s32 s21, s3  }
0x9d: {  	[timem:s7], [sflag:s22] =	dma.local [hbm:s5], s20  }
0x9e: {  	_ =	swait.ge [sflag:s22], s20  }
0x9f: {  	s4 =	ssub.s32 $0x0, s20;
	[sflag:s22] =	ssyncset.done $0x0  }
0xa0: {  	[sflag:s22] =	ssyncadd.s32 s4;
	_ =	sdelay $0x1  }
0xa1: {  	s23 =	simm.s32 $0x1B8B  }
0xa2: {  	_ =	swait.ge [sflag:s23], $0x1  }
0xa3: {  	[sflag:s23] =	ssyncset.done $0x0  }
0xa4: {  	s25 =	simm.s32 $0x1B8E;
	s24 =	sld [smem:$0x3FFE];
	[sflag:s23] =	ssyncadd.s32 $0xFFFFFFFF  }
0xa5: {  	s26 =	simm.s32 $execute0_lowered;
	[smem:$0x3FD2] =	sst s25  }
0xa6: {  	s5 =	sshll.u32 s26, $0x1;
	_ =	strace $0x80000046;
	[dreg:$0x1] =	wrdreg $0xFFFFFFFF  }
0xa7: {  	s28 =	simm.s32 $_size_execute0_lowered;
	s3 =	sadd.s32 s3, s5;
	[dreg:$0x0] =	wrdreg $0x0  }
0xa8: {  	s5 =	sshll.u32 s28, $0x1;
	[dreg:$0x2] =	wrdreg s3  }
0xa9: {  	[dreg:$0x3] =	wrdreg s5  }
0xaa: {  	[dreg:$0x4] =	wrdreg $0xC0  }
0xab: {  	_ =	task [dreg:s7], $0x5FFFF  }
0xac: {  	[dreg:$0x1] =	wrdreg $0xFFFFFFFF  }
0xad: {  	[dreg:$0x0] =	wrdreg $0x60  }
0xae: {  	[dreg:$0x2] =	wrdreg s2  }
0xaf: {  	[dreg:$0x3] =	wrdreg s24  }
0xb0: {  	[dreg:$0x4] =	wrdreg $0x9  }
0xb1: {  	_ =	task.clear_ibuf [dreg:s7], $0x5FFFF;
	_ =	strace $0x90000046  }
0xb2: {  	s29 =	simm.s32 $0x9;
	_ =	strace $0x80000048  }
0xb3: {  	_ =	swait.ge [sflag:s29], $0x1  }
0xb4: {  	[sflag:s29] =	ssyncadd.s32 $0xFFFFFFFF  }
0xb5: {  	_ =	strace $0x90000048  }
0xb6: {  	_ =	sfence  }
0xb7: {  	s30 =	sld [smem:$0x0];
	_ =	sdelay $0x2  }
0xb8: {  	s31 =	sshll.u32 s1, $0xD;
	s1 =	sshrl.u32 s1, $0x2  }
0xb9: {  	s3 =	sand.u32 $0x4000, s31;
	s1 =	sadd.s32 s1, s30  }
0xba: {  	s0 =	sor.u32 s3, s0;
	s1 =	sshll.u32 s1, $0x11  }
0xbb: {  	s0 =	sor.u32 s1, s0  }
0xbc: {  	s0 =	sadd.s32 $0x8F2B, s0  }
0xbd: {  	[sflag:s0] =	ssyncadd.remote.s32 $0x1  }
0xbe: {  	_ =	sfence.sel $0xFFFF  }
0xbf: {  	[dreg:$0x0] =	wrdreg $0xFFFFFFFF;
	(pc) =	sbr.abs _section_cstart, $3  }
0xc0: {  	[dreg:$0x1] =	wrdreg $0xFFFFFFFF  }
0xc1: {  	_ =	task.clear_ibuf [dreg:s7], $0x2FFFF;
	_ =	strace $0x9FFFFFFF  }
0xc2: {  	(tm) =	ssettm $0x7FFFFFFF  }
0xc3: {  	_ =	shalt  }
tec
execute0_lowered:
.L_overlay_start_1:
0x0: {  	(tag) =	ssettag $0x1  }
0x1: {  	s0 =	srdreg.scid  }
0x2: {  	s21 =	sand.u32 $0x1, s0  }
0x3: {  	s1 =	stileid.u32;
	s4 =	sshll.u32 s21, $0x4  }
0x4: {  	s4 =	sor.u32 s1, s4  }
0x5: {  	p0 =	sgt.u32 s4, $0x9  }
.Ltmp0:
0x6: {  	_ = 	snop;
	(pc) =	sbr.rel @p0 .LBB2_4-.Ltmp0, $4  }
0x7: {  	s2 =	rddreg [dreg:$0x0]  }
0x8: {  	s9 =	rddreg [dreg:$0x1];
	s3 =	simm.s32 $0x0  }
0x9: {  	[smem:$0x7FF] =	sst s3  }
0xa: {  	s0 =	rddreg [dreg:$0x2];
	_ =	strace $0x80000047  }
0xb: {  	s4 =	sadd.s32 $0x3600, s9;
	s5 =	sshll.u32 s1, $0x7  }
0xc: {  	s5 =	sadd.s32 s4, s5;
	s4 =	simm.s32 $0x2  }
0xd: {  	[tilespmem:s3], [sflag:$0x2] =	stream.linear.gather [hbm4b:s5+s3], $0x400, $0x38;
	[tilespmem:$0x4400] =	vst v63  }
0xe: {  	_ =	swait.ge [sflag:s4], $0x400  }
0xf: {  	s6 =	simm.s32 $0x80;
	[sflag:s4] =	ssyncset.done $0x0  }
0x10: {  	s7 =	simm.s32 $0x400;
	s8 =	simm.s32 $0x1;
	[sflag:s4] =	ssyncadd.s32 $0xFFFFFC00  }
0x11: {  	[tilespmem:s7], [sflag:$0x1] =	stream.indirect.gather [hbm4b:s2+s6], $0x80, s3, s6, $0xb8;
	[tilespmem:$0x4400] =	vst v63  }
0x12: {  	s10 =	sshll.u32 s1, $0xE;
	_ =	swait.ge [sflag:s8], $0x4000  }
0x13: {  	s22 =	sadd.s32 s10, s9;
	[sflag:s8] =	ssyncset.done $0x0  }
0x14: {  	s9 =	sadd.s32 $0x3C00, s22;
	[sflag:s8] =	ssyncadd.s32 $0xFFFFC000  }
0x15: {  	[hbm4b:s9+s3] =	stream.linear.scatter [tilespmem:s7], [sflag:$0x2], $0x4000, $0x38;
	[tilespmem:$0x4400] =	vst v63  }
0x16: {  	_ =	swait.ge [sflag:s4], $0x4000  }
0x17: {  	[sflag:s4] =	ssyncset.done $0x0  }
0x18: {  	[sflag:s4] =	ssyncadd.s32 $0xFFFFC000  }
0x19: {  	[tilespmem:s7], [sflag:$0x1] =	stream.indirect.gather [hbm4b:s2+s6], $0x80, s6, s6, $0xb8;
	[tilespmem:$0x4400] =	vst v63  }
0x1a: {  	_ =	swait.ge [sflag:s8], $0x4000  }
0x1b: {  	[sflag:s8] =	ssyncset.done $0x0  }
0x1c: {  	s10 =	sadd.s32 $0x4400, s22;
	[sflag:s8] =	ssyncadd.s32 $0xFFFFC000  }
0x1d: {  	[hbm4b:s10+s3] =	stream.linear.scatter [tilespmem:s7], [sflag:$0x2], $0x4000, $0x38;
	[tilespmem:$0x4400] =	vst v63  }
0x1e: {  	_ =	swait.ge [sflag:s4], $0x4000  }
0x1f: {  	[sflag:s4] =	ssyncset.done $0x0  }
0x20: {  	s11 =	simm.s32 $0x100;
	[sflag:s4] =	ssyncadd.s32 $0xFFFFC000  }
0x21: {  	[tilespmem:s7], [sflag:$0x1] =	stream.indirect.gather [hbm4b:s2+s6], $0x80, s11, s6, $0xb8;
	[tilespmem:$0x4400] =	vst v63  }
0x22: {  	_ =	swait.ge [sflag:s8], $0x4000  }
0x23: {  	[sflag:s8] =	ssyncset.done $0x0  }
0x24: {  	s12 =	sadd.s32 $0x4C00, s22;
	[sflag:s8] =	ssyncadd.s32 $0xFFFFC000  }
0x25: {  	[hbm4b:s12+s3] =	stream.linear.scatter [tilespmem:s7], [sflag:$0x2], $0x4000, $0x38;
	[tilespmem:$0x4400] =	vst v63  }
0x26: {  	_ =	swait.ge [sflag:s4], $0x4000  }
0x27: {  	[sflag:s4] =	ssyncset.done $0x0  }
0x28: {  	s13 =	simm.s32 $0x180;
	[sflag:s4] =	ssyncadd.s32 $0xFFFFC000  }
0x29: {  	[tilespmem:s7], [sflag:$0x1] =	stream.indirect.gather [hbm4b:s2+s6], $0x80, s13, s6, $0xb8;
	[tilespmem:$0x4400] =	vst v63  }
0x2a: {  	_ =	swait.ge [sflag:s8], $0x4000  }
0x2b: {  	[sflag:s8] =	ssyncset.done $0x0  }
0x2c: {  	s14 =	sadd.s32 $0x5400, s22;
	[sflag:s8] =	ssyncadd.s32 $0xFFFFC000  }
0x2d: {  	[hbm4b:s14+s3] =	stream.linear.scatter [tilespmem:s7], [sflag:$0x2], $0x4000, $0x38;
	[tilespmem:$0x4400] =	vst v63  }
0x2e: {  	_ =	swait.ge [sflag:s4], $0x4000  }
0x2f: {  	[sflag:s4] =	ssyncset.done $0x0  }
0x30: {  	s15 =	simm.s32 $0x200;
	[sflag:s4] =	ssyncadd.s32 $0xFFFFC000  }
0x31: {  	[tilespmem:s7], [sflag:$0x1] =	stream.indirect.gather [hbm4b:s2+s6], $0x80, s15, s6, $0xb8;
	[tilespmem:$0x4400] =	vst v63  }
0x32: {  	_ =	swait.ge [sflag:s8], $0x4000  }
0x33: {  	[sflag:s8] =	ssyncset.done $0x0  }
0x34: {  	s16 =	sadd.s32 $0x5C00, s22;
	[sflag:s8] =	ssyncadd.s32 $0xFFFFC000  }
0x35: {  	[hbm4b:s16+s3] =	stream.linear.scatter [tilespmem:s7], [sflag:$0x2], $0x4000, $0x38;
	[tilespmem:$0x4400] =	vst v63  }
0x36: {  	_ =	swait.ge [sflag:s4], $0x4000  }
0x37: {  	[sflag:s4] =	ssyncset.done $0x0  }
0x38: {  	s17 =	simm.s32 $0x280;
	[sflag:s4] =	ssyncadd.s32 $0xFFFFC000  }
0x39: {  	[tilespmem:s7], [sflag:$0x1] =	stream.indirect.gather [hbm4b:s2+s6], $0x80, s17, s6, $0xb8;
	[tilespmem:$0x4400] =	vst v63  }
0x3a: {  	_ =	swait.ge [sflag:s8], $0x4000  }
0x3b: {  	[sflag:s8] =	ssyncset.done $0x0  }
0x3c: {  	s18 =	sadd.s32 $0x6400, s22;
	[sflag:s8] =	ssyncadd.s32 $0xFFFFC000  }
0x3d: {  	[hbm4b:s18+s3] =	stream.linear.scatter [tilespmem:s7], [sflag:$0x2], $0x4000, $0x38;
	[tilespmem:$0x4400] =	vst v63  }
0x3e: {  	_ =	swait.ge [sflag:s4], $0x4000  }
0x3f: {  	[sflag:s4] =	ssyncset.done $0x0  }
0x40: {  	s19 =	simm.s32 $0x300;
	[sflag:s4] =	ssyncadd.s32 $0xFFFFC000  }
0x41: {  	[tilespmem:s7], [sflag:$0x1] =	stream.indirect.gather [hbm4b:s2+s6], $0x80, s19, s6, $0xb8;
	[tilespmem:$0x4400] =	vst v63  }
0x42: {  	_ =	swait.ge [sflag:s8], $0x4000  }
0x43: {  	[sflag:s8] =	ssyncset.done $0x0  }
0x44: {  	s23 =	ssub.s32 $0x2, s21;
	s20 =	sadd.s32 $0x6C00, s22;
	[sflag:s8] =	ssyncadd.s32 $0xFFFFC000  }
0x45: {  	[hbm4b:s20+s3] =	stream.linear.scatter [tilespmem:s7], [sflag:$0x2], $0x4000, $0x38;
	[tilespmem:$0x4400] =	vst v63  }
0x46: {  	s24 =	sshrl.u32 s23, $0x1;
	_ =	swait.ge [sflag:s4], $0x4000  }
0x47: {  	s23 =	ssub.s32 s23, s24;
	[sflag:s4] =	ssyncset.done $0x0  }
0x48: {  	s21 =	simm.s32 $0x380;
	s23 =	smax.u32 s23, $0x1;
	[sflag:s4] =	ssyncadd.s32 $0xFFFFC000  }
0x49: {  	[tilespmem:s7], [sflag:$0x1] =	stream.indirect.gather [hbm4b:s2+s6], $0x80, s21, s6, $0xb8;
	[tilespmem:$0x4400] =	vst v63  }
0x4a: {  	p0 =	sne.s32 s23, $0x1;
	_ =	swait.ge [sflag:s8], $0x4000  }
.Ltmp1:
0x4b: {  	[sflag:s8] =	ssyncset.done $0x0;
	(pc) =	sbr.rel @!p0 .LBB2_3-.Ltmp1, $4  }
0x4c: {  	s22 =	sadd.s32 $0x7400, s22;
	[sflag:s8] =	ssyncadd.s32 $0xFFFFC000  }
0x4d: {  	[hbm4b:s22+s3] =	stream.linear.scatter [tilespmem:s7], [sflag:$0x2], $0x4000, $0x38;
	[tilespmem:$0x4400] =	vst v63  }
0x4e: {  	_ =	swait.ge [sflag:s4], $0x4000  }
0x4f: {  	s23 =	sadd.s32 $0xFFFFFFFF, s23;
	[sflag:s4] =	ssyncset.done $0x0  }
.LBB2_2:
0x50: {  	p0 =	sne.s32 s23, $0x1;
	s23 =	sadd.s32 $0xFFFFFFFF, s23;
	[sflag:s4] =	ssyncadd.s32 $0xFFFFC000  }
0x51: {  	[tilespmem:s3], [sflag:$0x2] =	stream.linear.gather [hbm4b:s5+s3], $0x400, $0x38;
	[tilespmem:$0x4400] =	vst v63  }
0x52: {  	_ =	swait.ge [sflag:s4], $0x400  }
0x53: {  	[sflag:s4] =	ssyncset.done $0x0  }
0x54: {  	[sflag:s4] =	ssyncadd.s32 $0xFFFFFC00  }
0x55: {  	[tilespmem:s7], [sflag:$0x1] =	stream.indirect.gather [hbm4b:s2+s6], $0x80, s3, s6, $0xb8;
	[tilespmem:$0x4400] =	vst v63  }
0x56: {  	_ =	swait.ge [sflag:s8], $0x4000  }
0x57: {  	[sflag:s8] =	ssyncset.done $0x0  }
0x58: {  	[sflag:s8] =	ssyncadd.s32 $0xFFFFC000  }
0x59: {  	[hbm4b:s9+s3] =	stream.linear.scatter [tilespmem:s7], [sflag:$0x2], $0x4000, $0x38;
	[tilespmem:$0x4400] =	vst v63  }
0x5a: {  	_ =	swait.ge [sflag:s4], $0x4000  }
0x5b: {  	[sflag:s4] =	ssyncset.done $0x0  }
0x5c: {  	[sflag:s4] =	ssyncadd.s32 $0xFFFFC000  }
0x5d: {  	[tilespmem:s7], [sflag:$0x1] =	stream.indirect.gather [hbm4b:s2+s6], $0x80, s6, s6, $0xb8;
	[tilespmem:$0x4400] =	vst v63  }
0x5e: {  	_ =	swait.ge [sflag:s8], $0x4000  }
0x5f: {  	[sflag:s8] =	ssyncset.done $0x0  }
0x60: {  	[sflag:s8] =	ssyncadd.s32 $0xFFFFC000  }
0x61: {  	[hbm4b:s10+s3] =	stream.linear.scatter [tilespmem:s7], [sflag:$0x2], $0x4000, $0x38;
	[tilespmem:$0x4400] =	vst v63  }
0x62: {  	_ =	swait.ge [sflag:s4], $0x4000  }
0x63: {  	[sflag:s4] =	ssyncset.done $0x0  }
0x64: {  	[sflag:s4] =	ssyncadd.s32 $0xFFFFC000  }
0x65: {  	[tilespmem:s7], [sflag:$0x1] =	stream.indirect.gather [hbm4b:s2+s6], $0x80, s11, s6, $0xb8;
	[tilespmem:$0x4400] =	vst v63  }
0x66: {  	_ =	swait.ge [sflag:s8], $0x4000  }
0x67: {  	[sflag:s8] =	ssyncset.done $0x0  }
0x68: {  	[sflag:s8] =	ssyncadd.s32 $0xFFFFC000  }
0x69: {  	[hbm4b:s12+s3] =	stream.linear.scatter [tilespmem:s7], [sflag:$0x2], $0x4000, $0x38;
	[tilespmem:$0x4400] =	vst v63  }
0x6a: {  	_ =	swait.ge [sflag:s4], $0x4000  }
0x6b: {  	[sflag:s4] =	ssyncset.done $0x0  }
0x6c: {  	[sflag:s4] =	ssyncadd.s32 $0xFFFFC000  }
0x6d: {  	[tilespmem:s7], [sflag:$0x1] =	stream.indirect.gather [hbm4b:s2+s6], $0x80, s13, s6, $0xb8;
	[tilespmem:$0x4400] =	vst v63  }
0x6e: {  	_ =	swait.ge [sflag:s8], $0x4000  }
0x6f: {  	[sflag:s8] =	ssyncset.done $0x0  }
0x70: {  	[sflag:s8] =	ssyncadd.s32 $0xFFFFC000  }
0x71: {  	[hbm4b:s14+s3] =	stream.linear.scatter [tilespmem:s7], [sflag:$0x2], $0x4000, $0x38;
	[tilespmem:$0x4400] =	vst v63  }
0x72: {  	_ =	swait.ge [sflag:s4], $0x4000  }
0x73: {  	[sflag:s4] =	ssyncset.done $0x0  }
0x74: {  	[sflag:s4] =	ssyncadd.s32 $0xFFFFC000  }
0x75: {  	[tilespmem:s7], [sflag:$0x1] =	stream.indirect.gather [hbm4b:s2+s6], $0x80, s15, s6, $0xb8;
	[tilespmem:$0x4400] =	vst v63  }
0x76: {  	_ =	swait.ge [sflag:s8], $0x4000  }
0x77: {  	[sflag:s8] =	ssyncset.done $0x0  }
0x78: {  	[sflag:s8] =	ssyncadd.s32 $0xFFFFC000  }
0x79: {  	[hbm4b:s16+s3] =	stream.linear.scatter [tilespmem:s7], [sflag:$0x2], $0x4000, $0x38;
	[tilespmem:$0x4400] =	vst v63  }
0x7a: {  	_ =	swait.ge [sflag:s4], $0x4000  }
0x7b: {  	[sflag:s4] =	ssyncset.done $0x0  }
0x7c: {  	[sflag:s4] =	ssyncadd.s32 $0xFFFFC000  }
0x7d: {  	[tilespmem:s7], [sflag:$0x1] =	stream.indirect.gather [hbm4b:s2+s6], $0x80, s17, s6, $0xb8;
	[tilespmem:$0x4400] =	vst v63  }
0x7e: {  	_ =	swait.ge [sflag:s8], $0x4000  }
0x7f: {  	[sflag:s8] =	ssyncset.done $0x0  }
0x80: {  	[sflag:s8] =	ssyncadd.s32 $0xFFFFC000  }
0x81: {  	[hbm4b:s18+s3] =	stream.linear.scatter [tilespmem:s7], [sflag:$0x2], $0x4000, $0x38;
	[tilespmem:$0x4400] =	vst v63  }
0x82: {  	_ =	swait.ge [sflag:s4], $0x4000  }
0x83: {  	[sflag:s4] =	ssyncset.done $0x0  }
0x84: {  	[sflag:s4] =	ssyncadd.s32 $0xFFFFC000  }
0x85: {  	[tilespmem:s7], [sflag:$0x1] =	stream.indirect.gather [hbm4b:s2+s6], $0x80, s19, s6, $0xb8;
	[tilespmem:$0x4400] =	vst v63  }
0x86: {  	_ =	swait.ge [sflag:s8], $0x4000  }
0x87: {  	[sflag:s8] =	ssyncset.done $0x0  }
0x88: {  	[sflag:s8] =	ssyncadd.s32 $0xFFFFC000  }
0x89: {  	[hbm4b:s20+s3] =	stream.linear.scatter [tilespmem:s7], [sflag:$0x2], $0x4000, $0x38;
	[tilespmem:$0x4400] =	vst v63  }
0x8a: {  	_ =	swait.ge [sflag:s4], $0x4000  }
0x8b: {  	[sflag:s4] =	ssyncset.done $0x0  }
0x8c: {  	[sflag:s4] =	ssyncadd.s32 $0xFFFFC000  }
0x8d: {  	[tilespmem:s7], [sflag:$0x1] =	stream.indirect.gather [hbm4b:s2+s6], $0x80, s21, s6, $0xb8;
	[tilespmem:$0x4400] =	vst v63  }
0x8e: {  	_ =	swait.ge [sflag:s8], $0x4000  }
.Ltmp2:
0x8f: {  	[sflag:s8] =	ssyncset.done $0x0;
	(pc) =	sbr.rel @p0 .LBB2_2-.Ltmp2, $4  }
0x90: {  	[sflag:s8] =	ssyncadd.s32 $0xFFFFC000  }
0x91: {  	[hbm4b:s22+s3] =	stream.linear.scatter [tilespmem:s7], [sflag:$0x2], $0x4000, $0x38;
	[tilespmem:$0x4400] =	vst v63  }
0x92: {  	_ =	swait.ge [sflag:s4], $0x4000  }
0x93: {  	[sflag:s4] =	ssyncset.done $0x0  }
.LBB2_3:
0x94: {  	[sflag:s4] =	ssyncadd.s32 $0xFFFFC000  }
.LBB2_4:
0x95: {  	_ =	sfence.sel $0x180000  }
0x96: {  	[bflag:$0x0] =	sbarrier.arrive $0xFFFF  }
0x97: {  	p0 =	sne.s32 s1, $0x0;
	_ =	strace $0x90000047  }
0x98: {  	s0 =	sadd.s32 @!p0 $0x100000, s0;
	[bflag:$0x2] =	sbarrier.arrive $0xFFFF  }
0x99: {  	[sflag:s0] =	ssyncadd.tile.s32 @!p0 $0x1;
	_ =	shalt  }
.Lfunc_end2:
_tile_overlayer_lowered:
.L_overlay_start_2:
0x9a: {  	(tag) =	ssettag $0x2  }
0x9b: {  	s0 =	rddreg [dreg:$0x0];
	s2 =	stileid.u32  }
0x9c: {  	s1 =	rddreg [dreg:$0x1];
	p0 =	sne.s32 s2, $0x0  }
0x9d: {  	s3 =	rddreg [dreg:$0x2];
	[bflag:$0x3] =	sbarrier.arrive $0xFFFF;
	s2 =	simm.s32 @!p0 $0x1C02  }
0x9e: {  	[timem:s3], [sflag:s2] =	dma.local @!p0 [hbm:s0], s1  }
0x9f: {  	s0 =	simm.s32 @!p0 $0x2  }
0xa0: {  	_ =	swait.ge @!p0 [sflag:s0], s1  }
0xa1: {  	s1 =	ssub.s32 @!p0 $0x0, s1;
	[sflag:s0] =	ssyncset.done @!p0 $0x0  }
0xa2: {  	[sflag:s0] =	ssyncadd.s32 @!p0 s1  }
0xa3: {  	[bflag:$0x3] =	sbarrier.arrive $0xFFFF  }
0xa4: {  	_ =	shalt  }

// kernel: kernel.17.cloned.1.call-start
scs
__scs_entry_jumppad:
0x0: {  	(pc) =	sbr.rel $0x88, $3  }
0x1: {  	(tag) =	ssettag $0x0;
	lr =	simm.s32 $0x1  }
0x2: {  	[smem:$0x3F98] =	sst lr;
	_ =	strace $0xD0000000  }
0x3: {  	_ = 	snop  }
0x4: {  	_ = 	snop  }
0x5: {  	_ = 	snop  }
0x6: {  	_ = 	snop  }
0x7: {  	_ = 	snop  }
__scs_overlays_trampoline_lowered:
0x8: {  	[smem:$0x3FA7] =	sst s0  }
0x9: {  	[smem:$0x3FA8] =	sst s1  }
0xa: {  	[smem:$0x3FA9] =	sst s2  }
0xb: {  	[smem:$0x3FAA] =	sst s3  }
0xc: {  	[smem:$0x3FAB] =	sst s4  }
0xd: {  	[smem:$0x3FAC] =	sst s5  }
0xe: {  	[smem:$0x3FAD] =	sst s6  }
0xf: {  	[smem:$0x3FAE] =	sst s7  }
0x10: {  	[smem:$0x3FAF] =	sst s8  }
0x11: {  	[smem:$0x3FB0] =	sst s9;
	s0 =	simm.s32 @!p0 $0x0  }
0x12: {  	s1 =	sld [smem:$0x3F96];
	s0 =	simm.s32 @p0 $0x1  }
0x13: {  	[smem:$0x3FB1] =	sst s0;
	s0 =	simm.s32 @!p1 $0x0  }
0x14: {  	s2 =	sld [smem:$0x3F95];
	s0 =	simm.s32 @p1 $0x1  }
0x15: {  	[smem:$0x3FB2] =	sst s0;
	s0 =	simm.s32 @!p2 $0x0  }
0x16: {  	s3 =	sld [smem:$0x3FDB];
	s0 =	simm.s32 @p2 $0x1  }
0x17: {  	s4 =	simm.s32 $0x1BF5;
	[smem:$0x3FB4] =	sst s0  }
0x18: {  	s0 =	sld [smem:$0x3F97];
	_ =	swait.ge [sflag:s4], $0x0  }
0x19: {  	s7 =	sld [smem:$0x3F98]  }
0x1a: {  	s8 =	sadd.s32 $0xFFFFE003, lr  }
0x1b: {  	s9 =	sadd.s32 $0xFFFFFEF7, lr;
	s5 =	simm.s32 $0xFFFFFFFF;
	p2 =	slt.u32 s8, $0xFFFFF086  }
0x1c: {  	p1 =	slt.u32 s9, $0xF7A;
	s5 =	simm.s32 @!p2 $0x0  }
0x1d: {  	s5 =	simm.s32 @p1 $0x1;
	p0 =	seq.s32 s7, s2  }
0x1e: {  	s7 =	smul.u32 @!p0 $0xF7A, s2;
	p2 =	seq.s32 @!p0 s5, $0x0  }
0x1f: {  	s9 =	smul.u32 $0xF7A, s1;
	s8 =	simm.s32 @!p0 $0x1BF5;
	p2 =	por !p2, p0  }
0x20: {  	[sflag:s8] =	ssyncset.s32 @!p0 $0xFFFFF086;
	s6 =	sadd.s32 @!p0 s3, s7;
	s7 =	simm.s32 @!p0 $0x108  }
0x21: {  	s3 =	sadd.s32 s3, s9;
	s6 =	sadd.s32 @!p0 $0x88, s6;
	s7 =	simm.s32 @p2 $0x1082  }
0x22: {  	[simem:s7], [sflag:s8] =	dma.local @!p0 [hbm:s6], $0xF7A  }
0x23: {  	s9 =	sor.u32 $0xD0000000, s2;
	s6 =	simm.s32 $0x108;
	_ =	swait.ge @!p0 [sflag:s8], $0x0  }
0x24: {  	s3 =	sadd.s32 $0x88, s3;
	s6 =	simm.s32 @!p1 $0x1082;
	[sflag:s4] =	ssyncset.s32 $0xFFFFF086  }
0x25: {  	[simem:s6], [sflag:s4] =	dma.local [hbm:s3], $0xF7A  }
0x26: {  	[smem:$0x3F98] =	sst s1;
	(tag) =	ssettag s2;
	_ =	strace s9  }
0x27: {  	s1 =	sld [smem:$0x3FA8]  }
0x28: {  	s2 =	sld [smem:$0x3FA9]  }
0x29: {  	s4 =	sld [smem:$0x3FAB]  }
0x2a: {  	p0 =	seq.s32 s5, $0x0;
	s5 =	sld [smem:$0x3FAC]  }
0x2b: {  	s6 =	sld [smem:$0x3FAD]  }
0x2c: {  	s7 =	sld [smem:$0x3FAE]  }
0x2d: {  	s3 =	simm.s32 $0x108;
	s8 =	sld [smem:$0x3FAF]  }
0x2e: {  	s3 =	simm.s32 @!p0 $0x1082;
	s9 =	sld [smem:$0x3FB0]  }
0x2f: {  	lr =	sadd.s32 s0, s3;
	s0 =	sld [smem:$0x3FA7]  }
0x30: {  	s3 =	sld [smem:$0x3FAA]  }
0x31: {  	[smem:$0x3FB3] =	sst s10  }
0x32: {  	s10 =	sld [smem:$0x3FB1];
	_ =	sdelay $0x3  }
0x33: {  	p0 =	seq.s32 s10, $0x1;
	s10 =	sld [smem:$0x3FB3];
	_ =	sdelay $0x3  }
0x34: {  	[smem:$0x3FB3] =	sst s10  }
0x35: {  	s10 =	sld [smem:$0x3FB2];
	_ =	sdelay $0x3  }
0x36: {  	p1 =	seq.s32 s10, $0x1;
	s10 =	sld [smem:$0x3FB3];
	_ =	sdelay $0x3  }
0x37: {  	[smem:$0x3FB3] =	sst s10  }
0x38: {  	s10 =	sld [smem:$0x3FB4]  }
0x39: {  	_ = 	snop;
	(pc) =	sbr.ind lr, $3  }
0x3a: {  	_ = 	snop  }
0x3b: {  	_ = 	snop  }
0x3c: {  	p2 =	seq.s32 s10, $0x1;
	s10 =	sld [smem:$0x3FB3]  }
0x3d: {  	_ =	shalt  }
0x3e: {  	_ =	shalt  }
0x3f: {  	_ =	shalt  }
0x40: {  	_ =	shalt  }
0x41: {  	_ =	shalt  }
0x42: {  	_ =	shalt  }
0x43: {  	_ =	shalt  }
0x44: {  	_ =	shalt  }
0x45: {  	_ =	shalt  }
0x46: {  	_ =	shalt  }
0x47: {  	_ =	shalt  }
0x48: {  	_ =	shalt  }
0x49: {  	_ =	shalt  }
0x4a: {  	_ =	shalt  }
0x4b: {  	_ =	shalt  }
0x4c: {  	_ =	shalt  }
0x4d: {  	_ =	shalt  }
0x4e: {  	_ =	shalt  }
0x4f: {  	_ =	shalt  }
0x50: {  	_ =	shalt  }
0x51: {  	_ =	shalt  }
0x52: {  	_ =	shalt  }
0x53: {  	_ =	shalt  }
0x54: {  	_ =	shalt  }
0x55: {  	_ =	shalt  }
0x56: {  	_ =	shalt  }
0x57: {  	_ =	shalt  }
0x58: {  	_ =	shalt  }
0x59: {  	_ =	shalt  }
0x5a: {  	_ =	shalt  }
0x5b: {  	_ =	shalt  }
0x5c: {  	_ =	shalt  }
0x5d: {  	_ =	shalt  }
0x5e: {  	_ =	shalt  }
0x5f: {  	_ =	shalt  }
0x60: {  	_ =	shalt  }
0x61: {  	_ =	shalt  }
0x62: {  	_ =	shalt  }
0x63: {  	_ =	shalt  }
0x64: {  	_ =	shalt  }
0x65: {  	_ =	shalt  }
0x66: {  	_ =	shalt  }
0x67: {  	_ =	shalt  }
0x68: {  	_ =	shalt  }
0x69: {  	_ =	shalt  }
0x6a: {  	_ =	shalt  }
0x6b: {  	_ =	shalt  }
0x6c: {  	_ =	shalt  }
0x6d: {  	_ =	shalt  }
0x6e: {  	_ =	shalt  }
0x6f: {  	_ =	shalt  }
0x70: {  	_ =	shalt  }
0x71: {  	_ =	shalt  }
0x72: {  	_ =	shalt  }
0x73: {  	_ =	shalt  }
0x74: {  	_ =	shalt  }
0x75: {  	_ =	shalt  }
0x76: {  	_ =	shalt  }
0x77: {  	_ =	shalt  }
0x78: {  	_ =	shalt  }
0x79: {  	_ =	shalt  }
0x7a: {  	_ =	shalt  }
0x7b: {  	_ =	shalt  }
0x7c: {  	_ =	shalt  }
0x7d: {  	_ =	shalt  }
0x7e: {  	_ =	shalt  }
0x7f: {  	_ =	shalt  }
0x80: {  	_ =	shalt  }
0x81: {  	_ =	shalt  }
0x82: {  	_ =	shalt  }
0x83: {  	_ =	shalt  }
0x84: {  	_ =	shalt  }
0x85: {  	_ =	shalt  }
0x86: {  	_ =	shalt  }
0x87: {  	_ =	shalt  }
.Lfunc_end0:
.L_simem_size_0:
called_computation.1_lowered:
.L_overlay_start_0:
0x88: {  	s2 =	sld [smem:$0x3FD9]  }
0x89: {  	s3 =	sld [smem:$0x3FFE];
	_ =	sdelay $0x1  }
0x8a: {  	s1 =	srdreg.scid  }
0x8b: {  	s0 =	sand.u32 $0x1, s1  }
0x8c: {  	s16 =	sshll.u32 s0, $0xA;
	s2 =	sadd.s32 s3, s2  }
0x8d: {  	s2 =	sadd.s32 s2, s16  }
0x8e: {  	[smem:$0x3FBF] =	sst s2  }
0x8f: {  	_ = 	snop  }
0x90: {  	(tm) =	ssettm $0x1  }
0x91: {  	s17 =	sld [smem:$0x3FFB];
	_ =	sdelay $0x3  }
0x92: {  	_ =	strace s17  }
0x93: {  	s2 =	sld [smem:$0x3FFC];
	_ =	sdelay $0x3  }
0x94: {  	_ =	strace s2  }
0x95: {  	s2 =	sld [smem:$0x3FFD];
	_ =	sdelay $0x3  }
0x96: {  	_ =	strace s2  }
0x97: {  	_ =	strace $0x8FFFFFFF  }
0x98: {  	s18 =	sld [smem:$0x3FDB];
	_ =	sdelay $0x1  }
0x99: {  	s19 =	simm.s32 $_scs_section_size  }
0x9a: {  	s4 =	simm.s32 $_size__tile_overlayer_lowered;
	s5 =	simm.s32 $_tile_overlayer_lowered  }
0x9b: {  	s22 =	simm.s32 $0x1BFF;
	s21 =	sshll.u32 s5, $0x1;
	s2 =	sadd.s32 s19, s18  }
0x9c: {  	s6 =	simm.s32 $0x0;
	s20 =	sshll.u32 s4, $0x1;
	s4 =	sadd.s32 s21, s2  }
0x9d: {  	[timem:s6], [sflag:s22] =	dma.local [hbm:s4], s20  }
0x9e: {  	_ =	swait.ge [sflag:s22], s20  }
0x9f: {  	s3 =	ssub.s32 $0x0, s20;
	[sflag:s22] =	ssyncset.done $0x0  }
0xa0: {  	[sflag:s22] =	ssyncadd.s32 s3;
	_ =	sdelay $0x1  }
0xa1: {  	s23 =	simm.s32 $0x1B8B  }
0xa2: {  	_ =	swait.ge [sflag:s23], $0x1  }
0xa3: {  	[sflag:s23] =	ssyncset.done $0x0  }
0xa4: {  	s25 =	simm.s32 $0x1B8E;
	s24 =	sld [smem:$0x3FFE];
	[sflag:s23] =	ssyncadd.s32 $0xFFFFFFFF  }
0xa5: {  	s26 =	simm.s32 $execute0_lowered;
	[smem:$0x3FD2] =	sst s25  }
0xa6: {  	s4 =	sshll.u32 s26, $0x1;
	_ =	strace $0x80000049;
	[dreg:$0x1] =	wrdreg $0xFFFFFFFF  }
0xa7: {  	s28 =	simm.s32 $_size_execute0_lowered;
	s2 =	sadd.s32 s2, s4;
	[dreg:$0x0] =	wrdreg $0x0  }
0xa8: {  	s4 =	sshll.u32 s28, $0x1;
	[dreg:$0x2] =	wrdreg s2  }
0xa9: {  	[dreg:$0x3] =	wrdreg s4  }
0xaa: {  	[dreg:$0x4] =	wrdreg $0xC0  }
0xab: {  	_ =	task [dreg:s6], $0x5FFFF  }
0xac: {  	[dreg:$0x1] =	wrdreg $0xFFFFFFFF  }
0xad: {  	[dreg:$0x0] =	wrdreg $0x60  }
0xae: {  	[dreg:$0x2] =	wrdreg s24  }
0xaf: {  	[dreg:$0x3] =	wrdreg $0x90000  }
0xb0: {  	[dreg:$0x4] =	wrdreg $0x9  }
0xb1: {  	_ =	task.clear_ibuf [dreg:s6], $0x5FFFF;
	_ =	strace $0x90000049  }
0xb2: {  	s29 =	simm.s32 $0x9;
	_ =	strace $0x8000004B  }
0xb3: {  	_ =	swait.ge [sflag:s29], $0x1  }
0xb4: {  	[sflag:s29] =	ssyncadd.s32 $0xFFFFFFFF  }
0xb5: {  	_ =	strace $0x9000004B  }
0xb6: {  	_ =	sfence  }
0xb7: {  	s30 =	sld [smem:$0x0];
	_ =	sdelay $0x2  }
0xb8: {  	s31 =	sshll.u32 s1, $0xD;
	s1 =	sshrl.u32 s1, $0x2  }
0xb9: {  	s3 =	sand.u32 $0x4000, s31;
	s1 =	sadd.s32 s1, s30  }
0xba: {  	s0 =	sor.u32 s3, s0;
	s1 =	sshll.u32 s1, $0x11  }
0xbb: {  	s0 =	sor.u32 s1, s0  }
0xbc: {  	s0 =	sadd.s32 $0x8F2B, s0  }
0xbd: {  	[sflag:s0] =	ssyncadd.remote.s32 $0x1  }
0xbe: {  	_ =	sfence.sel $0xFFFF  }
0xbf: {  	[dreg:$0x0] =	wrdreg $0xFFFFFFFF;
	(pc) =	sbr.abs _section_cstart, $3  }
0xc0: {  	[dreg:$0x1] =	wrdreg $0xFFFFFFFF  }
0xc1: {  	_ =	task.clear_ibuf [dreg:s6], $0x2FFFF;
	_ =	strace $0x9FFFFFFF  }
0xc2: {  	(tm) =	ssettm $0x7FFFFFFF  }
0xc3: {  	_ =	shalt  }
tec
execute0_lowered:
.L_overlay_start_1:
0x0: {  	(tag) =	ssettag $0x1  }
0x1: {  	s0 =	srdreg.scid;
	s1 =	simm.s32 $0x90;
	s6 =	rddreg [dreg:$0x0]  }
0x2: {  	s12 =	stileid.u32;
	s2 =	rddreg [dreg:$0x1];
	s3 =	simm.s32 $0x0  }
0x3: {  	s22 =	simm.s32 $0x100;
	s24 =	simm.s32 $0x880;
	s25 =	simm.s32 $0x180  }
0x4: {  	s26 =	simm.s32 $0x900;
	s15 =	simm.s32 $0x980;
	s28 =	simm.s32 $0xC80  }
0x5: {  	s29 =	simm.s32 $0x580;
	[smem:$0x7FF] =	sst s3;
	s16 =	sadd.s32 $0x2A800, s6  }
0x6: {  	s30 =	simm.s32 $0xD00;
	_ =	strace $0x8000004A;
	[dreg:$0x11] =	wrdreg s16  }
0x7: {  	s31 =	simm.s32 $0x600;
	s0 =	sand.u32 $0x1, s0;
	[dreg:$0x3] =	wrdreg s22  }
0x8: {  	s8 =	smul.u32 $0x50000, s12;
	s19 =	sshll.u32 s12, $0x6;
	[dreg:$0x4] =	wrdreg s24  }
0x9: {  	p0 =	seq.s32 s0, $0x0;
	s5 =	smul.u32 $0x48000, s0;
	[dreg:$0x5] =	wrdreg s25  }
0xa: {  	s7 =	smul.u32 $0x28000, s0;
	s0 =	ssub.s32 $0x2, s0;
	[dreg:$0x6] =	wrdreg s26  }
0xb: {  	[dreg:$0x8] =	wrdreg s15;
	s22 =	simm.s32 $0x380;
	s24 =	simm.s32 $0x400  }
0xc: {  	s25 =	simm.s32 $0xB80;
	s15 =	simm.s32 $0x780;
	[dreg:$0xd] =	wrdreg s22  }
0xd: {  	s1 =	simm.s32 @!p0 $0x10;
	s17 =	sshrl.u32 s8, $0x2;
	[dreg:$0xf] =	wrdreg s24  }
0xe: {  	s18 =	sshrl.u32 s0, $0x1;
	s22 =	simm.s32 $0x2;
	[dreg:$0x10] =	wrdreg s25  }
0xf: {  	s25 =	simm.s32 $0xC00;
	s24 =	simm.s32 $0xF80;
	s4 =	smul.u32 s1, s12  }
0x10: {  	s7 =	sadd.s32 s7, s6;
	s10 =	sadd.s32 s17, s2;
	s0 =	ssub.s32 s0, s18  }
0x11: {  	s1 =	sshrl.u32 s1, $0x4;
	s17 =	simm.s32 $0x280;
	s20 =	sadd.s32 $0x4000, s10  }
0x12: {  	s11 =	sadd.s32 $0x8000, s10;
	s13 =	sadd.s32 $0xC000, s10;
	s14 =	sadd.s32 $0x10000, s10  }
0x13: {  	[dreg:$0x12] =	wrdreg s1;
	s1 =	sadd.s32 $0xB5000, s7;
	s7 =	smul.u32 $0x2800, s12  }
0x14: {  	s0 =	smax.u32 s0, $0x1;
	s12 =	simm.s32 $0x3;
	[dreg:$0x9] =	wrdreg s17  }
0x15: {  	s17 =	simm.s32 $0x800;
	[dreg:$0x13] =	wrdreg s0;
	s8 =	sshrl.u32 s20, $0x3  }
0x16: {  	s4 =	sshll.u32 s4, $0x7;
	s11 =	sshrl.u32 s11, $0x3;
	[dreg:$0x18] =	wrdreg s8  }
0x17: {  	s16 =	sshrl.u32 s13, $0x3;
	s18 =	sshrl.u32 s14, $0x3;
	[dreg:$0x19] =	wrdreg s11  }
0x18: {  	s20 =	simm.s32 $0x300;
	s0 =	simm.s32 $0x680;
	[dreg:$0x1a] =	wrdreg s16  }
0x19: {  	s13 =	simm.s32 $0x700;
	s14 =	simm.s32 $0xE80;
	[dreg:$0x1b] =	wrdreg s18  }
0x1a: {  	s4 =	sadd.s32 s5, s4;
	[dreg:$0xb] =	wrdreg s20;
	s26 =	sadd.s32 s7, s1  }
0x1b: {  	s5 =	sshrl.u32 s4, $0x3;
	s4 =	sadd.s32 $0x3600, s6;
	[dreg:$0x1c] =	wrdreg s26  }
0x1c: {  	s9 =	sadd.s32 s5, s6;
	s6 =	sor.u32 $0x1C03, s19;
	s19 =	simm.s32 $0xA00  }
0x1d: {  	s18 =	simm.s32 $0x80;
	s20 =	simm.s32 $0x5000;
	[dreg:$0xa] =	wrdreg s19  }
0x1e: {  	s1 =	simm.s32 $0xD80;
	s21 =	sadd.s32 $0x2BC00, s9;
	[dreg:$0x16] =	wrdreg s6  }
0x1f: {  	s8 =	simm.s32 $0xE00;
	s23 =	sadd.s32 $0x35C00, s9;
	[dreg:$0x14] =	wrdreg s21  }
0x20: {  	s9 =	sshrl.u32 s10, $0x3;
	s10 =	simm.s32 $0x200;
	[dreg:$0x15] =	wrdreg s23  }
0x21: {  	s16 =	simm.s32 $0xF00;
	s7 =	simm.s32 $0x0;
	[dreg:$0x7] =	wrdreg s10  }
0x22: {  	s26 =	simm.s32 $0x500;
	s21 =	simm.s32 $0xA80;
	[dreg:$0x17] =	wrdreg s9  }
0x23: {  	s19 =	simm.s32 $0x1000;
	s23 =	simm.s32 $0xB00;
	[dreg:$0xc] =	wrdreg s21  }
0x24: {  	s21 =	simm.s32 $0x1;
	[dreg:$0xe] =	wrdreg s23;
	s23 =	simm.s32 $0x480  }
.LBB2_1:
0x25: {  	s5 =	rddreg [dreg:$0x11]  }
0x26: {  	[spmem:s9], [sflag:s6] =	dma.local [hbm:s5], $0x800  }
0x27: {  	_ =	swait.ge [sflag:s12], $0x800  }
0x28: {  	[sflag:s12] =	ssyncset.done $0x0  }
0x29: {  	s11 =	rddreg [dreg:$0x18];
	[sflag:s12] =	ssyncadd.s32 $0xFFFFF800  }
0x2a: {  	[spmem:s11], [sflag:s6] =	dma.local [hbm:s5], $0x800  }
0x2b: {  	_ =	swait.ge [sflag:s12], $0x800  }
0x2c: {  	[sflag:s12] =	ssyncset.done $0x0  }
0x2d: {  	s10 =	rddreg [dreg:$0x19];
	[sflag:s12] =	ssyncadd.s32 $0xFFFFF800  }
0x2e: {  	[spmem:s10], [sflag:s6] =	dma.local [hbm:s5], $0x800  }
0x2f: {  	_ =	swait.ge [sflag:s12], $0x800  }
0x30: {  	[sflag:s12] =	ssyncset.done $0x0  }
0x31: {  	s11 =	rddreg [dreg:$0x1a];
	[sflag:s12] =	ssyncadd.s32 $0xFFFFF800  }
0x32: {  	[spmem:s11], [sflag:s6] =	dma.local [hbm:s5], $0x800  }
0x33: {  	_ =	swait.ge [sflag:s12], $0x800  }
0x34: {  	[sflag:s12] =	ssyncset.done $0x0  }
0x35: {  	s10 =	rddreg [dreg:$0x1b];
	[sflag:s12] =	ssyncadd.s32 $0xFFFFF800  }
0x36: {  	[spmem:s10], [sflag:s6] =	dma.local [hbm:s5], $0x800  }
0x37: {  	_ =	swait.ge [sflag:s12], $0x800  }
0x38: {  	[sflag:s12] =	ssyncset.done $0x0  }
0x39: {  	[sflag:s12] =	ssyncadd.s32 $0xFFFFF800  }
0x3a: {  	[bflag:$0x0] =	sbarrier.arrive $0xFFFF  }
0x3b: {  	s6 =	rddreg [dreg:$0x15]  }
0x3c: {  	[tilespmem:s3], [sflag:$0x3] =	stream.linear.gather [hbm4b:s6+s3], $0x800, $0x38;
	[tilespmem:$0x1D000] =	vst v63  }
0x3d: {  	_ =	swait.ge [sflag:s12], $0x800  }
0x3e: {  	[sflag:s12] =	ssyncset.done $0x0  }
0x3f: {  	s10 =	rddreg [dreg:$0x14];
	[sflag:s12] =	ssyncadd.s32 $0xFFFFF800  }
0x40: {  	[tilespmem:s17], [sflag:$0x3] =	stream.linear.gather [hbm4b:s10+s3], $0x800, $0x38;
	[tilespmem:$0x1D000] =	vst v63  }
0x41: {  	_ =	swait.ge [sflag:s12], $0x800  }
0x42: {  	[sflag:s12] =	ssyncset.done $0x0  }
0x43: {  	[sflag:s12] =	ssyncadd.s32 $0xFFFFF800  }
0x44: {  	[tilespmem:s19], [sflag:$0x1] =	stream.indirect.gather [hbm4b:s4+s18], $0x80, s3, s18, $0xb8;
	[tilespmem:$0x1D000] =	vst v63  }
0x45: {  	_ = 	snop  }
0x46: {  	[tilespmem:s20], [sflag:$0x2] =	stream.indirect.gather [hbm4b:s4+s18], $0x80, s18, s18, $0xb8;
	[tilespmem:$0x1D000] =	vst v63  }
0x47: {  	_ =	swait.ge [sflag:s21], $0x4000  }
0x48: {  	[sflag:s21] =	ssyncset.done $0x0  }
0x49: {  	[sflag:s21] =	ssyncadd.s32 $0xFFFFC000  }
0x4a: {  	[spmem:s2] =	stream.indirect.scatter.add.f32 [tilespmem:s19], [sflag:$0x3], $0x80, s17, s18, $0xb8;
	[tilespmem:$0x1D000] =	vst v63  }
0x4b: {  	_ =	swait.ge [sflag:s12], $0x4000  }
0x4c: {  	[sflag:s12] =	ssyncset.done $0x0  }
0x4d: {  	s11 =	rddreg [dreg:$0x3];
	[sflag:s12] =	ssyncadd.s32 $0xFFFFC000  }
0x4e: {  	[tilespmem:s19], [sflag:$0x1] =	stream.indirect.gather [hbm4b:s4+s18], $0x80, s11, s18, $0xb8;
	[tilespmem:$0x1D000] =	vst v63  }
0x4f: {  	_ =	swait.ge [sflag:s22], $0x4000  }
0x50: {  	[sflag:s22] =	ssyncset.done $0x0  }
0x51: {  	s5 =	rddreg [dreg:$0x4];
	[sflag:s22] =	ssyncadd.s32 $0xFFFFC000  }
0x52: {  	[spmem:s2] =	stream.indirect.scatter.add.f32 [tilespmem:s20], [sflag:$0x3], $0x80, s5, s18, $0xb8;
	[tilespmem:$0x1D000] =	vst v63  }
0x53: {  	_ =	swait.ge [sflag:s12], $0x4000  }
0x54: {  	[sflag:s12] =	ssyncset.done $0x0  }
0x55: {  	s11 =	rddreg [dreg:$0x5];
	[sflag:s12] =	ssyncadd.s32 $0xFFFFC000  }
0x56: {  	[tilespmem:s20], [sflag:$0x2] =	stream.indirect.gather [hbm4b:s4+s18], $0x80, s11, s18, $0xb8;
	[tilespmem:$0x1D000] =	vst v63  }
0x57: {  	_ =	swait.ge [sflag:s21], $0x4000  }
0x58: {  	[sflag:s21] =	ssyncset.done $0x0  }
0x59: {  	s5 =	rddreg [dreg:$0x6];
	[sflag:s21] =	ssyncadd.s32 $0xFFFFC000  }
0x5a: {  	[spmem:s2] =	stream.indirect.scatter.add.f32 [tilespmem:s19], [sflag:$0x3], $0x80, s5, s18, $0xb8;
	[tilespmem:$0x1D000] =	vst v63  }
0x5b: {  	_ =	swait.ge [sflag:s12], $0x4000  }
0x5c: {  	[sflag:s12] =	ssyncset.done $0x0  }
0x5d: {  	s11 =	rddreg [dreg:$0x7];
	[sflag:s12] =	ssyncadd.s32 $0xFFFFC000  }
0x5e: {  	[tilespmem:s19], [sflag:$0x1] =	stream.indirect.gather [hbm4b:s4+s18], $0x80, s11, s18, $0xb8;
	[tilespmem:$0x1D000] =	vst v63  }
0x5f: {  	_ =	swait.ge [sflag:s22], $0x4000  }
0x60: {  	[sflag:s22] =	ssyncset.done $0x0  }
0x61: {  	s5 =	rddreg [dreg:$0x8];
	[sflag:s22] =	ssyncadd.s32 $0xFFFFC000  }
0x62: {  	[spmem:s2] =	stream.indirect.scatter.add.f32 [tilespmem:s20], [sflag:$0x3], $0x80, s5, s18, $0xb8;
	[tilespmem:$0x1D000] =	vst v63  }
0x63: {  	_ =	swait.ge [sflag:s12], $0x4000  }
0x64: {  	[sflag:s12] =	ssyncset.done $0x0  }
0x65: {  	s11 =	rddreg [dreg:$0x9];
	[sflag:s12] =	ssyncadd.s32 $0xFFFFC000  }
0x66: {  	[tilespmem:s20], [sflag:$0x2] =	stream.indirect.gather [hbm4b:s4+s18], $0x80, s11, s18, $0xb8;
	[tilespmem:$0x1D000] =	vst v63  }
0x67: {  	_ =	swait.ge [sflag:s21], $0x4000  }
0x68: {  	[sflag:s21] =	ssyncset.done $0x0  }
0x69: {  	s5 =	rddreg [dreg:$0xa];
	[sflag:s21] =	ssyncadd.s32 $0xFFFFC000  }
0x6a: {  	[spmem:s2] =	stream.indirect.scatter.add.f32 [tilespmem:s19], [sflag:$0x3], $0x80, s5, s18, $0xb8;
	[tilespmem:$0x1D000] =	vst v63  }
0x6b: {  	_ =	swait.ge [sflag:s12], $0x4000  }
0x6c: {  	[sflag:s12] =	ssyncset.done $0x0  }
0x6d: {  	s11 =	rddreg [dreg:$0xb];
	[sflag:s12] =	ssyncadd.s32 $0xFFFFC000  }
0x6e: {  	[tilespmem:s19], [sflag:$0x1] =	stream.indirect.gather [hbm4b:s4+s18], $0x80, s11, s18, $0xb8;
	[tilespmem:$0x1D000] =	vst v63  }
0x6f: {  	_ =	swait.ge [sflag:s22], $0x4000  }
0x70: {  	[sflag:s22] =	ssyncset.done $0x0  }
0x71: {  	s5 =	rddreg [dreg:$0xc];
	[sflag:s22] =	ssyncadd.s32 $0xFFFFC000  }
0x72: {  	[spmem:s2] =	stream.indirect.scatter.add.f32 [tilespmem:s20], [sflag:$0x3], $0x80, s5, s18, $0xb8;
	[tilespmem:$0x1D000] =	vst v63  }
0x73: {  	_ =	swait.ge [sflag:s12], $0x4000  }
0x74: {  	[sflag:s12] =	ssyncset.done $0x0  }
0x75: {  	s11 =	rddreg [dreg:$0xd];
	[sflag:s12] =	ssyncadd.s32 $0xFFFFC000  }
0x76: {  	[tilespmem:s20], [sflag:$0x2] =	stream.indirect.gather [hbm4b:s4+s18], $0x80, s11, s18, $0xb8;
	[tilespmem:$0x1D000] =	vst v63  }
0x77: {  	_ =	swait.ge [sflag:s21], $0x4000  }
0x78: {  	[sflag:s21] =	ssyncset.done $0x0  }
0x79: {  	s5 =	rddreg [dreg:$0xe];
	[sflag:s21] =	ssyncadd.s32 $0xFFFFC000  }
0x7a: {  	[spmem:s2] =	stream.indirect.scatter.add.f32 [tilespmem:s19], [sflag:$0x3], $0x80, s5, s18, $0xb8;
	[tilespmem:$0x1D000] =	vst v63  }
0x7b: {  	_ =	swait.ge [sflag:s12], $0x4000  }
0x7c: {  	[sflag:s12] =	ssyncset.done $0x0  }
0x7d: {  	s11 =	rddreg [dreg:$0xf];
	[sflag:s12] =	ssyncadd.s32 $0xFFFFC000  }
0x7e: {  	[tilespmem:s19], [sflag:$0x1] =	stream.indirect.gather [hbm4b:s4+s18], $0x80, s11, s18, $0xb8;
	[tilespmem:$0x1D000] =	vst v63  }
0x7f: {  	_ =	swait.ge [sflag:s22], $0x4000  }
0x80: {  	[sflag:s22] =	ssyncset.done $0x0  }
0x81: {  	s5 =	rddreg [dreg:$0x10];
	[sflag:s22] =	ssyncadd.s32 $0xFFFFC000  }
0x82: {  	[spmem:s2] =	stream.indirect.scatter.add.f32 [tilespmem:s20], [sflag:$0x3], $0x80, s5, s18, $0xb8;
	[tilespmem:$0x1D000] =	vst v63  }
0x83: {  	_ =	swait.ge [sflag:s12], $0x4000  }
0x84: {  	[sflag:s12] =	ssyncset.done $0x0  }
0x85: {  	[sflag:s12] =	ssyncadd.s32 $0xFFFFC000  }
0x86: {  	[tilespmem:s20], [sflag:$0x2] =	stream.indirect.gather [hbm4b:s4+s18], $0x80, s23, s18, $0xb8;
	[tilespmem:$0x1D000] =	vst v63  }
0x87: {  	_ =	swait.ge [sflag:s21], $0x4000  }
0x88: {  	[sflag:s21] =	ssyncset.done $0x0  }
0x89: {  	[sflag:s21] =	ssyncadd.s32 $0xFFFFC000  }
0x8a: {  	[spmem:s2] =	stream.indirect.scatter.add.f32 [tilespmem:s19], [sflag:$0x3], $0x80, s25, s18, $0xb8;
	[tilespmem:$0x1D000] =	vst v63  }
0x8b: {  	_ =	swait.ge [sflag:s12], $0x4000  }
0x8c: {  	[sflag:s12] =	ssyncset.done $0x0  }
0x8d: {  	[sflag:s12] =	ssyncadd.s32 $0xFFFFC000  }
0x8e: {  	[tilespmem:s19], [sflag:$0x1] =	stream.indirect.gather [hbm4b:s4+s18], $0x80, s26, s18, $0xb8;
	[tilespmem:$0x1D000] =	vst v63  }
0x8f: {  	_ =	swait.ge [sflag:s22], $0x4000  }
0x90: {  	[sflag:s22] =	ssyncset.done $0x0  }
0x91: {  	[sflag:s22] =	ssyncadd.s32 $0xFFFFC000  }
0x92: {  	[spmem:s2] =	stream.indirect.scatter.add.f32 [tilespmem:s20], [sflag:$0x3], $0x80, s28, s18, $0xb8;
	[tilespmem:$0x1D000] =	vst v63  }
0x93: {  	_ =	swait.ge [sflag:s12], $0x4000  }
0x94: {  	[sflag:s12] =	ssyncset.done $0x0  }
0x95: {  	[sflag:s12] =	ssyncadd.s32 $0xFFFFC000  }
0x96: {  	[tilespmem:s20], [sflag:$0x2] =	stream.indirect.gather [hbm4b:s4+s18], $0x80, s29, s18, $0xb8;
	[tilespmem:$0x1D000] =	vst v63  }
0x97: {  	_ =	swait.ge [sflag:s21], $0x4000  }
0x98: {  	[sflag:s21] =	ssyncset.done $0x0  }
0x99: {  	[sflag:s21] =	ssyncadd.s32 $0xFFFFC000  }
0x9a: {  	[spmem:s2] =	stream.indirect.scatter.add.f32 [tilespmem:s19], [sflag:$0x3], $0x80, s30, s18, $0xb8;
	[tilespmem:$0x1D000] =	vst v63  }
0x9b: {  	_ =	swait.ge [sflag:s12], $0x4000  }
0x9c: {  	[sflag:s12] =	ssyncset.done $0x0  }
0x9d: {  	[sflag:s12] =	ssyncadd.s32 $0xFFFFC000  }
0x9e: {  	[tilespmem:s19], [sflag:$0x1] =	stream.indirect.gather [hbm4b:s4+s18], $0x80, s31, s18, $0xb8;
	[tilespmem:$0x1D000] =	vst v63  }
0x9f: {  	_ =	swait.ge [sflag:s22], $0x4000  }
0xa0: {  	[sflag:s22] =	ssyncset.done $0x0  }
0xa1: {  	[sflag:s22] =	ssyncadd.s32 $0xFFFFC000  }
0xa2: {  	[spmem:s2] =	stream.indirect.scatter.add.f32 [tilespmem:s20], [sflag:$0x3], $0x80, s1, s18, $0xb8;
	[tilespmem:$0x1D000] =	vst v63  }
0xa3: {  	_ =	swait.ge [sflag:s12], $0x4000  }
0xa4: {  	[sflag:s12] =	ssyncset.done $0x0  }
0xa5: {  	[sflag:s12] =	ssyncadd.s32 $0xFFFFC000  }
0xa6: {  	[tilespmem:s20], [sflag:$0x2] =	stream.indirect.gather [hbm4b:s4+s18], $0x80, s0, s18, $0xb8;
	[tilespmem:$0x1D000] =	vst v63  }
0xa7: {  	_ =	swait.ge [sflag:s21], $0x4000  }
0xa8: {  	[sflag:s21] =	ssyncset.done $0x0  }
0xa9: {  	[sflag:s21] =	ssyncadd.s32 $0xFFFFC000  }
0xaa: {  	[spmem:s2] =	stream.indirect.scatter.add.f32 [tilespmem:s19], [sflag:$0x3], $0x80, s8, s18, $0xb8;
	[tilespmem:$0x1D000] =	vst v63  }
0xab: {  	_ =	swait.ge [sflag:s12], $0x4000  }
0xac: {  	[sflag:s12] =	ssyncset.done $0x0  }
0xad: {  	[sflag:s12] =	ssyncadd.s32 $0xFFFFC000  }
0xae: {  	[tilespmem:s19], [sflag:$0x1] =	stream.indirect.gather [hbm4b:s4+s18], $0x80, s13, s18, $0xb8;
	[tilespmem:$0x1D000] =	vst v63  }
0xaf: {  	_ =	swait.ge [sflag:s22], $0x4000  }
0xb0: {  	[sflag:s22] =	ssyncset.done $0x0  }
0xb1: {  	[sflag:s22] =	ssyncadd.s32 $0xFFFFC000  }
0xb2: {  	[spmem:s2] =	stream.indirect.scatter.add.f32 [tilespmem:s20], [sflag:$0x3], $0x80, s14, s18, $0xb8;
	[tilespmem:$0x1D000] =	vst v63  }
0xb3: {  	_ =	swait.ge [sflag:s12], $0x4000  }
0xb4: {  	[sflag:s12] =	ssyncset.done $0x0  }
0xb5: {  	[sflag:s12] =	ssyncadd.s32 $0xFFFFC000  }
0xb6: {  	[tilespmem:s20], [sflag:$0x2] =	stream.indirect.gather [hbm4b:s4+s18], $0x80, s15, s18, $0xb8;
	[tilespmem:$0x1D000] =	vst v63  }
0xb7: {  	_ =	swait.ge [sflag:s21], $0x4000  }
0xb8: {  	[sflag:s21] =	ssyncset.done $0x0  }
0xb9: {  	[sflag:s21] =	ssyncadd.s32 $0xFFFFC000  }
0xba: {  	[spmem:s2] =	stream.indirect.scatter.add.f32 [tilespmem:s19], [sflag:$0x3], $0x80, s16, s18, $0xb8;
	[tilespmem:$0x1D000] =	vst v63  }
0xbb: {  	_ =	swait.ge [sflag:s12], $0x4000  }
0xbc: {  	[sflag:s12] =	ssyncset.done $0x0  }
0xbd: {  	[sflag:s12] =	ssyncadd.s32 $0xFFFFC000  }
0xbe: {  	_ =	swait.ge [sflag:s22], $0x4000  }
0xbf: {  	s11 =	rddreg [dreg:$0x12]  }
0xc0: {  	p0 =	sne.s32 s11, $0x1  }
.Ltmp0:
0xc1: {  	[sflag:s22] =	ssyncset.done $0x0;
	(pc) =	sbr.rel @!p0 .LBB2_3-.Ltmp0, $4  }
0xc2: {  	[sflag:s22] =	ssyncadd.s32 $0xFFFFC000  }
0xc3: {  	[spmem:s2] =	stream.indirect.scatter.add.f32 [tilespmem:s20], [sflag:$0x3], $0x80, s24, s18, $0xb8;
	[tilespmem:$0x1D000] =	vst v63  }
0xc4: {  	_ =	swait.ge [sflag:s12], $0x4000  }
0xc5: {  	s9 =	smov.u32 s10;
	s11 =	sadd.s32 $0xFFFFFFFF, s11;
	[sflag:s12] =	ssyncset.done $0x0  }
.LBB2_2:
0xc6: {  	[sflag:s12] =	ssyncadd.s32 $0xFFFFC000;
	s6 =	sadd.s32 $0x100, s6  }
0xc7: {  	[tilespmem:s3], [sflag:$0x3] =	stream.linear.gather [hbm4b:s6+s3], $0x800, $0x38;
	[tilespmem:$0x1D000] =	vst v63  }
0xc8: {  	_ =	swait.ge [sflag:s12], $0x800  }
0xc9: {  	[sflag:s12] =	ssyncset.done $0x0  }
0xca: {  	s9 =	sadd.s32 $0x100, s9;
	[sflag:s12] =	ssyncadd.s32 $0xFFFFF800  }
0xcb: {  	[tilespmem:s17], [sflag:$0x3] =	stream.linear.gather [hbm4b:s9+s3], $0x800, $0x38;
	[tilespmem:$0x1D000] =	vst v63  }
0xcc: {  	_ =	swait.ge [sflag:s12], $0x800  }
0xcd: {  	[sflag:s12] =	ssyncset.done $0x0  }
0xce: {  	[sflag:s12] =	ssyncadd.s32 $0xFFFFF800  }
0xcf: {  	[tilespmem:s19], [sflag:$0x1] =	stream.indirect.gather [hbm4b:s4+s18], $0x80, s3, s18, $0xb8;
	[tilespmem:$0x1D000] =	vst v63  }
0xd0: {  	_ = 	snop  }
0xd1: {  	[tilespmem:s20], [sflag:$0x2] =	stream.indirect.gather [hbm4b:s4+s18], $0x80, s18, s18, $0xb8;
	[tilespmem:$0x1D000] =	vst v63  }
0xd2: {  	_ =	swait.ge [sflag:s21], $0x4000  }
0xd3: {  	[sflag:s21] =	ssyncset.done $0x0  }
0xd4: {  	[sflag:s21] =	ssyncadd.s32 $0xFFFFC000  }
0xd5: {  	[spmem:s2] =	stream.indirect.scatter.add.f32 [tilespmem:s19], [sflag:$0x3], $0x80, s17, s18, $0xb8;
	[tilespmem:$0x1D000] =	vst v63  }
0xd6: {  	_ =	swait.ge [sflag:s12], $0x4000  }
0xd7: {  	[sflag:s12] =	ssyncset.done $0x0  }
0xd8: {  	s5 =	rddreg [dreg:$0x3];
	[sflag:s12] =	ssyncadd.s32 $0xFFFFC000  }
0xd9: {  	[tilespmem:s19], [sflag:$0x1] =	stream.indirect.gather [hbm4b:s4+s18], $0x80, s5, s18, $0xb8;
	[tilespmem:$0x1D000] =	vst v63  }
0xda: {  	_ =	swait.ge [sflag:s22], $0x4000  }
0xdb: {  	[sflag:s22] =	ssyncset.done $0x0  }
0xdc: {  	s10 =	rddreg [dreg:$0x4];
	[sflag:s22] =	ssyncadd.s32 $0xFFFFC000  }
0xdd: {  	[spmem:s2] =	stream.indirect.scatter.add.f32 [tilespmem:s20], [sflag:$0x3], $0x80, s10, s18, $0xb8;
	[tilespmem:$0x1D000] =	vst v63  }
0xde: {  	_ =	swait.ge [sflag:s12], $0x4000  }
0xdf: {  	[sflag:s12] =	ssyncset.done $0x0  }
0xe0: {  	s10 =	rddreg [dreg:$0x5];
	[sflag:s12] =	ssyncadd.s32 $0xFFFFC000  }
0xe1: {  	[tilespmem:s20], [sflag:$0x2] =	stream.indirect.gather [hbm4b:s4+s18], $0x80, s10, s18, $0xb8;
	[tilespmem:$0x1D000] =	vst v63  }
0xe2: {  	_ =	swait.ge [sflag:s21], $0x4000  }
0xe3: {  	[sflag:s21] =	ssyncset.done $0x0  }
0xe4: {  	s10 =	rddreg [dreg:$0x6];
	[sflag:s21] =	ssyncadd.s32 $0xFFFFC000  }
0xe5: {  	[spmem:s2] =	stream.indirect.scatter.add.f32 [tilespmem:s19], [sflag:$0x3], $0x80, s10, s18, $0xb8;
	[tilespmem:$0x1D000] =	vst v63  }
0xe6: {  	_ =	swait.ge [sflag:s12], $0x4000  }
0xe7: {  	[sflag:s12] =	ssyncset.done $0x0  }
0xe8: {  	s10 =	rddreg [dreg:$0x7];
	[sflag:s12] =	ssyncadd.s32 $0xFFFFC000  }
0xe9: {  	[tilespmem:s19], [sflag:$0x1] =	stream.indirect.gather [hbm4b:s4+s18], $0x80, s10, s18, $0xb8;
	[tilespmem:$0x1D000] =	vst v63  }
0xea: {  	_ =	swait.ge [sflag:s22], $0x4000  }
0xeb: {  	[sflag:s22] =	ssyncset.done $0x0  }
0xec: {  	s10 =	rddreg [dreg:$0x8];
	[sflag:s22] =	ssyncadd.s32 $0xFFFFC000  }
0xed: {  	[spmem:s2] =	stream.indirect.scatter.add.f32 [tilespmem:s20], [sflag:$0x3], $0x80, s10, s18, $0xb8;
	[tilespmem:$0x1D000] =	vst v63  }
0xee: {  	_ =	swait.ge [sflag:s12], $0x4000  }
0xef: {  	[sflag:s12] =	ssyncset.done $0x0  }
0xf0: {  	s10 =	rddreg [dreg:$0x9];
	[sflag:s12] =	ssyncadd.s32 $0xFFFFC000  }
0xf1: {  	[tilespmem:s20], [sflag:$0x2] =	stream.indirect.gather [hbm4b:s4+s18], $0x80, s10, s18, $0xb8;
	[tilespmem:$0x1D000] =	vst v63  }
0xf2: {  	_ =	swait.ge [sflag:s21], $0x4000  }
0xf3: {  	[sflag:s21] =	ssyncset.done $0x0  }
0xf4: {  	s10 =	rddreg [dreg:$0xa];
	[sflag:s21] =	ssyncadd.s32 $0xFFFFC000  }
0xf5: {  	[spmem:s2] =	stream.indirect.scatter.add.f32 [tilespmem:s19], [sflag:$0x3], $0x80, s10, s18, $0xb8;
	[tilespmem:$0x1D000] =	vst v63  }
0xf6: {  	_ =	swait.ge [sflag:s12], $0x4000  }
0xf7: {  	[sflag:s12] =	ssyncset.done $0x0  }
0xf8: {  	s10 =	rddreg [dreg:$0xb];
	[sflag:s12] =	ssyncadd.s32 $0xFFFFC000  }
0xf9: {  	[tilespmem:s19], [sflag:$0x1] =	stream.indirect.gather [hbm4b:s4+s18], $0x80, s10, s18, $0xb8;
	[tilespmem:$0x1D000] =	vst v63  }
0xfa: {  	_ =	swait.ge [sflag:s22], $0x4000  }
0xfb: {  	[sflag:s22] =	ssyncset.done $0x0  }
0xfc: {  	s10 =	rddreg [dreg:$0xc];
	[sflag:s22] =	ssyncadd.s32 $0xFFFFC000  }
0xfd: {  	[spmem:s2] =	stream.indirect.scatter.add.f32 [tilespmem:s20], [sflag:$0x3], $0x80, s10, s18, $0xb8;
	[tilespmem:$0x1D000] =	vst v63  }
0xfe: {  	_ =	swait.ge [sflag:s12], $0x4000  }
0xff: {  	[sflag:s12] =	ssyncset.done $0x0  }
0x100: {  	s10 =	rddreg [dreg:$0xd];
	[sflag:s12] =	ssyncadd.s32 $0xFFFFC000  }
0x101: {  	[tilespmem:s20], [sflag:$0x2] =	stream.indirect.gather [hbm4b:s4+s18], $0x80, s10, s18, $0xb8;
	[tilespmem:$0x1D000] =	vst v63  }
0x102: {  	_ =	swait.ge [sflag:s21], $0x4000  }
0x103: {  	[sflag:s21] =	ssyncset.done $0x0  }
0x104: {  	s10 =	rddreg [dreg:$0xe];
	[sflag:s21] =	ssyncadd.s32 $0xFFFFC000  }
0x105: {  	[spmem:s2] =	stream.indirect.scatter.add.f32 [tilespmem:s19], [sflag:$0x3], $0x80, s10, s18, $0xb8;
	[tilespmem:$0x1D000] =	vst v63  }
0x106: {  	_ =	swait.ge [sflag:s12], $0x4000  }
0x107: {  	[sflag:s12] =	ssyncset.done $0x0  }
0x108: {  	s10 =	rddreg [dreg:$0xf];
	[sflag:s12] =	ssyncadd.s32 $0xFFFFC000  }
0x109: {  	[tilespmem:s19], [sflag:$0x1] =	stream.indirect.gather [hbm4b:s4+s18], $0x80, s10, s18, $0xb8;
	[tilespmem:$0x1D000] =	vst v63  }
0x10a: {  	_ =	swait.ge [sflag:s22], $0x4000  }
0x10b: {  	[sflag:s22] =	ssyncset.done $0x0  }
0x10c: {  	s10 =	rddreg [dreg:$0x10];
	[sflag:s22] =	ssyncadd.s32 $0xFFFFC000  }
0x10d: {  	[spmem:s2] =	stream.indirect.scatter.add.f32 [tilespmem:s20], [sflag:$0x3], $0x80, s10, s18, $0xb8;
	[tilespmem:$0x1D000] =	vst v63  }
0x10e: {  	_ =	swait.ge [sflag:s12], $0x4000  }
0x10f: {  	[sflag:s12] =	ssyncset.done $0x0  }
0x110: {  	[sflag:s12] =	ssyncadd.s32 $0xFFFFC000  }
0x111: {  	[tilespmem:s20], [sflag:$0x2] =	stream.indirect.gather [hbm4b:s4+s18], $0x80, s23, s18, $0xb8;
	[tilespmem:$0x1D000] =	vst v63  }
0x112: {  	_ =	swait.ge [sflag:s21], $0x4000  }
0x113: {  	[sflag:s21] =	ssyncset.done $0x0  }
0x114: {  	[sflag:s21] =	ssyncadd.s32 $0xFFFFC000  }
0x115: {  	[spmem:s2] =	stream.indirect.scatter.add.f32 [tilespmem:s19], [sflag:$0x3], $0x80, s25, s18, $0xb8;
	[tilespmem:$0x1D000] =	vst v63  }
0x116: {  	_ =	swait.ge [sflag:s12], $0x4000  }
0x117: {  	[sflag:s12] =	ssyncset.done $0x0  }
0x118: {  	[sflag:s12] =	ssyncadd.s32 $0xFFFFC000  }
0x119: {  	[tilespmem:s19], [sflag:$0x1] =	stream.indirect.gather [hbm4b:s4+s18], $0x80, s26, s18, $0xb8;
	[tilespmem:$0x1D000] =	vst v63  }
0x11a: {  	_ =	swait.ge [sflag:s22], $0x4000  }
0x11b: {  	[sflag:s22] =	ssyncset.done $0x0  }
0x11c: {  	[sflag:s22] =	ssyncadd.s32 $0xFFFFC000  }
0x11d: {  	[spmem:s2] =	stream.indirect.scatter.add.f32 [tilespmem:s20], [sflag:$0x3], $0x80, s28, s18, $0xb8;
	[tilespmem:$0x1D000] =	vst v63  }
0x11e: {  	_ =	swait.ge [sflag:s12], $0x4000  }
0x11f: {  	[sflag:s12] =	ssyncset.done $0x0  }
0x120: {  	[sflag:s12] =	ssyncadd.s32 $0xFFFFC000  }
0x121: {  	[tilespmem:s20], [sflag:$0x2] =	stream.indirect.gather [hbm4b:s4+s18], $0x80, s29, s18, $0xb8;
	[tilespmem:$0x1D000] =	vst v63  }
0x122: {  	_ =	swait.ge [sflag:s21], $0x4000  }
0x123: {  	[sflag:s21] =	ssyncset.done $0x0  }
0x124: {  	[sflag:s21] =	ssyncadd.s32 $0xFFFFC000  }
0x125: {  	[spmem:s2] =	stream.indirect.scatter.add.f32 [tilespmem:s19], [sflag:$0x3], $0x80, s30, s18, $0xb8;
	[tilespmem:$0x1D000] =	vst v63  }
0x126: {  	_ =	swait.ge [sflag:s12], $0x4000  }
0x127: {  	[sflag:s12] =	ssyncset.done $0x0  }
0x128: {  	[sflag:s12] =	ssyncadd.s32 $0xFFFFC000  }
0x129: {  	[tilespmem:s19], [sflag:$0x1] =	stream.indirect.gather [hbm4b:s4+s18], $0x80, s31, s18, $0xb8;
	[tilespmem:$0x1D000] =	vst v63  }
0x12a: {  	_ =	swait.ge [sflag:s22], $0x4000  }
0x12b: {  	[sflag:s22] =	ssyncset.done $0x0  }
0x12c: {  	[sflag:s22] =	ssyncadd.s32 $0xFFFFC000  }
0x12d: {  	[spmem:s2] =	stream.indirect.scatter.add.f32 [tilespmem:s20], [sflag:$0x3], $0x80, s1, s18, $0xb8;
	[tilespmem:$0x1D000] =	vst v63  }
0x12e: {  	_ =	swait.ge [sflag:s12], $0x4000  }
0x12f: {  	[sflag:s12] =	ssyncset.done $0x0  }
0x130: {  	[sflag:s12] =	ssyncadd.s32 $0xFFFFC000  }
0x131: {  	[tilespmem:s20], [sflag:$0x2] =	stream.indirect.gather [hbm4b:s4+s18], $0x80, s0, s18, $0xb8;
	[tilespmem:$0x1D000] =	vst v63  }
0x132: {  	_ =	swait.ge [sflag:s21], $0x4000  }
0x133: {  	[sflag:s21] =	ssyncset.done $0x0  }
0x134: {  	[sflag:s21] =	ssyncadd.s32 $0xFFFFC000  }
0x135: {  	[spmem:s2] =	stream.indirect.scatter.add.f32 [tilespmem:s19], [sflag:$0x3], $0x80, s8, s18, $0xb8;
	[tilespmem:$0x1D000] =	vst v63  }
0x136: {  	_ =	swait.ge [sflag:s12], $0x4000  }
0x137: {  	[sflag:s12] =	ssyncset.done $0x0  }
0x138: {  	[sflag:s12] =	ssyncadd.s32 $0xFFFFC000  }
0x139: {  	[tilespmem:s19], [sflag:$0x1] =	stream.indirect.gather [hbm4b:s4+s18], $0x80, s13, s18, $0xb8;
	[tilespmem:$0x1D000] =	vst v63  }
0x13a: {  	_ =	swait.ge [sflag:s22], $0x4000  }
0x13b: {  	[sflag:s22] =	ssyncset.done $0x0  }
0x13c: {  	[sflag:s22] =	ssyncadd.s32 $0xFFFFC000  }
0x13d: {  	[spmem:s2] =	stream.indirect.scatter.add.f32 [tilespmem:s20], [sflag:$0x3], $0x80, s14, s18, $0xb8;
	[tilespmem:$0x1D000] =	vst v63  }
0x13e: {  	_ =	swait.ge [sflag:s12], $0x4000  }
0x13f: {  	[sflag:s12] =	ssyncset.done $0x0  }
0x140: {  	[sflag:s12] =	ssyncadd.s32 $0xFFFFC000  }
0x141: {  	[tilespmem:s20], [sflag:$0x2] =	stream.indirect.gather [hbm4b:s4+s18], $0x80, s15, s18, $0xb8;
	[tilespmem:$0x1D000] =	vst v63  }
0x142: {  	_ =	swait.ge [sflag:s21], $0x4000  }
0x143: {  	[sflag:s21] =	ssyncset.done $0x0  }
0x144: {  	[sflag:s21] =	ssyncadd.s32 $0xFFFFC000  }
0x145: {  	[spmem:s2] =	stream.indirect.scatter.add.f32 [tilespmem:s19], [sflag:$0x3], $0x80, s16, s18, $0xb8;
	[tilespmem:$0x1D000] =	vst v63  }
0x146: {  	_ =	swait.ge [sflag:s12], $0x4000  }
0x147: {  	[sflag:s12] =	ssyncset.done $0x0  }
0x148: {  	[sflag:s12] =	ssyncadd.s32 $0xFFFFC000  }
0x149: {  	p0 =	sne.s32 s11, $0x1;
	_ =	swait.ge [sflag:s22], $0x4000  }
.Ltmp1:
0x14a: {  	[sflag:s22] =	ssyncset.done $0x0;
	(pc) =	sbr.rel @p0 .LBB2_2-.Ltmp1, $4  }
0x14b: {  	[sflag:s22] =	ssyncadd.s32 $0xFFFFC000  }
0x14c: {  	[spmem:s2] =	stream.indirect.scatter.add.f32 [tilespmem:s20], [sflag:$0x3], $0x80, s24, s18, $0xb8;
	[tilespmem:$0x1D000] =	vst v63  }
0x14d: {  	_ =	swait.ge [sflag:s12], $0x4000  }
0x14e: {  	s11 =	sadd.s32 $0xFFFFFFFF, s11;
	[sflag:s12] =	ssyncset.done $0x0  }
.LBB2_3:
0x14f: {  	[sflag:s12] =	ssyncadd.s32 $0xFFFFC000  }
0x150: {  	[bflag:$0x0] =	sbarrier.arrive $0xFFFF  }
0x151: {  	s6 =	rddreg [dreg:$0x16]  }
0x152: {  	s9 =	rddreg [dreg:$0x17]  }
0x153: {  	s5 =	rddreg [dreg:$0x1c]  }
0x154: {  	[hbm:s5], [sflag:s6] =	dma.local [spmem:s9], $0x2800  }
0x155: {  	_ =	swait.ge [sflag:s12], $0x2800  }
0x156: {  	s7 =	sadd.s32 $0x1, s7;
	s11 =	rddreg [dreg:$0x13]  }
0x157: {  	p0 =	sne.s32 s7, s11  }
.Ltmp2:
0x158: {  	_ = 	snop;
	(pc) =	sbr.rel @p0 .LBB2_1-.Ltmp2, $3  }
0x159: {  	_ =	sdelay $0x1  }
0x15a: {  	[sflag:s12] =	ssyncset.done $0x0  }
0x15b: {  	[sflag:s12] =	ssyncadd.s32 $0xFFFFD800  }
0x15c: {  	_ =	sfence.sel $0x180000  }
0x15d: {  	[bflag:$0x0] =	sbarrier.arrive $0xFFFF  }
0x15e: {  	_ =	strace $0x9000004A  }
0x15f: {  	s0 =	stileid.u32;
	[bflag:$0x2] =	sbarrier.arrive $0xFFFF  }
0x160: {  	p0 =	sne.s32 s0, $0x0;
	s0 =	rddreg [dreg:$0x2]  }
0x161: {  	s0 =	sadd.s32 @!p0 $0x100000, s0  }
0x162: {  	[sflag:s0] =	ssyncadd.tile.s32 @!p0 $0x1;
	_ =	shalt  }
.Lfunc_end2:
_tile_overlayer_lowered:
.L_overlay_start_2:
0x163: {  	(tag) =	ssettag $0x2  }
0x164: {  	s0 =	rddreg [dreg:$0x0];
	s2 =	stileid.u32  }
0x165: {  	s1 =	rddreg [dreg:$0x1];
	p0 =	sne.s32 s2, $0x0  }
0x166: {  	s3 =	rddreg [dreg:$0x2];
	[bflag:$0x3] =	sbarrier.arrive $0xFFFF;
	s2 =	simm.s32 @!p0 $0x1C03  }
0x167: {  	[timem:s3], [sflag:s2] =	dma.local @!p0 [hbm:s0], s1  }
0x168: {  	s0 =	simm.s32 @!p0 $0x3  }
0x169: {  	_ =	swait.ge @!p0 [sflag:s0], s1  }
0x16a: {  	s1 =	ssub.s32 @!p0 $0x0, s1;
	[sflag:s0] =	ssyncset.done @!p0 $0x0  }
0x16b: {  	[sflag:s0] =	ssyncadd.s32 @!p0 s1  }
0x16c: {  	[bflag:$0x3] =	sbarrier.arrive $0xFFFF  }
0x16d: {  	_ =	shalt  }

// kernel: kernel.20.cloned.1.call-start
scs
__scs_entry_jumppad:
0x0: {  	(pc) =	sbr.rel $0x88, $3  }
0x1: {  	(tag) =	ssettag $0x0;
	lr =	simm.s32 $0x1  }
0x2: {  	[smem:$0x3F98] =	sst lr;
	_ =	strace $0xD0000000  }
0x3: {  	_ = 	snop  }
0x4: {  	_ = 	snop  }
0x5: {  	_ = 	snop  }
0x6: {  	_ = 	snop  }
0x7: {  	_ = 	snop  }
__scs_overlays_trampoline_lowered:
0x8: {  	[smem:$0x3FA7] =	sst s0  }
0x9: {  	[smem:$0x3FA8] =	sst s1  }
0xa: {  	[smem:$0x3FA9] =	sst s2  }
0xb: {  	[smem:$0x3FAA] =	sst s3  }
0xc: {  	[smem:$0x3FAB] =	sst s4  }
0xd: {  	[smem:$0x3FAC] =	sst s5  }
0xe: {  	[smem:$0x3FAD] =	sst s6  }
0xf: {  	[smem:$0x3FAE] =	sst s7  }
0x10: {  	[smem:$0x3FAF] =	sst s8  }
0x11: {  	[smem:$0x3FB0] =	sst s9;
	s0 =	simm.s32 @!p0 $0x0  }
0x12: {  	s1 =	sld [smem:$0x3F96];
	s0 =	simm.s32 @p0 $0x1  }
0x13: {  	[smem:$0x3FB1] =	sst s0;
	s0 =	simm.s32 @!p1 $0x0  }
0x14: {  	s2 =	sld [smem:$0x3F95];
	s0 =	simm.s32 @p1 $0x1  }
0x15: {  	[smem:$0x3FB2] =	sst s0;
	s0 =	simm.s32 @!p2 $0x0  }
0x16: {  	s3 =	sld [smem:$0x3FDB];
	s0 =	simm.s32 @p2 $0x1  }
0x17: {  	s4 =	simm.s32 $0x1BF5;
	[smem:$0x3FB4] =	sst s0  }
0x18: {  	s0 =	sld [smem:$0x3F97];
	_ =	swait.ge [sflag:s4], $0x0  }
0x19: {  	s7 =	sld [smem:$0x3F98]  }
0x1a: {  	s8 =	sadd.s32 $0xFFFFE003, lr  }
0x1b: {  	s9 =	sadd.s32 $0xFFFFFEF7, lr;
	s5 =	simm.s32 $0xFFFFFFFF;
	p2 =	slt.u32 s8, $0xFFFFF086  }
0x1c: {  	p1 =	slt.u32 s9, $0xF7A;
	s5 =	simm.s32 @!p2 $0x0  }
0x1d: {  	s5 =	simm.s32 @p1 $0x1;
	p0 =	seq.s32 s7, s2  }
0x1e: {  	s7 =	smul.u32 @!p0 $0xF7A, s2;
	p2 =	seq.s32 @!p0 s5, $0x0  }
0x1f: {  	s9 =	smul.u32 $0xF7A, s1;
	s8 =	simm.s32 @!p0 $0x1BF5;
	p2 =	por !p2, p0  }
0x20: {  	[sflag:s8] =	ssyncset.s32 @!p0 $0xFFFFF086;
	s6 =	sadd.s32 @!p0 s3, s7;
	s7 =	simm.s32 @!p0 $0x108  }
0x21: {  	s3 =	sadd.s32 s3, s9;
	s6 =	sadd.s32 @!p0 $0x88, s6;
	s7 =	simm.s32 @p2 $0x1082  }
0x22: {  	[simem:s7], [sflag:s8] =	dma.local @!p0 [hbm:s6], $0xF7A  }
0x23: {  	s9 =	sor.u32 $0xD0000000, s2;
	s6 =	simm.s32 $0x108;
	_ =	swait.ge @!p0 [sflag:s8], $0x0  }
0x24: {  	s3 =	sadd.s32 $0x88, s3;
	s6 =	simm.s32 @!p1 $0x1082;
	[sflag:s4] =	ssyncset.s32 $0xFFFFF086  }
0x25: {  	[simem:s6], [sflag:s4] =	dma.local [hbm:s3], $0xF7A  }
0x26: {  	[smem:$0x3F98] =	sst s1;
	(tag) =	ssettag s2;
	_ =	strace s9  }
0x27: {  	s1 =	sld [smem:$0x3FA8]  }
0x28: {  	s2 =	sld [smem:$0x3FA9]  }
0x29: {  	s4 =	sld [smem:$0x3FAB]  }
0x2a: {  	p0 =	seq.s32 s5, $0x0;
	s5 =	sld [smem:$0x3FAC]  }
0x2b: {  	s6 =	sld [smem:$0x3FAD]  }
0x2c: {  	s7 =	sld [smem:$0x3FAE]  }
0x2d: {  	s3 =	simm.s32 $0x108;
	s8 =	sld [smem:$0x3FAF]  }
0x2e: {  	s3 =	simm.s32 @!p0 $0x1082;
	s9 =	sld [smem:$0x3FB0]  }
0x2f: {  	lr =	sadd.s32 s0, s3;
	s0 =	sld [smem:$0x3FA7]  }
0x30: {  	s3 =	sld [smem:$0x3FAA]  }
0x31: {  	[smem:$0x3FB3] =	sst s10  }
0x32: {  	s10 =	sld [smem:$0x3FB1];
	_ =	sdelay $0x3  }
0x33: {  	p0 =	seq.s32 s10, $0x1;
	s10 =	sld [smem:$0x3FB3];
	_ =	sdelay $0x3  }
0x34: {  	[smem:$0x3FB3] =	sst s10  }
0x35: {  	s10 =	sld [smem:$0x3FB2];
	_ =	sdelay $0x3  }
0x36: {  	p1 =	seq.s32 s10, $0x1;
	s10 =	sld [smem:$0x3FB3];
	_ =	sdelay $0x3  }
0x37: {  	[smem:$0x3FB3] =	sst s10  }
0x38: {  	s10 =	sld [smem:$0x3FB4]  }
0x39: {  	_ = 	snop;
	(pc) =	sbr.ind lr, $3  }
0x3a: {  	_ = 	snop  }
0x3b: {  	_ = 	snop  }
0x3c: {  	p2 =	seq.s32 s10, $0x1;
	s10 =	sld [smem:$0x3FB3]  }
0x3d: {  	_ =	shalt  }
0x3e: {  	_ =	shalt  }
0x3f: {  	_ =	shalt  }
0x40: {  	_ =	shalt  }
0x41: {  	_ =	shalt  }
0x42: {  	_ =	shalt  }
0x43: {  	_ =	shalt  }
0x44: {  	_ =	shalt  }
0x45: {  	_ =	shalt  }
0x46: {  	_ =	shalt  }
0x47: {  	_ =	shalt  }
0x48: {  	_ =	shalt  }
0x49: {  	_ =	shalt  }
0x4a: {  	_ =	shalt  }
0x4b: {  	_ =	shalt  }
0x4c: {  	_ =	shalt  }
0x4d: {  	_ =	shalt  }
0x4e: {  	_ =	shalt  }
0x4f: {  	_ =	shalt  }
0x50: {  	_ =	shalt  }
0x51: {  	_ =	shalt  }
0x52: {  	_ =	shalt  }
0x53: {  	_ =	shalt  }
0x54: {  	_ =	shalt  }
0x55: {  	_ =	shalt  }
0x56: {  	_ =	shalt  }
0x57: {  	_ =	shalt  }
0x58: {  	_ =	shalt  }
0x59: {  	_ =	shalt  }
0x5a: {  	_ =	shalt  }
0x5b: {  	_ =	shalt  }
0x5c: {  	_ =	shalt  }
0x5d: {  	_ =	shalt  }
0x5e: {  	_ =	shalt  }
0x5f: {  	_ =	shalt  }
0x60: {  	_ =	shalt  }
0x61: {  	_ =	shalt  }
0x62: {  	_ =	shalt  }
0x63: {  	_ =	shalt  }
0x64: {  	_ =	shalt  }
0x65: {  	_ =	shalt  }
0x66: {  	_ =	shalt  }
0x67: {  	_ =	shalt  }
0x68: {  	_ =	shalt  }
0x69: {  	_ =	shalt  }
0x6a: {  	_ =	shalt  }
0x6b: {  	_ =	shalt  }
0x6c: {  	_ =	shalt  }
0x6d: {  	_ =	shalt  }
0x6e: {  	_ =	shalt  }
0x6f: {  	_ =	shalt  }
0x70: {  	_ =	shalt  }
0x71: {  	_ =	shalt  }
0x72: {  	_ =	shalt  }
0x73: {  	_ =	shalt  }
0x74: {  	_ =	shalt  }
0x75: {  	_ =	shalt  }
0x76: {  	_ =	shalt  }
0x77: {  	_ =	shalt  }
0x78: {  	_ =	shalt  }
0x79: {  	_ =	shalt  }
0x7a: {  	_ =	shalt  }
0x7b: {  	_ =	shalt  }
0x7c: {  	_ =	shalt  }
0x7d: {  	_ =	shalt  }
0x7e: {  	_ =	shalt  }
0x7f: {  	_ =	shalt  }
0x80: {  	_ =	shalt  }
0x81: {  	_ =	shalt  }
0x82: {  	_ =	shalt  }
0x83: {  	_ =	shalt  }
0x84: {  	_ =	shalt  }
0x85: {  	_ =	shalt  }
0x86: {  	_ =	shalt  }
0x87: {  	_ =	shalt  }
.Lfunc_end0:
.L_simem_size_0:
called_computation.2_lowered:
.L_overlay_start_0:
0x88: {  	s2 =	sld [smem:$0x3FD9]  }
0x89: {  	s3 =	sld [smem:$0x3FFE];
	_ =	sdelay $0x1  }
0x8a: {  	s1 =	srdreg.scid  }
0x8b: {  	s0 =	sand.u32 $0x1, s1  }
0x8c: {  	s16 =	sshll.u32 s0, $0xA;
	s2 =	sadd.s32 s3, s2  }
0x8d: {  	s2 =	sadd.s32 s2, s16  }
0x8e: {  	[smem:$0x3FBF] =	sst s2  }
0x8f: {  	_ = 	snop  }
0x90: {  	(tm) =	ssettm $0x1  }
0x91: {  	s17 =	sld [smem:$0x3FFB];
	_ =	sdelay $0x3  }
0x92: {  	_ =	strace s17  }
0x93: {  	s2 =	sld [smem:$0x3FFC];
	_ =	sdelay $0x3  }
0x94: {  	_ =	strace s2  }
0x95: {  	s2 =	sld [smem:$0x3FFD];
	_ =	sdelay $0x3  }
0x96: {  	_ =	strace s2  }
0x97: {  	_ =	strace $0x8FFFFFFF  }
0x98: {  	s18 =	sld [smem:$0x3FDB];
	_ =	sdelay $0x1  }
0x99: {  	s19 =	simm.s32 $_scs_section_size  }
0x9a: {  	s4 =	simm.s32 $_size__tile_overlayer_lowered;
	s5 =	simm.s32 $_tile_overlayer_lowered  }
0x9b: {  	s22 =	simm.s32 $0x1BFF;
	s21 =	sshll.u32 s5, $0x1;
	s2 =	sadd.s32 s19, s18  }
0x9c: {  	s6 =	simm.s32 $0x0;
	s20 =	sshll.u32 s4, $0x1;
	s4 =	sadd.s32 s21, s2  }
0x9d: {  	[timem:s6], [sflag:s22] =	dma.local [hbm:s4], s20  }
0x9e: {  	_ =	swait.ge [sflag:s22], s20  }
0x9f: {  	s3 =	ssub.s32 $0x0, s20;
	[sflag:s22] =	ssyncset.done $0x0  }
0xa0: {  	[sflag:s22] =	ssyncadd.s32 s3;
	_ =	sdelay $0x1  }
0xa1: {  	s23 =	simm.s32 $0x1B8B  }
0xa2: {  	_ =	swait.ge [sflag:s23], $0x1  }
0xa3: {  	[sflag:s23] =	ssyncset.done $0x0  }
0xa4: {  	s25 =	simm.s32 $0x1B8E;
	s24 =	sld [smem:$0x3FFE];
	[sflag:s23] =	ssyncadd.s32 $0xFFFFFFFF  }
0xa5: {  	s26 =	simm.s32 $execute0_lowered;
	[smem:$0x3FD2] =	sst s25  }
0xa6: {  	s4 =	sshll.u32 s26, $0x1;
	_ =	strace $0x8000004C;
	[dreg:$0x1] =	wrdreg $0xFFFFFFFF  }
0xa7: {  	s28 =	simm.s32 $_size_execute0_lowered;
	s2 =	sadd.s32 s2, s4;
	[dreg:$0x0] =	wrdreg $0x0  }
0xa8: {  	s4 =	sshll.u32 s28, $0x1;
	[dreg:$0x2] =	wrdreg s2  }
0xa9: {  	[dreg:$0x3] =	wrdreg s4  }
0xaa: {  	[dreg:$0x4] =	wrdreg $0xC0  }
0xab: {  	_ =	task [dreg:s6], $0x5FFFF  }
0xac: {  	[dreg:$0x1] =	wrdreg $0xFFFFFFFF  }
0xad: {  	[dreg:$0x0] =	wrdreg $0x60  }
0xae: {  	[dreg:$0x2] =	wrdreg s24  }
0xaf: {  	[dreg:$0x3] =	wrdreg $0x90000  }
0xb0: {  	[dreg:$0x4] =	wrdreg $0x9  }
0xb1: {  	_ =	task.clear_ibuf [dreg:s6], $0x5FFFF;
	_ =	strace $0x9000004C  }
0xb2: {  	s29 =	simm.s32 $0x9;
	_ =	strace $0x8000004E  }
0xb3: {  	_ =	swait.ge [sflag:s29], $0x1  }
0xb4: {  	[sflag:s29] =	ssyncadd.s32 $0xFFFFFFFF  }
0xb5: {  	_ =	strace $0x9000004E  }
0xb6: {  	_ =	sfence  }
0xb7: {  	s30 =	sld [smem:$0x0];
	_ =	sdelay $0x2  }
0xb8: {  	s31 =	sshll.u32 s1, $0xD;
	s1 =	sshrl.u32 s1, $0x2  }
0xb9: {  	s3 =	sand.u32 $0x4000, s31;
	s1 =	sadd.s32 s1, s30  }
0xba: {  	s0 =	sor.u32 s3, s0;
	s1 =	sshll.u32 s1, $0x11  }
0xbb: {  	s0 =	sor.u32 s1, s0  }
0xbc: {  	s0 =	sadd.s32 $0x8F2B, s0  }
0xbd: {  	[sflag:s0] =	ssyncadd.remote.s32 $0x1  }
0xbe: {  	_ =	sfence.sel $0xFFFF  }
0xbf: {  	[dreg:$0x0] =	wrdreg $0xFFFFFFFF;
	(pc) =	sbr.abs _section_cstart, $3  }
0xc0: {  	[dreg:$0x1] =	wrdreg $0xFFFFFFFF  }
0xc1: {  	_ =	task.clear_ibuf [dreg:s6], $0x2FFFF;
	_ =	strace $0x9FFFFFFF  }
0xc2: {  	(tm) =	ssettm $0x7FFFFFFF  }
0xc3: {  	_ =	shalt  }
tec
execute0_lowered:
.L_overlay_start_1:
0x0: {  	(tag) =	ssettag $0x1  }
0x1: {  	s0 =	srdreg.scid;
	s1 =	simm.s32 $0x90;
	s6 =	rddreg [dreg:$0x0]  }
0x2: {  	s12 =	stileid.u32;
	s2 =	rddreg [dreg:$0x1];
	s3 =	simm.s32 $0x0  }
0x3: {  	s22 =	simm.s32 $0x100;
	s24 =	simm.s32 $0x880;
	s25 =	simm.s32 $0x180  }
0x4: {  	s26 =	simm.s32 $0x900;
	s15 =	simm.s32 $0x980;
	s28 =	simm.s32 $0xC80  }
0x5: {  	s29 =	simm.s32 $0x580;
	[smem:$0x7FF] =	sst s3;
	s16 =	sadd.s32 $0x2A800, s6  }
0x6: {  	s30 =	simm.s32 $0xD00;
	_ =	strace $0x8000004D;
	[dreg:$0x11] =	wrdreg s16  }
0x7: {  	s31 =	simm.s32 $0x600;
	s0 =	sand.u32 $0x1, s0;
	[dreg:$0x3] =	wrdreg s22  }
0x8: {  	s8 =	smul.u32 $0x50000, s12;
	s19 =	sshll.u32 s12, $0x6;
	[dreg:$0x4] =	wrdreg s24  }
0x9: {  	p0 =	seq.s32 s0, $0x0;
	s5 =	smul.u32 $0x48000, s0;
	[dreg:$0x5] =	wrdreg s25  }
0xa: {  	s7 =	smul.u32 $0x28000, s0;
	s0 =	ssub.s32 $0x2, s0;
	[dreg:$0x6] =	wrdreg s26  }
0xb: {  	[dreg:$0x8] =	wrdreg s15;
	s22 =	simm.s32 $0x380;
	s24 =	simm.s32 $0x400  }
0xc: {  	s25 =	simm.s32 $0xB80;
	s15 =	simm.s32 $0x780;
	[dreg:$0xd] =	wrdreg s22  }
0xd: {  	s1 =	simm.s32 @!p0 $0x10;
	s17 =	sshrl.u32 s8, $0x2;
	[dreg:$0xf] =	wrdreg s24  }
0xe: {  	s18 =	sshrl.u32 s0, $0x1;
	s22 =	simm.s32 $0x2;
	[dreg:$0x10] =	wrdreg s25  }
0xf: {  	s25 =	simm.s32 $0xC00;
	s24 =	simm.s32 $0xF80;
	s4 =	smul.u32 s1, s12  }
0x10: {  	s7 =	sadd.s32 s7, s6;
	s10 =	sadd.s32 s17, s2;
	s0 =	ssub.s32 s0, s18  }
0x11: {  	s1 =	sshrl.u32 s1, $0x4;
	s17 =	simm.s32 $0x280;
	s20 =	sadd.s32 $0x4000, s10  }
0x12: {  	s11 =	sadd.s32 $0x8000, s10;
	s13 =	sadd.s32 $0xC000, s10;
	s14 =	sadd.s32 $0x10000, s10  }
0x13: {  	[dreg:$0x12] =	wrdreg s1;
	s1 =	sadd.s32 $0x3FC00, s7;
	s7 =	smul.u32 $0x2800, s12  }
0x14: {  	s0 =	smax.u32 s0, $0x1;
	s12 =	simm.s32 $0x3;
	[dreg:$0x9] =	wrdreg s17  }
0x15: {  	s17 =	simm.s32 $0x800;
	[dreg:$0x13] =	wrdreg s0;
	s8 =	sshrl.u32 s20, $0x3  }
0x16: {  	s4 =	sshll.u32 s4, $0x7;
	s11 =	sshrl.u32 s11, $0x3;
	[dreg:$0x18] =	wrdreg s8  }
0x17: {  	s16 =	sshrl.u32 s13, $0x3;
	s18 =	sshrl.u32 s14, $0x3;
	[dreg:$0x19] =	wrdreg s11  }
0x18: {  	s20 =	simm.s32 $0x300;
	s0 =	simm.s32 $0x680;
	[dreg:$0x1a] =	wrdreg s16  }
0x19: {  	s13 =	simm.s32 $0x700;
	s14 =	simm.s32 $0xE80;
	[dreg:$0x1b] =	wrdreg s18  }
0x1a: {  	s4 =	sadd.s32 s5, s4;
	[dreg:$0xb] =	wrdreg s20;
	s26 =	sadd.s32 s7, s1  }
0x1b: {  	s5 =	sshrl.u32 s4, $0x3;
	s4 =	sadd.s32 $0x3600, s6;
	[dreg:$0x1c] =	wrdreg s26  }
0x1c: {  	s9 =	sadd.s32 s5, s6;
	s6 =	sor.u32 $0x1C03, s19;
	s19 =	simm.s32 $0xA00  }
0x1d: {  	s18 =	simm.s32 $0x80;
	s20 =	simm.s32 $0x5000;
	[dreg:$0xa] =	wrdreg s19  }
0x1e: {  	s1 =	simm.s32 $0xD80;
	s21 =	sadd.s32 $0x2BC00, s9;
	[dreg:$0x16] =	wrdreg s6  }
0x1f: {  	s8 =	simm.s32 $0xE00;
	s23 =	sadd.s32 $0x35C00, s9;
	[dreg:$0x14] =	wrdreg s21  }
0x20: {  	s9 =	sshrl.u32 s10, $0x3;
	s10 =	simm.s32 $0x200;
	[dreg:$0x15] =	wrdreg s23  }
0x21: {  	s16 =	simm.s32 $0xF00;
	s7 =	simm.s32 $0x0;
	[dreg:$0x7] =	wrdreg s10  }
0x22: {  	s26 =	simm.s32 $0x500;
	s21 =	simm.s32 $0xA80;
	[dreg:$0x17] =	wrdreg s9  }
0x23: {  	s19 =	simm.s32 $0x1000;
	s23 =	simm.s32 $0xB00;
	[dreg:$0xc] =	wrdreg s21  }
0x24: {  	s21 =	simm.s32 $0x1;
	[dreg:$0xe] =	wrdreg s23;
	s23 =	simm.s32 $0x480  }
.LBB2_1:
0x25: {  	s5 =	rddreg [dreg:$0x11]  }
0x26: {  	[spmem:s9], [sflag:s6] =	dma.local [hbm:s5], $0x800  }
0x27: {  	_ =	swait.ge [sflag:s12], $0x800  }
0x28: {  	[sflag:s12] =	ssyncset.done $0x0  }
0x29: {  	s11 =	rddreg [dreg:$0x18];
	[sflag:s12] =	ssyncadd.s32 $0xFFFFF800  }
0x2a: {  	[spmem:s11], [sflag:s6] =	dma.local [hbm:s5], $0x800  }
0x2b: {  	_ =	swait.ge [sflag:s12], $0x800  }
0x2c: {  	[sflag:s12] =	ssyncset.done $0x0  }
0x2d: {  	s10 =	rddreg [dreg:$0x19];
	[sflag:s12] =	ssyncadd.s32 $0xFFFFF800  }
0x2e: {  	[spmem:s10], [sflag:s6] =	dma.local [hbm:s5], $0x800  }
0x2f: {  	_ =	swait.ge [sflag:s12], $0x800  }
0x30: {  	[sflag:s12] =	ssyncset.done $0x0  }
0x31: {  	s11 =	rddreg [dreg:$0x1a];
	[sflag:s12] =	ssyncadd.s32 $0xFFFFF800  }
0x32: {  	[spmem:s11], [sflag:s6] =	dma.local [hbm:s5], $0x800  }
0x33: {  	_ =	swait.ge [sflag:s12], $0x800  }
0x34: {  	[sflag:s12] =	ssyncset.done $0x0  }
0x35: {  	s10 =	rddreg [dreg:$0x1b];
	[sflag:s12] =	ssyncadd.s32 $0xFFFFF800  }
0x36: {  	[spmem:s10], [sflag:s6] =	dma.local [hbm:s5], $0x800  }
0x37: {  	_ =	swait.ge [sflag:s12], $0x800  }
0x38: {  	[sflag:s12] =	ssyncset.done $0x0  }
0x39: {  	[sflag:s12] =	ssyncadd.s32 $0xFFFFF800  }
0x3a: {  	[bflag:$0x0] =	sbarrier.arrive $0xFFFF  }
0x3b: {  	s6 =	rddreg [dreg:$0x15]  }
0x3c: {  	[tilespmem:s3], [sflag:$0x3] =	stream.linear.gather [hbm4b:s6+s3], $0x800, $0x38;
	[tilespmem:$0x1D000] =	vst v63  }
0x3d: {  	_ =	swait.ge [sflag:s12], $0x800  }
0x3e: {  	[sflag:s12] =	ssyncset.done $0x0  }
0x3f: {  	s10 =	rddreg [dreg:$0x14];
	[sflag:s12] =	ssyncadd.s32 $0xFFFFF800  }
0x40: {  	[tilespmem:s17], [sflag:$0x3] =	stream.linear.gather [hbm4b:s10+s3], $0x800, $0x38;
	[tilespmem:$0x1D000] =	vst v63  }
0x41: {  	_ =	swait.ge [sflag:s12], $0x800  }
0x42: {  	[sflag:s12] =	ssyncset.done $0x0  }
0x43: {  	[sflag:s12] =	ssyncadd.s32 $0xFFFFF800  }
0x44: {  	[tilespmem:s19], [sflag:$0x1] =	stream.indirect.gather [hbm4b:s4+s18], $0x80, s3, s18, $0xb8;
	[tilespmem:$0x1D000] =	vst v63  }
0x45: {  	_ = 	snop  }
0x46: {  	[tilespmem:s20], [sflag:$0x2] =	stream.indirect.gather [hbm4b:s4+s18], $0x80, s18, s18, $0xb8;
	[tilespmem:$0x1D000] =	vst v63  }
0x47: {  	_ =	swait.ge [sflag:s21], $0x4000  }
0x48: {  	[sflag:s21] =	ssyncset.done $0x0  }
0x49: {  	[sflag:s21] =	ssyncadd.s32 $0xFFFFC000  }
0x4a: {  	[spmem:s2] =	stream.indirect.scatter.add.f32 [tilespmem:s19], [sflag:$0x3], $0x80, s17, s18, $0xb8;
	[tilespmem:$0x1D000] =	vst v63  }
0x4b: {  	_ =	swait.ge [sflag:s12], $0x4000  }
0x4c: {  	[sflag:s12] =	ssyncset.done $0x0  }
0x4d: {  	s11 =	rddreg [dreg:$0x3];
	[sflag:s12] =	ssyncadd.s32 $0xFFFFC000  }
0x4e: {  	[tilespmem:s19], [sflag:$0x1] =	stream.indirect.gather [hbm4b:s4+s18], $0x80, s11, s18, $0xb8;
	[tilespmem:$0x1D000] =	vst v63  }
0x4f: {  	_ =	swait.ge [sflag:s22], $0x4000  }
0x50: {  	[sflag:s22] =	ssyncset.done $0x0  }
0x51: {  	s5 =	rddreg [dreg:$0x4];
	[sflag:s22] =	ssyncadd.s32 $0xFFFFC000  }
0x52: {  	[spmem:s2] =	stream.indirect.scatter.add.f32 [tilespmem:s20], [sflag:$0x3], $0x80, s5, s18, $0xb8;
	[tilespmem:$0x1D000] =	vst v63  }
0x53: {  	_ =	swait.ge [sflag:s12], $0x4000  }
0x54: {  	[sflag:s12] =	ssyncset.done $0x0  }
0x55: {  	s11 =	rddreg [dreg:$0x5];
	[sflag:s12] =	ssyncadd.s32 $0xFFFFC000  }
0x56: {  	[tilespmem:s20], [sflag:$0x2] =	stream.indirect.gather [hbm4b:s4+s18], $0x80, s11, s18, $0xb8;
	[tilespmem:$0x1D000] =	vst v63  }
0x57: {  	_ =	swait.ge [sflag:s21], $0x4000  }
0x58: {  	[sflag:s21] =	ssyncset.done $0x0  }
0x59: {  	s5 =	rddreg [dreg:$0x6];
	[sflag:s21] =	ssyncadd.s32 $0xFFFFC000  }
0x5a: {  	[spmem:s2] =	stream.indirect.scatter.add.f32 [tilespmem:s19], [sflag:$0x3], $0x80, s5, s18, $0xb8;
	[tilespmem:$0x1D000] =	vst v63  }
0x5b: {  	_ =	swait.ge [sflag:s12], $0x4000  }
0x5c: {  	[sflag:s12] =	ssyncset.done $0x0  }
0x5d: {  	s11 =	rddreg [dreg:$0x7];
	[sflag:s12] =	ssyncadd.s32 $0xFFFFC000  }
0x5e: {  	[tilespmem:s19], [sflag:$0x1] =	stream.indirect.gather [hbm4b:s4+s18], $0x80, s11, s18, $0xb8;
	[tilespmem:$0x1D000] =	vst v63  }
0x5f: {  	_ =	swait.ge [sflag:s22], $0x4000  }
0x60: {  	[sflag:s22] =	ssyncset.done $0x0  }
0x61: {  	s5 =	rddreg [dreg:$0x8];
	[sflag:s22] =	ssyncadd.s32 $0xFFFFC000  }
0x62: {  	[spmem:s2] =	stream.indirect.scatter.add.f32 [tilespmem:s20], [sflag:$0x3], $0x80, s5, s18, $0xb8;
	[tilespmem:$0x1D000] =	vst v63  }
0x63: {  	_ =	swait.ge [sflag:s12], $0x4000  }
0x64: {  	[sflag:s12] =	ssyncset.done $0x0  }
0x65: {  	s11 =	rddreg [dreg:$0x9];
	[sflag:s12] =	ssyncadd.s32 $0xFFFFC000  }
0x66: {  	[tilespmem:s20], [sflag:$0x2] =	stream.indirect.gather [hbm4b:s4+s18], $0x80, s11, s18, $0xb8;
	[tilespmem:$0x1D000] =	vst v63  }
0x67: {  	_ =	swait.ge [sflag:s21], $0x4000  }
0x68: {  	[sflag:s21] =	ssyncset.done $0x0  }
0x69: {  	s5 =	rddreg [dreg:$0xa];
	[sflag:s21] =	ssyncadd.s32 $0xFFFFC000  }
0x6a: {  	[spmem:s2] =	stream.indirect.scatter.add.f32 [tilespmem:s19], [sflag:$0x3], $0x80, s5, s18, $0xb8;
	[tilespmem:$0x1D000] =	vst v63  }
0x6b: {  	_ =	swait.ge [sflag:s12], $0x4000  }
0x6c: {  	[sflag:s12] =	ssyncset.done $0x0  }
0x6d: {  	s11 =	rddreg [dreg:$0xb];
	[sflag:s12] =	ssyncadd.s32 $0xFFFFC000  }
0x6e: {  	[tilespmem:s19], [sflag:$0x1] =	stream.indirect.gather [hbm4b:s4+s18], $0x80, s11, s18, $0xb8;
	[tilespmem:$0x1D000] =	vst v63  }
0x6f: {  	_ =	swait.ge [sflag:s22], $0x4000  }
0x70: {  	[sflag:s22] =	ssyncset.done $0x0  }
0x71: {  	s5 =	rddreg [dreg:$0xc];
	[sflag:s22] =	ssyncadd.s32 $0xFFFFC000  }
0x72: {  	[spmem:s2] =	stream.indirect.scatter.add.f32 [tilespmem:s20], [sflag:$0x3], $0x80, s5, s18, $0xb8;
	[tilespmem:$0x1D000] =	vst v63  }
0x73: {  	_ =	swait.ge [sflag:s12], $0x4000  }
0x74: {  	[sflag:s12] =	ssyncset.done $0x0  }
0x75: {  	s11 =	rddreg [dreg:$0xd];
	[sflag:s12] =	ssyncadd.s32 $0xFFFFC000  }
0x76: {  	[tilespmem:s20], [sflag:$0x2] =	stream.indirect.gather [hbm4b:s4+s18], $0x80, s11, s18, $0xb8;
	[tilespmem:$0x1D000] =	vst v63  }
0x77: {  	_ =	swait.ge [sflag:s21], $0x4000  }
0x78: {  	[sflag:s21] =	ssyncset.done $0x0  }
0x79: {  	s5 =	rddreg [dreg:$0xe];
	[sflag:s21] =	ssyncadd.s32 $0xFFFFC000  }
0x7a: {  	[spmem:s2] =	stream.indirect.scatter.add.f32 [tilespmem:s19], [sflag:$0x3], $0x80, s5, s18, $0xb8;
	[tilespmem:$0x1D000] =	vst v63  }
0x7b: {  	_ =	swait.ge [sflag:s12], $0x4000  }
0x7c: {  	[sflag:s12] =	ssyncset.done $0x0  }
0x7d: {  	s11 =	rddreg [dreg:$0xf];
	[sflag:s12] =	ssyncadd.s32 $0xFFFFC000  }
0x7e: {  	[tilespmem:s19], [sflag:$0x1] =	stream.indirect.gather [hbm4b:s4+s18], $0x80, s11, s18, $0xb8;
	[tilespmem:$0x1D000] =	vst v63  }
0x7f: {  	_ =	swait.ge [sflag:s22], $0x4000  }
0x80: {  	[sflag:s22] =	ssyncset.done $0x0  }
0x81: {  	s5 =	rddreg [dreg:$0x10];
	[sflag:s22] =	ssyncadd.s32 $0xFFFFC000  }
0x82: {  	[spmem:s2] =	stream.indirect.scatter.add.f32 [tilespmem:s20], [sflag:$0x3], $0x80, s5, s18, $0xb8;
	[tilespmem:$0x1D000] =	vst v63  }
0x83: {  	_ =	swait.ge [sflag:s12], $0x4000  }
0x84: {  	[sflag:s12] =	ssyncset.done $0x0  }
0x85: {  	[sflag:s12] =	ssyncadd.s32 $0xFFFFC000  }
0x86: {  	[tilespmem:s20], [sflag:$0x2] =	stream.indirect.gather [hbm4b:s4+s18], $0x80, s23, s18, $0xb8;
	[tilespmem:$0x1D000] =	vst v63  }
0x87: {  	_ =	swait.ge [sflag:s21], $0x4000  }
0x88: {  	[sflag:s21] =	ssyncset.done $0x0  }
0x89: {  	[sflag:s21] =	ssyncadd.s32 $0xFFFFC000  }
0x8a: {  	[spmem:s2] =	stream.indirect.scatter.add.f32 [tilespmem:s19], [sflag:$0x3], $0x80, s25, s18, $0xb8;
	[tilespmem:$0x1D000] =	vst v63  }
0x8b: {  	_ =	swait.ge [sflag:s12], $0x4000  }
0x8c: {  	[sflag:s12] =	ssyncset.done $0x0  }
0x8d: {  	[sflag:s12] =	ssyncadd.s32 $0xFFFFC000  }
0x8e: {  	[tilespmem:s19], [sflag:$0x1] =	stream.indirect.gather [hbm4b:s4+s18], $0x80, s26, s18, $0xb8;
	[tilespmem:$0x1D000] =	vst v63  }
0x8f: {  	_ =	swait.ge [sflag:s22], $0x4000  }
0x90: {  	[sflag:s22] =	ssyncset.done $0x0  }
0x91: {  	[sflag:s22] =	ssyncadd.s32 $0xFFFFC000  }
0x92: {  	[spmem:s2] =	stream.indirect.scatter.add.f32 [tilespmem:s20], [sflag:$0x3], $0x80, s28, s18, $0xb8;
	[tilespmem:$0x1D000] =	vst v63  }
0x93: {  	_ =	swait.ge [sflag:s12], $0x4000  }
0x94: {  	[sflag:s12] =	ssyncset.done $0x0  }
0x95: {  	[sflag:s12] =	ssyncadd.s32 $0xFFFFC000  }
0x96: {  	[tilespmem:s20], [sflag:$0x2] =	stream.indirect.gather [hbm4b:s4+s18], $0x80, s29, s18, $0xb8;
	[tilespmem:$0x1D000] =	vst v63  }
0x97: {  	_ =	swait.ge [sflag:s21], $0x4000  }
0x98: {  	[sflag:s21] =	ssyncset.done $0x0  }
0x99: {  	[sflag:s21] =	ssyncadd.s32 $0xFFFFC000  }
0x9a: {  	[spmem:s2] =	stream.indirect.scatter.add.f32 [tilespmem:s19], [sflag:$0x3], $0x80, s30, s18, $0xb8;
	[tilespmem:$0x1D000] =	vst v63  }
0x9b: {  	_ =	swait.ge [sflag:s12], $0x4000  }
0x9c: {  	[sflag:s12] =	ssyncset.done $0x0  }
0x9d: {  	[sflag:s12] =	ssyncadd.s32 $0xFFFFC000  }
0x9e: {  	[tilespmem:s19], [sflag:$0x1] =	stream.indirect.gather [hbm4b:s4+s18], $0x80, s31, s18, $0xb8;
	[tilespmem:$0x1D000] =	vst v63  }
0x9f: {  	_ =	swait.ge [sflag:s22], $0x4000  }
0xa0: {  	[sflag:s22] =	ssyncset.done $0x0  }
0xa1: {  	[sflag:s22] =	ssyncadd.s32 $0xFFFFC000  }
0xa2: {  	[spmem:s2] =	stream.indirect.scatter.add.f32 [tilespmem:s20], [sflag:$0x3], $0x80, s1, s18, $0xb8;
	[tilespmem:$0x1D000] =	vst v63  }
0xa3: {  	_ =	swait.ge [sflag:s12], $0x4000  }
0xa4: {  	[sflag:s12] =	ssyncset.done $0x0  }
0xa5: {  	[sflag:s12] =	ssyncadd.s32 $0xFFFFC000  }
0xa6: {  	[tilespmem:s20], [sflag:$0x2] =	stream.indirect.gather [hbm4b:s4+s18], $0x80, s0, s18, $0xb8;
	[tilespmem:$0x1D000] =	vst v63  }
0xa7: {  	_ =	swait.ge [sflag:s21], $0x4000  }
0xa8: {  	[sflag:s21] =	ssyncset.done $0x0  }
0xa9: {  	[sflag:s21] =	ssyncadd.s32 $0xFFFFC000  }
0xaa: {  	[spmem:s2] =	stream.indirect.scatter.add.f32 [tilespmem:s19], [sflag:$0x3], $0x80, s8, s18, $0xb8;
	[tilespmem:$0x1D000] =	vst v63  }
0xab: {  	_ =	swait.ge [sflag:s12], $0x4000  }
0xac: {  	[sflag:s12] =	ssyncset.done $0x0  }
0xad: {  	[sflag:s12] =	ssyncadd.s32 $0xFFFFC000  }
0xae: {  	[tilespmem:s19], [sflag:$0x1] =	stream.indirect.gather [hbm4b:s4+s18], $0x80, s13, s18, $0xb8;
	[tilespmem:$0x1D000] =	vst v63  }
0xaf: {  	_ =	swait.ge [sflag:s22], $0x4000  }
0xb0: {  	[sflag:s22] =	ssyncset.done $0x0  }
0xb1: {  	[sflag:s22] =	ssyncadd.s32 $0xFFFFC000  }
0xb2: {  	[spmem:s2] =	stream.indirect.scatter.add.f32 [tilespmem:s20], [sflag:$0x3], $0x80, s14, s18, $0xb8;
	[tilespmem:$0x1D000] =	vst v63  }
0xb3: {  	_ =	swait.ge [sflag:s12], $0x4000  }
0xb4: {  	[sflag:s12] =	ssyncset.done $0x0  }
0xb5: {  	[sflag:s12] =	ssyncadd.s32 $0xFFFFC000  }
0xb6: {  	[tilespmem:s20], [sflag:$0x2] =	stream.indirect.gather [hbm4b:s4+s18], $0x80, s15, s18, $0xb8;
	[tilespmem:$0x1D000] =	vst v63  }
0xb7: {  	_ =	swait.ge [sflag:s21], $0x4000  }
0xb8: {  	[sflag:s21] =	ssyncset.done $0x0  }
0xb9: {  	[sflag:s21] =	ssyncadd.s32 $0xFFFFC000  }
0xba: {  	[spmem:s2] =	stream.indirect.scatter.add.f32 [tilespmem:s19], [sflag:$0x3], $0x80, s16, s18, $0xb8;
	[tilespmem:$0x1D000] =	vst v63  }
0xbb: {  	_ =	swait.ge [sflag:s12], $0x4000  }
0xbc: {  	[sflag:s12] =	ssyncset.done $0x0  }
0xbd: {  	[sflag:s12] =	ssyncadd.s32 $0xFFFFC000  }
0xbe: {  	_ =	swait.ge [sflag:s22], $0x4000  }
0xbf: {  	s11 =	rddreg [dreg:$0x12]  }
0xc0: {  	p0 =	sne.s32 s11, $0x1  }
.Ltmp0:
0xc1: {  	[sflag:s22] =	ssyncset.done $0x0;
	(pc) =	sbr.rel @!p0 .LBB2_3-.Ltmp0, $4  }
0xc2: {  	[sflag:s22] =	ssyncadd.s32 $0xFFFFC000  }
0xc3: {  	[spmem:s2] =	stream.indirect.scatter.add.f32 [tilespmem:s20], [sflag:$0x3], $0x80, s24, s18, $0xb8;
	[tilespmem:$0x1D000] =	vst v63  }
0xc4: {  	_ =	swait.ge [sflag:s12], $0x4000  }
0xc5: {  	s9 =	smov.u32 s10;
	s11 =	sadd.s32 $0xFFFFFFFF, s11;
	[sflag:s12] =	ssyncset.done $0x0  }
.LBB2_2:
0xc6: {  	[sflag:s12] =	ssyncadd.s32 $0xFFFFC000;
	s6 =	sadd.s32 $0x100, s6  }
0xc7: {  	[tilespmem:s3], [sflag:$0x3] =	stream.linear.gather [hbm4b:s6+s3], $0x800, $0x38;
	[tilespmem:$0x1D000] =	vst v63  }
0xc8: {  	_ =	swait.ge [sflag:s12], $0x800  }
0xc9: {  	[sflag:s12] =	ssyncset.done $0x0  }
0xca: {  	s9 =	sadd.s32 $0x100, s9;
	[sflag:s12] =	ssyncadd.s32 $0xFFFFF800  }
0xcb: {  	[tilespmem:s17], [sflag:$0x3] =	stream.linear.gather [hbm4b:s9+s3], $0x800, $0x38;
	[tilespmem:$0x1D000] =	vst v63  }
0xcc: {  	_ =	swait.ge [sflag:s12], $0x800  }
0xcd: {  	[sflag:s12] =	ssyncset.done $0x0  }
0xce: {  	[sflag:s12] =	ssyncadd.s32 $0xFFFFF800  }
0xcf: {  	[tilespmem:s19], [sflag:$0x1] =	stream.indirect.gather [hbm4b:s4+s18], $0x80, s3, s18, $0xb8;
	[tilespmem:$0x1D000] =	vst v63  }
0xd0: {  	_ = 	snop  }
0xd1: {  	[tilespmem:s20], [sflag:$0x2] =	stream.indirect.gather [hbm4b:s4+s18], $0x80, s18, s18, $0xb8;
	[tilespmem:$0x1D000] =	vst v63  }
0xd2: {  	_ =	swait.ge [sflag:s21], $0x4000  }
0xd3: {  	[sflag:s21] =	ssyncset.done $0x0  }
0xd4: {  	[sflag:s21] =	ssyncadd.s32 $0xFFFFC000  }
0xd5: {  	[spmem:s2] =	stream.indirect.scatter.add.f32 [tilespmem:s19], [sflag:$0x3], $0x80, s17, s18, $0xb8;
	[tilespmem:$0x1D000] =	vst v63  }
0xd6: {  	_ =	swait.ge [sflag:s12], $0x4000  }
0xd7: {  	[sflag:s12] =	ssyncset.done $0x0  }
0xd8: {  	s5 =	rddreg [dreg:$0x3];
	[sflag:s12] =	ssyncadd.s32 $0xFFFFC000  }
0xd9: {  	[tilespmem:s19], [sflag:$0x1] =	stream.indirect.gather [hbm4b:s4+s18], $0x80, s5, s18, $0xb8;
	[tilespmem:$0x1D000] =	vst v63  }
0xda: {  	_ =	swait.ge [sflag:s22], $0x4000  }
0xdb: {  	[sflag:s22] =	ssyncset.done $0x0  }
0xdc: {  	s10 =	rddreg [dreg:$0x4];
	[sflag:s22] =	ssyncadd.s32 $0xFFFFC000  }
0xdd: {  	[spmem:s2] =	stream.indirect.scatter.add.f32 [tilespmem:s20], [sflag:$0x3], $0x80, s10, s18, $0xb8;
	[tilespmem:$0x1D000] =	vst v63  }
0xde: {  	_ =	swait.ge [sflag:s12], $0x4000  }
0xdf: {  	[sflag:s12] =	ssyncset.done $0x0  }
0xe0: {  	s10 =	rddreg [dreg:$0x5];
	[sflag:s12] =	ssyncadd.s32 $0xFFFFC000  }
0xe1: {  	[tilespmem:s20], [sflag:$0x2] =	stream.indirect.gather [hbm4b:s4+s18], $0x80, s10, s18, $0xb8;
	[tilespmem:$0x1D000] =	vst v63  }
0xe2: {  	_ =	swait.ge [sflag:s21], $0x4000  }
0xe3: {  	[sflag:s21] =	ssyncset.done $0x0  }
0xe4: {  	s10 =	rddreg [dreg:$0x6];
	[sflag:s21] =	ssyncadd.s32 $0xFFFFC000  }
0xe5: {  	[spmem:s2] =	stream.indirect.scatter.add.f32 [tilespmem:s19], [sflag:$0x3], $0x80, s10, s18, $0xb8;
	[tilespmem:$0x1D000] =	vst v63  }
0xe6: {  	_ =	swait.ge [sflag:s12], $0x4000  }
0xe7: {  	[sflag:s12] =	ssyncset.done $0x0  }
0xe8: {  	s10 =	rddreg [dreg:$0x7];
	[sflag:s12] =	ssyncadd.s32 $0xFFFFC000  }
0xe9: {  	[tilespmem:s19], [sflag:$0x1] =	stream.indirect.gather [hbm4b:s4+s18], $0x80, s10, s18, $0xb8;
	[tilespmem:$0x1D000] =	vst v63  }
0xea: {  	_ =	swait.ge [sflag:s22], $0x4000  }
0xeb: {  	[sflag:s22] =	ssyncset.done $0x0  }
0xec: {  	s10 =	rddreg [dreg:$0x8];
	[sflag:s22] =	ssyncadd.s32 $0xFFFFC000  }
0xed: {  	[spmem:s2] =	stream.indirect.scatter.add.f32 [tilespmem:s20], [sflag:$0x3], $0x80, s10, s18, $0xb8;
	[tilespmem:$0x1D000] =	vst v63  }
0xee: {  	_ =	swait.ge [sflag:s12], $0x4000  }
0xef: {  	[sflag:s12] =	ssyncset.done $0x0  }
0xf0: {  	s10 =	rddreg [dreg:$0x9];
	[sflag:s12] =	ssyncadd.s32 $0xFFFFC000  }
0xf1: {  	[tilespmem:s20], [sflag:$0x2] =	stream.indirect.gather [hbm4b:s4+s18], $0x80, s10, s18, $0xb8;
	[tilespmem:$0x1D000] =	vst v63  }
0xf2: {  	_ =	swait.ge [sflag:s21], $0x4000  }
0xf3: {  	[sflag:s21] =	ssyncset.done $0x0  }
0xf4: {  	s10 =	rddreg [dreg:$0xa];
	[sflag:s21] =	ssyncadd.s32 $0xFFFFC000  }
0xf5: {  	[spmem:s2] =	stream.indirect.scatter.add.f32 [tilespmem:s19], [sflag:$0x3], $0x80, s10, s18, $0xb8;
	[tilespmem:$0x1D000] =	vst v63  }
0xf6: {  	_ =	swait.ge [sflag:s12], $0x4000  }
0xf7: {  	[sflag:s12] =	ssyncset.done $0x0  }
0xf8: {  	s10 =	rddreg [dreg:$0xb];
	[sflag:s12] =	ssyncadd.s32 $0xFFFFC000  }
0xf9: {  	[tilespmem:s19], [sflag:$0x1] =	stream.indirect.gather [hbm4b:s4+s18], $0x80, s10, s18, $0xb8;
	[tilespmem:$0x1D000] =	vst v63  }
0xfa: {  	_ =	swait.ge [sflag:s22], $0x4000  }
0xfb: {  	[sflag:s22] =	ssyncset.done $0x0  }
0xfc: {  	s10 =	rddreg [dreg:$0xc];
	[sflag:s22] =	ssyncadd.s32 $0xFFFFC000  }
0xfd: {  	[spmem:s2] =	stream.indirect.scatter.add.f32 [tilespmem:s20], [sflag:$0x3], $0x80, s10, s18, $0xb8;
	[tilespmem:$0x1D000] =	vst v63  }
0xfe: {  	_ =	swait.ge [sflag:s12], $0x4000  }
0xff: {  	[sflag:s12] =	ssyncset.done $0x0  }
0x100: {  	s10 =	rddreg [dreg:$0xd];
	[sflag:s12] =	ssyncadd.s32 $0xFFFFC000  }
0x101: {  	[tilespmem:s20], [sflag:$0x2] =	stream.indirect.gather [hbm4b:s4+s18], $0x80, s10, s18, $0xb8;
	[tilespmem:$0x1D000] =	vst v63  }
0x102: {  	_ =	swait.ge [sflag:s21], $0x4000  }
0x103: {  	[sflag:s21] =	ssyncset.done $0x0  }
0x104: {  	s10 =	rddreg [dreg:$0xe];
	[sflag:s21] =	ssyncadd.s32 $0xFFFFC000  }
0x105: {  	[spmem:s2] =	stream.indirect.scatter.add.f32 [tilespmem:s19], [sflag:$0x3], $0x80, s10, s18, $0xb8;
	[tilespmem:$0x1D000] =	vst v63  }
0x106: {  	_ =	swait.ge [sflag:s12], $0x4000  }
0x107: {  	[sflag:s12] =	ssyncset.done $0x0  }
0x108: {  	s10 =	rddreg [dreg:$0xf];
	[sflag:s12] =	ssyncadd.s32 $0xFFFFC000  }
0x109: {  	[tilespmem:s19], [sflag:$0x1] =	stream.indirect.gather [hbm4b:s4+s18], $0x80, s10, s18, $0xb8;
	[tilespmem:$0x1D000] =	vst v63  }
0x10a: {  	_ =	swait.ge [sflag:s22], $0x4000  }
0x10b: {  	[sflag:s22] =	ssyncset.done $0x0  }
0x10c: {  	s10 =	rddreg [dreg:$0x10];
	[sflag:s22] =	ssyncadd.s32 $0xFFFFC000  }
0x10d: {  	[spmem:s2] =	stream.indirect.scatter.add.f32 [tilespmem:s20], [sflag:$0x3], $0x80, s10, s18, $0xb8;
	[tilespmem:$0x1D000] =	vst v63  }
0x10e: {  	_ =	swait.ge [sflag:s12], $0x4000  }
0x10f: {  	[sflag:s12] =	ssyncset.done $0x0  }
0x110: {  	[sflag:s12] =	ssyncadd.s32 $0xFFFFC000  }
0x111: {  	[tilespmem:s20], [sflag:$0x2] =	stream.indirect.gather [hbm4b:s4+s18], $0x80, s23, s18, $0xb8;
	[tilespmem:$0x1D000] =	vst v63  }
0x112: {  	_ =	swait.ge [sflag:s21], $0x4000  }
0x113: {  	[sflag:s21] =	ssyncset.done $0x0  }
0x114: {  	[sflag:s21] =	ssyncadd.s32 $0xFFFFC000  }
0x115: {  	[spmem:s2] =	stream.indirect.scatter.add.f32 [tilespmem:s19], [sflag:$0x3], $0x80, s25, s18, $0xb8;
	[tilespmem:$0x1D000] =	vst v63  }
0x116: {  	_ =	swait.ge [sflag:s12], $0x4000  }
0x117: {  	[sflag:s12] =	ssyncset.done $0x0  }
0x118: {  	[sflag:s12] =	ssyncadd.s32 $0xFFFFC000  }
0x119: {  	[tilespmem:s19], [sflag:$0x1] =	stream.indirect.gather [hbm4b:s4+s18], $0x80, s26, s18, $0xb8;
	[tilespmem:$0x1D000] =	vst v63  }
0x11a: {  	_ =	swait.ge [sflag:s22], $0x4000  }
0x11b: {  	[sflag:s22] =	ssyncset.done $0x0  }
0x11c: {  	[sflag:s22] =	ssyncadd.s32 $0xFFFFC000  }
0x11d: {  	[spmem:s2] =	stream.indirect.scatter.add.f32 [tilespmem:s20], [sflag:$0x3], $0x80, s28, s18, $0xb8;
	[tilespmem:$0x1D000] =	vst v63  }
0x11e: {  	_ =	swait.ge [sflag:s12], $0x4000  }
0x11f: {  	[sflag:s12] =	ssyncset.done $0x0  }
0x120: {  	[sflag:s12] =	ssyncadd.s32 $0xFFFFC000  }
0x121: {  	[tilespmem:s20], [sflag:$0x2] =	stream.indirect.gather [hbm4b:s4+s18], $0x80, s29, s18, $0xb8;
	[tilespmem:$0x1D000] =	vst v63  }
0x122: {  	_ =	swait.ge [sflag:s21], $0x4000  }
0x123: {  	[sflag:s21] =	ssyncset.done $0x0  }
0x124: {  	[sflag:s21] =	ssyncadd.s32 $0xFFFFC000  }
0x125: {  	[spmem:s2] =	stream.indirect.scatter.add.f32 [tilespmem:s19], [sflag:$0x3], $0x80, s30, s18, $0xb8;
	[tilespmem:$0x1D000] =	vst v63  }
0x126: {  	_ =	swait.ge [sflag:s12], $0x4000  }
0x127: {  	[sflag:s12] =	ssyncset.done $0x0  }
0x128: {  	[sflag:s12] =	ssyncadd.s32 $0xFFFFC000  }
0x129: {  	[tilespmem:s19], [sflag:$0x1] =	stream.indirect.gather [hbm4b:s4+s18], $0x80, s31, s18, $0xb8;
	[tilespmem:$0x1D000] =	vst v63  }
0x12a: {  	_ =	swait.ge [sflag:s22], $0x4000  }
0x12b: {  	[sflag:s22] =	ssyncset.done $0x0  }
0x12c: {  	[sflag:s22] =	ssyncadd.s32 $0xFFFFC000  }
0x12d: {  	[spmem:s2] =	stream.indirect.scatter.add.f32 [tilespmem:s20], [sflag:$0x3], $0x80, s1, s18, $0xb8;
	[tilespmem:$0x1D000] =	vst v63  }
0x12e: {  	_ =	swait.ge [sflag:s12], $0x4000  }
0x12f: {  	[sflag:s12] =	ssyncset.done $0x0  }
0x130: {  	[sflag:s12] =	ssyncadd.s32 $0xFFFFC000  }
0x131: {  	[tilespmem:s20], [sflag:$0x2] =	stream.indirect.gather [hbm4b:s4+s18], $0x80, s0, s18, $0xb8;
	[tilespmem:$0x1D000] =	vst v63  }
0x132: {  	_ =	swait.ge [sflag:s21], $0x4000  }
0x133: {  	[sflag:s21] =	ssyncset.done $0x0  }
0x134: {  	[sflag:s21] =	ssyncadd.s32 $0xFFFFC000  }
0x135: {  	[spmem:s2] =	stream.indirect.scatter.add.f32 [tilespmem:s19], [sflag:$0x3], $0x80, s8, s18, $0xb8;
	[tilespmem:$0x1D000] =	vst v63  }
0x136: {  	_ =	swait.ge [sflag:s12], $0x4000  }
0x137: {  	[sflag:s12] =	ssyncset.done $0x0  }
0x138: {  	[sflag:s12] =	ssyncadd.s32 $0xFFFFC000  }
0x139: {  	[tilespmem:s19], [sflag:$0x1] =	stream.indirect.gather [hbm4b:s4+s18], $0x80, s13, s18, $0xb8;
	[tilespmem:$0x1D000] =	vst v63  }
0x13a: {  	_ =	swait.ge [sflag:s22], $0x4000  }
0x13b: {  	[sflag:s22] =	ssyncset.done $0x0  }
0x13c: {  	[sflag:s22] =	ssyncadd.s32 $0xFFFFC000  }
0x13d: {  	[spmem:s2] =	stream.indirect.scatter.add.f32 [tilespmem:s20], [sflag:$0x3], $0x80, s14, s18, $0xb8;
	[tilespmem:$0x1D000] =	vst v63  }
0x13e: {  	_ =	swait.ge [sflag:s12], $0x4000  }
0x13f: {  	[sflag:s12] =	ssyncset.done $0x0  }
0x140: {  	[sflag:s12] =	ssyncadd.s32 $0xFFFFC000  }
0x141: {  	[tilespmem:s20], [sflag:$0x2] =	stream.indirect.gather [hbm4b:s4+s18], $0x80, s15, s18, $0xb8;
	[tilespmem:$0x1D000] =	vst v63  }
0x142: {  	_ =	swait.ge [sflag:s21], $0x4000  }
0x143: {  	[sflag:s21] =	ssyncset.done $0x0  }
0x144: {  	[sflag:s21] =	ssyncadd.s32 $0xFFFFC000  }
0x145: {  	[spmem:s2] =	stream.indirect.scatter.add.f32 [tilespmem:s19], [sflag:$0x3], $0x80, s16, s18, $0xb8;
	[tilespmem:$0x1D000] =	vst v63  }
0x146: {  	_ =	swait.ge [sflag:s12], $0x4000  }
0x147: {  	[sflag:s12] =	ssyncset.done $0x0  }
0x148: {  	[sflag:s12] =	ssyncadd.s32 $0xFFFFC000  }
0x149: {  	p0 =	sne.s32 s11, $0x1;
	_ =	swait.ge [sflag:s22], $0x4000  }
.Ltmp1:
0x14a: {  	[sflag:s22] =	ssyncset.done $0x0;
	(pc) =	sbr.rel @p0 .LBB2_2-.Ltmp1, $4  }
0x14b: {  	[sflag:s22] =	ssyncadd.s32 $0xFFFFC000  }
0x14c: {  	[spmem:s2] =	stream.indirect.scatter.add.f32 [tilespmem:s20], [sflag:$0x3], $0x80, s24, s18, $0xb8;
	[tilespmem:$0x1D000] =	vst v63  }
0x14d: {  	_ =	swait.ge [sflag:s12], $0x4000  }
0x14e: {  	s11 =	sadd.s32 $0xFFFFFFFF, s11;
	[sflag:s12] =	ssyncset.done $0x0  }
.LBB2_3:
0x14f: {  	[sflag:s12] =	ssyncadd.s32 $0xFFFFC000  }
0x150: {  	[bflag:$0x0] =	sbarrier.arrive $0xFFFF  }
0x151: {  	s6 =	rddreg [dreg:$0x16]  }
0x152: {  	s9 =	rddreg [dreg:$0x17]  }
0x153: {  	s5 =	rddreg [dreg:$0x1c]  }
0x154: {  	[hbm:s5], [sflag:s6] =	dma.local [spmem:s9], $0x2800  }
0x155: {  	_ =	swait.ge [sflag:s12], $0x2800  }
0x156: {  	s7 =	sadd.s32 $0x1, s7;
	s11 =	rddreg [dreg:$0x13]  }
0x157: {  	p0 =	sne.s32 s7, s11  }
.Ltmp2:
0x158: {  	_ = 	snop;
	(pc) =	sbr.rel @p0 .LBB2_1-.Ltmp2, $3  }
0x159: {  	_ =	sdelay $0x1  }
0x15a: {  	[sflag:s12] =	ssyncset.done $0x0  }
0x15b: {  	[sflag:s12] =	ssyncadd.s32 $0xFFFFD800  }
0x15c: {  	_ =	sfence.sel $0x180000  }
0x15d: {  	[bflag:$0x0] =	sbarrier.arrive $0xFFFF  }
0x15e: {  	_ =	strace $0x9000004D  }
0x15f: {  	s0 =	stileid.u32;
	[bflag:$0x2] =	sbarrier.arrive $0xFFFF  }
0x160: {  	p0 =	sne.s32 s0, $0x0;
	s0 =	rddreg [dreg:$0x2]  }
0x161: {  	s0 =	sadd.s32 @!p0 $0x100000, s0  }
0x162: {  	[sflag:s0] =	ssyncadd.tile.s32 @!p0 $0x1;
	_ =	shalt  }
.Lfunc_end2:
_tile_overlayer_lowered:
.L_overlay_start_2:
0x163: {  	(tag) =	ssettag $0x2  }
0x164: {  	s0 =	rddreg [dreg:$0x0];
	s2 =	stileid.u32  }
0x165: {  	s1 =	rddreg [dreg:$0x1];
	p0 =	sne.s32 s2, $0x0  }
0x166: {  	s3 =	rddreg [dreg:$0x2];
	[bflag:$0x3] =	sbarrier.arrive $0xFFFF;
	s2 =	simm.s32 @!p0 $0x1C03  }
0x167: {  	[timem:s3], [sflag:s2] =	dma.local @!p0 [hbm:s0], s1  }
0x168: {  	s0 =	simm.s32 @!p0 $0x3  }
0x169: {  	_ =	swait.ge @!p0 [sflag:s0], s1  }
0x16a: {  	s1 =	ssub.s32 @!p0 $0x0, s1;
	[sflag:s0] =	ssyncset.done @!p0 $0x0  }
0x16b: {  	[sflag:s0] =	ssyncadd.s32 @!p0 s1  }
0x16c: {  	[bflag:$0x3] =	sbarrier.arrive $0xFFFF  }
0x16d: {  	_ =	shalt  }

// kernel: kernel.23.cloned.1.call-start
scs
__scs_entry_jumppad:
0x0: {  	(pc) =	sbr.rel $0x88, $3  }
0x1: {  	(tag) =	ssettag $0x0;
	lr =	simm.s32 $0x1  }
0x2: {  	[smem:$0x3F98] =	sst lr;
	_ =	strace $0xD0000000  }
0x3: {  	_ = 	snop  }
0x4: {  	_ = 	snop  }
0x5: {  	_ = 	snop  }
0x6: {  	_ = 	snop  }
0x7: {  	_ = 	snop  }
__scs_overlays_trampoline_lowered:
0x8: {  	[smem:$0x3FA7] =	sst s0  }
0x9: {  	[smem:$0x3FA8] =	sst s1  }
0xa: {  	[smem:$0x3FA9] =	sst s2  }
0xb: {  	[smem:$0x3FAA] =	sst s3  }
0xc: {  	[smem:$0x3FAB] =	sst s4  }
0xd: {  	[smem:$0x3FAC] =	sst s5  }
0xe: {  	[smem:$0x3FAD] =	sst s6  }
0xf: {  	[smem:$0x3FAE] =	sst s7  }
0x10: {  	[smem:$0x3FAF] =	sst s8  }
0x11: {  	[smem:$0x3FB0] =	sst s9;
	s0 =	simm.s32 @!p0 $0x0  }
0x12: {  	s1 =	sld [smem:$0x3F96];
	s0 =	simm.s32 @p0 $0x1  }
0x13: {  	[smem:$0x3FB1] =	sst s0;
	s0 =	simm.s32 @!p1 $0x0  }
0x14: {  	s2 =	sld [smem:$0x3F95];
	s0 =	simm.s32 @p1 $0x1  }
0x15: {  	[smem:$0x3FB2] =	sst s0;
	s0 =	simm.s32 @!p2 $0x0  }
0x16: {  	s3 =	sld [smem:$0x3FDB];
	s0 =	simm.s32 @p2 $0x1  }
0x17: {  	s4 =	simm.s32 $0x1BF5;
	[smem:$0x3FB4] =	sst s0  }
0x18: {  	s0 =	sld [smem:$0x3F97];
	_ =	swait.ge [sflag:s4], $0x0  }
0x19: {  	s7 =	sld [smem:$0x3F98]  }
0x1a: {  	s8 =	sadd.s32 $0xFFFFE003, lr  }
0x1b: {  	s9 =	sadd.s32 $0xFFFFFEF7, lr;
	s5 =	simm.s32 $0xFFFFFFFF;
	p2 =	slt.u32 s8, $0xFFFFF086  }
0x1c: {  	p1 =	slt.u32 s9, $0xF7A;
	s5 =	simm.s32 @!p2 $0x0  }
0x1d: {  	s5 =	simm.s32 @p1 $0x1;
	p0 =	seq.s32 s7, s2  }
0x1e: {  	s7 =	smul.u32 @!p0 $0xF7A, s2;
	p2 =	seq.s32 @!p0 s5, $0x0  }
0x1f: {  	s9 =	smul.u32 $0xF7A, s1;
	s8 =	simm.s32 @!p0 $0x1BF5;
	p2 =	por !p2, p0  }
0x20: {  	[sflag:s8] =	ssyncset.s32 @!p0 $0xFFFFF086;
	s6 =	sadd.s32 @!p0 s3, s7;
	s7 =	simm.s32 @!p0 $0x108  }
0x21: {  	s3 =	sadd.s32 s3, s9;
	s6 =	sadd.s32 @!p0 $0x88, s6;
	s7 =	simm.s32 @p2 $0x1082  }
0x22: {  	[simem:s7], [sflag:s8] =	dma.local @!p0 [hbm:s6], $0xF7A  }
0x23: {  	s9 =	sor.u32 $0xD0000000, s2;
	s6 =	simm.s32 $0x108;
	_ =	swait.ge @!p0 [sflag:s8], $0x0  }
0x24: {  	s3 =	sadd.s32 $0x88, s3;
	s6 =	simm.s32 @!p1 $0x1082;
	[sflag:s4] =	ssyncset.s32 $0xFFFFF086  }
0x25: {  	[simem:s6], [sflag:s4] =	dma.local [hbm:s3], $0xF7A  }
0x26: {  	[smem:$0x3F98] =	sst s1;
	(tag) =	ssettag s2;
	_ =	strace s9  }
0x27: {  	s1 =	sld [smem:$0x3FA8]  }
0x28: {  	s2 =	sld [smem:$0x3FA9]  }
0x29: {  	s4 =	sld [smem:$0x3FAB]  }
0x2a: {  	p0 =	seq.s32 s5, $0x0;
	s5 =	sld [smem:$0x3FAC]  }
0x2b: {  	s6 =	sld [smem:$0x3FAD]  }
0x2c: {  	s7 =	sld [smem:$0x3FAE]  }
0x2d: {  	s3 =	simm.s32 $0x108;
	s8 =	sld [smem:$0x3FAF]  }
0x2e: {  	s3 =	simm.s32 @!p0 $0x1082;
	s9 =	sld [smem:$0x3FB0]  }
0x2f: {  	lr =	sadd.s32 s0, s3;
	s0 =	sld [smem:$0x3FA7]  }
0x30: {  	s3 =	sld [smem:$0x3FAA]  }
0x31: {  	[smem:$0x3FB3] =	sst s10  }
0x32: {  	s10 =	sld [smem:$0x3FB1];
	_ =	sdelay $0x3  }
0x33: {  	p0 =	seq.s32 s10, $0x1;
	s10 =	sld [smem:$0x3FB3];
	_ =	sdelay $0x3  }
0x34: {  	[smem:$0x3FB3] =	sst s10  }
0x35: {  	s10 =	sld [smem:$0x3FB2];
	_ =	sdelay $0x3  }
0x36: {  	p1 =	seq.s32 s10, $0x1;
	s10 =	sld [smem:$0x3FB3];
	_ =	sdelay $0x3  }
0x37: {  	[smem:$0x3FB3] =	sst s10  }
0x38: {  	s10 =	sld [smem:$0x3FB4]  }
0x39: {  	_ = 	snop;
	(pc) =	sbr.ind lr, $3  }
0x3a: {  	_ = 	snop  }
0x3b: {  	_ = 	snop  }
0x3c: {  	p2 =	seq.s32 s10, $0x1;
	s10 =	sld [smem:$0x3FB3]  }
0x3d: {  	_ =	shalt  }
0x3e: {  	_ =	shalt  }
0x3f: {  	_ =	shalt  }
0x40: {  	_ =	shalt  }
0x41: {  	_ =	shalt  }
0x42: {  	_ =	shalt  }
0x43: {  	_ =	shalt  }
0x44: {  	_ =	shalt  }
0x45: {  	_ =	shalt  }
0x46: {  	_ =	shalt  }
0x47: {  	_ =	shalt  }
0x48: {  	_ =	shalt  }
0x49: {  	_ =	shalt  }
0x4a: {  	_ =	shalt  }
0x4b: {  	_ =	shalt  }
0x4c: {  	_ =	shalt  }
0x4d: {  	_ =	shalt  }
0x4e: {  	_ =	shalt  }
0x4f: {  	_ =	shalt  }
0x50: {  	_ =	shalt  }
0x51: {  	_ =	shalt  }
0x52: {  	_ =	shalt  }
0x53: {  	_ =	shalt  }
0x54: {  	_ =	shalt  }
0x55: {  	_ =	shalt  }
0x56: {  	_ =	shalt  }
0x57: {  	_ =	shalt  }
0x58: {  	_ =	shalt  }
0x59: {  	_ =	shalt  }
0x5a: {  	_ =	shalt  }
0x5b: {  	_ =	shalt  }
0x5c: {  	_ =	shalt  }
0x5d: {  	_ =	shalt  }
0x5e: {  	_ =	shalt  }
0x5f: {  	_ =	shalt  }
0x60: {  	_ =	shalt  }
0x61: {  	_ =	shalt  }
0x62: {  	_ =	shalt  }
0x63: {  	_ =	shalt  }
0x64: {  	_ =	shalt  }
0x65: {  	_ =	shalt  }
0x66: {  	_ =	shalt  }
0x67: {  	_ =	shalt  }
0x68: {  	_ =	shalt  }
0x69: {  	_ =	shalt  }
0x6a: {  	_ =	shalt  }
0x6b: {  	_ =	shalt  }
0x6c: {  	_ =	shalt  }
0x6d: {  	_ =	shalt  }
0x6e: {  	_ =	shalt  }
0x6f: {  	_ =	shalt  }
0x70: {  	_ =	shalt  }
0x71: {  	_ =	shalt  }
0x72: {  	_ =	shalt  }
0x73: {  	_ =	shalt  }
0x74: {  	_ =	shalt  }
0x75: {  	_ =	shalt  }
0x76: {  	_ =	shalt  }
0x77: {  	_ =	shalt  }
0x78: {  	_ =	shalt  }
0x79: {  	_ =	shalt  }
0x7a: {  	_ =	shalt  }
0x7b: {  	_ =	shalt  }
0x7c: {  	_ =	shalt  }
0x7d: {  	_ =	shalt  }
0x7e: {  	_ =	shalt  }
0x7f: {  	_ =	shalt  }
0x80: {  	_ =	shalt  }
0x81: {  	_ =	shalt  }
0x82: {  	_ =	shalt  }
0x83: {  	_ =	shalt  }
0x84: {  	_ =	shalt  }
0x85: {  	_ =	shalt  }
0x86: {  	_ =	shalt  }
0x87: {  	_ =	shalt  }
.Lfunc_end0:
.L_simem_size_0:
called_computation.3_lowered:
.L_overlay_start_0:
0x88: {  	s2 =	sld [smem:$0x3FD9]  }
0x89: {  	s3 =	sld [smem:$0x3FFE];
	_ =	sdelay $0x1  }
0x8a: {  	s1 =	srdreg.scid  }
0x8b: {  	s0 =	sand.u32 $0x1, s1  }
0x8c: {  	s16 =	sshll.u32 s0, $0xA;
	s2 =	sadd.s32 s3, s2  }
0x8d: {  	s2 =	sadd.s32 s2, s16  }
0x8e: {  	[smem:$0x3FBF] =	sst s2  }
0x8f: {  	_ = 	snop  }
0x90: {  	(tm) =	ssettm $0x1  }
0x91: {  	s17 =	sld [smem:$0x3FFB];
	_ =	sdelay $0x3  }
0x92: {  	_ =	strace s17  }
0x93: {  	s2 =	sld [smem:$0x3FFC];
	_ =	sdelay $0x3  }
0x94: {  	_ =	strace s2  }
0x95: {  	s2 =	sld [smem:$0x3FFD];
	_ =	sdelay $0x3  }
0x96: {  	_ =	strace s2  }
0x97: {  	_ =	strace $0x8FFFFFFF  }
0x98: {  	s18 =	sld [smem:$0x3FDB];
	_ =	sdelay $0x1  }
0x99: {  	s19 =	simm.s32 $_scs_section_size  }
0x9a: {  	s4 =	simm.s32 $_size__tile_overlayer_lowered;
	s5 =	simm.s32 $_tile_overlayer_lowered  }
0x9b: {  	s22 =	simm.s32 $0x1BFF;
	s21 =	sshll.u32 s5, $0x1;
	s2 =	sadd.s32 s19, s18  }
0x9c: {  	s6 =	simm.s32 $0x0;
	s20 =	sshll.u32 s4, $0x1;
	s4 =	sadd.s32 s21, s2  }
0x9d: {  	[timem:s6], [sflag:s22] =	dma.local [hbm:s4], s20  }
0x9e: {  	_ =	swait.ge [sflag:s22], s20  }
0x9f: {  	s3 =	ssub.s32 $0x0, s20;
	[sflag:s22] =	ssyncset.done $0x0  }
0xa0: {  	[sflag:s22] =	ssyncadd.s32 s3;
	_ =	sdelay $0x1  }
0xa1: {  	s23 =	simm.s32 $0x1B8B  }
0xa2: {  	_ =	swait.ge [sflag:s23], $0x1  }
0xa3: {  	[sflag:s23] =	ssyncset.done $0x0  }
0xa4: {  	s25 =	simm.s32 $0x1B8E;
	s24 =	sld [smem:$0x3FFE];
	[sflag:s23] =	ssyncadd.s32 $0xFFFFFFFF  }
0xa5: {  	s26 =	simm.s32 $execute0_lowered;
	[smem:$0x3FD2] =	sst s25  }
0xa6: {  	s4 =	sshll.u32 s26, $0x1;
	_ =	strace $0x8000004F;
	[dreg:$0x1] =	wrdreg $0xFFFFFFFF  }
0xa7: {  	s28 =	simm.s32 $_size_execute0_lowered;
	s2 =	sadd.s32 s2, s4;
	[dreg:$0x0] =	wrdreg $0x0  }
0xa8: {  	s4 =	sshll.u32 s28, $0x1;
	[dreg:$0x2] =	wrdreg s2  }
0xa9: {  	[dreg:$0x3] =	wrdreg s4  }
0xaa: {  	[dreg:$0x4] =	wrdreg $0xC0  }
0xab: {  	_ =	task [dreg:s6], $0x5FFFF  }
0xac: {  	[dreg:$0x1] =	wrdreg $0xFFFFFFFF  }
0xad: {  	[dreg:$0x0] =	wrdreg $0x60  }
0xae: {  	[dreg:$0x2] =	wrdreg s24  }
0xaf: {  	[dreg:$0x3] =	wrdreg $0x90000  }
0xb0: {  	[dreg:$0x4] =	wrdreg $0x9  }
0xb1: {  	_ =	task.clear_ibuf [dreg:s6], $0x5FFFF;
	_ =	strace $0x9000004F  }
0xb2: {  	s29 =	simm.s32 $0x9;
	_ =	strace $0x80000051  }
0xb3: {  	_ =	swait.ge [sflag:s29], $0x1  }
0xb4: {  	[sflag:s29] =	ssyncadd.s32 $0xFFFFFFFF  }
0xb5: {  	_ =	strace $0x90000051  }
0xb6: {  	_ =	sfence  }
0xb7: {  	s30 =	sld [smem:$0x0];
	_ =	sdelay $0x2  }
0xb8: {  	s31 =	sshll.u32 s1, $0xD;
	s1 =	sshrl.u32 s1, $0x2  }
0xb9: {  	s3 =	sand.u32 $0x4000, s31;
	s1 =	sadd.s32 s1, s30  }
0xba: {  	s0 =	sor.u32 s3, s0;
	s1 =	sshll.u32 s1, $0x11  }
0xbb: {  	s0 =	sor.u32 s1, s0  }
0xbc: {  	s0 =	sadd.s32 $0x8F2B, s0  }
0xbd: {  	[sflag:s0] =	ssyncadd.remote.s32 $0x1  }
0xbe: {  	_ =	sfence.sel $0xFFFF  }
0xbf: {  	[dreg:$0x0] =	wrdreg $0xFFFFFFFF;
	(pc) =	sbr.abs _section_cstart, $3  }
0xc0: {  	[dreg:$0x1] =	wrdreg $0xFFFFFFFF  }
0xc1: {  	_ =	task.clear_ibuf [dreg:s6], $0x2FFFF;
	_ =	strace $0x9FFFFFFF  }
0xc2: {  	(tm) =	ssettm $0x7FFFFFFF  }
0xc3: {  	_ =	shalt  }
tec
execute0_lowered:
.L_overlay_start_1:
0x0: {  	(tag) =	ssettag $0x1  }
0x1: {  	s0 =	srdreg.scid;
	s1 =	simm.s32 $0x90;
	s6 =	rddreg [dreg:$0x0]  }
0x2: {  	s12 =	stileid.u32;
	s2 =	rddreg [dreg:$0x1];
	s3 =	simm.s32 $0x0  }
0x3: {  	s22 =	simm.s32 $0x100;
	s24 =	simm.s32 $0x880;
	s25 =	simm.s32 $0x180  }
0x4: {  	s26 =	simm.s32 $0x900;
	s15 =	simm.s32 $0x980;
	s28 =	simm.s32 $0xC80  }
0x5: {  	s29 =	simm.s32 $0x580;
	[smem:$0x7FF] =	sst s3;
	s16 =	sadd.s32 $0x2A800, s6  }
0x6: {  	s30 =	simm.s32 $0xD00;
	_ =	strace $0x80000050;
	[dreg:$0x11] =	wrdreg s16  }
0x7: {  	s31 =	simm.s32 $0x600;
	s0 =	sand.u32 $0x1, s0;
	[dreg:$0x3] =	wrdreg s22  }
0x8: {  	s8 =	smul.u32 $0x50000, s12;
	s19 =	sshll.u32 s12, $0x6;
	[dreg:$0x4] =	wrdreg s24  }
0x9: {  	p0 =	seq.s32 s0, $0x0;
	s5 =	smul.u32 $0x48000, s0;
	[dreg:$0x5] =	wrdreg s25  }
0xa: {  	s7 =	smul.u32 $0x28000, s0;
	s0 =	ssub.s32 $0x2, s0;
	[dreg:$0x6] =	wrdreg s26  }
0xb: {  	[dreg:$0x8] =	wrdreg s15;
	s22 =	simm.s32 $0x380;
	s24 =	simm.s32 $0x400  }
0xc: {  	s25 =	simm.s32 $0xB80;
	s15 =	simm.s32 $0x780;
	[dreg:$0xd] =	wrdreg s22  }
0xd: {  	s1 =	simm.s32 @!p0 $0x10;
	s17 =	sshrl.u32 s8, $0x2;
	[dreg:$0xf] =	wrdreg s24  }
0xe: {  	s18 =	sshrl.u32 s0, $0x1;
	s22 =	simm.s32 $0x2;
	[dreg:$0x10] =	wrdreg s25  }
0xf: {  	s25 =	simm.s32 $0xC00;
	s24 =	simm.s32 $0xF80;
	s4 =	smul.u32 s1, s12  }
0x10: {  	s7 =	sadd.s32 s7, s6;
	s10 =	sadd.s32 s17, s2;
	s0 =	ssub.s32 s0, s18  }
0x11: {  	s1 =	sshrl.u32 s1, $0x4;
	s17 =	simm.s32 $0x280;
	s20 =	sadd.s32 $0x4000, s10  }
0x12: {  	s11 =	sadd.s32 $0x8000, s10;
	s13 =	sadd.s32 $0xC000, s10;
	s14 =	sadd.s32 $0x10000, s10  }
0x13: {  	[dreg:$0x12] =	wrdreg s1;
	s1 =	sadd.s32 $0x3FC00, s7;
	s7 =	smul.u32 $0x2800, s12  }
0x14: {  	s0 =	smax.u32 s0, $0x1;
	s12 =	simm.s32 $0x3;
	[dreg:$0x9] =	wrdreg s17  }
0x15: {  	s17 =	simm.s32 $0x800;
	[dreg:$0x13] =	wrdreg s0;
	s8 =	sshrl.u32 s20, $0x3  }
0x16: {  	s4 =	sshll.u32 s4, $0x7;
	s11 =	sshrl.u32 s11, $0x3;
	[dreg:$0x18] =	wrdreg s8  }
0x17: {  	s16 =	sshrl.u32 s13, $0x3;
	s18 =	sshrl.u32 s14, $0x3;
	[dreg:$0x19] =	wrdreg s11  }
0x18: {  	s20 =	simm.s32 $0x300;
	s0 =	simm.s32 $0x680;
	[dreg:$0x1a] =	wrdreg s16  }
0x19: {  	s13 =	simm.s32 $0x700;
	s14 =	simm.s32 $0xE80;
	[dreg:$0x1b] =	wrdreg s18  }
0x1a: {  	s4 =	sadd.s32 s5, s4;
	[dreg:$0xb] =	wrdreg s20;
	s26 =	sadd.s32 s7, s1  }
0x1b: {  	s5 =	sshrl.u32 s4, $0x3;
	s4 =	sadd.s32 $0x3600, s6;
	[dreg:$0x1c] =	wrdreg s26  }
0x1c: {  	s9 =	sadd.s32 s5, s6;
	s6 =	sor.u32 $0x1C03, s19;
	s19 =	simm.s32 $0xA00  }
0x1d: {  	s18 =	simm.s32 $0x80;
	s20 =	simm.s32 $0x5000;
	[dreg:$0xa] =	wrdreg s19  }
0x1e: {  	s1 =	simm.s32 $0xD80;
	s21 =	sadd.s32 $0x2BC00, s9;
	[dreg:$0x16] =	wrdreg s6  }
0x1f: {  	s8 =	simm.s32 $0xE00;
	s23 =	sadd.s32 $0x35C00, s9;
	[dreg:$0x14] =	wrdreg s21  }
0x20: {  	s9 =	sshrl.u32 s10, $0x3;
	s10 =	simm.s32 $0x200;
	[dreg:$0x15] =	wrdreg s23  }
0x21: {  	s16 =	simm.s32 $0xF00;
	s7 =	simm.s32 $0x0;
	[dreg:$0x7] =	wrdreg s10  }
0x22: {  	s26 =	simm.s32 $0x500;
	s21 =	simm.s32 $0xA80;
	[dreg:$0x17] =	wrdreg s9  }
0x23: {  	s19 =	simm.s32 $0x1000;
	s23 =	simm.s32 $0xB00;
	[dreg:$0xc] =	wrdreg s21  }
0x24: {  	s21 =	simm.s32 $0x1;
	[dreg:$0xe] =	wrdreg s23;
	s23 =	simm.s32 $0x480  }
.LBB2_1:
0x25: {  	s5 =	rddreg [dreg:$0x11]  }
0x26: {  	[spmem:s9], [sflag:s6] =	dma.local [hbm:s5], $0x800  }
0x27: {  	_ =	swait.ge [sflag:s12], $0x800  }
0x28: {  	[sflag:s12] =	ssyncset.done $0x0  }
0x29: {  	s11 =	rddreg [dreg:$0x18];
	[sflag:s12] =	ssyncadd.s32 $0xFFFFF800  }
0x2a: {  	[spmem:s11], [sflag:s6] =	dma.local [hbm:s5], $0x800  }
0x2b: {  	_ =	swait.ge [sflag:s12], $0x800  }
0x2c: {  	[sflag:s12] =	ssyncset.done $0x0  }
0x2d: {  	s10 =	rddreg [dreg:$0x19];
	[sflag:s12] =	ssyncadd.s32 $0xFFFFF800  }
0x2e: {  	[spmem:s10], [sflag:s6] =	dma.local [hbm:s5], $0x800  }
0x2f: {  	_ =	swait.ge [sflag:s12], $0x800  }
0x30: {  	[sflag:s12] =	ssyncset.done $0x0  }
0x31: {  	s11 =	rddreg [dreg:$0x1a];
	[sflag:s12] =	ssyncadd.s32 $0xFFFFF800  }
0x32: {  	[spmem:s11], [sflag:s6] =	dma.local [hbm:s5], $0x800  }
0x33: {  	_ =	swait.ge [sflag:s12], $0x800  }
0x34: {  	[sflag:s12] =	ssyncset.done $0x0  }
0x35: {  	s10 =	rddreg [dreg:$0x1b];
	[sflag:s12] =	ssyncadd.s32 $0xFFFFF800  }
0x36: {  	[spmem:s10], [sflag:s6] =	dma.local [hbm:s5], $0x800  }
0x37: {  	_ =	swait.ge [sflag:s12], $0x800  }
0x38: {  	[sflag:s12] =	ssyncset.done $0x0  }
0x39: {  	[sflag:s12] =	ssyncadd.s32 $0xFFFFF800  }
0x3a: {  	[bflag:$0x0] =	sbarrier.arrive $0xFFFF  }
0x3b: {  	s6 =	rddreg [dreg:$0x15]  }
0x3c: {  	[tilespmem:s3], [sflag:$0x3] =	stream.linear.gather [hbm4b:s6+s3], $0x800, $0x38;
	[tilespmem:$0x1D000] =	vst v63  }
0x3d: {  	_ =	swait.ge [sflag:s12], $0x800  }
0x3e: {  	[sflag:s12] =	ssyncset.done $0x0  }
0x3f: {  	s10 =	rddreg [dreg:$0x14];
	[sflag:s12] =	ssyncadd.s32 $0xFFFFF800  }
0x40: {  	[tilespmem:s17], [sflag:$0x3] =	stream.linear.gather [hbm4b:s10+s3], $0x800, $0x38;
	[tilespmem:$0x1D000] =	vst v63  }
0x41: {  	_ =	swait.ge [sflag:s12], $0x800  }
0x42: {  	[sflag:s12] =	ssyncset.done $0x0  }
0x43: {  	[sflag:s12] =	ssyncadd.s32 $0xFFFFF800  }
0x44: {  	[tilespmem:s19], [sflag:$0x1] =	stream.indirect.gather [hbm4b:s4+s18], $0x80, s3, s18, $0xb8;
	[tilespmem:$0x1D000] =	vst v63  }
0x45: {  	_ = 	snop  }
0x46: {  	[tilespmem:s20], [sflag:$0x2] =	stream.indirect.gather [hbm4b:s4+s18], $0x80, s18, s18, $0xb8;
	[tilespmem:$0x1D000] =	vst v63  }
0x47: {  	_ =	swait.ge [sflag:s21], $0x4000  }
0x48: {  	[sflag:s21] =	ssyncset.done $0x0  }
0x49: {  	[sflag:s21] =	ssyncadd.s32 $0xFFFFC000  }
0x4a: {  	[spmem:s2] =	stream.indirect.scatter.add.f32 [tilespmem:s19], [sflag:$0x3], $0x80, s17, s18, $0xb8;
	[tilespmem:$0x1D000] =	vst v63  }
0x4b: {  	_ =	swait.ge [sflag:s12], $0x4000  }
0x4c: {  	[sflag:s12] =	ssyncset.done $0x0  }
0x4d: {  	s11 =	rddreg [dreg:$0x3];
	[sflag:s12] =	ssyncadd.s32 $0xFFFFC000  }
0x4e: {  	[tilespmem:s19], [sflag:$0x1] =	stream.indirect.gather [hbm4b:s4+s18], $0x80, s11, s18, $0xb8;
	[tilespmem:$0x1D000] =	vst v63  }
0x4f: {  	_ =	swait.ge [sflag:s22], $0x4000  }
0x50: {  	[sflag:s22] =	ssyncset.done $0x0  }
0x51: {  	s5 =	rddreg [dreg:$0x4];
	[sflag:s22] =	ssyncadd.s32 $0xFFFFC000  }
0x52: {  	[spmem:s2] =	stream.indirect.scatter.add.f32 [tilespmem:s20], [sflag:$0x3], $0x80, s5, s18, $0xb8;
	[tilespmem:$0x1D000] =	vst v63  }
0x53: {  	_ =	swait.ge [sflag:s12], $0x4000  }
0x54: {  	[sflag:s12] =	ssyncset.done $0x0  }
0x55: {  	s11 =	rddreg [dreg:$0x5];
	[sflag:s12] =	ssyncadd.s32 $0xFFFFC000  }
0x56: {  	[tilespmem:s20], [sflag:$0x2] =	stream.indirect.gather [hbm4b:s4+s18], $0x80, s11, s18, $0xb8;
	[tilespmem:$0x1D000] =	vst v63  }
0x57: {  	_ =	swait.ge [sflag:s21], $0x4000  }
0x58: {  	[sflag:s21] =	ssyncset.done $0x0  }
0x59: {  	s5 =	rddreg [dreg:$0x6];
	[sflag:s21] =	ssyncadd.s32 $0xFFFFC000  }
0x5a: {  	[spmem:s2] =	stream.indirect.scatter.add.f32 [tilespmem:s19], [sflag:$0x3], $0x80, s5, s18, $0xb8;
	[tilespmem:$0x1D000] =	vst v63  }
0x5b: {  	_ =	swait.ge [sflag:s12], $0x4000  }
0x5c: {  	[sflag:s12] =	ssyncset.done $0x0  }
0x5d: {  	s11 =	rddreg [dreg:$0x7];
	[sflag:s12] =	ssyncadd.s32 $0xFFFFC000  }
0x5e: {  	[tilespmem:s19], [sflag:$0x1] =	stream.indirect.gather [hbm4b:s4+s18], $0x80, s11, s18, $0xb8;
	[tilespmem:$0x1D000] =	vst v63  }
0x5f: {  	_ =	swait.ge [sflag:s22], $0x4000  }
0x60: {  	[sflag:s22] =	ssyncset.done $0x0  }
0x61: {  	s5 =	rddreg [dreg:$0x8];
	[sflag:s22] =	ssyncadd.s32 $0xFFFFC000  }
0x62: {  	[spmem:s2] =	stream.indirect.scatter.add.f32 [tilespmem:s20], [sflag:$0x3], $0x80, s5, s18, $0xb8;
	[tilespmem:$0x1D000] =	vst v63  }
0x63: {  	_ =	swait.ge [sflag:s12], $0x4000  }
0x64: {  	[sflag:s12] =	ssyncset.done $0x0  }
0x65: {  	s11 =	rddreg [dreg:$0x9];
	[sflag:s12] =	ssyncadd.s32 $0xFFFFC000  }
0x66: {  	[tilespmem:s20], [sflag:$0x2] =	stream.indirect.gather [hbm4b:s4+s18], $0x80, s11, s18, $0xb8;
	[tilespmem:$0x1D000] =	vst v63  }
0x67: {  	_ =	swait.ge [sflag:s21], $0x4000  }
0x68: {  	[sflag:s21] =	ssyncset.done $0x0  }
0x69: {  	s5 =	rddreg [dreg:$0xa];
	[sflag:s21] =	ssyncadd.s32 $0xFFFFC000  }
0x6a: {  	[spmem:s2] =	stream.indirect.scatter.add.f32 [tilespmem:s19], [sflag:$0x3], $0x80, s5, s18, $0xb8;
	[tilespmem:$0x1D000] =	vst v63  }
0x6b: {  	_ =	swait.ge [sflag:s12], $0x4000  }
0x6c: {  	[sflag:s12] =	ssyncset.done $0x0  }
0x6d: {  	s11 =	rddreg [dreg:$0xb];
	[sflag:s12] =	ssyncadd.s32 $0xFFFFC000  }
0x6e: {  	[tilespmem:s19], [sflag:$0x1] =	stream.indirect.gather [hbm4b:s4+s18], $0x80, s11, s18, $0xb8;
	[tilespmem:$0x1D000] =	vst v63  }
0x6f: {  	_ =	swait.ge [sflag:s22], $0x4000  }
0x70: {  	[sflag:s22] =	ssyncset.done $0x0  }
0x71: {  	s5 =	rddreg [dreg:$0xc];
	[sflag:s22] =	ssyncadd.s32 $0xFFFFC000  }
0x72: {  	[spmem:s2] =	stream.indirect.scatter.add.f32 [tilespmem:s20], [sflag:$0x3], $0x80, s5, s18, $0xb8;
	[tilespmem:$0x1D000] =	vst v63  }
0x73: {  	_ =	swait.ge [sflag:s12], $0x4000  }
0x74: {  	[sflag:s12] =	ssyncset.done $0x0  }
0x75: {  	s11 =	rddreg [dreg:$0xd];
	[sflag:s12] =	ssyncadd.s32 $0xFFFFC000  }
0x76: {  	[tilespmem:s20], [sflag:$0x2] =	stream.indirect.gather [hbm4b:s4+s18], $0x80, s11, s18, $0xb8;
	[tilespmem:$0x1D000] =	vst v63  }
0x77: {  	_ =	swait.ge [sflag:s21], $0x4000  }
0x78: {  	[sflag:s21] =	ssyncset.done $0x0  }
0x79: {  	s5 =	rddreg [dreg:$0xe];
	[sflag:s21] =	ssyncadd.s32 $0xFFFFC000  }
0x7a: {  	[spmem:s2] =	stream.indirect.scatter.add.f32 [tilespmem:s19], [sflag:$0x3], $0x80, s5, s18, $0xb8;
	[tilespmem:$0x1D000] =	vst v63  }
0x7b: {  	_ =	swait.ge [sflag:s12], $0x4000  }
0x7c: {  	[sflag:s12] =	ssyncset.done $0x0  }
0x7d: {  	s11 =	rddreg [dreg:$0xf];
	[sflag:s12] =	ssyncadd.s32 $0xFFFFC000  }
0x7e: {  	[tilespmem:s19], [sflag:$0x1] =	stream.indirect.gather [hbm4b:s4+s18], $0x80, s11, s18, $0xb8;
	[tilespmem:$0x1D000] =	vst v63  }
0x7f: {  	_ =	swait.ge [sflag:s22], $0x4000  }
0x80: {  	[sflag:s22] =	ssyncset.done $0x0  }
0x81: {  	s5 =	rddreg [dreg:$0x10];
	[sflag:s22] =	ssyncadd.s32 $0xFFFFC000  }
0x82: {  	[spmem:s2] =	stream.indirect.scatter.add.f32 [tilespmem:s20], [sflag:$0x3], $0x80, s5, s18, $0xb8;
	[tilespmem:$0x1D000] =	vst v63  }
0x83: {  	_ =	swait.ge [sflag:s12], $0x4000  }
0x84: {  	[sflag:s12] =	ssyncset.done $0x0  }
0x85: {  	[sflag:s12] =	ssyncadd.s32 $0xFFFFC000  }
0x86: {  	[tilespmem:s20], [sflag:$0x2] =	stream.indirect.gather [hbm4b:s4+s18], $0x80, s23, s18, $0xb8;
	[tilespmem:$0x1D000] =	vst v63  }
0x87: {  	_ =	swait.ge [sflag:s21], $0x4000  }
0x88: {  	[sflag:s21] =	ssyncset.done $0x0  }
0x89: {  	[sflag:s21] =	ssyncadd.s32 $0xFFFFC000  }
0x8a: {  	[spmem:s2] =	stream.indirect.scatter.add.f32 [tilespmem:s19], [sflag:$0x3], $0x80, s25, s18, $0xb8;
	[tilespmem:$0x1D000] =	vst v63  }
0x8b: {  	_ =	swait.ge [sflag:s12], $0x4000  }
0x8c: {  	[sflag:s12] =	ssyncset.done $0x0  }
0x8d: {  	[sflag:s12] =	ssyncadd.s32 $0xFFFFC000  }
0x8e: {  	[tilespmem:s19], [sflag:$0x1] =	stream.indirect.gather [hbm4b:s4+s18], $0x80, s26, s18, $0xb8;
	[tilespmem:$0x1D000] =	vst v63  }
0x8f: {  	_ =	swait.ge [sflag:s22], $0x4000  }
0x90: {  	[sflag:s22] =	ssyncset.done $0x0  }
0x91: {  	[sflag:s22] =	ssyncadd.s32 $0xFFFFC000  }
0x92: {  	[spmem:s2] =	stream.indirect.scatter.add.f32 [tilespmem:s20], [sflag:$0x3], $0x80, s28, s18, $0xb8;
	[tilespmem:$0x1D000] =	vst v63  }
0x93: {  	_ =	swait.ge [sflag:s12], $0x4000  }
0x94: {  	[sflag:s12] =	ssyncset.done $0x0  }
0x95: {  	[sflag:s12] =	ssyncadd.s32 $0xFFFFC000  }
0x96: {  	[tilespmem:s20], [sflag:$0x2] =	stream.indirect.gather [hbm4b:s4+s18], $0x80, s29, s18, $0xb8;
	[tilespmem:$0x1D000] =	vst v63  }
0x97: {  	_ =	swait.ge [sflag:s21], $0x4000  }
0x98: {  	[sflag:s21] =	ssyncset.done $0x0  }
0x99: {  	[sflag:s21] =	ssyncadd.s32 $0xFFFFC000  }
0x9a: {  	[spmem:s2] =	stream.indirect.scatter.add.f32 [tilespmem:s19], [sflag:$0x3], $0x80, s30, s18, $0xb8;
	[tilespmem:$0x1D000] =	vst v63  }
0x9b: {  	_ =	swait.ge [sflag:s12], $0x4000  }
0x9c: {  	[sflag:s12] =	ssyncset.done $0x0  }
0x9d: {  	[sflag:s12] =	ssyncadd.s32 $0xFFFFC000  }
0x9e: {  	[tilespmem:s19], [sflag:$0x1] =	stream.indirect.gather [hbm4b:s4+s18], $0x80, s31, s18, $0xb8;
	[tilespmem:$0x1D000] =	vst v63  }
0x9f: {  	_ =	swait.ge [sflag:s22], $0x4000  }
0xa0: {  	[sflag:s22] =	ssyncset.done $0x0  }
0xa1: {  	[sflag:s22] =	ssyncadd.s32 $0xFFFFC000  }
0xa2: {  	[spmem:s2] =	stream.indirect.scatter.add.f32 [tilespmem:s20], [sflag:$0x3], $0x80, s1, s18, $0xb8;
	[tilespmem:$0x1D000] =	vst v63  }
0xa3: {  	_ =	swait.ge [sflag:s12], $0x4000  }
0xa4: {  	[sflag:s12] =	ssyncset.done $0x0  }
0xa5: {  	[sflag:s12] =	ssyncadd.s32 $0xFFFFC000  }
0xa6: {  	[tilespmem:s20], [sflag:$0x2] =	stream.indirect.gather [hbm4b:s4+s18], $0x80, s0, s18, $0xb8;
	[tilespmem:$0x1D000] =	vst v63  }
0xa7: {  	_ =	swait.ge [sflag:s21], $0x4000  }
0xa8: {  	[sflag:s21] =	ssyncset.done $0x0  }
0xa9: {  	[sflag:s21] =	ssyncadd.s32 $0xFFFFC000  }
0xaa: {  	[spmem:s2] =	stream.indirect.scatter.add.f32 [tilespmem:s19], [sflag:$0x3], $0x80, s8, s18, $0xb8;
	[tilespmem:$0x1D000] =	vst v63  }
0xab: {  	_ =	swait.ge [sflag:s12], $0x4000  }
0xac: {  	[sflag:s12] =	ssyncset.done $0x0  }
0xad: {  	[sflag:s12] =	ssyncadd.s32 $0xFFFFC000  }
0xae: {  	[tilespmem:s19], [sflag:$0x1] =	stream.indirect.gather [hbm4b:s4+s18], $0x80, s13, s18, $0xb8;
	[tilespmem:$0x1D000] =	vst v63  }
0xaf: {  	_ =	swait.ge [sflag:s22], $0x4000  }
0xb0: {  	[sflag:s22] =	ssyncset.done $0x0  }
0xb1: {  	[sflag:s22] =	ssyncadd.s32 $0xFFFFC000  }
0xb2: {  	[spmem:s2] =	stream.indirect.scatter.add.f32 [tilespmem:s20], [sflag:$0x3], $0x80, s14, s18, $0xb8;
	[tilespmem:$0x1D000] =	vst v63  }
0xb3: {  	_ =	swait.ge [sflag:s12], $0x4000  }
0xb4: {  	[sflag:s12] =	ssyncset.done $0x0  }
0xb5: {  	[sflag:s12] =	ssyncadd.s32 $0xFFFFC000  }
0xb6: {  	[tilespmem:s20], [sflag:$0x2] =	stream.indirect.gather [hbm4b:s4+s18], $0x80, s15, s18, $0xb8;
	[tilespmem:$0x1D000] =	vst v63  }
0xb7: {  	_ =	swait.ge [sflag:s21], $0x4000  }
0xb8: {  	[sflag:s21] =	ssyncset.done $0x0  }
0xb9: {  	[sflag:s21] =	ssyncadd.s32 $0xFFFFC000  }
0xba: {  	[spmem:s2] =	stream.indirect.scatter.add.f32 [tilespmem:s19], [sflag:$0x3], $0x80, s16, s18, $0xb8;
	[tilespmem:$0x1D000] =	vst v63  }
0xbb: {  	_ =	swait.ge [sflag:s12], $0x4000  }
0xbc: {  	[sflag:s12] =	ssyncset.done $0x0  }
0xbd: {  	[sflag:s12] =	ssyncadd.s32 $0xFFFFC000  }
0xbe: {  	_ =	swait.ge [sflag:s22], $0x4000  }
0xbf: {  	s11 =	rddreg [dreg:$0x12]  }
0xc0: {  	p0 =	sne.s32 s11, $0x1  }
.Ltmp0:
0xc1: {  	[sflag:s22] =	ssyncset.done $0x0;
	(pc) =	sbr.rel @!p0 .LBB2_3-.Ltmp0, $4  }
0xc2: {  	[sflag:s22] =	ssyncadd.s32 $0xFFFFC000  }
0xc3: {  	[spmem:s2] =	stream.indirect.scatter.add.f32 [tilespmem:s20], [sflag:$0x3], $0x80, s24, s18, $0xb8;
	[tilespmem:$0x1D000] =	vst v63  }
0xc4: {  	_ =	swait.ge [sflag:s12], $0x4000  }
0xc5: {  	s9 =	smov.u32 s10;
	s11 =	sadd.s32 $0xFFFFFFFF, s11;
	[sflag:s12] =	ssyncset.done $0x0  }
.LBB2_2:
0xc6: {  	[sflag:s12] =	ssyncadd.s32 $0xFFFFC000;
	s6 =	sadd.s32 $0x100, s6  }
0xc7: {  	[tilespmem:s3], [sflag:$0x3] =	stream.linear.gather [hbm4b:s6+s3], $0x800, $0x38;
	[tilespmem:$0x1D000] =	vst v63  }
0xc8: {  	_ =	swait.ge [sflag:s12], $0x800  }
0xc9: {  	[sflag:s12] =	ssyncset.done $0x0  }
0xca: {  	s9 =	sadd.s32 $0x100, s9;
	[sflag:s12] =	ssyncadd.s32 $0xFFFFF800  }
0xcb: {  	[tilespmem:s17], [sflag:$0x3] =	stream.linear.gather [hbm4b:s9+s3], $0x800, $0x38;
	[tilespmem:$0x1D000] =	vst v63  }
0xcc: {  	_ =	swait.ge [sflag:s12], $0x800  }
0xcd: {  	[sflag:s12] =	ssyncset.done $0x0  }
0xce: {  	[sflag:s12] =	ssyncadd.s32 $0xFFFFF800  }
0xcf: {  	[tilespmem:s19], [sflag:$0x1] =	stream.indirect.gather [hbm4b:s4+s18], $0x80, s3, s18, $0xb8;
	[tilespmem:$0x1D000] =	vst v63  }
0xd0: {  	_ = 	snop  }
0xd1: {  	[tilespmem:s20], [sflag:$0x2] =	stream.indirect.gather [hbm4b:s4+s18], $0x80, s18, s18, $0xb8;
	[tilespmem:$0x1D000] =	vst v63  }
0xd2: {  	_ =	swait.ge [sflag:s21], $0x4000  }
0xd3: {  	[sflag:s21] =	ssyncset.done $0x0  }
0xd4: {  	[sflag:s21] =	ssyncadd.s32 $0xFFFFC000  }
0xd5: {  	[spmem:s2] =	stream.indirect.scatter.add.f32 [tilespmem:s19], [sflag:$0x3], $0x80, s17, s18, $0xb8;
	[tilespmem:$0x1D000] =	vst v63  }
0xd6: {  	_ =	swait.ge [sflag:s12], $0x4000  }
0xd7: {  	[sflag:s12] =	ssyncset.done $0x0  }
0xd8: {  	s5 =	rddreg [dreg:$0x3];
	[sflag:s12] =	ssyncadd.s32 $0xFFFFC000  }
0xd9: {  	[tilespmem:s19], [sflag:$0x1] =	stream.indirect.gather [hbm4b:s4+s18], $0x80, s5, s18, $0xb8;
	[tilespmem:$0x1D000] =	vst v63  }
0xda: {  	_ =	swait.ge [sflag:s22], $0x4000  }
0xdb: {  	[sflag:s22] =	ssyncset.done $0x0  }
0xdc: {  	s10 =	rddreg [dreg:$0x4];
	[sflag:s22] =	ssyncadd.s32 $0xFFFFC000  }
0xdd: {  	[spmem:s2] =	stream.indirect.scatter.add.f32 [tilespmem:s20], [sflag:$0x3], $0x80, s10, s18, $0xb8;
	[tilespmem:$0x1D000] =	vst v63  }
0xde: {  	_ =	swait.ge [sflag:s12], $0x4000  }
0xdf: {  	[sflag:s12] =	ssyncset.done $0x0  }
0xe0: {  	s10 =	rddreg [dreg:$0x5];
	[sflag:s12] =	ssyncadd.s32 $0xFFFFC000  }
0xe1: {  	[tilespmem:s20], [sflag:$0x2] =	stream.indirect.gather [hbm4b:s4+s18], $0x80, s10, s18, $0xb8;
	[tilespmem:$0x1D000] =	vst v63  }
0xe2: {  	_ =	swait.ge [sflag:s21], $0x4000  }
0xe3: {  	[sflag:s21] =	ssyncset.done $0x0  }
0xe4: {  	s10 =	rddreg [dreg:$0x6];
	[sflag:s21] =	ssyncadd.s32 $0xFFFFC000  }
0xe5: {  	[spmem:s2] =	stream.indirect.scatter.add.f32 [tilespmem:s19], [sflag:$0x3], $0x80, s10, s18, $0xb8;
	[tilespmem:$0x1D000] =	vst v63  }
0xe6: {  	_ =	swait.ge [sflag:s12], $0x4000  }
0xe7: {  	[sflag:s12] =	ssyncset.done $0x0  }
0xe8: {  	s10 =	rddreg [dreg:$0x7];
	[sflag:s12] =	ssyncadd.s32 $0xFFFFC000  }
0xe9: {  	[tilespmem:s19], [sflag:$0x1] =	stream.indirect.gather [hbm4b:s4+s18], $0x80, s10, s18, $0xb8;
	[tilespmem:$0x1D000] =	vst v63  }
0xea: {  	_ =	swait.ge [sflag:s22], $0x4000  }
0xeb: {  	[sflag:s22] =	ssyncset.done $0x0  }
0xec: {  	s10 =	rddreg [dreg:$0x8];
	[sflag:s22] =	ssyncadd.s32 $0xFFFFC000  }
0xed: {  	[spmem:s2] =	stream.indirect.scatter.add.f32 [tilespmem:s20], [sflag:$0x3], $0x80, s10, s18, $0xb8;
	[tilespmem:$0x1D000] =	vst v63  }
0xee: {  	_ =	swait.ge [sflag:s12], $0x4000  }
0xef: {  	[sflag:s12] =	ssyncset.done $0x0  }
0xf0: {  	s10 =	rddreg [dreg:$0x9];
	[sflag:s12] =	ssyncadd.s32 $0xFFFFC000  }
0xf1: {  	[tilespmem:s20], [sflag:$0x2] =	stream.indirect.gather [hbm4b:s4+s18], $0x80, s10, s18, $0xb8;
	[tilespmem:$0x1D000] =	vst v63  }
0xf2: {  	_ =	swait.ge [sflag:s21], $0x4000  }
0xf3: {  	[sflag:s21] =	ssyncset.done $0x0  }
0xf4: {  	s10 =	rddreg [dreg:$0xa];
	[sflag:s21] =	ssyncadd.s32 $0xFFFFC000  }
0xf5: {  	[spmem:s2] =	stream.indirect.scatter.add.f32 [tilespmem:s19], [sflag:$0x3], $0x80, s10, s18, $0xb8;
	[tilespmem:$0x1D000] =	vst v63  }
0xf6: {  	_ =	swait.ge [sflag:s12], $0x4000  }
0xf7: {  	[sflag:s12] =	ssyncset.done $0x0  }
0xf8: {  	s10 =	rddreg [dreg:$0xb];
	[sflag:s12] =	ssyncadd.s32 $0xFFFFC000  }
0xf9: {  	[tilespmem:s19], [sflag:$0x1] =	stream.indirect.gather [hbm4b:s4+s18], $0x80, s10, s18, $0xb8;
	[tilespmem:$0x1D000] =	vst v63  }
0xfa: {  	_ =	swait.ge [sflag:s22], $0x4000  }
0xfb: {  	[sflag:s22] =	ssyncset.done $0x0  }
0xfc: {  	s10 =	rddreg [dreg:$0xc];
	[sflag:s22] =	ssyncadd.s32 $0xFFFFC000  }
0xfd: {  	[spmem:s2] =	stream.indirect.scatter.add.f32 [tilespmem:s20], [sflag:$0x3], $0x80, s10, s18, $0xb8;
	[tilespmem:$0x1D000] =	vst v63  }
0xfe: {  	_ =	swait.ge [sflag:s12], $0x4000  }
0xff: {  	[sflag:s12] =	ssyncset.done $0x0  }
0x100: {  	s10 =	rddreg [dreg:$0xd];
	[sflag:s12] =	ssyncadd.s32 $0xFFFFC000  }
0x101: {  	[tilespmem:s20], [sflag:$0x2] =	stream.indirect.gather [hbm4b:s4+s18], $0x80, s10, s18, $0xb8;
	[tilespmem:$0x1D000] =	vst v63  }
0x102: {  	_ =	swait.ge [sflag:s21], $0x4000  }
0x103: {  	[sflag:s21] =	ssyncset.done $0x0  }
0x104: {  	s10 =	rddreg [dreg:$0xe];
	[sflag:s21] =	ssyncadd.s32 $0xFFFFC000  }
0x105: {  	[spmem:s2] =	stream.indirect.scatter.add.f32 [tilespmem:s19], [sflag:$0x3], $0x80, s10, s18, $0xb8;
	[tilespmem:$0x1D000] =	vst v63  }
0x106: {  	_ =	swait.ge [sflag:s12], $0x4000  }
0x107: {  	[sflag:s12] =	ssyncset.done $0x0  }
0x108: {  	s10 =	rddreg [dreg:$0xf];
	[sflag:s12] =	ssyncadd.s32 $0xFFFFC000  }
0x109: {  	[tilespmem:s19], [sflag:$0x1] =	stream.indirect.gather [hbm4b:s4+s18], $0x80, s10, s18, $0xb8;
	[tilespmem:$0x1D000] =	vst v63  }
0x10a: {  	_ =	swait.ge [sflag:s22], $0x4000  }
0x10b: {  	[sflag:s22] =	ssyncset.done $0x0  }
0x10c: {  	s10 =	rddreg [dreg:$0x10];
	[sflag:s22] =	ssyncadd.s32 $0xFFFFC000  }
0x10d: {  	[spmem:s2] =	stream.indirect.scatter.add.f32 [tilespmem:s20], [sflag:$0x3], $0x80, s10, s18, $0xb8;
	[tilespmem:$0x1D000] =	vst v63  }
0x10e: {  	_ =	swait.ge [sflag:s12], $0x4000  }
0x10f: {  	[sflag:s12] =	ssyncset.done $0x0  }
0x110: {  	[sflag:s12] =	ssyncadd.s32 $0xFFFFC000  }
0x111: {  	[tilespmem:s20], [sflag:$0x2] =	stream.indirect.gather [hbm4b:s4+s18], $0x80, s23, s18, $0xb8;
	[tilespmem:$0x1D000] =	vst v63  }
0x112: {  	_ =	swait.ge [sflag:s21], $0x4000  }
0x113: {  	[sflag:s21] =	ssyncset.done $0x0  }
0x114: {  	[sflag:s21] =	ssyncadd.s32 $0xFFFFC000  }
0x115: {  	[spmem:s2] =	stream.indirect.scatter.add.f32 [tilespmem:s19], [sflag:$0x3], $0x80, s25, s18, $0xb8;
	[tilespmem:$0x1D000] =	vst v63  }
0x116: {  	_ =	swait.ge [sflag:s12], $0x4000  }
0x117: {  	[sflag:s12] =	ssyncset.done $0x0  }
0x118: {  	[sflag:s12] =	ssyncadd.s32 $0xFFFFC000  }
0x119: {  	[tilespmem:s19], [sflag:$0x1] =	stream.indirect.gather [hbm4b:s4+s18], $0x80, s26, s18, $0xb8;
	[tilespmem:$0x1D000] =	vst v63  }
0x11a: {  	_ =	swait.ge [sflag:s22], $0x4000  }
0x11b: {  	[sflag:s22] =	ssyncset.done $0x0  }
0x11c: {  	[sflag:s22] =	ssyncadd.s32 $0xFFFFC000  }
0x11d: {  	[spmem:s2] =	stream.indirect.scatter.add.f32 [tilespmem:s20], [sflag:$0x3], $0x80, s28, s18, $0xb8;
	[tilespmem:$0x1D000] =	vst v63  }
0x11e: {  	_ =	swait.ge [sflag:s12], $0x4000  }
0x11f: {  	[sflag:s12] =	ssyncset.done $0x0  }
0x120: {  	[sflag:s12] =	ssyncadd.s32 $0xFFFFC000  }
0x121: {  	[tilespmem:s20], [sflag:$0x2] =	stream.indirect.gather [hbm4b:s4+s18], $0x80, s29, s18, $0xb8;
	[tilespmem:$0x1D000] =	vst v63  }
0x122: {  	_ =	swait.ge [sflag:s21], $0x4000  }
0x123: {  	[sflag:s21] =	ssyncset.done $0x0  }
0x124: {  	[sflag:s21] =	ssyncadd.s32 $0xFFFFC000  }
0x125: {  	[spmem:s2] =	stream.indirect.scatter.add.f32 [tilespmem:s19], [sflag:$0x3], $0x80, s30, s18, $0xb8;
	[tilespmem:$0x1D000] =	vst v63  }
0x126: {  	_ =	swait.ge [sflag:s12], $0x4000  }
0x127: {  	[sflag:s12] =	ssyncset.done $0x0  }
0x128: {  	[sflag:s12] =	ssyncadd.s32 $0xFFFFC000  }
0x129: {  	[tilespmem:s19], [sflag:$0x1] =	stream.indirect.gather [hbm4b:s4+s18], $0x80, s31, s18, $0xb8;
	[tilespmem:$0x1D000] =	vst v63  }
0x12a: {  	_ =	swait.ge [sflag:s22], $0x4000  }
0x12b: {  	[sflag:s22] =	ssyncset.done $0x0  }
0x12c: {  	[sflag:s22] =	ssyncadd.s32 $0xFFFFC000  }
0x12d: {  	[spmem:s2] =	stream.indirect.scatter.add.f32 [tilespmem:s20], [sflag:$0x3], $0x80, s1, s18, $0xb8;
	[tilespmem:$0x1D000] =	vst v63  }
0x12e: {  	_ =	swait.ge [sflag:s12], $0x4000  }
0x12f: {  	[sflag:s12] =	ssyncset.done $0x0  }
0x130: {  	[sflag:s12] =	ssyncadd.s32 $0xFFFFC000  }
0x131: {  	[tilespmem:s20], [sflag:$0x2] =	stream.indirect.gather [hbm4b:s4+s18], $0x80, s0, s18, $0xb8;
	[tilespmem:$0x1D000] =	vst v63  }
0x132: {  	_ =	swait.ge [sflag:s21], $0x4000  }
0x133: {  	[sflag:s21] =	ssyncset.done $0x0  }
0x134: {  	[sflag:s21] =	ssyncadd.s32 $0xFFFFC000  }
0x135: {  	[spmem:s2] =	stream.indirect.scatter.add.f32 [tilespmem:s19], [sflag:$0x3], $0x80, s8, s18, $0xb8;
	[tilespmem:$0x1D000] =	vst v63  }
0x136: {  	_ =	swait.ge [sflag:s12], $0x4000  }
0x137: {  	[sflag:s12] =	ssyncset.done $0x0  }
0x138: {  	[sflag:s12] =	ssyncadd.s32 $0xFFFFC000  }
0x139: {  	[tilespmem:s19], [sflag:$0x1] =	stream.indirect.gather [hbm4b:s4+s18], $0x80, s13, s18, $0xb8;
	[tilespmem:$0x1D000] =	vst v63  }
0x13a: {  	_ =	swait.ge [sflag:s22], $0x4000  }
0x13b: {  	[sflag:s22] =	ssyncset.done $0x0  }
0x13c: {  	[sflag:s22] =	ssyncadd.s32 $0xFFFFC000  }
0x13d: {  	[spmem:s2] =	stream.indirect.scatter.add.f32 [tilespmem:s20], [sflag:$0x3], $0x80, s14, s18, $0xb8;
	[tilespmem:$0x1D000] =	vst v63  }
0x13e: {  	_ =	swait.ge [sflag:s12], $0x4000  }
0x13f: {  	[sflag:s12] =	ssyncset.done $0x0  }
0x140: {  	[sflag:s12] =	ssyncadd.s32 $0xFFFFC000  }
0x141: {  	[tilespmem:s20], [sflag:$0x2] =	stream.indirect.gather [hbm4b:s4+s18], $0x80, s15, s18, $0xb8;
	[tilespmem:$0x1D000] =	vst v63  }
0x142: {  	_ =	swait.ge [sflag:s21], $0x4000  }
0x143: {  	[sflag:s21] =	ssyncset.done $0x0  }
0x144: {  	[sflag:s21] =	ssyncadd.s32 $0xFFFFC000  }
0x145: {  	[spmem:s2] =	stream.indirect.scatter.add.f32 [tilespmem:s19], [sflag:$0x3], $0x80, s16, s18, $0xb8;
	[tilespmem:$0x1D000] =	vst v63  }
0x146: {  	_ =	swait.ge [sflag:s12], $0x4000  }
0x147: {  	[sflag:s12] =	ssyncset.done $0x0  }
0x148: {  	[sflag:s12] =	ssyncadd.s32 $0xFFFFC000  }
0x149: {  	p0 =	sne.s32 s11, $0x1;
	_ =	swait.ge [sflag:s22], $0x4000  }
.Ltmp1:
0x14a: {  	[sflag:s22] =	ssyncset.done $0x0;
	(pc) =	sbr.rel @p0 .LBB2_2-.Ltmp1, $4  }
0x14b: {  	[sflag:s22] =	ssyncadd.s32 $0xFFFFC000  }
0x14c: {  	[spmem:s2] =	stream.indirect.scatter.add.f32 [tilespmem:s20], [sflag:$0x3], $0x80, s24, s18, $0xb8;
	[tilespmem:$0x1D000] =	vst v63  }
0x14d: {  	_ =	swait.ge [sflag:s12], $0x4000  }
0x14e: {  	s11 =	sadd.s32 $0xFFFFFFFF, s11;
	[sflag:s12] =	ssyncset.done $0x0  }
.LBB2_3:
0x14f: {  	[sflag:s12] =	ssyncadd.s32 $0xFFFFC000  }
0x150: {  	[bflag:$0x0] =	sbarrier.arrive $0xFFFF  }
0x151: {  	s6 =	rddreg [dreg:$0x16]  }
0x152: {  	s9 =	rddreg [dreg:$0x17]  }
0x153: {  	s5 =	rddreg [dreg:$0x1c]  }
0x154: {  	[hbm:s5], [sflag:s6] =	dma.local [spmem:s9], $0x2800  }
0x155: {  	_ =	swait.ge [sflag:s12], $0x2800  }
0x156: {  	s7 =	sadd.s32 $0x1, s7;
	s11 =	rddreg [dreg:$0x13]  }
0x157: {  	p0 =	sne.s32 s7, s11  }
.Ltmp2:
0x158: {  	_ = 	snop;
	(pc) =	sbr.rel @p0 .LBB2_1-.Ltmp2, $3  }
0x159: {  	_ =	sdelay $0x1  }
0x15a: {  	[sflag:s12] =	ssyncset.done $0x0  }
0x15b: {  	[sflag:s12] =	ssyncadd.s32 $0xFFFFD800  }
0x15c: {  	_ =	sfence.sel $0x180000  }
0x15d: {  	[bflag:$0x0] =	sbarrier.arrive $0xFFFF  }
0x15e: {  	_ =	strace $0x90000050  }
0x15f: {  	s0 =	stileid.u32;
	[bflag:$0x2] =	sbarrier.arrive $0xFFFF  }
0x160: {  	p0 =	sne.s32 s0, $0x0;
	s0 =	rddreg [dreg:$0x2]  }
0x161: {  	s0 =	sadd.s32 @!p0 $0x100000, s0  }
0x162: {  	[sflag:s0] =	ssyncadd.tile.s32 @!p0 $0x1;
	_ =	shalt  }
.Lfunc_end2:
_tile_overlayer_lowered:
.L_overlay_start_2:
0x163: {  	(tag) =	ssettag $0x2  }
0x164: {  	s0 =	rddreg [dreg:$0x0];
	s2 =	stileid.u32  }
0x165: {  	s1 =	rddreg [dreg:$0x1];
	p0 =	sne.s32 s2, $0x0  }
0x166: {  	s3 =	rddreg [dreg:$0x2];
	[bflag:$0x3] =	sbarrier.arrive $0xFFFF;
	s2 =	simm.s32 @!p0 $0x1C03  }
0x167: {  	[timem:s3], [sflag:s2] =	dma.local @!p0 [hbm:s0], s1  }
0x168: {  	s0 =	simm.s32 @!p0 $0x3  }
0x169: {  	_ =	swait.ge @!p0 [sflag:s0], s1  }
0x16a: {  	s1 =	ssub.s32 @!p0 $0x0, s1;
	[sflag:s0] =	ssyncset.done @!p0 $0x0  }
0x16b: {  	[sflag:s0] =	ssyncadd.s32 @!p0 s1  }
0x16c: {  	[bflag:$0x3] =	sbarrier.arrive $0xFFFF  }
0x16d: {  	_ =	shalt  }

// kernel: kernel.26.cloned.1.call-start
scs
__scs_entry_jumppad:
0x0: {  	(pc) =	sbr.rel $0x88, $3  }
0x1: {  	(tag) =	ssettag $0x0;
	lr =	simm.s32 $0x1  }
0x2: {  	[smem:$0x3F98] =	sst lr;
	_ =	strace $0xD0000000  }
0x3: {  	_ = 	snop  }
0x4: {  	_ = 	snop  }
0x5: {  	_ = 	snop  }
0x6: {  	_ = 	snop  }
0x7: {  	_ = 	snop  }
__scs_overlays_trampoline_lowered:
0x8: {  	[smem:$0x3FA7] =	sst s0  }
0x9: {  	[smem:$0x3FA8] =	sst s1  }
0xa: {  	[smem:$0x3FA9] =	sst s2  }
0xb: {  	[smem:$0x3FAA] =	sst s3  }
0xc: {  	[smem:$0x3FAB] =	sst s4  }
0xd: {  	[smem:$0x3FAC] =	sst s5  }
0xe: {  	[smem:$0x3FAD] =	sst s6  }
0xf: {  	[smem:$0x3FAE] =	sst s7  }
0x10: {  	[smem:$0x3FAF] =	sst s8  }
0x11: {  	[smem:$0x3FB0] =	sst s9;
	s0 =	simm.s32 @!p0 $0x0  }
0x12: {  	s1 =	sld [smem:$0x3F96];
	s0 =	simm.s32 @p0 $0x1  }
0x13: {  	[smem:$0x3FB1] =	sst s0;
	s0 =	simm.s32 @!p1 $0x0  }
0x14: {  	s2 =	sld [smem:$0x3F95];
	s0 =	simm.s32 @p1 $0x1  }
0x15: {  	[smem:$0x3FB2] =	sst s0;
	s0 =	simm.s32 @!p2 $0x0  }
0x16: {  	s3 =	sld [smem:$0x3FDB];
	s0 =	simm.s32 @p2 $0x1  }
0x17: {  	s4 =	simm.s32 $0x1BF5;
	[smem:$0x3FB4] =	sst s0  }
0x18: {  	s0 =	sld [smem:$0x3F97];
	_ =	swait.ge [sflag:s4], $0x0  }
0x19: {  	s7 =	sld [smem:$0x3F98]  }
0x1a: {  	s8 =	sadd.s32 $0xFFFFE003, lr  }
0x1b: {  	s9 =	sadd.s32 $0xFFFFFEF7, lr;
	s5 =	simm.s32 $0xFFFFFFFF;
	p2 =	slt.u32 s8, $0xFFFFF086  }
0x1c: {  	p1 =	slt.u32 s9, $0xF7A;
	s5 =	simm.s32 @!p2 $0x0  }
0x1d: {  	s5 =	simm.s32 @p1 $0x1;
	p0 =	seq.s32 s7, s2  }
0x1e: {  	s7 =	smul.u32 @!p0 $0xF7A, s2;
	p2 =	seq.s32 @!p0 s5, $0x0  }
0x1f: {  	s9 =	smul.u32 $0xF7A, s1;
	s8 =	simm.s32 @!p0 $0x1BF5;
	p2 =	por !p2, p0  }
0x20: {  	[sflag:s8] =	ssyncset.s32 @!p0 $0xFFFFF086;
	s6 =	sadd.s32 @!p0 s3, s7;
	s7 =	simm.s32 @!p0 $0x108  }
0x21: {  	s3 =	sadd.s32 s3, s9;
	s6 =	sadd.s32 @!p0 $0x88, s6;
	s7 =	simm.s32 @p2 $0x1082  }
0x22: {  	[simem:s7], [sflag:s8] =	dma.local @!p0 [hbm:s6], $0xF7A  }
0x23: {  	s9 =	sor.u32 $0xD0000000, s2;
	s6 =	simm.s32 $0x108;
	_ =	swait.ge @!p0 [sflag:s8], $0x0  }
0x24: {  	s3 =	sadd.s32 $0x88, s3;
	s6 =	simm.s32 @!p1 $0x1082;
	[sflag:s4] =	ssyncset.s32 $0xFFFFF086  }
0x25: {  	[simem:s6], [sflag:s4] =	dma.local [hbm:s3], $0xF7A  }
0x26: {  	[smem:$0x3F98] =	sst s1;
	(tag) =	ssettag s2;
	_ =	strace s9  }
0x27: {  	s1 =	sld [smem:$0x3FA8]  }
0x28: {  	s2 =	sld [smem:$0x3FA9]  }
0x29: {  	s4 =	sld [smem:$0x3FAB]  }
0x2a: {  	p0 =	seq.s32 s5, $0x0;
	s5 =	sld [smem:$0x3FAC]  }
0x2b: {  	s6 =	sld [smem:$0x3FAD]  }
0x2c: {  	s7 =	sld [smem:$0x3FAE]  }
0x2d: {  	s3 =	simm.s32 $0x108;
	s8 =	sld [smem:$0x3FAF]  }
0x2e: {  	s3 =	simm.s32 @!p0 $0x1082;
	s9 =	sld [smem:$0x3FB0]  }
0x2f: {  	lr =	sadd.s32 s0, s3;
	s0 =	sld [smem:$0x3FA7]  }
0x30: {  	s3 =	sld [smem:$0x3FAA]  }
0x31: {  	[smem:$0x3FB3] =	sst s10  }
0x32: {  	s10 =	sld [smem:$0x3FB1];
	_ =	sdelay $0x3  }
0x33: {  	p0 =	seq.s32 s10, $0x1;
	s10 =	sld [smem:$0x3FB3];
	_ =	sdelay $0x3  }
0x34: {  	[smem:$0x3FB3] =	sst s10  }
0x35: {  	s10 =	sld [smem:$0x3FB2];
	_ =	sdelay $0x3  }
0x36: {  	p1 =	seq.s32 s10, $0x1;
	s10 =	sld [smem:$0x3FB3];
	_ =	sdelay $0x3  }
0x37: {  	[smem:$0x3FB3] =	sst s10  }
0x38: {  	s10 =	sld [smem:$0x3FB4]  }
0x39: {  	_ = 	snop;
	(pc) =	sbr.ind lr, $3  }
0x3a: {  	_ = 	snop  }
0x3b: {  	_ = 	snop  }
0x3c: {  	p2 =	seq.s32 s10, $0x1;
	s10 =	sld [smem:$0x3FB3]  }
0x3d: {  	_ =	shalt  }
0x3e: {  	_ =	shalt  }
0x3f: {  	_ =	shalt  }
0x40: {  	_ =	shalt  }
0x41: {  	_ =	shalt  }
0x42: {  	_ =	shalt  }
0x43: {  	_ =	shalt  }
0x44: {  	_ =	shalt  }
0x45: {  	_ =	shalt  }
0x46: {  	_ =	shalt  }
0x47: {  	_ =	shalt  }
0x48: {  	_ =	shalt  }
0x49: {  	_ =	shalt  }
0x4a: {  	_ =	shalt  }
0x4b: {  	_ =	shalt  }
0x4c: {  	_ =	shalt  }
0x4d: {  	_ =	shalt  }
0x4e: {  	_ =	shalt  }
0x4f: {  	_ =	shalt  }
0x50: {  	_ =	shalt  }
0x51: {  	_ =	shalt  }
0x52: {  	_ =	shalt  }
0x53: {  	_ =	shalt  }
0x54: {  	_ =	shalt  }
0x55: {  	_ =	shalt  }
0x56: {  	_ =	shalt  }
0x57: {  	_ =	shalt  }
0x58: {  	_ =	shalt  }
0x59: {  	_ =	shalt  }
0x5a: {  	_ =	shalt  }
0x5b: {  	_ =	shalt  }
0x5c: {  	_ =	shalt  }
0x5d: {  	_ =	shalt  }
0x5e: {  	_ =	shalt  }
0x5f: {  	_ =	shalt  }
0x60: {  	_ =	shalt  }
0x61: {  	_ =	shalt  }
0x62: {  	_ =	shalt  }
0x63: {  	_ =	shalt  }
0x64: {  	_ =	shalt  }
0x65: {  	_ =	shalt  }
0x66: {  	_ =	shalt  }
0x67: {  	_ =	shalt  }
0x68: {  	_ =	shalt  }
0x69: {  	_ =	shalt  }
0x6a: {  	_ =	shalt  }
0x6b: {  	_ =	shalt  }
0x6c: {  	_ =	shalt  }
0x6d: {  	_ =	shalt  }
0x6e: {  	_ =	shalt  }
0x6f: {  	_ =	shalt  }
0x70: {  	_ =	shalt  }
0x71: {  	_ =	shalt  }
0x72: {  	_ =	shalt  }
0x73: {  	_ =	shalt  }
0x74: {  	_ =	shalt  }
0x75: {  	_ =	shalt  }
0x76: {  	_ =	shalt  }
0x77: {  	_ =	shalt  }
0x78: {  	_ =	shalt  }
0x79: {  	_ =	shalt  }
0x7a: {  	_ =	shalt  }
0x7b: {  	_ =	shalt  }
0x7c: {  	_ =	shalt  }
0x7d: {  	_ =	shalt  }
0x7e: {  	_ =	shalt  }
0x7f: {  	_ =	shalt  }
0x80: {  	_ =	shalt  }
0x81: {  	_ =	shalt  }
0x82: {  	_ =	shalt  }
0x83: {  	_ =	shalt  }
0x84: {  	_ =	shalt  }
0x85: {  	_ =	shalt  }
0x86: {  	_ =	shalt  }
0x87: {  	_ =	shalt  }
.Lfunc_end0:
.L_simem_size_0:
called_computation.4_lowered:
.L_overlay_start_0:
0x88: {  	s2 =	sld [smem:$0x3FD9]  }
0x89: {  	s3 =	sld [smem:$0x3FFE];
	_ =	sdelay $0x1  }
0x8a: {  	s1 =	srdreg.scid  }
0x8b: {  	s0 =	sand.u32 $0x1, s1  }
0x8c: {  	s16 =	sshll.u32 s0, $0xA;
	s2 =	sadd.s32 s3, s2  }
0x8d: {  	s2 =	sadd.s32 s2, s16  }
0x8e: {  	[smem:$0x3FBF] =	sst s2  }
0x8f: {  	_ = 	snop  }
0x90: {  	(tm) =	ssettm $0x1  }
0x91: {  	s17 =	sld [smem:$0x3FFB];
	_ =	sdelay $0x3  }
0x92: {  	_ =	strace s17  }
0x93: {  	s2 =	sld [smem:$0x3FFC];
	_ =	sdelay $0x3  }
0x94: {  	_ =	strace s2  }
0x95: {  	s2 =	sld [smem:$0x3FFD];
	_ =	sdelay $0x3  }
0x96: {  	_ =	strace s2  }
0x97: {  	_ =	strace $0x8FFFFFFF  }
0x98: {  	s18 =	sld [smem:$0x3FDB];
	_ =	sdelay $0x1  }
0x99: {  	s19 =	simm.s32 $_scs_section_size  }
0x9a: {  	s4 =	simm.s32 $_size__tile_overlayer_lowered;
	s5 =	simm.s32 $_tile_overlayer_lowered  }
0x9b: {  	s22 =	simm.s32 $0x1BFF;
	s21 =	sshll.u32 s5, $0x1;
	s2 =	sadd.s32 s19, s18  }
0x9c: {  	s6 =	simm.s32 $0x0;
	s20 =	sshll.u32 s4, $0x1;
	s4 =	sadd.s32 s21, s2  }
0x9d: {  	[timem:s6], [sflag:s22] =	dma.local [hbm:s4], s20  }
0x9e: {  	_ =	swait.ge [sflag:s22], s20  }
0x9f: {  	s3 =	ssub.s32 $0x0, s20;
	[sflag:s22] =	ssyncset.done $0x0  }
0xa0: {  	[sflag:s22] =	ssyncadd.s32 s3;
	_ =	sdelay $0x1  }
0xa1: {  	s23 =	simm.s32 $0x1B8B  }
0xa2: {  	_ =	swait.ge [sflag:s23], $0x1  }
0xa3: {  	[sflag:s23] =	ssyncset.done $0x0  }
0xa4: {  	s25 =	simm.s32 $0x1B8E;
	s24 =	sld [smem:$0x3FFE];
	[sflag:s23] =	ssyncadd.s32 $0xFFFFFFFF  }
0xa5: {  	s26 =	simm.s32 $execute0_lowered;
	[smem:$0x3FD2] =	sst s25  }
0xa6: {  	s4 =	sshll.u32 s26, $0x1;
	_ =	strace $0x80000052;
	[dreg:$0x1] =	wrdreg $0xFFFFFFFF  }
0xa7: {  	s28 =	simm.s32 $_size_execute0_lowered;
	s2 =	sadd.s32 s2, s4;
	[dreg:$0x0] =	wrdreg $0x0  }
0xa8: {  	s4 =	sshll.u32 s28, $0x1;
	[dreg:$0x2] =	wrdreg s2  }
0xa9: {  	[dreg:$0x3] =	wrdreg s4  }
0xaa: {  	[dreg:$0x4] =	wrdreg $0xC0  }
0xab: {  	_ =	task [dreg:s6], $0x5FFFF  }
0xac: {  	[dreg:$0x1] =	wrdreg $0xFFFFFFFF  }
0xad: {  	[dreg:$0x0] =	wrdreg $0x60  }
0xae: {  	[dreg:$0x2] =	wrdreg s24  }
0xaf: {  	[dreg:$0x3] =	wrdreg $0x90000  }
0xb0: {  	[dreg:$0x4] =	wrdreg $0x9  }
0xb1: {  	_ =	task.clear_ibuf [dreg:s6], $0x5FFFF;
	_ =	strace $0x90000052  }
0xb2: {  	s29 =	simm.s32 $0x9;
	_ =	strace $0x80000054  }
0xb3: {  	_ =	swait.ge [sflag:s29], $0x1  }
0xb4: {  	[sflag:s29] =	ssyncadd.s32 $0xFFFFFFFF  }
0xb5: {  	_ =	strace $0x90000054  }
0xb6: {  	_ =	sfence  }
0xb7: {  	s30 =	sld [smem:$0x0];
	_ =	sdelay $0x2  }
0xb8: {  	s31 =	sshll.u32 s1, $0xD;
	s1 =	sshrl.u32 s1, $0x2  }
0xb9: {  	s3 =	sand.u32 $0x4000, s31;
	s1 =	sadd.s32 s1, s30  }
0xba: {  	s0 =	sor.u32 s3, s0;
	s1 =	sshll.u32 s1, $0x11  }
0xbb: {  	s0 =	sor.u32 s1, s0  }
0xbc: {  	s0 =	sadd.s32 $0x8F2B, s0  }
0xbd: {  	[sflag:s0] =	ssyncadd.remote.s32 $0x1  }
0xbe: {  	_ =	sfence.sel $0xFFFF  }
0xbf: {  	[dreg:$0x0] =	wrdreg $0xFFFFFFFF;
	(pc) =	sbr.abs _section_cstart, $3  }
0xc0: {  	[dreg:$0x1] =	wrdreg $0xFFFFFFFF  }
0xc1: {  	_ =	task.clear_ibuf [dreg:s6], $0x2FFFF;
	_ =	strace $0x9FFFFFFF  }
0xc2: {  	(tm) =	ssettm $0x7FFFFFFF  }
0xc3: {  	_ =	shalt  }
tec
execute0_lowered:
.L_overlay_start_1:
0x0: {  	(tag) =	ssettag $0x1  }
0x1: {  	s0 =	srdreg.scid;
	s1 =	simm.s32 $0x90;
	s6 =	rddreg [dreg:$0x0]  }
0x2: {  	s12 =	stileid.u32;
	s2 =	rddreg [dreg:$0x1];
	s3 =	simm.s32 $0x0  }
0x3: {  	s22 =	simm.s32 $0x100;
	s24 =	simm.s32 $0x880;
	s25 =	simm.s32 $0x180  }
0x4: {  	s26 =	simm.s32 $0x900;
	s15 =	simm.s32 $0x980;
	s28 =	simm.s32 $0xC80  }
0x5: {  	s29 =	simm.s32 $0x580;
	[smem:$0x7FF] =	sst s3;
	s16 =	sadd.s32 $0x2A800, s6  }
0x6: {  	s30 =	simm.s32 $0xD00;
	_ =	strace $0x80000053;
	[dreg:$0x11] =	wrdreg s16  }
0x7: {  	s31 =	simm.s32 $0x600;
	s0 =	sand.u32 $0x1, s0;
	[dreg:$0x3] =	wrdreg s22  }
0x8: {  	s8 =	smul.u32 $0x50000, s12;
	s19 =	sshll.u32 s12, $0x6;
	[dreg:$0x4] =	wrdreg s24  }
0x9: {  	p0 =	seq.s32 s0, $0x0;
	s5 =	smul.u32 $0x48000, s0;
	[dreg:$0x5] =	wrdreg s25  }
0xa: {  	s7 =	smul.u32 $0x28000, s0;
	s0 =	ssub.s32 $0x2, s0;
	[dreg:$0x6] =	wrdreg s26  }
0xb: {  	[dreg:$0x8] =	wrdreg s15;
	s22 =	simm.s32 $0x380;
	s24 =	simm.s32 $0x400  }
0xc: {  	s25 =	simm.s32 $0xB80;
	s15 =	simm.s32 $0x780;
	[dreg:$0xd] =	wrdreg s22  }
0xd: {  	s1 =	simm.s32 @!p0 $0x10;
	s17 =	sshrl.u32 s8, $0x2;
	[dreg:$0xf] =	wrdreg s24  }
0xe: {  	s18 =	sshrl.u32 s0, $0x1;
	s22 =	simm.s32 $0x2;
	[dreg:$0x10] =	wrdreg s25  }
0xf: {  	s25 =	simm.s32 $0xC00;
	s24 =	simm.s32 $0xF80;
	s4 =	smul.u32 s1, s12  }
0x10: {  	s7 =	sadd.s32 s7, s6;
	s10 =	sadd.s32 s17, s2;
	s0 =	ssub.s32 s0, s18  }
0x11: {  	s1 =	sshrl.u32 s1, $0x4;
	s17 =	simm.s32 $0x280;
	s20 =	sadd.s32 $0x4000, s10  }
0x12: {  	s11 =	sadd.s32 $0x8000, s10;
	s13 =	sadd.s32 $0xC000, s10;
	s14 =	sadd.s32 $0x10000, s10  }
0x13: {  	[dreg:$0x12] =	wrdreg s1;
	s1 =	sadd.s32 $0x3FC00, s7;
	s7 =	smul.u32 $0x2800, s12  }
0x14: {  	s0 =	smax.u32 s0, $0x1;
	s12 =	simm.s32 $0x3;
	[dreg:$0x9] =	wrdreg s17  }
0x15: {  	s17 =	simm.s32 $0x800;
	[dreg:$0x13] =	wrdreg s0;
	s8 =	sshrl.u32 s20, $0x3  }
0x16: {  	s4 =	sshll.u32 s4, $0x7;
	s11 =	sshrl.u32 s11, $0x3;
	[dreg:$0x18] =	wrdreg s8  }
0x17: {  	s16 =	sshrl.u32 s13, $0x3;
	s18 =	sshrl.u32 s14, $0x3;
	[dreg:$0x19] =	wrdreg s11  }
0x18: {  	s20 =	simm.s32 $0x300;
	s0 =	simm.s32 $0x680;
	[dreg:$0x1a] =	wrdreg s16  }
0x19: {  	s13 =	simm.s32 $0x700;
	s14 =	simm.s32 $0xE80;
	[dreg:$0x1b] =	wrdreg s18  }
0x1a: {  	s4 =	sadd.s32 s5, s4;
	[dreg:$0xb] =	wrdreg s20;
	s26 =	sadd.s32 s7, s1  }
0x1b: {  	s5 =	sshrl.u32 s4, $0x3;
	s4 =	sadd.s32 $0x3600, s6;
	[dreg:$0x1c] =	wrdreg s26  }
0x1c: {  	s9 =	sadd.s32 s5, s6;
	s6 =	sor.u32 $0x1C03, s19;
	s19 =	simm.s32 $0xA00  }
0x1d: {  	s18 =	simm.s32 $0x80;
	s20 =	simm.s32 $0x5000;
	[dreg:$0xa] =	wrdreg s19  }
0x1e: {  	s1 =	simm.s32 $0xD80;
	s21 =	sadd.s32 $0x2BC00, s9;
	[dreg:$0x16] =	wrdreg s6  }
0x1f: {  	s8 =	simm.s32 $0xE00;
	s23 =	sadd.s32 $0x35C00, s9;
	[dreg:$0x14] =	wrdreg s21  }
0x20: {  	s9 =	sshrl.u32 s10, $0x3;
	s10 =	simm.s32 $0x200;
	[dreg:$0x15] =	wrdreg s23  }
0x21: {  	s16 =	simm.s32 $0xF00;
	s7 =	simm.s32 $0x0;
	[dreg:$0x7] =	wrdreg s10  }
0x22: {  	s26 =	simm.s32 $0x500;
	s21 =	simm.s32 $0xA80;
	[dreg:$0x17] =	wrdreg s9  }
0x23: {  	s19 =	simm.s32 $0x1000;
	s23 =	simm.s32 $0xB00;
	[dreg:$0xc] =	wrdreg s21  }
0x24: {  	s21 =	simm.s32 $0x1;
	[dreg:$0xe] =	wrdreg s23;
	s23 =	simm.s32 $0x480  }
.LBB2_1:
0x25: {  	s5 =	rddreg [dreg:$0x11]  }
0x26: {  	[spmem:s9], [sflag:s6] =	dma.local [hbm:s5], $0x800  }
0x27: {  	_ =	swait.ge [sflag:s12], $0x800  }
0x28: {  	[sflag:s12] =	ssyncset.done $0x0  }
0x29: {  	s11 =	rddreg [dreg:$0x18];
	[sflag:s12] =	ssyncadd.s32 $0xFFFFF800  }
0x2a: {  	[spmem:s11], [sflag:s6] =	dma.local [hbm:s5], $0x800  }
0x2b: {  	_ =	swait.ge [sflag:s12], $0x800  }
0x2c: {  	[sflag:s12] =	ssyncset.done $0x0  }
0x2d: {  	s10 =	rddreg [dreg:$0x19];
	[sflag:s12] =	ssyncadd.s32 $0xFFFFF800  }
0x2e: {  	[spmem:s10], [sflag:s6] =	dma.local [hbm:s5], $0x800  }
0x2f: {  	_ =	swait.ge [sflag:s12], $0x800  }
0x30: {  	[sflag:s12] =	ssyncset.done $0x0  }
0x31: {  	s11 =	rddreg [dreg:$0x1a];
	[sflag:s12] =	ssyncadd.s32 $0xFFFFF800  }
0x32: {  	[spmem:s11], [sflag:s6] =	dma.local [hbm:s5], $0x800  }
0x33: {  	_ =	swait.ge [sflag:s12], $0x800  }
0x34: {  	[sflag:s12] =	ssyncset.done $0x0  }
0x35: {  	s10 =	rddreg [dreg:$0x1b];
	[sflag:s12] =	ssyncadd.s32 $0xFFFFF800  }
0x36: {  	[spmem:s10], [sflag:s6] =	dma.local [hbm:s5], $0x800  }
0x37: {  	_ =	swait.ge [sflag:s12], $0x800  }
0x38: {  	[sflag:s12] =	ssyncset.done $0x0  }
0x39: {  	[sflag:s12] =	ssyncadd.s32 $0xFFFFF800  }
0x3a: {  	[bflag:$0x0] =	sbarrier.arrive $0xFFFF  }
0x3b: {  	s6 =	rddreg [dreg:$0x15]  }
0x3c: {  	[tilespmem:s3], [sflag:$0x3] =	stream.linear.gather [hbm4b:s6+s3], $0x800, $0x38;
	[tilespmem:$0x1D000] =	vst v63  }
0x3d: {  	_ =	swait.ge [sflag:s12], $0x800  }
0x3e: {  	[sflag:s12] =	ssyncset.done $0x0  }
0x3f: {  	s10 =	rddreg [dreg:$0x14];
	[sflag:s12] =	ssyncadd.s32 $0xFFFFF800  }
0x40: {  	[tilespmem:s17], [sflag:$0x3] =	stream.linear.gather [hbm4b:s10+s3], $0x800, $0x38;
	[tilespmem:$0x1D000] =	vst v63  }
0x41: {  	_ =	swait.ge [sflag:s12], $0x800  }
0x42: {  	[sflag:s12] =	ssyncset.done $0x0  }
0x43: {  	[sflag:s12] =	ssyncadd.s32 $0xFFFFF800  }
0x44: {  	[tilespmem:s19], [sflag:$0x1] =	stream.indirect.gather [hbm4b:s4+s18], $0x80, s3, s18, $0xb8;
	[tilespmem:$0x1D000] =	vst v63  }
0x45: {  	_ = 	snop  }
0x46: {  	[tilespmem:s20], [sflag:$0x2] =	stream.indirect.gather [hbm4b:s4+s18], $0x80, s18, s18, $0xb8;
	[tilespmem:$0x1D000] =	vst v63  }
0x47: {  	_ =	swait.ge [sflag:s21], $0x4000  }
0x48: {  	[sflag:s21] =	ssyncset.done $0x0  }
0x49: {  	[sflag:s21] =	ssyncadd.s32 $0xFFFFC000  }
0x4a: {  	[spmem:s2] =	stream.indirect.scatter.add.f32 [tilespmem:s19], [sflag:$0x3], $0x80, s17, s18, $0xb8;
	[tilespmem:$0x1D000] =	vst v63  }
0x4b: {  	_ =	swait.ge [sflag:s12], $0x4000  }
0x4c: {  	[sflag:s12] =	ssyncset.done $0x0  }
0x4d: {  	s11 =	rddreg [dreg:$0x3];
	[sflag:s12] =	ssyncadd.s32 $0xFFFFC000  }
0x4e: {  	[tilespmem:s19], [sflag:$0x1] =	stream.indirect.gather [hbm4b:s4+s18], $0x80, s11, s18, $0xb8;
	[tilespmem:$0x1D000] =	vst v63  }
0x4f: {  	_ =	swait.ge [sflag:s22], $0x4000  }
0x50: {  	[sflag:s22] =	ssyncset.done $0x0  }
0x51: {  	s5 =	rddreg [dreg:$0x4];
	[sflag:s22] =	ssyncadd.s32 $0xFFFFC000  }
0x52: {  	[spmem:s2] =	stream.indirect.scatter.add.f32 [tilespmem:s20], [sflag:$0x3], $0x80, s5, s18, $0xb8;
	[tilespmem:$0x1D000] =	vst v63  }
0x53: {  	_ =	swait.ge [sflag:s12], $0x4000  }
0x54: {  	[sflag:s12] =	ssyncset.done $0x0  }
0x55: {  	s11 =	rddreg [dreg:$0x5];
	[sflag:s12] =	ssyncadd.s32 $0xFFFFC000  }
0x56: {  	[tilespmem:s20], [sflag:$0x2] =	stream.indirect.gather [hbm4b:s4+s18], $0x80, s11, s18, $0xb8;
	[tilespmem:$0x1D000] =	vst v63  }
0x57: {  	_ =	swait.ge [sflag:s21], $0x4000  }
0x58: {  	[sflag:s21] =	ssyncset.done $0x0  }
0x59: {  	s5 =	rddreg [dreg:$0x6];
	[sflag:s21] =	ssyncadd.s32 $0xFFFFC000  }
0x5a: {  	[spmem:s2] =	stream.indirect.scatter.add.f32 [tilespmem:s19], [sflag:$0x3], $0x80, s5, s18, $0xb8;
	[tilespmem:$0x1D000] =	vst v63  }
0x5b: {  	_ =	swait.ge [sflag:s12], $0x4000  }
0x5c: {  	[sflag:s12] =	ssyncset.done $0x0  }
0x5d: {  	s11 =	rddreg [dreg:$0x7];
	[sflag:s12] =	ssyncadd.s32 $0xFFFFC000  }
0x5e: {  	[tilespmem:s19], [sflag:$0x1] =	stream.indirect.gather [hbm4b:s4+s18], $0x80, s11, s18, $0xb8;
	[tilespmem:$0x1D000] =	vst v63  }
0x5f: {  	_ =	swait.ge [sflag:s22], $0x4000  }
0x60: {  	[sflag:s22] =	ssyncset.done $0x0  }
0x61: {  	s5 =	rddreg [dreg:$0x8];
	[sflag:s22] =	ssyncadd.s32 $0xFFFFC000  }
0x62: {  	[spmem:s2] =	stream.indirect.scatter.add.f32 [tilespmem:s20], [sflag:$0x3], $0x80, s5, s18, $0xb8;
	[tilespmem:$0x1D000] =	vst v63  }
0x63: {  	_ =	swait.ge [sflag:s12], $0x4000  }
0x64: {  	[sflag:s12] =	ssyncset.done $0x0  }
0x65: {  	s11 =	rddreg [dreg:$0x9];
	[sflag:s12] =	ssyncadd.s32 $0xFFFFC000  }
0x66: {  	[tilespmem:s20], [sflag:$0x2] =	stream.indirect.gather [hbm4b:s4+s18], $0x80, s11, s18, $0xb8;
	[tilespmem:$0x1D000] =	vst v63  }
0x67: {  	_ =	swait.ge [sflag:s21], $0x4000  }
0x68: {  	[sflag:s21] =	ssyncset.done $0x0  }
0x69: {  	s5 =	rddreg [dreg:$0xa];
	[sflag:s21] =	ssyncadd.s32 $0xFFFFC000  }
0x6a: {  	[spmem:s2] =	stream.indirect.scatter.add.f32 [tilespmem:s19], [sflag:$0x3], $0x80, s5, s18, $0xb8;
	[tilespmem:$0x1D000] =	vst v63  }
0x6b: {  	_ =	swait.ge [sflag:s12], $0x4000  }
0x6c: {  	[sflag:s12] =	ssyncset.done $0x0  }
0x6d: {  	s11 =	rddreg [dreg:$0xb];
	[sflag:s12] =	ssyncadd.s32 $0xFFFFC000  }
0x6e: {  	[tilespmem:s19], [sflag:$0x1] =	stream.indirect.gather [hbm4b:s4+s18], $0x80, s11, s18, $0xb8;
	[tilespmem:$0x1D000] =	vst v63  }
0x6f: {  	_ =	swait.ge [sflag:s22], $0x4000  }
0x70: {  	[sflag:s22] =	ssyncset.done $0x0  }
0x71: {  	s5 =	rddreg [dreg:$0xc];
	[sflag:s22] =	ssyncadd.s32 $0xFFFFC000  }
0x72: {  	[spmem:s2] =	stream.indirect.scatter.add.f32 [tilespmem:s20], [sflag:$0x3], $0x80, s5, s18, $0xb8;
	[tilespmem:$0x1D000] =	vst v63  }
0x73: {  	_ =	swait.ge [sflag:s12], $0x4000  }
0x74: {  	[sflag:s12] =	ssyncset.done $0x0  }
0x75: {  	s11 =	rddreg [dreg:$0xd];
	[sflag:s12] =	ssyncadd.s32 $0xFFFFC000  }
0x76: {  	[tilespmem:s20], [sflag:$0x2] =	stream.indirect.gather [hbm4b:s4+s18], $0x80, s11, s18, $0xb8;
	[tilespmem:$0x1D000] =	vst v63  }
0x77: {  	_ =	swait.ge [sflag:s21], $0x4000  }
0x78: {  	[sflag:s21] =	ssyncset.done $0x0  }
0x79: {  	s5 =	rddreg [dreg:$0xe];
	[sflag:s21] =	ssyncadd.s32 $0xFFFFC000  }
0x7a: {  	[spmem:s2] =	stream.indirect.scatter.add.f32 [tilespmem:s19], [sflag:$0x3], $0x80, s5, s18, $0xb8;
	[tilespmem:$0x1D000] =	vst v63  }
0x7b: {  	_ =	swait.ge [sflag:s12], $0x4000  }
0x7c: {  	[sflag:s12] =	ssyncset.done $0x0  }
0x7d: {  	s11 =	rddreg [dreg:$0xf];
	[sflag:s12] =	ssyncadd.s32 $0xFFFFC000  }
0x7e: {  	[tilespmem:s19], [sflag:$0x1] =	stream.indirect.gather [hbm4b:s4+s18], $0x80, s11, s18, $0xb8;
	[tilespmem:$0x1D000] =	vst v63  }
0x7f: {  	_ =	swait.ge [sflag:s22], $0x4000  }
0x80: {  	[sflag:s22] =	ssyncset.done $0x0  }
0x81: {  	s5 =	rddreg [dreg:$0x10];
	[sflag:s22] =	ssyncadd.s32 $0xFFFFC000  }
0x82: {  	[spmem:s2] =	stream.indirect.scatter.add.f32 [tilespmem:s20], [sflag:$0x3], $0x80, s5, s18, $0xb8;
	[tilespmem:$0x1D000] =	vst v63  }
0x83: {  	_ =	swait.ge [sflag:s12], $0x4000  }
0x84: {  	[sflag:s12] =	ssyncset.done $0x0  }
0x85: {  	[sflag:s12] =	ssyncadd.s32 $0xFFFFC000  }
0x86: {  	[tilespmem:s20], [sflag:$0x2] =	stream.indirect.gather [hbm4b:s4+s18], $0x80, s23, s18, $0xb8;
	[tilespmem:$0x1D000] =	vst v63  }
0x87: {  	_ =	swait.ge [sflag:s21], $0x4000  }
0x88: {  	[sflag:s21] =	ssyncset.done $0x0  }
0x89: {  	[sflag:s21] =	ssyncadd.s32 $0xFFFFC000  }
0x8a: {  	[spmem:s2] =	stream.indirect.scatter.add.f32 [tilespmem:s19], [sflag:$0x3], $0x80, s25, s18, $0xb8;
	[tilespmem:$0x1D000] =	vst v63  }
0x8b: {  	_ =	swait.ge [sflag:s12], $0x4000  }
0x8c: {  	[sflag:s12] =	ssyncset.done $0x0  }
0x8d: {  	[sflag:s12] =	ssyncadd.s32 $0xFFFFC000  }
0x8e: {  	[tilespmem:s19], [sflag:$0x1] =	stream.indirect.gather [hbm4b:s4+s18], $0x80, s26, s18, $0xb8;
	[tilespmem:$0x1D000] =	vst v63  }
0x8f: {  	_ =	swait.ge [sflag:s22], $0x4000  }
0x90: {  	[sflag:s22] =	ssyncset.done $0x0  }
0x91: {  	[sflag:s22] =	ssyncadd.s32 $0xFFFFC000  }
0x92: {  	[spmem:s2] =	stream.indirect.scatter.add.f32 [tilespmem:s20], [sflag:$0x3], $0x80, s28, s18, $0xb8;
	[tilespmem:$0x1D000] =	vst v63  }
0x93: {  	_ =	swait.ge [sflag:s12], $0x4000  }
0x94: {  	[sflag:s12] =	ssyncset.done $0x0  }
0x95: {  	[sflag:s12] =	ssyncadd.s32 $0xFFFFC000  }
0x96: {  	[tilespmem:s20], [sflag:$0x2] =	stream.indirect.gather [hbm4b:s4+s18], $0x80, s29, s18, $0xb8;
	[tilespmem:$0x1D000] =	vst v63  }
0x97: {  	_ =	swait.ge [sflag:s21], $0x4000  }
0x98: {  	[sflag:s21] =	ssyncset.done $0x0  }
0x99: {  	[sflag:s21] =	ssyncadd.s32 $0xFFFFC000  }
0x9a: {  	[spmem:s2] =	stream.indirect.scatter.add.f32 [tilespmem:s19], [sflag:$0x3], $0x80, s30, s18, $0xb8;
	[tilespmem:$0x1D000] =	vst v63  }
0x9b: {  	_ =	swait.ge [sflag:s12], $0x4000  }
0x9c: {  	[sflag:s12] =	ssyncset.done $0x0  }
0x9d: {  	[sflag:s12] =	ssyncadd.s32 $0xFFFFC000  }
0x9e: {  	[tilespmem:s19], [sflag:$0x1] =	stream.indirect.gather [hbm4b:s4+s18], $0x80, s31, s18, $0xb8;
	[tilespmem:$0x1D000] =	vst v63  }
0x9f: {  	_ =	swait.ge [sflag:s22], $0x4000  }
0xa0: {  	[sflag:s22] =	ssyncset.done $0x0  }
0xa1: {  	[sflag:s22] =	ssyncadd.s32 $0xFFFFC000  }
0xa2: {  	[spmem:s2] =	stream.indirect.scatter.add.f32 [tilespmem:s20], [sflag:$0x3], $0x80, s1, s18, $0xb8;
	[tilespmem:$0x1D000] =	vst v63  }
0xa3: {  	_ =	swait.ge [sflag:s12], $0x4000  }
0xa4: {  	[sflag:s12] =	ssyncset.done $0x0  }
0xa5: {  	[sflag:s12] =	ssyncadd.s32 $0xFFFFC000  }
0xa6: {  	[tilespmem:s20], [sflag:$0x2] =	stream.indirect.gather [hbm4b:s4+s18], $0x80, s0, s18, $0xb8;
	[tilespmem:$0x1D000] =	vst v63  }
0xa7: {  	_ =	swait.ge [sflag:s21], $0x4000  }
0xa8: {  	[sflag:s21] =	ssyncset.done $0x0  }
0xa9: {  	[sflag:s21] =	ssyncadd.s32 $0xFFFFC000  }
0xaa: {  	[spmem:s2] =	stream.indirect.scatter.add.f32 [tilespmem:s19], [sflag:$0x3], $0x80, s8, s18, $0xb8;
	[tilespmem:$0x1D000] =	vst v63  }
0xab: {  	_ =	swait.ge [sflag:s12], $0x4000  }
0xac: {  	[sflag:s12] =	ssyncset.done $0x0  }
0xad: {  	[sflag:s12] =	ssyncadd.s32 $0xFFFFC000  }
0xae: {  	[tilespmem:s19], [sflag:$0x1] =	stream.indirect.gather [hbm4b:s4+s18], $0x80, s13, s18, $0xb8;
	[tilespmem:$0x1D000] =	vst v63  }
0xaf: {  	_ =	swait.ge [sflag:s22], $0x4000  }
0xb0: {  	[sflag:s22] =	ssyncset.done $0x0  }
0xb1: {  	[sflag:s22] =	ssyncadd.s32 $0xFFFFC000  }
0xb2: {  	[spmem:s2] =	stream.indirect.scatter.add.f32 [tilespmem:s20], [sflag:$0x3], $0x80, s14, s18, $0xb8;
	[tilespmem:$0x1D000] =	vst v63  }
0xb3: {  	_ =	swait.ge [sflag:s12], $0x4000  }
0xb4: {  	[sflag:s12] =	ssyncset.done $0x0  }
0xb5: {  	[sflag:s12] =	ssyncadd.s32 $0xFFFFC000  }
0xb6: {  	[tilespmem:s20], [sflag:$0x2] =	stream.indirect.gather [hbm4b:s4+s18], $0x80, s15, s18, $0xb8;
	[tilespmem:$0x1D000] =	vst v63  }
0xb7: {  	_ =	swait.ge [sflag:s21], $0x4000  }
0xb8: {  	[sflag:s21] =	ssyncset.done $0x0  }
0xb9: {  	[sflag:s21] =	ssyncadd.s32 $0xFFFFC000  }
0xba: {  	[spmem:s2] =	stream.indirect.scatter.add.f32 [tilespmem:s19], [sflag:$0x3], $0x80, s16, s18, $0xb8;
	[tilespmem:$0x1D000] =	vst v63  }
0xbb: {  	_ =	swait.ge [sflag:s12], $0x4000  }
0xbc: {  	[sflag:s12] =	ssyncset.done $0x0  }
0xbd: {  	[sflag:s12] =	ssyncadd.s32 $0xFFFFC000  }
0xbe: {  	_ =	swait.ge [sflag:s22], $0x4000  }
0xbf: {  	s11 =	rddreg [dreg:$0x12]  }
0xc0: {  	p0 =	sne.s32 s11, $0x1  }
.Ltmp0:
0xc1: {  	[sflag:s22] =	ssyncset.done $0x0;
	(pc) =	sbr.rel @!p0 .LBB2_3-.Ltmp0, $4  }
0xc2: {  	[sflag:s22] =	ssyncadd.s32 $0xFFFFC000  }
0xc3: {  	[spmem:s2] =	stream.indirect.scatter.add.f32 [tilespmem:s20], [sflag:$0x3], $0x80, s24, s18, $0xb8;
	[tilespmem:$0x1D000] =	vst v63  }
0xc4: {  	_ =	swait.ge [sflag:s12], $0x4000  }
0xc5: {  	s9 =	smov.u32 s10;
	s11 =	sadd.s32 $0xFFFFFFFF, s11;
	[sflag:s12] =	ssyncset.done $0x0  }
.LBB2_2:
0xc6: {  	[sflag:s12] =	ssyncadd.s32 $0xFFFFC000;
	s6 =	sadd.s32 $0x100, s6  }
0xc7: {  	[tilespmem:s3], [sflag:$0x3] =	stream.linear.gather [hbm4b:s6+s3], $0x800, $0x38;
	[tilespmem:$0x1D000] =	vst v63  }
0xc8: {  	_ =	swait.ge [sflag:s12], $0x800  }
0xc9: {  	[sflag:s12] =	ssyncset.done $0x0  }
0xca: {  	s9 =	sadd.s32 $0x100, s9;
	[sflag:s12] =	ssyncadd.s32 $0xFFFFF800  }
0xcb: {  	[tilespmem:s17], [sflag:$0x3] =	stream.linear.gather [hbm4b:s9+s3], $0x800, $0x38;
	[tilespmem:$0x1D000] =	vst v63  }
0xcc: {  	_ =	swait.ge [sflag:s12], $0x800  }
0xcd: {  	[sflag:s12] =	ssyncset.done $0x0  }
0xce: {  	[sflag:s12] =	ssyncadd.s32 $0xFFFFF800  }
0xcf: {  	[tilespmem:s19], [sflag:$0x1] =	stream.indirect.gather [hbm4b:s4+s18], $0x80, s3, s18, $0xb8;
	[tilespmem:$0x1D000] =	vst v63  }
0xd0: {  	_ = 	snop  }
0xd1: {  	[tilespmem:s20], [sflag:$0x2] =	stream.indirect.gather [hbm4b:s4+s18], $0x80, s18, s18, $0xb8;
	[tilespmem:$0x1D000] =	vst v63  }
0xd2: {  	_ =	swait.ge [sflag:s21], $0x4000  }
0xd3: {  	[sflag:s21] =	ssyncset.done $0x0  }
0xd4: {  	[sflag:s21] =	ssyncadd.s32 $0xFFFFC000  }
0xd5: {  	[spmem:s2] =	stream.indirect.scatter.add.f32 [tilespmem:s19], [sflag:$0x3], $0x80, s17, s18, $0xb8;
	[tilespmem:$0x1D000] =	vst v63  }
0xd6: {  	_ =	swait.ge [sflag:s12], $0x4000  }
0xd7: {  	[sflag:s12] =	ssyncset.done $0x0  }
0xd8: {  	s5 =	rddreg [dreg:$0x3];
	[sflag:s12] =	ssyncadd.s32 $0xFFFFC000  }
0xd9: {  	[tilespmem:s19], [sflag:$0x1] =	stream.indirect.gather [hbm4b:s4+s18], $0x80, s5, s18, $0xb8;
	[tilespmem:$0x1D000] =	vst v63  }
0xda: {  	_ =	swait.ge [sflag:s22], $0x4000  }
0xdb: {  	[sflag:s22] =	ssyncset.done $0x0  }
0xdc: {  	s10 =	rddreg [dreg:$0x4];
	[sflag:s22] =	ssyncadd.s32 $0xFFFFC000  }
0xdd: {  	[spmem:s2] =	stream.indirect.scatter.add.f32 [tilespmem:s20], [sflag:$0x3], $0x80, s10, s18, $0xb8;
	[tilespmem:$0x1D000] =	vst v63  }
0xde: {  	_ =	swait.ge [sflag:s12], $0x4000  }
0xdf: {  	[sflag:s12] =	ssyncset.done $0x0  }
0xe0: {  	s10 =	rddreg [dreg:$0x5];
	[sflag:s12] =	ssyncadd.s32 $0xFFFFC000  }
0xe1: {  	[tilespmem:s20], [sflag:$0x2] =	stream.indirect.gather [hbm4b:s4+s18], $0x80, s10, s18, $0xb8;
	[tilespmem:$0x1D000] =	vst v63  }
0xe2: {  	_ =	swait.ge [sflag:s21], $0x4000  }
0xe3: {  	[sflag:s21] =	ssyncset.done $0x0  }
0xe4: {  	s10 =	rddreg [dreg:$0x6];
	[sflag:s21] =	ssyncadd.s32 $0xFFFFC000  }
0xe5: {  	[spmem:s2] =	stream.indirect.scatter.add.f32 [tilespmem:s19], [sflag:$0x3], $0x80, s10, s18, $0xb8;
	[tilespmem:$0x1D000] =	vst v63  }
0xe6: {  	_ =	swait.ge [sflag:s12], $0x4000  }
0xe7: {  	[sflag:s12] =	ssyncset.done $0x0  }
0xe8: {  	s10 =	rddreg [dreg:$0x7];
	[sflag:s12] =	ssyncadd.s32 $0xFFFFC000  }
0xe9: {  	[tilespmem:s19], [sflag:$0x1] =	stream.indirect.gather [hbm4b:s4+s18], $0x80, s10, s18, $0xb8;
	[tilespmem:$0x1D000] =	vst v63  }
0xea: {  	_ =	swait.ge [sflag:s22], $0x4000  }
0xeb: {  	[sflag:s22] =	ssyncset.done $0x0  }
0xec: {  	s10 =	rddreg [dreg:$0x8];
	[sflag:s22] =	ssyncadd.s32 $0xFFFFC000  }
0xed: {  	[spmem:s2] =	stream.indirect.scatter.add.f32 [tilespmem:s20], [sflag:$0x3], $0x80, s10, s18, $0xb8;
	[tilespmem:$0x1D000] =	vst v63  }
0xee: {  	_ =	swait.ge [sflag:s12], $0x4000  }
0xef: {  	[sflag:s12] =	ssyncset.done $0x0  }
0xf0: {  	s10 =	rddreg [dreg:$0x9];
	[sflag:s12] =	ssyncadd.s32 $0xFFFFC000  }
0xf1: {  	[tilespmem:s20], [sflag:$0x2] =	stream.indirect.gather [hbm4b:s4+s18], $0x80, s10, s18, $0xb8;
	[tilespmem:$0x1D000] =	vst v63  }
0xf2: {  	_ =	swait.ge [sflag:s21], $0x4000  }
0xf3: {  	[sflag:s21] =	ssyncset.done $0x0  }
0xf4: {  	s10 =	rddreg [dreg:$0xa];
	[sflag:s21] =	ssyncadd.s32 $0xFFFFC000  }
0xf5: {  	[spmem:s2] =	stream.indirect.scatter.add.f32 [tilespmem:s19], [sflag:$0x3], $0x80, s10, s18, $0xb8;
	[tilespmem:$0x1D000] =	vst v63  }
0xf6: {  	_ =	swait.ge [sflag:s12], $0x4000  }
0xf7: {  	[sflag:s12] =	ssyncset.done $0x0  }
0xf8: {  	s10 =	rddreg [dreg:$0xb];
	[sflag:s12] =	ssyncadd.s32 $0xFFFFC000  }
0xf9: {  	[tilespmem:s19], [sflag:$0x1] =	stream.indirect.gather [hbm4b:s4+s18], $0x80, s10, s18, $0xb8;
	[tilespmem:$0x1D000] =	vst v63  }
0xfa: {  	_ =	swait.ge [sflag:s22], $0x4000  }
0xfb: {  	[sflag:s22] =	ssyncset.done $0x0  }
0xfc: {  	s10 =	rddreg [dreg:$0xc];
	[sflag:s22] =	ssyncadd.s32 $0xFFFFC000  }
0xfd: {  	[spmem:s2] =	stream.indirect.scatter.add.f32 [tilespmem:s20], [sflag:$0x3], $0x80, s10, s18, $0xb8;
	[tilespmem:$0x1D000] =	vst v63  }
0xfe: {  	_ =	swait.ge [sflag:s12], $0x4000  }
0xff: {  	[sflag:s12] =	ssyncset.done $0x0  }
0x100: {  	s10 =	rddreg [dreg:$0xd];
	[sflag:s12] =	ssyncadd.s32 $0xFFFFC000  }
0x101: {  	[tilespmem:s20], [sflag:$0x2] =	stream.indirect.gather [hbm4b:s4+s18], $0x80, s10, s18, $0xb8;
	[tilespmem:$0x1D000] =	vst v63  }
0x102: {  	_ =	swait.ge [sflag:s21], $0x4000  }
0x103: {  	[sflag:s21] =	ssyncset.done $0x0  }
0x104: {  	s10 =	rddreg [dreg:$0xe];
	[sflag:s21] =	ssyncadd.s32 $0xFFFFC000  }
0x105: {  	[spmem:s2] =	stream.indirect.scatter.add.f32 [tilespmem:s19], [sflag:$0x3], $0x80, s10, s18, $0xb8;
	[tilespmem:$0x1D000] =	vst v63  }
0x106: {  	_ =	swait.ge [sflag:s12], $0x4000  }
0x107: {  	[sflag:s12] =	ssyncset.done $0x0  }
0x108: {  	s10 =	rddreg [dreg:$0xf];
	[sflag:s12] =	ssyncadd.s32 $0xFFFFC000  }
0x109: {  	[tilespmem:s19], [sflag:$0x1] =	stream.indirect.gather [hbm4b:s4+s18], $0x80, s10, s18, $0xb8;
	[tilespmem:$0x1D000] =	vst v63  }
0x10a: {  	_ =	swait.ge [sflag:s22], $0x4000  }
0x10b: {  	[sflag:s22] =	ssyncset.done $0x0  }
0x10c: {  	s10 =	rddreg [dreg:$0x10];
	[sflag:s22] =	ssyncadd.s32 $0xFFFFC000  }
0x10d: {  	[spmem:s2] =	stream.indirect.scatter.add.f32 [tilespmem:s20], [sflag:$0x3], $0x80, s10, s18, $0xb8;
	[tilespmem:$0x1D000] =	vst v63  }
0x10e: {  	_ =	swait.ge [sflag:s12], $0x4000  }
0x10f: {  	[sflag:s12] =	ssyncset.done $0x0  }
0x110: {  	[sflag:s12] =	ssyncadd.s32 $0xFFFFC000  }
0x111: {  	[tilespmem:s20], [sflag:$0x2] =	stream.indirect.gather [hbm4b:s4+s18], $0x80, s23, s18, $0xb8;
	[tilespmem:$0x1D000] =	vst v63  }
0x112: {  	_ =	swait.ge [sflag:s21], $0x4000  }
0x113: {  	[sflag:s21] =	ssyncset.done $0x0  }
0x114: {  	[sflag:s21] =	ssyncadd.s32 $0xFFFFC000  }
0x115: {  	[spmem:s2] =	stream.indirect.scatter.add.f32 [tilespmem:s19], [sflag:$0x3], $0x80, s25, s18, $0xb8;
	[tilespmem:$0x1D000] =	vst v63  }
0x116: {  	_ =	swait.ge [sflag:s12], $0x4000  }
0x117: {  	[sflag:s12] =	ssyncset.done $0x0  }
0x118: {  	[sflag:s12] =	ssyncadd.s32 $0xFFFFC000  }
0x119: {  	[tilespmem:s19], [sflag:$0x1] =	stream.indirect.gather [hbm4b:s4+s18], $0x80, s26, s18, $0xb8;
	[tilespmem:$0x1D000] =	vst v63  }
0x11a: {  	_ =	swait.ge [sflag:s22], $0x4000  }
0x11b: {  	[sflag:s22] =	ssyncset.done $0x0  }
0x11c: {  	[sflag:s22] =	ssyncadd.s32 $0xFFFFC000  }
0x11d: {  	[spmem:s2] =	stream.indirect.scatter.add.f32 [tilespmem:s20], [sflag:$0x3], $0x80, s28, s18, $0xb8;
	[tilespmem:$0x1D000] =	vst v63  }
0x11e: {  	_ =	swait.ge [sflag:s12], $0x4000  }
0x11f: {  	[sflag:s12] =	ssyncset.done $0x0  }
0x120: {  	[sflag:s12] =	ssyncadd.s32 $0xFFFFC000  }
0x121: {  	[tilespmem:s20], [sflag:$0x2] =	stream.indirect.gather [hbm4b:s4+s18], $0x80, s29, s18, $0xb8;
	[tilespmem:$0x1D000] =	vst v63  }
0x122: {  	_ =	swait.ge [sflag:s21], $0x4000  }
0x123: {  	[sflag:s21] =	ssyncset.done $0x0  }
0x124: {  	[sflag:s21] =	ssyncadd.s32 $0xFFFFC000  }
0x125: {  	[spmem:s2] =	stream.indirect.scatter.add.f32 [tilespmem:s19], [sflag:$0x3], $0x80, s30, s18, $0xb8;
	[tilespmem:$0x1D000] =	vst v63  }
0x126: {  	_ =	swait.ge [sflag:s12], $0x4000  }
0x127: {  	[sflag:s12] =	ssyncset.done $0x0  }
0x128: {  	[sflag:s12] =	ssyncadd.s32 $0xFFFFC000  }
0x129: {  	[tilespmem:s19], [sflag:$0x1] =	stream.indirect.gather [hbm4b:s4+s18], $0x80, s31, s18, $0xb8;
	[tilespmem:$0x1D000] =	vst v63  }
0x12a: {  	_ =	swait.ge [sflag:s22], $0x4000  }
0x12b: {  	[sflag:s22] =	ssyncset.done $0x0  }
0x12c: {  	[sflag:s22] =	ssyncadd.s32 $0xFFFFC000  }
0x12d: {  	[spmem:s2] =	stream.indirect.scatter.add.f32 [tilespmem:s20], [sflag:$0x3], $0x80, s1, s18, $0xb8;
	[tilespmem:$0x1D000] =	vst v63  }
0x12e: {  	_ =	swait.ge [sflag:s12], $0x4000  }
0x12f: {  	[sflag:s12] =	ssyncset.done $0x0  }
0x130: {  	[sflag:s12] =	ssyncadd.s32 $0xFFFFC000  }
0x131: {  	[tilespmem:s20], [sflag:$0x2] =	stream.indirect.gather [hbm4b:s4+s18], $0x80, s0, s18, $0xb8;
	[tilespmem:$0x1D000] =	vst v63  }
0x132: {  	_ =	swait.ge [sflag:s21], $0x4000  }
0x133: {  	[sflag:s21] =	ssyncset.done $0x0  }
0x134: {  	[sflag:s21] =	ssyncadd.s32 $0xFFFFC000  }
0x135: {  	[spmem:s2] =	stream.indirect.scatter.add.f32 [tilespmem:s19], [sflag:$0x3], $0x80, s8, s18, $0xb8;
	[tilespmem:$0x1D000] =	vst v63  }
0x136: {  	_ =	swait.ge [sflag:s12], $0x4000  }
0x137: {  	[sflag:s12] =	ssyncset.done $0x0  }
0x138: {  	[sflag:s12] =	ssyncadd.s32 $0xFFFFC000  }
0x139: {  	[tilespmem:s19], [sflag:$0x1] =	stream.indirect.gather [hbm4b:s4+s18], $0x80, s13, s18, $0xb8;
	[tilespmem:$0x1D000] =	vst v63  }
0x13a: {  	_ =	swait.ge [sflag:s22], $0x4000  }
0x13b: {  	[sflag:s22] =	ssyncset.done $0x0  }
0x13c: {  	[sflag:s22] =	ssyncadd.s32 $0xFFFFC000  }
0x13d: {  	[spmem:s2] =	stream.indirect.scatter.add.f32 [tilespmem:s20], [sflag:$0x3], $0x80, s14, s18, $0xb8;
	[tilespmem:$0x1D000] =	vst v63  }
0x13e: {  	_ =	swait.ge [sflag:s12], $0x4000  }
0x13f: {  	[sflag:s12] =	ssyncset.done $0x0  }
0x140: {  	[sflag:s12] =	ssyncadd.s32 $0xFFFFC000  }
0x141: {  	[tilespmem:s20], [sflag:$0x2] =	stream.indirect.gather [hbm4b:s4+s18], $0x80, s15, s18, $0xb8;
	[tilespmem:$0x1D000] =	vst v63  }
0x142: {  	_ =	swait.ge [sflag:s21], $0x4000  }
0x143: {  	[sflag:s21] =	ssyncset.done $0x0  }
0x144: {  	[sflag:s21] =	ssyncadd.s32 $0xFFFFC000  }
0x145: {  	[spmem:s2] =	stream.indirect.scatter.add.f32 [tilespmem:s19], [sflag:$0x3], $0x80, s16, s18, $0xb8;
	[tilespmem:$0x1D000] =	vst v63  }
0x146: {  	_ =	swait.ge [sflag:s12], $0x4000  }
0x147: {  	[sflag:s12] =	ssyncset.done $0x0  }
0x148: {  	[sflag:s12] =	ssyncadd.s32 $0xFFFFC000  }
0x149: {  	p0 =	sne.s32 s11, $0x1;
	_ =	swait.ge [sflag:s22], $0x4000  }
.Ltmp1:
0x14a: {  	[sflag:s22] =	ssyncset.done $0x0;
	(pc) =	sbr.rel @p0 .LBB2_2-.Ltmp1, $4  }
0x14b: {  	[sflag:s22] =	ssyncadd.s32 $0xFFFFC000  }
0x14c: {  	[spmem:s2] =	stream.indirect.scatter.add.f32 [tilespmem:s20], [sflag:$0x3], $0x80, s24, s18, $0xb8;
	[tilespmem:$0x1D000] =	vst v63  }
0x14d: {  	_ =	swait.ge [sflag:s12], $0x4000  }
0x14e: {  	s11 =	sadd.s32 $0xFFFFFFFF, s11;
	[sflag:s12] =	ssyncset.done $0x0  }
.LBB2_3:
0x14f: {  	[sflag:s12] =	ssyncadd.s32 $0xFFFFC000  }
0x150: {  	[bflag:$0x0] =	sbarrier.arrive $0xFFFF  }
0x151: {  	s6 =	rddreg [dreg:$0x16]  }
0x152: {  	s9 =	rddreg [dreg:$0x17]  }
0x153: {  	s5 =	rddreg [dreg:$0x1c]  }
0x154: {  	[hbm:s5], [sflag:s6] =	dma.local [spmem:s9], $0x2800  }
0x155: {  	_ =	swait.ge [sflag:s12], $0x2800  }
0x156: {  	s7 =	sadd.s32 $0x1, s7;
	s11 =	rddreg [dreg:$0x13]  }
0x157: {  	p0 =	sne.s32 s7, s11  }
.Ltmp2:
0x158: {  	_ = 	snop;
	(pc) =	sbr.rel @p0 .LBB2_1-.Ltmp2, $3  }
0x159: {  	_ =	sdelay $0x1  }
0x15a: {  	[sflag:s12] =	ssyncset.done $0x0  }
0x15b: {  	[sflag:s12] =	ssyncadd.s32 $0xFFFFD800  }
0x15c: {  	_ =	sfence.sel $0x180000  }
0x15d: {  	[bflag:$0x0] =	sbarrier.arrive $0xFFFF  }
0x15e: {  	_ =	strace $0x90000053  }
0x15f: {  	s0 =	stileid.u32;
	[bflag:$0x2] =	sbarrier.arrive $0xFFFF  }
0x160: {  	p0 =	sne.s32 s0, $0x0;
	s0 =	rddreg [dreg:$0x2]  }
0x161: {  	s0 =	sadd.s32 @!p0 $0x100000, s0  }
0x162: {  	[sflag:s0] =	ssyncadd.tile.s32 @!p0 $0x1;
	_ =	shalt  }
.Lfunc_end2:
_tile_overlayer_lowered:
.L_overlay_start_2:
0x163: {  	(tag) =	ssettag $0x2  }
0x164: {  	s0 =	rddreg [dreg:$0x0];
	s2 =	stileid.u32  }
0x165: {  	s1 =	rddreg [dreg:$0x1];
	p0 =	sne.s32 s2, $0x0  }
0x166: {  	s3 =	rddreg [dreg:$0x2];
	[bflag:$0x3] =	sbarrier.arrive $0xFFFF;
	s2 =	simm.s32 @!p0 $0x1C03  }
0x167: {  	[timem:s3], [sflag:s2] =	dma.local @!p0 [hbm:s0], s1  }
0x168: {  	s0 =	simm.s32 @!p0 $0x3  }
0x169: {  	_ =	swait.ge @!p0 [sflag:s0], s1  }
0x16a: {  	s1 =	ssub.s32 @!p0 $0x0, s1;
	[sflag:s0] =	ssyncset.done @!p0 $0x0  }
0x16b: {  	[sflag:s0] =	ssyncadd.s32 @!p0 s1  }
0x16c: {  	[bflag:$0x3] =	sbarrier.arrive $0xFFFF  }
0x16d: {  	_ =	shalt  }

// kernel: kernel.29.cloned.1.call-start
scs
__scs_entry_jumppad:
0x0: {  	(pc) =	sbr.rel $0x88, $3  }
0x1: {  	(tag) =	ssettag $0x0;
	lr =	simm.s32 $0x1  }
0x2: {  	[smem:$0x3F98] =	sst lr;
	_ =	strace $0xD0000000  }
0x3: {  	_ = 	snop  }
0x4: {  	_ = 	snop  }
0x5: {  	_ = 	snop  }
0x6: {  	_ = 	snop  }
0x7: {  	_ = 	snop  }
__scs_overlays_trampoline_lowered:
0x8: {  	[smem:$0x3FA7] =	sst s0  }
0x9: {  	[smem:$0x3FA8] =	sst s1  }
0xa: {  	[smem:$0x3FA9] =	sst s2  }
0xb: {  	[smem:$0x3FAA] =	sst s3  }
0xc: {  	[smem:$0x3FAB] =	sst s4  }
0xd: {  	[smem:$0x3FAC] =	sst s5  }
0xe: {  	[smem:$0x3FAD] =	sst s6  }
0xf: {  	[smem:$0x3FAE] =	sst s7  }
0x10: {  	[smem:$0x3FAF] =	sst s8  }
0x11: {  	[smem:$0x3FB0] =	sst s9;
	s0 =	simm.s32 @!p0 $0x0  }
0x12: {  	s1 =	sld [smem:$0x3F96];
	s0 =	simm.s32 @p0 $0x1  }
0x13: {  	[smem:$0x3FB1] =	sst s0;
	s0 =	simm.s32 @!p1 $0x0  }
0x14: {  	s2 =	sld [smem:$0x3F95];
	s0 =	simm.s32 @p1 $0x1  }
0x15: {  	[smem:$0x3FB2] =	sst s0;
	s0 =	simm.s32 @!p2 $0x0  }
0x16: {  	s3 =	sld [smem:$0x3FDB];
	s0 =	simm.s32 @p2 $0x1  }
0x17: {  	s4 =	simm.s32 $0x1BF5;
	[smem:$0x3FB4] =	sst s0  }
0x18: {  	s0 =	sld [smem:$0x3F97];
	_ =	swait.ge [sflag:s4], $0x0  }
0x19: {  	s7 =	sld [smem:$0x3F98]  }
0x1a: {  	s8 =	sadd.s32 $0xFFFFE003, lr  }
0x1b: {  	s9 =	sadd.s32 $0xFFFFFEF7, lr;
	s5 =	simm.s32 $0xFFFFFFFF;
	p2 =	slt.u32 s8, $0xFFFFF086  }
0x1c: {  	p1 =	slt.u32 s9, $0xF7A;
	s5 =	simm.s32 @!p2 $0x0  }
0x1d: {  	s5 =	simm.s32 @p1 $0x1;
	p0 =	seq.s32 s7, s2  }
0x1e: {  	s7 =	smul.u32 @!p0 $0xF7A, s2;
	p2 =	seq.s32 @!p0 s5, $0x0  }
0x1f: {  	s9 =	smul.u32 $0xF7A, s1;
	s8 =	simm.s32 @!p0 $0x1BF5;
	p2 =	por !p2, p0  }
0x20: {  	[sflag:s8] =	ssyncset.s32 @!p0 $0xFFFFF086;
	s6 =	sadd.s32 @!p0 s3, s7;
	s7 =	simm.s32 @!p0 $0x108  }
0x21: {  	s3 =	sadd.s32 s3, s9;
	s6 =	sadd.s32 @!p0 $0x88, s6;
	s7 =	simm.s32 @p2 $0x1082  }
0x22: {  	[simem:s7], [sflag:s8] =	dma.local @!p0 [hbm:s6], $0xF7A  }
0x23: {  	s9 =	sor.u32 $0xD0000000, s2;
	s6 =	simm.s32 $0x108;
	_ =	swait.ge @!p0 [sflag:s8], $0x0  }
0x24: {  	s3 =	sadd.s32 $0x88, s3;
	s6 =	simm.s32 @!p1 $0x1082;
	[sflag:s4] =	ssyncset.s32 $0xFFFFF086  }
0x25: {  	[simem:s6], [sflag:s4] =	dma.local [hbm:s3], $0xF7A  }
0x26: {  	[smem:$0x3F98] =	sst s1;
	(tag) =	ssettag s2;
	_ =	strace s9  }
0x27: {  	s1 =	sld [smem:$0x3FA8]  }
0x28: {  	s2 =	sld [smem:$0x3FA9]  }
0x29: {  	s4 =	sld [smem:$0x3FAB]  }
0x2a: {  	p0 =	seq.s32 s5, $0x0;
	s5 =	sld [smem:$0x3FAC]  }
0x2b: {  	s6 =	sld [smem:$0x3FAD]  }
0x2c: {  	s7 =	sld [smem:$0x3FAE]  }
0x2d: {  	s3 =	simm.s32 $0x108;
	s8 =	sld [smem:$0x3FAF]  }
0x2e: {  	s3 =	simm.s32 @!p0 $0x1082;
	s9 =	sld [smem:$0x3FB0]  }
0x2f: {  	lr =	sadd.s32 s0, s3;
	s0 =	sld [smem:$0x3FA7]  }
0x30: {  	s3 =	sld [smem:$0x3FAA]  }
0x31: {  	[smem:$0x3FB3] =	sst s10  }
0x32: {  	s10 =	sld [smem:$0x3FB1];
	_ =	sdelay $0x3  }
0x33: {  	p0 =	seq.s32 s10, $0x1;
	s10 =	sld [smem:$0x3FB3];
	_ =	sdelay $0x3  }
0x34: {  	[smem:$0x3FB3] =	sst s10  }
0x35: {  	s10 =	sld [smem:$0x3FB2];
	_ =	sdelay $0x3  }
0x36: {  	p1 =	seq.s32 s10, $0x1;
	s10 =	sld [smem:$0x3FB3];
	_ =	sdelay $0x3  }
0x37: {  	[smem:$0x3FB3] =	sst s10  }
0x38: {  	s10 =	sld [smem:$0x3FB4]  }
0x39: {  	_ = 	snop;
	(pc) =	sbr.ind lr, $3  }
0x3a: {  	_ = 	snop  }
0x3b: {  	_ = 	snop  }
0x3c: {  	p2 =	seq.s32 s10, $0x1;
	s10 =	sld [smem:$0x3FB3]  }
0x3d: {  	_ =	shalt  }
0x3e: {  	_ =	shalt  }
0x3f: {  	_ =	shalt  }
0x40: {  	_ =	shalt  }
0x41: {  	_ =	shalt  }
0x42: {  	_ =	shalt  }
0x43: {  	_ =	shalt  }
0x44: {  	_ =	shalt  }
0x45: {  	_ =	shalt  }
0x46: {  	_ =	shalt  }
0x47: {  	_ =	shalt  }
0x48: {  	_ =	shalt  }
0x49: {  	_ =	shalt  }
0x4a: {  	_ =	shalt  }
0x4b: {  	_ =	shalt  }
0x4c: {  	_ =	shalt  }
0x4d: {  	_ =	shalt  }
0x4e: {  	_ =	shalt  }
0x4f: {  	_ =	shalt  }
0x50: {  	_ =	shalt  }
0x51: {  	_ =	shalt  }
0x52: {  	_ =	shalt  }
0x53: {  	_ =	shalt  }
0x54: {  	_ =	shalt  }
0x55: {  	_ =	shalt  }
0x56: {  	_ =	shalt  }
0x57: {  	_ =	shalt  }
0x58: {  	_ =	shalt  }
0x59: {  	_ =	shalt  }
0x5a: {  	_ =	shalt  }
0x5b: {  	_ =	shalt  }
0x5c: {  	_ =	shalt  }
0x5d: {  	_ =	shalt  }
0x5e: {  	_ =	shalt  }
0x5f: {  	_ =	shalt  }
0x60: {  	_ =	shalt  }
0x61: {  	_ =	shalt  }
0x62: {  	_ =	shalt  }
0x63: {  	_ =	shalt  }
0x64: {  	_ =	shalt  }
0x65: {  	_ =	shalt  }
0x66: {  	_ =	shalt  }
0x67: {  	_ =	shalt  }
0x68: {  	_ =	shalt  }
0x69: {  	_ =	shalt  }
0x6a: {  	_ =	shalt  }
0x6b: {  	_ =	shalt  }
0x6c: {  	_ =	shalt  }
0x6d: {  	_ =	shalt  }
0x6e: {  	_ =	shalt  }
0x6f: {  	_ =	shalt  }
0x70: {  	_ =	shalt  }
0x71: {  	_ =	shalt  }
0x72: {  	_ =	shalt  }
0x73: {  	_ =	shalt  }
0x74: {  	_ =	shalt  }
0x75: {  	_ =	shalt  }
0x76: {  	_ =	shalt  }
0x77: {  	_ =	shalt  }
0x78: {  	_ =	shalt  }
0x79: {  	_ =	shalt  }
0x7a: {  	_ =	shalt  }
0x7b: {  	_ =	shalt  }
0x7c: {  	_ =	shalt  }
0x7d: {  	_ =	shalt  }
0x7e: {  	_ =	shalt  }
0x7f: {  	_ =	shalt  }
0x80: {  	_ =	shalt  }
0x81: {  	_ =	shalt  }
0x82: {  	_ =	shalt  }
0x83: {  	_ =	shalt  }
0x84: {  	_ =	shalt  }
0x85: {  	_ =	shalt  }
0x86: {  	_ =	shalt  }
0x87: {  	_ =	shalt  }
.Lfunc_end0:
.L_simem_size_0:
called_computation.5_lowered:
.L_overlay_start_0:
0x88: {  	s2 =	sld [smem:$0x3FD9]  }
0x89: {  	s3 =	sld [smem:$0x3FFE];
	_ =	sdelay $0x1  }
0x8a: {  	s1 =	srdreg.scid  }
0x8b: {  	s0 =	sand.u32 $0x1, s1  }
0x8c: {  	s16 =	sshll.u32 s0, $0xA;
	s2 =	sadd.s32 s3, s2  }
0x8d: {  	s2 =	sadd.s32 s2, s16  }
0x8e: {  	[smem:$0x3FBF] =	sst s2  }
0x8f: {  	_ = 	snop  }
0x90: {  	(tm) =	ssettm $0x1  }
0x91: {  	s17 =	sld [smem:$0x3FFB];
	_ =	sdelay $0x3  }
0x92: {  	_ =	strace s17  }
0x93: {  	s2 =	sld [smem:$0x3FFC];
	_ =	sdelay $0x3  }
0x94: {  	_ =	strace s2  }
0x95: {  	s2 =	sld [smem:$0x3FFD];
	_ =	sdelay $0x3  }
0x96: {  	_ =	strace s2  }
0x97: {  	_ =	strace $0x8FFFFFFF  }
0x98: {  	s18 =	sld [smem:$0x3FDB];
	_ =	sdelay $0x1  }
0x99: {  	s19 =	simm.s32 $_scs_section_size  }
0x9a: {  	s4 =	simm.s32 $_size__tile_overlayer_lowered;
	s5 =	simm.s32 $_tile_overlayer_lowered  }
0x9b: {  	s22 =	simm.s32 $0x1BFF;
	s21 =	sshll.u32 s5, $0x1;
	s2 =	sadd.s32 s19, s18  }
0x9c: {  	s6 =	simm.s32 $0x0;
	s20 =	sshll.u32 s4, $0x1;
	s4 =	sadd.s32 s21, s2  }
0x9d: {  	[timem:s6], [sflag:s22] =	dma.local [hbm:s4], s20  }
0x9e: {  	_ =	swait.ge [sflag:s22], s20  }
0x9f: {  	s3 =	ssub.s32 $0x0, s20;
	[sflag:s22] =	ssyncset.done $0x0  }
0xa0: {  	[sflag:s22] =	ssyncadd.s32 s3;
	_ =	sdelay $0x1  }
0xa1: {  	s23 =	simm.s32 $0x1B8B  }
0xa2: {  	_ =	swait.ge [sflag:s23], $0x1  }
0xa3: {  	[sflag:s23] =	ssyncset.done $0x0  }
0xa4: {  	s25 =	simm.s32 $0x1B8E;
	s24 =	sld [smem:$0x3FFE];
	[sflag:s23] =	ssyncadd.s32 $0xFFFFFFFF  }
0xa5: {  	s26 =	simm.s32 $execute0_lowered;
	[smem:$0x3FD2] =	sst s25  }
0xa6: {  	s4 =	sshll.u32 s26, $0x1;
	_ =	strace $0x80000055;
	[dreg:$0x1] =	wrdreg $0xFFFFFFFF  }
0xa7: {  	s28 =	simm.s32 $_size_execute0_lowered;
	s2 =	sadd.s32 s2, s4;
	[dreg:$0x0] =	wrdreg $0x0  }
0xa8: {  	s4 =	sshll.u32 s28, $0x1;
	[dreg:$0x2] =	wrdreg s2  }
0xa9: {  	[dreg:$0x3] =	wrdreg s4  }
0xaa: {  	[dreg:$0x4] =	wrdreg $0xC0  }
0xab: {  	_ =	task [dreg:s6], $0x5FFFF  }
0xac: {  	[dreg:$0x1] =	wrdreg $0xFFFFFFFF  }
0xad: {  	[dreg:$0x0] =	wrdreg $0x60  }
0xae: {  	[dreg:$0x2] =	wrdreg s24  }
0xaf: {  	[dreg:$0x3] =	wrdreg $0x90000  }
0xb0: {  	[dreg:$0x4] =	wrdreg $0x9  }
0xb1: {  	_ =	task.clear_ibuf [dreg:s6], $0x5FFFF;
	_ =	strace $0x90000055  }
0xb2: {  	s29 =	simm.s32 $0x9;
	_ =	strace $0x80000057  }
0xb3: {  	_ =	swait.ge [sflag:s29], $0x1  }
0xb4: {  	[sflag:s29] =	ssyncadd.s32 $0xFFFFFFFF  }
0xb5: {  	_ =	strace $0x90000057  }
0xb6: {  	_ =	sfence  }
0xb7: {  	s30 =	sld [smem:$0x0];
	_ =	sdelay $0x2  }
0xb8: {  	s31 =	sshll.u32 s1, $0xD;
	s1 =	sshrl.u32 s1, $0x2  }
0xb9: {  	s3 =	sand.u32 $0x4000, s31;
	s1 =	sadd.s32 s1, s30  }
0xba: {  	s0 =	sor.u32 s3, s0;
	s1 =	sshll.u32 s1, $0x11  }
0xbb: {  	s0 =	sor.u32 s1, s0  }
0xbc: {  	s0 =	sadd.s32 $0x8F2B, s0  }
0xbd: {  	[sflag:s0] =	ssyncadd.remote.s32 $0x1  }
0xbe: {  	_ =	sfence.sel $0xFFFF  }
0xbf: {  	[dreg:$0x0] =	wrdreg $0xFFFFFFFF;
	(pc) =	sbr.abs _section_cstart, $3  }
0xc0: {  	[dreg:$0x1] =	wrdreg $0xFFFFFFFF  }
0xc1: {  	_ =	task.clear_ibuf [dreg:s6], $0x2FFFF;
	_ =	strace $0x9FFFFFFF  }
0xc2: {  	(tm) =	ssettm $0x7FFFFFFF  }
0xc3: {  	_ =	shalt  }
tec
execute0_lowered:
.L_overlay_start_1:
0x0: {  	(tag) =	ssettag $0x1  }
0x1: {  	s0 =	srdreg.scid;
	s1 =	simm.s32 $0x90;
	s6 =	rddreg [dreg:$0x0]  }
0x2: {  	s12 =	stileid.u32;
	s2 =	rddreg [dreg:$0x1];
	s3 =	simm.s32 $0x0  }
0x3: {  	s22 =	simm.s32 $0x100;
	s24 =	simm.s32 $0x880;
	s25 =	simm.s32 $0x180  }
0x4: {  	s26 =	simm.s32 $0x900;
	s15 =	simm.s32 $0x980;
	s28 =	simm.s32 $0xC80  }
0x5: {  	s29 =	simm.s32 $0x580;
	[smem:$0x7FF] =	sst s3;
	s16 =	sadd.s32 $0x2A800, s6  }
0x6: {  	s30 =	simm.s32 $0xD00;
	_ =	strace $0x80000056;
	[dreg:$0x11] =	wrdreg s16  }
0x7: {  	s31 =	simm.s32 $0x600;
	s0 =	sand.u32 $0x1, s0;
	[dreg:$0x3] =	wrdreg s22  }
0x8: {  	s8 =	smul.u32 $0x50000, s12;
	s19 =	sshll.u32 s12, $0x6;
	[dreg:$0x4] =	wrdreg s24  }
0x9: {  	p0 =	seq.s32 s0, $0x0;
	s5 =	smul.u32 $0x48000, s0;
	[dreg:$0x5] =	wrdreg s25  }
0xa: {  	s7 =	smul.u32 $0x28000, s0;
	s0 =	ssub.s32 $0x2, s0;
	[dreg:$0x6] =	wrdreg s26  }
0xb: {  	[dreg:$0x8] =	wrdreg s15;
	s22 =	simm.s32 $0x380;
	s24 =	simm.s32 $0x400  }
0xc: {  	s25 =	simm.s32 $0xB80;
	s15 =	simm.s32 $0x780;
	[dreg:$0xd] =	wrdreg s22  }
0xd: {  	s1 =	simm.s32 @!p0 $0x10;
	s17 =	sshrl.u32 s8, $0x2;
	[dreg:$0xf] =	wrdreg s24  }
0xe: {  	s18 =	sshrl.u32 s0, $0x1;
	s22 =	simm.s32 $0x2;
	[dreg:$0x10] =	wrdreg s25  }
0xf: {  	s25 =	simm.s32 $0xC00;
	s24 =	simm.s32 $0xF80;
	s4 =	smul.u32 s1, s12  }
0x10: {  	s7 =	sadd.s32 s7, s6;
	s10 =	sadd.s32 s17, s2;
	s0 =	ssub.s32 s0, s18  }
0x11: {  	s1 =	sshrl.u32 s1, $0x4;
	s17 =	simm.s32 $0x280;
	s20 =	sadd.s32 $0x4000, s10  }
0x12: {  	s11 =	sadd.s32 $0x8000, s10;
	s13 =	sadd.s32 $0xC000, s10;
	s14 =	sadd.s32 $0x10000, s10  }
0x13: {  	[dreg:$0x12] =	wrdreg s1;
	s1 =	sadd.s32 $0x3FC00, s7;
	s7 =	smul.u32 $0x2800, s12  }
0x14: {  	s0 =	smax.u32 s0, $0x1;
	s12 =	simm.s32 $0x3;
	[dreg:$0x9] =	wrdreg s17  }
0x15: {  	s17 =	simm.s32 $0x800;
	[dreg:$0x13] =	wrdreg s0;
	s8 =	sshrl.u32 s20, $0x3  }
0x16: {  	s4 =	sshll.u32 s4, $0x7;
	s11 =	sshrl.u32 s11, $0x3;
	[dreg:$0x18] =	wrdreg s8  }
0x17: {  	s16 =	sshrl.u32 s13, $0x3;
	s18 =	sshrl.u32 s14, $0x3;
	[dreg:$0x19] =	wrdreg s11  }
0x18: {  	s20 =	simm.s32 $0x300;
	s0 =	simm.s32 $0x680;
	[dreg:$0x1a] =	wrdreg s16  }
0x19: {  	s13 =	simm.s32 $0x700;
	s14 =	simm.s32 $0xE80;
	[dreg:$0x1b] =	wrdreg s18  }
0x1a: {  	s4 =	sadd.s32 s5, s4;
	[dreg:$0xb] =	wrdreg s20;
	s26 =	sadd.s32 s7, s1  }
0x1b: {  	s5 =	sshrl.u32 s4, $0x3;
	s4 =	sadd.s32 $0x3600, s6;
	[dreg:$0x1c] =	wrdreg s26  }
0x1c: {  	s9 =	sadd.s32 s5, s6;
	s6 =	sor.u32 $0x1C03, s19;
	s19 =	simm.s32 $0xA00  }
0x1d: {  	s18 =	simm.s32 $0x80;
	s20 =	simm.s32 $0x5000;
	[dreg:$0xa] =	wrdreg s19  }
0x1e: {  	s1 =	simm.s32 $0xD80;
	s21 =	sadd.s32 $0x2BC00, s9;
	[dreg:$0x16] =	wrdreg s6  }
0x1f: {  	s8 =	simm.s32 $0xE00;
	s23 =	sadd.s32 $0x35C00, s9;
	[dreg:$0x14] =	wrdreg s21  }
0x20: {  	s9 =	sshrl.u32 s10, $0x3;
	s10 =	simm.s32 $0x200;
	[dreg:$0x15] =	wrdreg s23  }
0x21: {  	s16 =	simm.s32 $0xF00;
	s7 =	simm.s32 $0x0;
	[dreg:$0x7] =	wrdreg s10  }
0x22: {  	s26 =	simm.s32 $0x500;
	s21 =	simm.s32 $0xA80;
	[dreg:$0x17] =	wrdreg s9  }
0x23: {  	s19 =	simm.s32 $0x1000;
	s23 =	simm.s32 $0xB00;
	[dreg:$0xc] =	wrdreg s21  }
0x24: {  	s21 =	simm.s32 $0x1;
	[dreg:$0xe] =	wrdreg s23;
	s23 =	simm.s32 $0x480  }
.LBB2_1:
0x25: {  	s5 =	rddreg [dreg:$0x11]  }
0x26: {  	[spmem:s9], [sflag:s6] =	dma.local [hbm:s5], $0x800  }
0x27: {  	_ =	swait.ge [sflag:s12], $0x800  }
0x28: {  	[sflag:s12] =	ssyncset.done $0x0  }
0x29: {  	s11 =	rddreg [dreg:$0x18];
	[sflag:s12] =	ssyncadd.s32 $0xFFFFF800  }
0x2a: {  	[spmem:s11], [sflag:s6] =	dma.local [hbm:s5], $0x800  }
0x2b: {  	_ =	swait.ge [sflag:s12], $0x800  }
0x2c: {  	[sflag:s12] =	ssyncset.done $0x0  }
0x2d: {  	s10 =	rddreg [dreg:$0x19];
	[sflag:s12] =	ssyncadd.s32 $0xFFFFF800  }
0x2e: {  	[spmem:s10], [sflag:s6] =	dma.local [hbm:s5], $0x800  }
0x2f: {  	_ =	swait.ge [sflag:s12], $0x800  }
0x30: {  	[sflag:s12] =	ssyncset.done $0x0  }
0x31: {  	s11 =	rddreg [dreg:$0x1a];
	[sflag:s12] =	ssyncadd.s32 $0xFFFFF800  }
0x32: {  	[spmem:s11], [sflag:s6] =	dma.local [hbm:s5], $0x800  }
0x33: {  	_ =	swait.ge [sflag:s12], $0x800  }
0x34: {  	[sflag:s12] =	ssyncset.done $0x0  }
0x35: {  	s10 =	rddreg [dreg:$0x1b];
	[sflag:s12] =	ssyncadd.s32 $0xFFFFF800  }
0x36: {  	[spmem:s10], [sflag:s6] =	dma.local [hbm:s5], $0x800  }
0x37: {  	_ =	swait.ge [sflag:s12], $0x800  }
0x38: {  	[sflag:s12] =	ssyncset.done $0x0  }
0x39: {  	[sflag:s12] =	ssyncadd.s32 $0xFFFFF800  }
0x3a: {  	[bflag:$0x0] =	sbarrier.arrive $0xFFFF  }
0x3b: {  	s6 =	rddreg [dreg:$0x15]  }
0x3c: {  	[tilespmem:s3], [sflag:$0x3] =	stream.linear.gather [hbm4b:s6+s3], $0x800, $0x38;
	[tilespmem:$0x1D000] =	vst v63  }
0x3d: {  	_ =	swait.ge [sflag:s12], $0x800  }
0x3e: {  	[sflag:s12] =	ssyncset.done $0x0  }
0x3f: {  	s10 =	rddreg [dreg:$0x14];
	[sflag:s12] =	ssyncadd.s32 $0xFFFFF800  }
0x40: {  	[tilespmem:s17], [sflag:$0x3] =	stream.linear.gather [hbm4b:s10+s3], $0x800, $0x38;
	[tilespmem:$0x1D000] =	vst v63  }
0x41: {  	_ =	swait.ge [sflag:s12], $0x800  }
0x42: {  	[sflag:s12] =	ssyncset.done $0x0  }
0x43: {  	[sflag:s12] =	ssyncadd.s32 $0xFFFFF800  }
0x44: {  	[tilespmem:s19], [sflag:$0x1] =	stream.indirect.gather [hbm4b:s4+s18], $0x80, s3, s18, $0xb8;
	[tilespmem:$0x1D000] =	vst v63  }
0x45: {  	_ = 	snop  }
0x46: {  	[tilespmem:s20], [sflag:$0x2] =	stream.indirect.gather [hbm4b:s4+s18], $0x80, s18, s18, $0xb8;
	[tilespmem:$0x1D000] =	vst v63  }
0x47: {  	_ =	swait.ge [sflag:s21], $0x4000  }
0x48: {  	[sflag:s21] =	ssyncset.done $0x0  }
0x49: {  	[sflag:s21] =	ssyncadd.s32 $0xFFFFC000  }
0x4a: {  	[spmem:s2] =	stream.indirect.scatter.add.f32 [tilespmem:s19], [sflag:$0x3], $0x80, s17, s18, $0xb8;
	[tilespmem:$0x1D000] =	vst v63  }
0x4b: {  	_ =	swait.ge [sflag:s12], $0x4000  }
0x4c: {  	[sflag:s12] =	ssyncset.done $0x0  }
0x4d: {  	s11 =	rddreg [dreg:$0x3];
	[sflag:s12] =	ssyncadd.s32 $0xFFFFC000  }
0x4e: {  	[tilespmem:s19], [sflag:$0x1] =	stream.indirect.gather [hbm4b:s4+s18], $0x80, s11, s18, $0xb8;
	[tilespmem:$0x1D000] =	vst v63  }
0x4f: {  	_ =	swait.ge [sflag:s22], $0x4000  }
0x50: {  	[sflag:s22] =	ssyncset.done $0x0  }
0x51: {  	s5 =	rddreg [dreg:$0x4];
	[sflag:s22] =	ssyncadd.s32 $0xFFFFC000  }
0x52: {  	[spmem:s2] =	stream.indirect.scatter.add.f32 [tilespmem:s20], [sflag:$0x3], $0x80, s5, s18, $0xb8;
	[tilespmem:$0x1D000] =	vst v63  }
0x53: {  	_ =	swait.ge [sflag:s12], $0x4000  }
0x54: {  	[sflag:s12] =	ssyncset.done $0x0  }
0x55: {  	s11 =	rddreg [dreg:$0x5];
	[sflag:s12] =	ssyncadd.s32 $0xFFFFC000  }
0x56: {  	[tilespmem:s20], [sflag:$0x2] =	stream.indirect.gather [hbm4b:s4+s18], $0x80, s11, s18, $0xb8;
	[tilespmem:$0x1D000] =	vst v63  }
0x57: {  	_ =	swait.ge [sflag:s21], $0x4000  }
0x58: {  	[sflag:s21] =	ssyncset.done $0x0  }
0x59: {  	s5 =	rddreg [dreg:$0x6];
	[sflag:s21] =	ssyncadd.s32 $0xFFFFC000  }
0x5a: {  	[spmem:s2] =	stream.indirect.scatter.add.f32 [tilespmem:s19], [sflag:$0x3], $0x80, s5, s18, $0xb8;
	[tilespmem:$0x1D000] =	vst v63  }
0x5b: {  	_ =	swait.ge [sflag:s12], $0x4000  }
0x5c: {  	[sflag:s12] =	ssyncset.done $0x0  }
0x5d: {  	s11 =	rddreg [dreg:$0x7];
	[sflag:s12] =	ssyncadd.s32 $0xFFFFC000  }
0x5e: {  	[tilespmem:s19], [sflag:$0x1] =	stream.indirect.gather [hbm4b:s4+s18], $0x80, s11, s18, $0xb8;
	[tilespmem:$0x1D000] =	vst v63  }
0x5f: {  	_ =	swait.ge [sflag:s22], $0x4000  }
0x60: {  	[sflag:s22] =	ssyncset.done $0x0  }
0x61: {  	s5 =	rddreg [dreg:$0x8];
	[sflag:s22] =	ssyncadd.s32 $0xFFFFC000  }
0x62: {  	[spmem:s2] =	stream.indirect.scatter.add.f32 [tilespmem:s20], [sflag:$0x3], $0x80, s5, s18, $0xb8;
	[tilespmem:$0x1D000] =	vst v63  }
0x63: {  	_ =	swait.ge [sflag:s12], $0x4000  }
0x64: {  	[sflag:s12] =	ssyncset.done $0x0  }
0x65: {  	s11 =	rddreg [dreg:$0x9];
	[sflag:s12] =	ssyncadd.s32 $0xFFFFC000  }
0x66: {  	[tilespmem:s20], [sflag:$0x2] =	stream.indirect.gather [hbm4b:s4+s18], $0x80, s11, s18, $0xb8;
	[tilespmem:$0x1D000] =	vst v63  }
0x67: {  	_ =	swait.ge [sflag:s21], $0x4000  }
0x68: {  	[sflag:s21] =	ssyncset.done $0x0  }
0x69: {  	s5 =	rddreg [dreg:$0xa];
	[sflag:s21] =	ssyncadd.s32 $0xFFFFC000  }
0x6a: {  	[spmem:s2] =	stream.indirect.scatter.add.f32 [tilespmem:s19], [sflag:$0x3], $0x80, s5, s18, $0xb8;
	[tilespmem:$0x1D000] =	vst v63  }
0x6b: {  	_ =	swait.ge [sflag:s12], $0x4000  }
0x6c: {  	[sflag:s12] =	ssyncset.done $0x0  }
0x6d: {  	s11 =	rddreg [dreg:$0xb];
	[sflag:s12] =	ssyncadd.s32 $0xFFFFC000  }
0x6e: {  	[tilespmem:s19], [sflag:$0x1] =	stream.indirect.gather [hbm4b:s4+s18], $0x80, s11, s18, $0xb8;
	[tilespmem:$0x1D000] =	vst v63  }
0x6f: {  	_ =	swait.ge [sflag:s22], $0x4000  }
0x70: {  	[sflag:s22] =	ssyncset.done $0x0  }
0x71: {  	s5 =	rddreg [dreg:$0xc];
	[sflag:s22] =	ssyncadd.s32 $0xFFFFC000  }
0x72: {  	[spmem:s2] =	stream.indirect.scatter.add.f32 [tilespmem:s20], [sflag:$0x3], $0x80, s5, s18, $0xb8;
	[tilespmem:$0x1D000] =	vst v63  }
0x73: {  	_ =	swait.ge [sflag:s12], $0x4000  }
0x74: {  	[sflag:s12] =	ssyncset.done $0x0  }
0x75: {  	s11 =	rddreg [dreg:$0xd];
	[sflag:s12] =	ssyncadd.s32 $0xFFFFC000  }
0x76: {  	[tilespmem:s20], [sflag:$0x2] =	stream.indirect.gather [hbm4b:s4+s18], $0x80, s11, s18, $0xb8;
	[tilespmem:$0x1D000] =	vst v63  }
0x77: {  	_ =	swait.ge [sflag:s21], $0x4000  }
0x78: {  	[sflag:s21] =	ssyncset.done $0x0  }
0x79: {  	s5 =	rddreg [dreg:$0xe];
	[sflag:s21] =	ssyncadd.s32 $0xFFFFC000  }
0x7a: {  	[spmem:s2] =	stream.indirect.scatter.add.f32 [tilespmem:s19], [sflag:$0x3], $0x80, s5, s18, $0xb8;
	[tilespmem:$0x1D000] =	vst v63  }
0x7b: {  	_ =	swait.ge [sflag:s12], $0x4000  }
0x7c: {  	[sflag:s12] =	ssyncset.done $0x0  }
0x7d: {  	s11 =	rddreg [dreg:$0xf];
	[sflag:s12] =	ssyncadd.s32 $0xFFFFC000  }
0x7e: {  	[tilespmem:s19], [sflag:$0x1] =	stream.indirect.gather [hbm4b:s4+s18], $0x80, s11, s18, $0xb8;
	[tilespmem:$0x1D000] =	vst v63  }
0x7f: {  	_ =	swait.ge [sflag:s22], $0x4000  }
0x80: {  	[sflag:s22] =	ssyncset.done $0x0  }
0x81: {  	s5 =	rddreg [dreg:$0x10];
	[sflag:s22] =	ssyncadd.s32 $0xFFFFC000  }
0x82: {  	[spmem:s2] =	stream.indirect.scatter.add.f32 [tilespmem:s20], [sflag:$0x3], $0x80, s5, s18, $0xb8;
	[tilespmem:$0x1D000] =	vst v63  }
0x83: {  	_ =	swait.ge [sflag:s12], $0x4000  }
0x84: {  	[sflag:s12] =	ssyncset.done $0x0  }
0x85: {  	[sflag:s12] =	ssyncadd.s32 $0xFFFFC000  }
0x86: {  	[tilespmem:s20], [sflag:$0x2] =	stream.indirect.gather [hbm4b:s4+s18], $0x80, s23, s18, $0xb8;
	[tilespmem:$0x1D000] =	vst v63  }
0x87: {  	_ =	swait.ge [sflag:s21], $0x4000  }
0x88: {  	[sflag:s21] =	ssyncset.done $0x0  }
0x89: {  	[sflag:s21] =	ssyncadd.s32 $0xFFFFC000  }
0x8a: {  	[spmem:s2] =	stream.indirect.scatter.add.f32 [tilespmem:s19], [sflag:$0x3], $0x80, s25, s18, $0xb8;
	[tilespmem:$0x1D000] =	vst v63  }
0x8b: {  	_ =	swait.ge [sflag:s12], $0x4000  }
0x8c: {  	[sflag:s12] =	ssyncset.done $0x0  }
0x8d: {  	[sflag:s12] =	ssyncadd.s32 $0xFFFFC000  }
0x8e: {  	[tilespmem:s19], [sflag:$0x1] =	stream.indirect.gather [hbm4b:s4+s18], $0x80, s26, s18, $0xb8;
	[tilespmem:$0x1D000] =	vst v63  }
0x8f: {  	_ =	swait.ge [sflag:s22], $0x4000  }
0x90: {  	[sflag:s22] =	ssyncset.done $0x0  }
0x91: {  	[sflag:s22] =	ssyncadd.s32 $0xFFFFC000  }
0x92: {  	[spmem:s2] =	stream.indirect.scatter.add.f32 [tilespmem:s20], [sflag:$0x3], $0x80, s28, s18, $0xb8;
	[tilespmem:$0x1D000] =	vst v63  }
0x93: {  	_ =	swait.ge [sflag:s12], $0x4000  }
0x94: {  	[sflag:s12] =	ssyncset.done $0x0  }
0x95: {  	[sflag:s12] =	ssyncadd.s32 $0xFFFFC000  }
0x96: {  	[tilespmem:s20], [sflag:$0x2] =	stream.indirect.gather [hbm4b:s4+s18], $0x80, s29, s18, $0xb8;
	[tilespmem:$0x1D000] =	vst v63  }
0x97: {  	_ =	swait.ge [sflag:s21], $0x4000  }
0x98: {  	[sflag:s21] =	ssyncset.done $0x0  }
0x99: {  	[sflag:s21] =	ssyncadd.s32 $0xFFFFC000  }
0x9a: {  	[spmem:s2] =	stream.indirect.scatter.add.f32 [tilespmem:s19], [sflag:$0x3], $0x80, s30, s18, $0xb8;
	[tilespmem:$0x1D000] =	vst v63  }
0x9b: {  	_ =	swait.ge [sflag:s12], $0x4000  }
0x9c: {  	[sflag:s12] =	ssyncset.done $0x0  }
0x9d: {  	[sflag:s12] =	ssyncadd.s32 $0xFFFFC000  }
0x9e: {  	[tilespmem:s19], [sflag:$0x1] =	stream.indirect.gather [hbm4b:s4+s18], $0x80, s31, s18, $0xb8;
	[tilespmem:$0x1D000] =	vst v63  }
0x9f: {  	_ =	swait.ge [sflag:s22], $0x4000  }
0xa0: {  	[sflag:s22] =	ssyncset.done $0x0  }
0xa1: {  	[sflag:s22] =	ssyncadd.s32 $0xFFFFC000  }
0xa2: {  	[spmem:s2] =	stream.indirect.scatter.add.f32 [tilespmem:s20], [sflag:$0x3], $0x80, s1, s18, $0xb8;
	[tilespmem:$0x1D000] =	vst v63  }
0xa3: {  	_ =	swait.ge [sflag:s12], $0x4000  }
0xa4: {  	[sflag:s12] =	ssyncset.done $0x0  }
0xa5: {  	[sflag:s12] =	ssyncadd.s32 $0xFFFFC000  }
0xa6: {  	[tilespmem:s20], [sflag:$0x2] =	stream.indirect.gather [hbm4b:s4+s18], $0x80, s0, s18, $0xb8;
	[tilespmem:$0x1D000] =	vst v63  }
0xa7: {  	_ =	swait.ge [sflag:s21], $0x4000  }
0xa8: {  	[sflag:s21] =	ssyncset.done $0x0  }
0xa9: {  	[sflag:s21] =	ssyncadd.s32 $0xFFFFC000  }
0xaa: {  	[spmem:s2] =	stream.indirect.scatter.add.f32 [tilespmem:s19], [sflag:$0x3], $0x80, s8, s18, $0xb8;
	[tilespmem:$0x1D000] =	vst v63  }
0xab: {  	_ =	swait.ge [sflag:s12], $0x4000  }
0xac: {  	[sflag:s12] =	ssyncset.done $0x0  }
0xad: {  	[sflag:s12] =	ssyncadd.s32 $0xFFFFC000  }
0xae: {  	[tilespmem:s19], [sflag:$0x1] =	stream.indirect.gather [hbm4b:s4+s18], $0x80, s13, s18, $0xb8;
	[tilespmem:$0x1D000] =	vst v63  }
0xaf: {  	_ =	swait.ge [sflag:s22], $0x4000  }
0xb0: {  	[sflag:s22] =	ssyncset.done $0x0  }
0xb1: {  	[sflag:s22] =	ssyncadd.s32 $0xFFFFC000  }
0xb2: {  	[spmem:s2] =	stream.indirect.scatter.add.f32 [tilespmem:s20], [sflag:$0x3], $0x80, s14, s18, $0xb8;
	[tilespmem:$0x1D000] =	vst v63  }
0xb3: {  	_ =	swait.ge [sflag:s12], $0x4000  }
0xb4: {  	[sflag:s12] =	ssyncset.done $0x0  }
0xb5: {  	[sflag:s12] =	ssyncadd.s32 $0xFFFFC000  }
0xb6: {  	[tilespmem:s20], [sflag:$0x2] =	stream.indirect.gather [hbm4b:s4+s18], $0x80, s15, s18, $0xb8;
	[tilespmem:$0x1D000] =	vst v63  }
0xb7: {  	_ =	swait.ge [sflag:s21], $0x4000  }
0xb8: {  	[sflag:s21] =	ssyncset.done $0x0  }
0xb9: {  	[sflag:s21] =	ssyncadd.s32 $0xFFFFC000  }
0xba: {  	[spmem:s2] =	stream.indirect.scatter.add.f32 [tilespmem:s19], [sflag:$0x3], $0x80, s16, s18, $0xb8;
	[tilespmem:$0x1D000] =	vst v63  }
0xbb: {  	_ =	swait.ge [sflag:s12], $0x4000  }
0xbc: {  	[sflag:s12] =	ssyncset.done $0x0  }
0xbd: {  	[sflag:s12] =	ssyncadd.s32 $0xFFFFC000  }
0xbe: {  	_ =	swait.ge [sflag:s22], $0x4000  }
0xbf: {  	s11 =	rddreg [dreg:$0x12]  }
0xc0: {  	p0 =	sne.s32 s11, $0x1  }
.Ltmp0:
0xc1: {  	[sflag:s22] =	ssyncset.done $0x0;
	(pc) =	sbr.rel @!p0 .LBB2_3-.Ltmp0, $4  }
0xc2: {  	[sflag:s22] =	ssyncadd.s32 $0xFFFFC000  }
0xc3: {  	[spmem:s2] =	stream.indirect.scatter.add.f32 [tilespmem:s20], [sflag:$0x3], $0x80, s24, s18, $0xb8;
	[tilespmem:$0x1D000] =	vst v63  }
0xc4: {  	_ =	swait.ge [sflag:s12], $0x4000  }
0xc5: {  	s9 =	smov.u32 s10;
	s11 =	sadd.s32 $0xFFFFFFFF, s11;
	[sflag:s12] =	ssyncset.done $0x0  }
.LBB2_2:
0xc6: {  	[sflag:s12] =	ssyncadd.s32 $0xFFFFC000;
	s6 =	sadd.s32 $0x100, s6  }
0xc7: {  	[tilespmem:s3], [sflag:$0x3] =	stream.linear.gather [hbm4b:s6+s3], $0x800, $0x38;
	[tilespmem:$0x1D000] =	vst v63  }
0xc8: {  	_ =	swait.ge [sflag:s12], $0x800  }
0xc9: {  	[sflag:s12] =	ssyncset.done $0x0  }
0xca: {  	s9 =	sadd.s32 $0x100, s9;
	[sflag:s12] =	ssyncadd.s32 $0xFFFFF800  }
0xcb: {  	[tilespmem:s17], [sflag:$0x3] =	stream.linear.gather [hbm4b:s9+s3], $0x800, $0x38;
	[tilespmem:$0x1D000] =	vst v63  }
0xcc: {  	_ =	swait.ge [sflag:s12], $0x800  }
0xcd: {  	[sflag:s12] =	ssyncset.done $0x0  }
0xce: {  	[sflag:s12] =	ssyncadd.s32 $0xFFFFF800  }
0xcf: {  	[tilespmem:s19], [sflag:$0x1] =	stream.indirect.gather [hbm4b:s4+s18], $0x80, s3, s18, $0xb8;
	[tilespmem:$0x1D000] =	vst v63  }
0xd0: {  	_ = 	snop  }
0xd1: {  	[tilespmem:s20], [sflag:$0x2] =	stream.indirect.gather [hbm4b:s4+s18], $0x80, s18, s18, $0xb8;
	[tilespmem:$0x1D000] =	vst v63  }
0xd2: {  	_ =	swait.ge [sflag:s21], $0x4000  }
0xd3: {  	[sflag:s21] =	ssyncset.done $0x0  }
0xd4: {  	[sflag:s21] =	ssyncadd.s32 $0xFFFFC000  }
0xd5: {  	[spmem:s2] =	stream.indirect.scatter.add.f32 [tilespmem:s19], [sflag:$0x3], $0x80, s17, s18, $0xb8;
	[tilespmem:$0x1D000] =	vst v63  }
0xd6: {  	_ =	swait.ge [sflag:s12], $0x4000  }
0xd7: {  	[sflag:s12] =	ssyncset.done $0x0  }
0xd8: {  	s5 =	rddreg [dreg:$0x3];
	[sflag:s12] =	ssyncadd.s32 $0xFFFFC000  }
0xd9: {  	[tilespmem:s19], [sflag:$0x1] =	stream.indirect.gather [hbm4b:s4+s18], $0x80, s5, s18, $0xb8;
	[tilespmem:$0x1D000] =	vst v63  }
0xda: {  	_ =	swait.ge [sflag:s22], $0x4000  }
0xdb: {  	[sflag:s22] =	ssyncset.done $0x0  }
0xdc: {  	s10 =	rddreg [dreg:$0x4];
	[sflag:s22] =	ssyncadd.s32 $0xFFFFC000  }
0xdd: {  	[spmem:s2] =	stream.indirect.scatter.add.f32 [tilespmem:s20], [sflag:$0x3], $0x80, s10, s18, $0xb8;
	[tilespmem:$0x1D000] =	vst v63  }
0xde: {  	_ =	swait.ge [sflag:s12], $0x4000  }
0xdf: {  	[sflag:s12] =	ssyncset.done $0x0  }
0xe0: {  	s10 =	rddreg [dreg:$0x5];
	[sflag:s12] =	ssyncadd.s32 $0xFFFFC000  }
0xe1: {  	[tilespmem:s20], [sflag:$0x2] =	stream.indirect.gather [hbm4b:s4+s18], $0x80, s10, s18, $0xb8;
	[tilespmem:$0x1D000] =	vst v63  }
0xe2: {  	_ =	swait.ge [sflag:s21], $0x4000  }
0xe3: {  	[sflag:s21] =	ssyncset.done $0x0  }
0xe4: {  	s10 =	rddreg [dreg:$0x6];
	[sflag:s21] =	ssyncadd.s32 $0xFFFFC000  }
0xe5: {  	[spmem:s2] =	stream.indirect.scatter.add.f32 [tilespmem:s19], [sflag:$0x3], $0x80, s10, s18, $0xb8;
	[tilespmem:$0x1D000] =	vst v63  }
0xe6: {  	_ =	swait.ge [sflag:s12], $0x4000  }
0xe7: {  	[sflag:s12] =	ssyncset.done $0x0  }
0xe8: {  	s10 =	rddreg [dreg:$0x7];
	[sflag:s12] =	ssyncadd.s32 $0xFFFFC000  }
0xe9: {  	[tilespmem:s19], [sflag:$0x1] =	stream.indirect.gather [hbm4b:s4+s18], $0x80, s10, s18, $0xb8;
	[tilespmem:$0x1D000] =	vst v63  }
0xea: {  	_ =	swait.ge [sflag:s22], $0x4000  }
0xeb: {  	[sflag:s22] =	ssyncset.done $0x0  }
0xec: {  	s10 =	rddreg [dreg:$0x8];
	[sflag:s22] =	ssyncadd.s32 $0xFFFFC000  }
0xed: {  	[spmem:s2] =	stream.indirect.scatter.add.f32 [tilespmem:s20], [sflag:$0x3], $0x80, s10, s18, $0xb8;
	[tilespmem:$0x1D000] =	vst v63  }
0xee: {  	_ =	swait.ge [sflag:s12], $0x4000  }
0xef: {  	[sflag:s12] =	ssyncset.done $0x0  }
0xf0: {  	s10 =	rddreg [dreg:$0x9];
	[sflag:s12] =	ssyncadd.s32 $0xFFFFC000  }
0xf1: {  	[tilespmem:s20], [sflag:$0x2] =	stream.indirect.gather [hbm4b:s4+s18], $0x80, s10, s18, $0xb8;
	[tilespmem:$0x1D000] =	vst v63  }
0xf2: {  	_ =	swait.ge [sflag:s21], $0x4000  }
0xf3: {  	[sflag:s21] =	ssyncset.done $0x0  }
0xf4: {  	s10 =	rddreg [dreg:$0xa];
	[sflag:s21] =	ssyncadd.s32 $0xFFFFC000  }
0xf5: {  	[spmem:s2] =	stream.indirect.scatter.add.f32 [tilespmem:s19], [sflag:$0x3], $0x80, s10, s18, $0xb8;
	[tilespmem:$0x1D000] =	vst v63  }
0xf6: {  	_ =	swait.ge [sflag:s12], $0x4000  }
0xf7: {  	[sflag:s12] =	ssyncset.done $0x0  }
0xf8: {  	s10 =	rddreg [dreg:$0xb];
	[sflag:s12] =	ssyncadd.s32 $0xFFFFC000  }
0xf9: {  	[tilespmem:s19], [sflag:$0x1] =	stream.indirect.gather [hbm4b:s4+s18], $0x80, s10, s18, $0xb8;
	[tilespmem:$0x1D000] =	vst v63  }
0xfa: {  	_ =	swait.ge [sflag:s22], $0x4000  }
0xfb: {  	[sflag:s22] =	ssyncset.done $0x0  }
0xfc: {  	s10 =	rddreg [dreg:$0xc];
	[sflag:s22] =	ssyncadd.s32 $0xFFFFC000  }
0xfd: {  	[spmem:s2] =	stream.indirect.scatter.add.f32 [tilespmem:s20], [sflag:$0x3], $0x80, s10, s18, $0xb8;
	[tilespmem:$0x1D000] =	vst v63  }
0xfe: {  	_ =	swait.ge [sflag:s12], $0x4000  }
0xff: {  	[sflag:s12] =	ssyncset.done $0x0  }
0x100: {  	s10 =	rddreg [dreg:$0xd];
	[sflag:s12] =	ssyncadd.s32 $0xFFFFC000  }
0x101: {  	[tilespmem:s20], [sflag:$0x2] =	stream.indirect.gather [hbm4b:s4+s18], $0x80, s10, s18, $0xb8;
	[tilespmem:$0x1D000] =	vst v63  }
0x102: {  	_ =	swait.ge [sflag:s21], $0x4000  }
0x103: {  	[sflag:s21] =	ssyncset.done $0x0  }
0x104: {  	s10 =	rddreg [dreg:$0xe];
	[sflag:s21] =	ssyncadd.s32 $0xFFFFC000  }
0x105: {  	[spmem:s2] =	stream.indirect.scatter.add.f32 [tilespmem:s19], [sflag:$0x3], $0x80, s10, s18, $0xb8;
	[tilespmem:$0x1D000] =	vst v63  }
0x106: {  	_ =	swait.ge [sflag:s12], $0x4000  }
0x107: {  	[sflag:s12] =	ssyncset.done $0x0  }
0x108: {  	s10 =	rddreg [dreg:$0xf];
	[sflag:s12] =	ssyncadd.s32 $0xFFFFC000  }
0x109: {  	[tilespmem:s19], [sflag:$0x1] =	stream.indirect.gather [hbm4b:s4+s18], $0x80, s10, s18, $0xb8;
	[tilespmem:$0x1D000] =	vst v63  }
0x10a: {  	_ =	swait.ge [sflag:s22], $0x4000  }
0x10b: {  	[sflag:s22] =	ssyncset.done $0x0  }
0x10c: {  	s10 =	rddreg [dreg:$0x10];
	[sflag:s22] =	ssyncadd.s32 $0xFFFFC000  }
0x10d: {  	[spmem:s2] =	stream.indirect.scatter.add.f32 [tilespmem:s20], [sflag:$0x3], $0x80, s10, s18, $0xb8;
	[tilespmem:$0x1D000] =	vst v63  }
0x10e: {  	_ =	swait.ge [sflag:s12], $0x4000  }
0x10f: {  	[sflag:s12] =	ssyncset.done $0x0  }
0x110: {  	[sflag:s12] =	ssyncadd.s32 $0xFFFFC000  }
0x111: {  	[tilespmem:s20], [sflag:$0x2] =	stream.indirect.gather [hbm4b:s4+s18], $0x80, s23, s18, $0xb8;
	[tilespmem:$0x1D000] =	vst v63  }
0x112: {  	_ =	swait.ge [sflag:s21], $0x4000  }
0x113: {  	[sflag:s21] =	ssyncset.done $0x0  }
0x114: {  	[sflag:s21] =	ssyncadd.s32 $0xFFFFC000  }
0x115: {  	[spmem:s2] =	stream.indirect.scatter.add.f32 [tilespmem:s19], [sflag:$0x3], $0x80, s25, s18, $0xb8;
	[tilespmem:$0x1D000] =	vst v63  }
0x116: {  	_ =	swait.ge [sflag:s12], $0x4000  }
0x117: {  	[sflag:s12] =	ssyncset.done $0x0  }
0x118: {  	[sflag:s12] =	ssyncadd.s32 $0xFFFFC000  }
0x119: {  	[tilespmem:s19], [sflag:$0x1] =	stream.indirect.gather [hbm4b:s4+s18], $0x80, s26, s18, $0xb8;
	[tilespmem:$0x1D000] =	vst v63  }
0x11a: {  	_ =	swait.ge [sflag:s22], $0x4000  }
0x11b: {  	[sflag:s22] =	ssyncset.done $0x0  }
0x11c: {  	[sflag:s22] =	ssyncadd.s32 $0xFFFFC000  }
0x11d: {  	[spmem:s2] =	stream.indirect.scatter.add.f32 [tilespmem:s20], [sflag:$0x3], $0x80, s28, s18, $0xb8;
	[tilespmem:$0x1D000] =	vst v63  }
0x11e: {  	_ =	swait.ge [sflag:s12], $0x4000  }
0x11f: {  	[sflag:s12] =	ssyncset.done $0x0  }
0x120: {  	[sflag:s12] =	ssyncadd.s32 $0xFFFFC000  }
0x121: {  	[tilespmem:s20], [sflag:$0x2] =	stream.indirect.gather [hbm4b:s4+s18], $0x80, s29, s18, $0xb8;
	[tilespmem:$0x1D000] =	vst v63  }
0x122: {  	_ =	swait.ge [sflag:s21], $0x4000  }
0x123: {  	[sflag:s21] =	ssyncset.done $0x0  }
0x124: {  	[sflag:s21] =	ssyncadd.s32 $0xFFFFC000  }
0x125: {  	[spmem:s2] =	stream.indirect.scatter.add.f32 [tilespmem:s19], [sflag:$0x3], $0x80, s30, s18, $0xb8;
	[tilespmem:$0x1D000] =	vst v63  }
0x126: {  	_ =	swait.ge [sflag:s12], $0x4000  }
0x127: {  	[sflag:s12] =	ssyncset.done $0x0  }
0x128: {  	[sflag:s12] =	ssyncadd.s32 $0xFFFFC000  }
0x129: {  	[tilespmem:s19], [sflag:$0x1] =	stream.indirect.gather [hbm4b:s4+s18], $0x80, s31, s18, $0xb8;
	[tilespmem:$0x1D000] =	vst v63  }
0x12a: {  	_ =	swait.ge [sflag:s22], $0x4000  }
0x12b: {  	[sflag:s22] =	ssyncset.done $0x0  }
0x12c: {  	[sflag:s22] =	ssyncadd.s32 $0xFFFFC000  }
0x12d: {  	[spmem:s2] =	stream.indirect.scatter.add.f32 [tilespmem:s20], [sflag:$0x3], $0x80, s1, s18, $0xb8;
	[tilespmem:$0x1D000] =	vst v63  }
0x12e: {  	_ =	swait.ge [sflag:s12], $0x4000  }
0x12f: {  	[sflag:s12] =	ssyncset.done $0x0  }
0x130: {  	[sflag:s12] =	ssyncadd.s32 $0xFFFFC000  }
0x131: {  	[tilespmem:s20], [sflag:$0x2] =	stream.indirect.gather [hbm4b:s4+s18], $0x80, s0, s18, $0xb8;
	[tilespmem:$0x1D000] =	vst v63  }
0x132: {  	_ =	swait.ge [sflag:s21], $0x4000  }
0x133: {  	[sflag:s21] =	ssyncset.done $0x0  }
0x134: {  	[sflag:s21] =	ssyncadd.s32 $0xFFFFC000  }
0x135: {  	[spmem:s2] =	stream.indirect.scatter.add.f32 [tilespmem:s19], [sflag:$0x3], $0x80, s8, s18, $0xb8;
	[tilespmem:$0x1D000] =	vst v63  }
0x136: {  	_ =	swait.ge [sflag:s12], $0x4000  }
0x137: {  	[sflag:s12] =	ssyncset.done $0x0  }
0x138: {  	[sflag:s12] =	ssyncadd.s32 $0xFFFFC000  }
0x139: {  	[tilespmem:s19], [sflag:$0x1] =	stream.indirect.gather [hbm4b:s4+s18], $0x80, s13, s18, $0xb8;
	[tilespmem:$0x1D000] =	vst v63  }
0x13a: {  	_ =	swait.ge [sflag:s22], $0x4000  }
0x13b: {  	[sflag:s22] =	ssyncset.done $0x0  }
0x13c: {  	[sflag:s22] =	ssyncadd.s32 $0xFFFFC000  }
0x13d: {  	[spmem:s2] =	stream.indirect.scatter.add.f32 [tilespmem:s20], [sflag:$0x3], $0x80, s14, s18, $0xb8;
	[tilespmem:$0x1D000] =	vst v63  }
0x13e: {  	_ =	swait.ge [sflag:s12], $0x4000  }
0x13f: {  	[sflag:s12] =	ssyncset.done $0x0  }
0x140: {  	[sflag:s12] =	ssyncadd.s32 $0xFFFFC000  }
0x141: {  	[tilespmem:s20], [sflag:$0x2] =	stream.indirect.gather [hbm4b:s4+s18], $0x80, s15, s18, $0xb8;
	[tilespmem:$0x1D000] =	vst v63  }
0x142: {  	_ =	swait.ge [sflag:s21], $0x4000  }
0x143: {  	[sflag:s21] =	ssyncset.done $0x0  }
0x144: {  	[sflag:s21] =	ssyncadd.s32 $0xFFFFC000  }
0x145: {  	[spmem:s2] =	stream.indirect.scatter.add.f32 [tilespmem:s19], [sflag:$0x3], $0x80, s16, s18, $0xb8;
	[tilespmem:$0x1D000] =	vst v63  }
0x146: {  	_ =	swait.ge [sflag:s12], $0x4000  }
0x147: {  	[sflag:s12] =	ssyncset.done $0x0  }
0x148: {  	[sflag:s12] =	ssyncadd.s32 $0xFFFFC000  }
0x149: {  	p0 =	sne.s32 s11, $0x1;
	_ =	swait.ge [sflag:s22], $0x4000  }
.Ltmp1:
0x14a: {  	[sflag:s22] =	ssyncset.done $0x0;
	(pc) =	sbr.rel @p0 .LBB2_2-.Ltmp1, $4  }
0x14b: {  	[sflag:s22] =	ssyncadd.s32 $0xFFFFC000  }
0x14c: {  	[spmem:s2] =	stream.indirect.scatter.add.f32 [tilespmem:s20], [sflag:$0x3], $0x80, s24, s18, $0xb8;
	[tilespmem:$0x1D000] =	vst v63  }
0x14d: {  	_ =	swait.ge [sflag:s12], $0x4000  }
0x14e: {  	s11 =	sadd.s32 $0xFFFFFFFF, s11;
	[sflag:s12] =	ssyncset.done $0x0  }
.LBB2_3:
0x14f: {  	[sflag:s12] =	ssyncadd.s32 $0xFFFFC000  }
0x150: {  	[bflag:$0x0] =	sbarrier.arrive $0xFFFF  }
0x151: {  	s6 =	rddreg [dreg:$0x16]  }
0x152: {  	s9 =	rddreg [dreg:$0x17]  }
0x153: {  	s5 =	rddreg [dreg:$0x1c]  }
0x154: {  	[hbm:s5], [sflag:s6] =	dma.local [spmem:s9], $0x2800  }
0x155: {  	_ =	swait.ge [sflag:s12], $0x2800  }
0x156: {  	s7 =	sadd.s32 $0x1, s7;
	s11 =	rddreg [dreg:$0x13]  }
0x157: {  	p0 =	sne.s32 s7, s11  }
.Ltmp2:
0x158: {  	_ = 	snop;
	(pc) =	sbr.rel @p0 .LBB2_1-.Ltmp2, $3  }
0x159: {  	_ =	sdelay $0x1  }
0x15a: {  	[sflag:s12] =	ssyncset.done $0x0  }
0x15b: {  	[sflag:s12] =	ssyncadd.s32 $0xFFFFD800  }
0x15c: {  	_ =	sfence.sel $0x180000  }
0x15d: {  	[bflag:$0x0] =	sbarrier.arrive $0xFFFF  }
0x15e: {  	_ =	strace $0x90000056  }
0x15f: {  	s0 =	stileid.u32;
	[bflag:$0x2] =	sbarrier.arrive $0xFFFF  }
0x160: {  	p0 =	sne.s32 s0, $0x0;
	s0 =	rddreg [dreg:$0x2]  }
0x161: {  	s0 =	sadd.s32 @!p0 $0x100000, s0  }
0x162: {  	[sflag:s0] =	ssyncadd.tile.s32 @!p0 $0x1;
	_ =	shalt  }
.Lfunc_end2:
_tile_overlayer_lowered:
.L_overlay_start_2:
0x163: {  	(tag) =	ssettag $0x2  }
0x164: {  	s0 =	rddreg [dreg:$0x0];
	s2 =	stileid.u32  }
0x165: {  	s1 =	rddreg [dreg:$0x1];
	p0 =	sne.s32 s2, $0x0  }
0x166: {  	s3 =	rddreg [dreg:$0x2];
	[bflag:$0x3] =	sbarrier.arrive $0xFFFF;
	s2 =	simm.s32 @!p0 $0x1C03  }
0x167: {  	[timem:s3], [sflag:s2] =	dma.local @!p0 [hbm:s0], s1  }
0x168: {  	s0 =	simm.s32 @!p0 $0x3  }
0x169: {  	_ =	swait.ge @!p0 [sflag:s0], s1  }
0x16a: {  	s1 =	ssub.s32 @!p0 $0x0, s1;
	[sflag:s0] =	ssyncset.done @!p0 $0x0  }
0x16b: {  	[sflag:s0] =	ssyncadd.s32 @!p0 s1  }
0x16c: {  	[bflag:$0x3] =	sbarrier.arrive $0xFFFF  }
0x16d: {  	_ =	shalt  }

</sc_bundles>
